<compile_context>
chip_gen: v7x
topology: tpu7x:2x2x1
jax: 0.10.2.dev20260603
libtpu: 0.0.44.dev20260713+nightly
codegen_flags: <defaults>
</compile_context>

<pallas_src>
import functools

import numpy as np

import jax
import jax.numpy as jnp
from jax import lax
from jax.experimental import pallas as pl
from jax.experimental.pallas import tpu as pltpu
from jax.experimental.pallas import tpu_sc as plsc

N_NODES = 10000
N_EDGES = 320000
IN_DIM = 128
EMB = 128
EDGE_DIM = 16
N_LAYERS = 3
N_GRAPHS = 64
N_CLASS = 10

PACK = EMB // 2


def _make_perms():
    a = np.zeros(PACK, np.int32)
    b = np.zeros(PACK, np.int32)
    for i in range(PACK):
        g, t = divmod(i, 16)
        a[i] = 32 * g + t
        b[i] = 32 * g + 16 + t
    return a, b


_PERM_A, _PERM_B = _make_perms()


def _pack_rows(fa, fb):
    ai = jax.lax.bitcast_convert_type(fa, jnp.int32)
    bi = jax.lax.bitcast_convert_type(fb, jnp.int32)

    def rnd(v):
        return (v + 0x7FFF + ((v >> 16) & 1)) >> 16

    return ((rnd(bi) << 16) | (rnd(ai) & 0xFFFF)).astype(jnp.int32)

SC_CORES = 2
SC_SUBCORES = 16
HALF = EMB // SC_CORES
HPACK = PACK // SC_CORES
ROWS_PER_TILE = N_NODES // SC_SUBCORES
EDGES_PER_TILE = N_EDGES // SC_SUBCORES
SUB = 100
KSUB = 2
SUPER = SUB * KSUB
N_SUPER = EDGES_PER_TILE // SUPER
IDX_ROWS = N_EDGES // SUB



def _encode_body(x_ref, w_ref, wa_ref, wb_ref, o_ref, os_ref):
    x = x_ref[...]
    o_ref[...] = jnp.dot(x, w_ref[...], preferred_element_type=jnp.float32)
    os_ref[...] = _pack_rows(
        jnp.dot(x, wa_ref[...], preferred_element_type=jnp.float32),
        jnp.dot(x, wb_ref[...], preferred_element_type=jnp.float32))


def _encode(x, w_in, w_in_a, w_in_b, interpret=False):
    bm = 2000
    return pl.pallas_call(
        _encode_body,
        grid=(N_NODES // bm,),
        in_specs=[
            pl.BlockSpec((bm, IN_DIM), lambda i: (i, 0)),
            pl.BlockSpec((IN_DIM, EMB), lambda i: (0, 0)),
            pl.BlockSpec((IN_DIM, PACK), lambda i: (0, 0)),
            pl.BlockSpec((IN_DIM, PACK), lambda i: (0, 0)),
        ],
        out_specs=[
            pl.BlockSpec((bm, EMB), lambda i: (i, 0)),
            pl.BlockSpec((bm, PACK), lambda i: (i, 0)),
        ],
        out_shape=[
            jax.ShapeDtypeStruct((N_NODES, EMB), jnp.float32),
            jax.ShapeDtypeStruct((N_NODES, PACK), jnp.int32),
        ],
        interpret=interpret,
    )(x, w_in, w_in_a, w_in_b)


def _edge_emb_body(ea_ref, wa_ref, wb_ref, o0_ref, o1_ref, o2_ref):
    ea = ea_ref[...]
    for l, o in enumerate((o0_ref, o1_ref, o2_ref)):
        o[...] = _pack_rows(
            jnp.dot(ea, wa_ref[l], preferred_element_type=jnp.float32),
            jnp.dot(ea, wb_ref[l], preferred_element_type=jnp.float32))


def _edge_emb_all(edge_attr, w_edge_a, w_edge_b, interpret=False):
    bm = 4000
    out = jax.ShapeDtypeStruct((N_EDGES, PACK), jnp.int32)
    return pl.pallas_call(
        _edge_emb_body,
        grid=(N_EDGES // bm,),
        in_specs=[
            pl.BlockSpec((bm, EDGE_DIM), lambda i: (i, 0)),
            pl.BlockSpec((N_LAYERS, EDGE_DIM, PACK), lambda i: (0, 0, 0)),
            pl.BlockSpec((N_LAYERS, EDGE_DIM, PACK), lambda i: (0, 0, 0)),
        ],
        out_specs=[pl.BlockSpec((bm, PACK), lambda i: (i, 0))] * 3,
        out_shape=[out, out, out],
        interpret=interpret,
    )(edge_attr, w_edge_a, w_edge_b)


def _mlp_body(h_ref, agg_ref, eps_ref, w1_ref, b1_ref, w2_ref, b2_ref,
              wa_ref, ba_ref, wb_ref, bb_ref, o_ref, os_ref, *, relu_out):
    z = (1.0 + eps_ref[0, 0]) * h_ref[...] + agg_ref[...]
    a = jnp.maximum(jnp.dot(z, w1_ref[...],
                            preferred_element_type=jnp.float32)
                    + b1_ref[...], 0.0)
    o = jnp.dot(a, w2_ref[...], preferred_element_type=jnp.float32) + b2_ref[...]
    oa = (jnp.dot(a, wa_ref[...], preferred_element_type=jnp.float32)
          + ba_ref[...])
    ob = (jnp.dot(a, wb_ref[...], preferred_element_type=jnp.float32)
          + bb_ref[...])
    if relu_out:
        o = jnp.maximum(o, 0.0)
        oa = jnp.maximum(oa, 0.0)
        ob = jnp.maximum(ob, 0.0)
    o_ref[...] = o
    os_ref[...] = _pack_rows(oa, ob)


def _mlp(h, agg, eps_l, w1, b1, w2, b2, w2a, b2a, w2b, b2b, relu_out,
         interpret=False):
    bm = 2000
    return pl.pallas_call(
        functools.partial(_mlp_body, relu_out=relu_out),
        grid=(N_NODES // bm,),
        in_specs=[
            pl.BlockSpec((bm, EMB), lambda i: (i, 0)),
            pl.BlockSpec((bm, EMB), lambda i: (i, 0)),
            pl.BlockSpec((1, 1), lambda i: (0, 0)),
            pl.BlockSpec((EMB, 2 * EMB), lambda i: (0, 0)),
            pl.BlockSpec((1, 2 * EMB), lambda i: (0, 0)),
            pl.BlockSpec((2 * EMB, EMB), lambda i: (0, 0)),
            pl.BlockSpec((1, EMB), lambda i: (0, 0)),
            pl.BlockSpec((2 * EMB, PACK), lambda i: (0, 0)),
            pl.BlockSpec((1, PACK), lambda i: (0, 0)),
            pl.BlockSpec((2 * EMB, PACK), lambda i: (0, 0)),
            pl.BlockSpec((1, PACK), lambda i: (0, 0)),
        ],
        out_specs=[
            pl.BlockSpec((bm, EMB), lambda i: (i, 0)),
            pl.BlockSpec((bm, PACK), lambda i: (i, 0)),
        ],
        out_shape=[
            jax.ShapeDtypeStruct((N_NODES, EMB), jnp.float32),
            jax.ShapeDtypeStruct((N_NODES, PACK), jnp.int32),
        ],
        interpret=interpret,
    )(h, agg, eps_l.reshape(1, 1), w1, b1.reshape(1, -1), w2,
      b2.reshape(1, -1), w2a, b2a.reshape(1, -1), w2b, b2b.reshape(1, -1))


def _mlp_pool_body(h_ref, agg_ref, eps_ref, w1_ref, b1_ref, w2_ref, b2_ref,
                   bv_ref, wp_ref, bp_ref, pred_ref, hg_ref):
    z = (1.0 + eps_ref[0, 0]) * h_ref[...] + agg_ref[...]
    a = jnp.maximum(jnp.dot(z, w1_ref[...],
                            preferred_element_type=jnp.float32)
                    + b1_ref[...], 0.0)
    o = jnp.dot(a, w2_ref[...], preferred_element_type=jnp.float32) + b2_ref[...]
    bv = bv_ref[...]
    gids = lax.broadcasted_iota(jnp.int32, (N_GRAPHS, N_NODES), 0)
    oh = (gids == bv).astype(jnp.float32)
    sums = jnp.dot(oh, o, preferred_element_type=jnp.float32)
    counts = jnp.sum(oh, axis=1, keepdims=True)
    hg = sums / jnp.maximum(counts, 1.0)
    hg_ref[...] = hg
    pred_ref[...] = jnp.dot(hg, wp_ref[...],
                            preferred_element_type=jnp.float32) + bp_ref[...]


def _mlp_pool(h, agg, eps_l, w1, b1, w2, b2, batch_vec, w_pred, b_pred,
              interpret=False):
    return pl.pallas_call(
        _mlp_pool_body,
        in_specs=[
            pl.BlockSpec((N_NODES, EMB), lambda: (0, 0)),
            pl.BlockSpec((N_NODES, EMB), lambda: (0, 0)),
            pl.BlockSpec((1, 1), lambda: (0, 0)),
            pl.BlockSpec((EMB, 2 * EMB), lambda: (0, 0)),
            pl.BlockSpec((1, 2 * EMB), lambda: (0, 0)),
            pl.BlockSpec((2 * EMB, EMB), lambda: (0, 0)),
            pl.BlockSpec((1, EMB), lambda: (0, 0)),
            pl.BlockSpec((1, N_NODES), lambda: (0, 0)),
            pl.BlockSpec((EMB, N_CLASS), lambda: (0, 0)),
            pl.BlockSpec((1, N_CLASS), lambda: (0, 0)),
        ],
        out_specs=[
            pl.BlockSpec((N_GRAPHS, N_CLASS), lambda: (0, 0)),
            pl.BlockSpec((N_GRAPHS, EMB), lambda: (0, 0)),
        ],
        out_shape=[
            jax.ShapeDtypeStruct((N_GRAPHS, N_CLASS), jnp.float32),
            jax.ShapeDtypeStruct((N_GRAPHS, EMB), jnp.float32),
        ],
        interpret=interpret,
    )(h, agg, eps_l.reshape(1, 1), w1, b1.reshape(1, -1), w2,
      b2.reshape(1, -1), batch_vec.reshape(1, -1), w_pred,
      b_pred.reshape(1, -1))



def _gin_edge_body(h_hbm, e_hbm, src_hbm, dst_hbm, zeros_hbm, out_hbm,
                   h_sh, agg_sh,
                   src0, dst0, e0, src1, dst1, e1, ga, gb, ma, mb,
                   ldsem0, ldsem1, gsa, gsb, sca, scb):
    cid = lax.axis_index("c")
    sid = lax.axis_index("s")
    col0 = cid * HPACK
    r0 = sid * ROWS_PER_TILE
    row_base = sid * (EDGES_PER_TILE // SUB)
    e_base = sid * EDGES_PER_TILE

    def loads(c, srcb, dstb, eb, sem):
        rb = row_base + c * KSUB
        eo = e_base + c * SUPER
        pltpu.async_copy(src_hbm.at[pl.ds(rb, KSUB), :], srcb, sem)
        pltpu.async_copy(dst_hbm.at[pl.ds(rb, KSUB), :], dstb, sem)
        pltpu.async_copy(e_hbm.at[pl.ds(eo, SUPER), pl.ds(col0, HPACK)], eb,
                         sem)

    def wait_loads(srcb, dstb, eb, sem):
        pltpu.make_async_copy(src_hbm.at[pl.ds(row_base, KSUB), :], srcb,
                              sem).wait()
        pltpu.make_async_copy(dst_hbm.at[pl.ds(row_base, KSUB), :], dstb,
                              sem).wait()
        pltpu.make_async_copy(
            e_hbm.at[pl.ds(e_base, SUPER), pl.ds(col0, HPACK)], eb,
            sem).wait()

    def compute(eb, k, g, m):
        @plsc.parallel_loop(0, SUB, step=1, unroll=4)
        def _(j):
            row = k * SUB + j
            for v in range(HPACK // 16):
                sl = pl.ds(v * 16, 16)
                gv = plsc.bitcast(g[j, sl], jnp.bfloat16)
                ev = plsc.bitcast(eb[row, sl], jnp.bfloat16)
                msg = jnp.maximum(gv + ev, jnp.bfloat16(0.0))
                lo, hi = plsc.unpack(msg, format=plsc.PackFormat.INTERLEAVED)
                m[j, pl.ds(v * 32, 16)] = lo
                m[j, pl.ds(v * 32 + 16, 16)] = hi

    def super_step(srcb, dstb, eb, c_first):
        pltpu.async_copy(h_sh.at[srcb.at[0]], ga, gsa)
        pltpu.async_copy(h_sh.at[srcb.at[1]], gb, gsb)
        pltpu.make_async_copy(h_sh.at[srcb.at[0]], ga, gsa).wait()

        @pl.when(jnp.logical_not(c_first))
        def _():
            pltpu.make_async_copy(ma, agg_sh.at[dstb.at[0]], sca).wait()

        compute(eb, 0, ga, ma)
        pltpu.async_copy(ma, agg_sh.at[dstb.at[0]], sca, add=True)
        pltpu.make_async_copy(h_sh.at[srcb.at[1]], gb, gsb).wait()

        @pl.when(jnp.logical_not(c_first))
        def _():
            pltpu.make_async_copy(mb, agg_sh.at[dstb.at[1]], scb).wait()

        def tail():
            compute(eb, 1, gb, mb)
            pltpu.async_copy(mb, agg_sh.at[dstb.at[1]], scb, add=True)

        return tail

    pltpu.sync_copy(h_hbm.at[pl.ds(r0, ROWS_PER_TILE), pl.ds(col0, HPACK)],
                    h_sh.at[pl.ds(r0, ROWS_PER_TILE), :])
    pltpu.sync_copy(zeros_hbm, agg_sh.at[pl.ds(r0, ROWS_PER_TILE), :])

    loads(0, src0, dst0, e0, ldsem0)
    plsc.subcore_barrier()

    def super_body(i, carry):
        first = i == 0
        wait_loads(src0, dst0, e0, ldsem0)
        tail_a = super_step(src0, dst0, e0, first)
        loads(2 * i + 1, src1, dst1, e1, ldsem1)
        tail_a()

        wait_loads(src1, dst1, e1, ldsem1)
        tail_b = super_step(src1, dst1, e1, jnp.bool_(False))

        @pl.when(i < N_SUPER // 2 - 1)
        def _():
            loads(2 * i + 2, src0, dst0, e0, ldsem0)

        tail_b()
        return carry

    lax.fori_loop(0, N_SUPER // 2, super_body, 0)
    pltpu.make_async_copy(ma, agg_sh.at[dst1.at[0]], sca).wait()
    pltpu.make_async_copy(mb, agg_sh.at[dst1.at[1]], scb).wait()
    plsc.subcore_barrier()

    pltpu.sync_copy(agg_sh.at[pl.ds(r0, ROWS_PER_TILE), :],
                    out_hbm.at[pl.ds(r0, ROWS_PER_TILE),
                               pl.ds(cid * HALF, HALF)])


def _gin_edge(h, e_emb, src2d, dst2d, zeros, interpret=False):
    mesh = plsc.VectorSubcoreMesh(core_axis_name="c", subcore_axis_name="s",
                                  num_cores=SC_CORES,
                                  num_subcores=SC_SUBCORES)
    idx_t = pltpu.VMEM((KSUB, SUB), jnp.int32)
    e_t = pltpu.VMEM((SUPER, HPACK), jnp.int32)
    g_t = pltpu.VMEM((SUB, HPACK), jnp.int32)
    m_t = pltpu.VMEM((SUB, HALF), jnp.float32)
    sem = pltpu.SemaphoreType.DMA
    f = pl.kernel(
        _gin_edge_body,
        out_type=jax.ShapeDtypeStruct((N_NODES, EMB), jnp.float32),
        mesh=mesh,
        scratch_types=[
            pltpu.VMEM_SHARED((N_NODES, HPACK), jnp.int32),
            pltpu.VMEM_SHARED((N_NODES, HALF), jnp.float32),
            idx_t, idx_t, e_t,
            idx_t, idx_t, e_t,
            g_t, g_t, m_t, m_t,
            sem, sem, sem, sem, sem, sem,
        ],
        compiler_params=pltpu.CompilerParams(use_tc_tiling_on_sc=False,
                                             needs_layout_passes=False),
        interpret=interpret,
    )
    return f(h, e_emb, src2d, dst2d, zeros)



def kernel(x, edge_index, edge_attr, batch_vec, W_in, W_edge, W1, b1, W2, b2,
           eps, W_pred, b_pred):
    src = edge_index[0].astype(jnp.int32).reshape(IDX_ROWS, SUB)
    dst = edge_index[1].astype(jnp.int32).reshape(IDX_ROWS, SUB)
    zeros = jnp.zeros((ROWS_PER_TILE, HALF), jnp.float32)

    pa = jnp.asarray(_PERM_A)
    pb = jnp.asarray(_PERM_B)
    h, h_store = _encode(x, W_in, W_in[:, pa], W_in[:, pb])
    e_embs = _edge_emb_all(edge_attr, W_edge[:, :, pa], W_edge[:, :, pb])
    for l in range(N_LAYERS - 1):
        agg = _gin_edge(h_store, e_embs[l], src, dst, zeros)
        h, h_store = _mlp(h, agg, eps[l], W1[l], b1[l], W2[l], b2[l],
                          W2[l][:, pa], b2[l][pa], W2[l][:, pb], b2[l][pb],
                          relu_out=True)
    agg = _gin_edge(h_store, e_embs[N_LAYERS - 1], src, dst, zeros)
    pred, h_graph = _mlp_pool(h, agg, eps[N_LAYERS - 1], W1[N_LAYERS - 1],
                              b1[N_LAYERS - 1], W2[N_LAYERS - 1],
                              b2[N_LAYERS - 1], batch_vec.astype(jnp.int32),
                              W_pred, b_pred)
    return (pred, h_graph)

# --- scband reference (transcript-rebuilt; emitter-appended) ---
"""Pipeline reference for scband-main-model-38345468019449 (READ-ONLY COPY).

The authoritative reference and input builder live on the scoring server;
editing this copy changes nothing except your own understanding.
"""

import jax, jax.numpy as jnp
import numpy as np

N_NODES = 10000
N_EDGES = 320000
IN_DIM = 128
EMB = 128
EDGE_DIM = 16
N_LAYERS = 3
N_GRAPHS = 64
N_CLASS = 10


def setup_inputs(seed: int = 0) -> dict:
    key = jax.random.key(seed)
    ks = jax.random.split(key, 16)
    x = jax.random.normal(ks[0], (N_NODES, IN_DIM), dtype=jnp.float32)
    edge_index = jax.random.randint(ks[1], (2, N_EDGES), 0, N_NODES, dtype=jnp.int64 if jax.config.read('jax_enable_x64') else jnp.int32)
    edge_attr = jax.random.normal(ks[2], (N_EDGES, EDGE_DIM), dtype=jnp.float32)
    batch_vec = jnp.sort(jax.random.randint(ks[3], (N_NODES,), 0, N_GRAPHS))
    s = 0.05
    W_in = jax.random.normal(ks[4], (IN_DIM, EMB), dtype=jnp.float32) * s
    W_edge = jax.random.normal(ks[5], (N_LAYERS, EDGE_DIM, EMB), dtype=jnp.float32) * s
    W1 = jax.random.normal(ks[6], (N_LAYERS, EMB, 2 * EMB), dtype=jnp.float32) * s
    b1 = jnp.zeros((N_LAYERS, 2 * EMB), dtype=jnp.float32)
    W2 = jax.random.normal(ks[7], (N_LAYERS, 2 * EMB, EMB), dtype=jnp.float32) * s
    b2 = jnp.zeros((N_LAYERS, EMB), dtype=jnp.float32)
    eps = jnp.zeros((N_LAYERS,), dtype=jnp.float32)
    W_pred = jax.random.normal(ks[8], (EMB, N_CLASS), dtype=jnp.float32) * s
    b_pred = jnp.zeros((N_CLASS,), dtype=jnp.float32)
    return {
        'x': x, 'edge_index': edge_index, 'edge_attr': edge_attr, 'batch_vec': batch_vec,
        'W_in': W_in, 'W_edge': W_edge, 'W1': W1, 'b1': b1, 'W2': W2, 'b2': b2,
        'eps': eps, 'W_pred': W_pred, 'b_pred': b_pred,
    }


def reference(x, edge_index, edge_attr, batch_vec, W_in, W_edge, W1, b1, W2, b2, eps, W_pred, b_pred):
    # GNN_node: linear node encoder, then N_LAYERS GIN convs (with edge features), JK='last'
    src = edge_index[0]
    dst = edge_index[1]
    h = x @ W_in
    for l in range(N_LAYERS):
        e_emb = edge_attr @ W_edge[l]                       # bond encoder
        msg = jax.nn.relu(h[src] + e_emb)                   # GIN message with edge features
        agg = jax.ops.segment_sum(msg, dst, num_segments=N_NODES)  # scatter-add
        z = (1.0 + eps[l]) * h + agg
        z = jax.nn.relu(z @ W1[l] + b1[l])                  # GIN MLP (BN acts as identity in eval)
        z = z @ W2[l] + b2[l]
        if l < N_LAYERS - 1:
            z = jax.nn.relu(z)
        h = z                                               # dropout inactive in eval
    # global_mean_pool
    ones = jnp.ones((N_NODES,), dtype=jnp.float32)
    counts = jax.ops.segment_sum(ones, batch_vec, num_segments=N_GRAPHS)
    h_graph = jax.ops.segment_sum(h, batch_vec, num_segments=N_GRAPHS) / jnp.maximum(counts, 1.0)[:, None]
    pred = h_graph @ W_pred + b_pred                        # linear graph_pred head
    return (pred, h_graph)

if __name__ == "__main__":
    import jax
    _d = setup_inputs()
    print(jax.jit(kernel)(*tuple(_d.values())))

</pallas_src>

<mosaic_0001>
#map = affine_map<(d0, d1) -> (0, 0)>
module attributes {stable_mosaic.version = 14 : i64} {
  func.func @_gin_edge_body(%arg0: i32, %arg1: i32, %arg2: memref<10000x64xi32, #tpu.memory_space<hbm>>, %arg3: memref<320000x64xi32, #tpu.memory_space<hbm>>, %arg4: memref<3200x100xi32, #tpu.memory_space<hbm>>, %arg5: memref<3200x100xi32, #tpu.memory_space<hbm>>, %arg6: memref<625x64xf32, #tpu.memory_space<hbm>>, %arg7: memref<10000x128xf32, #tpu.memory_space<hbm>>, %arg8: memref<10000x32xi32, #tpu.memory_space<vmem_shared>>, %arg9: memref<10000x64xf32, #tpu.memory_space<vmem_shared>>, %arg10: memref<2x100xi32, #tpu.memory_space<vmem>>, %arg11: memref<2x100xi32, #tpu.memory_space<vmem>>, %arg12: memref<200x32xi32, #tpu.memory_space<vmem>>, %arg13: memref<2x100xi32, #tpu.memory_space<vmem>>, %arg14: memref<2x100xi32, #tpu.memory_space<vmem>>, %arg15: memref<200x32xi32, #tpu.memory_space<vmem>>, %arg16: memref<100x32xi32, #tpu.memory_space<vmem>>, %arg17: memref<100x32xi32, #tpu.memory_space<vmem>>, %arg18: memref<100x64xf32, #tpu.memory_space<vmem>>, %arg19: memref<100x64xf32, #tpu.memory_space<vmem>>, %arg20: memref<!tpu.dma_semaphore, #tpu.memory_space<semaphore_mem>>, %arg21: memref<!tpu.dma_semaphore, #tpu.memory_space<semaphore_mem>>, %arg22: memref<!tpu.dma_semaphore, #tpu.memory_space<semaphore_mem>>, %arg23: memref<!tpu.dma_semaphore, #tpu.memory_space<semaphore_mem>>, %arg24: memref<!tpu.dma_semaphore, #tpu.memory_space<semaphore_mem>>, %arg25: memref<!tpu.dma_semaphore, #tpu.memory_space<semaphore_mem>>) attributes {dimension_semantics = [#tpu.dimension_semantics<core_parallel>, #tpu.dimension_semantics<subcore_parallel>], iteration_bounds = array<i64: 2, 16>, scalar_prefetch = 0 : i64, scratch_operands = 18 : i64, tpu.core_type = #tpu.core_type<sc_vector_subcore>, window_params = [{transform_indices = #map}, {transform_indices = #map}, {transform_indices = #map}, {transform_indices = #map}, {transform_indices = #map}, {transform_indices = #map}]} {
    %mul3A = arith.constant 32 : i32
    %mul3A_0 = arith.muli %arg0, %mul3A : i32
    %mul3A_1 = arith.constant 625 : i32
    %mul3A_2 = arith.muli %arg1, %mul3A_1 : i32
    %mul3A_3 = arith.constant 200 : i32
    %mul3A_4 = arith.muli %arg1, %mul3A_3 : i32
    %mul3A_5 = arith.constant 20000 : i32
    %mul3A_6 = arith.muli %arg1, %mul3A_5 : i32
    "tpu.region"() ({
      %run_scoped3A = tpu.sem_alloc : memref<!tpu.dma_semaphore, #tpu.memory_space<semaphore_mem>>
      %dma_start3A_40 = arith.constant 0 : i32
      %dma_start3A_41 = tpu.memref_slice %arg8[%mul3A_2, %dma_start3A_40] : memref<10000x32xi32, #tpu.memory_space<vmem_shared>> -> memref<625x32xi32, #tpu.memory_space<vmem_shared>>
      %dma_start3A_42 = tpu.memref_slice %arg2[%mul3A_2, %mul3A_0] : memref<10000x64xi32, #tpu.memory_space<hbm>> -> memref<625x32xi32, #tpu.memory_space<hbm>>
      tpu.enqueue_dma source(%dma_start3A_42 : memref<625x32xi32, #tpu.memory_space<hbm>>) target(%dma_start3A_41 : memref<625x32xi32, #tpu.memory_space<vmem_shared>>) target_semaphore(%run_scoped3A : memref<!tpu.dma_semaphore, #tpu.memory_space<semaphore_mem>>)
      %dma_wait3A_43 = arith.constant 0 : i32
      %dma_wait3A_44 = tpu.memref_slice %arg8[%mul3A_2, %dma_wait3A_43] : memref<10000x32xi32, #tpu.memory_space<vmem_shared>> -> memref<625x32xi32, #tpu.memory_space<vmem_shared>>
      %dma_wait3A_45 = tpu.memref_slice %arg2[%mul3A_2, %mul3A_0] : memref<10000x64xi32, #tpu.memory_space<hbm>> -> memref<625x32xi32, #tpu.memory_space<hbm>>
      tpu.wait_dma2 semaphore(%run_scoped3A : memref<!tpu.dma_semaphore, #tpu.memory_space<semaphore_mem>>) src(%dma_wait3A_45 : memref<625x32xi32, #tpu.memory_space<hbm>>) dst(%dma_wait3A_44 : memref<625x32xi32, #tpu.memory_space<vmem_shared>>)
      tpu.yield
    }) : () -> ()
    "tpu.region"() ({
      %run_scoped3A = tpu.sem_alloc : memref<!tpu.dma_semaphore, #tpu.memory_space<semaphore_mem>>
      %dma_start3A_40 = arith.constant 0 : i32
      %dma_start3A_41 = tpu.memref_slice %arg9[%mul3A_2, %dma_start3A_40] : memref<10000x64xf32, #tpu.memory_space<vmem_shared>> -> memref<625x64xf32, #tpu.memory_space<vmem_shared>>
      tpu.enqueue_dma source(%arg6 : memref<625x64xf32, #tpu.memory_space<hbm>>) target(%dma_start3A_41 : memref<625x64xf32, #tpu.memory_space<vmem_shared>>) target_semaphore(%run_scoped3A : memref<!tpu.dma_semaphore, #tpu.memory_space<semaphore_mem>>)
      %dma_wait3A_42 = arith.constant 0 : i32
      %dma_wait3A_43 = tpu.memref_slice %arg9[%mul3A_2, %dma_wait3A_42] : memref<10000x64xf32, #tpu.memory_space<vmem_shared>> -> memref<625x64xf32, #tpu.memory_space<vmem_shared>>
      tpu.wait_dma2 semaphore(%run_scoped3A : memref<!tpu.dma_semaphore, #tpu.memory_space<semaphore_mem>>) src(%arg6 : memref<625x64xf32, #tpu.memory_space<hbm>>) dst(%dma_wait3A_43 : memref<625x64xf32, #tpu.memory_space<vmem_shared>>)
      tpu.yield
    }) : () -> ()
    %add3A = arith.constant 0 : i32
    %add3A_7 = arith.addi %mul3A_4, %add3A : i32
    %add3A_8 = arith.constant 0 : i32
    %add3A_9 = arith.addi %mul3A_6, %add3A_8 : i32
    %dma_start3A = arith.constant 0 : i32
    %dma_start3A_10 = tpu.memref_slice %arg4[%add3A_7, %dma_start3A] : memref<3200x100xi32, #tpu.memory_space<hbm>> -> memref<2x100xi32, #tpu.memory_space<hbm>>
    %dma_start3A_11 = arith.constant 0 : i32
    %dma_start3A_12 = tpu.memref_slice %arg4[%add3A_7, %dma_start3A_11] : memref<3200x100xi32, #tpu.memory_space<hbm>> -> memref<2x100xi32, #tpu.memory_space<hbm>>
    tpu.enqueue_dma source(%dma_start3A_12 : memref<2x100xi32, #tpu.memory_space<hbm>>) target(%arg10 : memref<2x100xi32, #tpu.memory_space<vmem>>) target_semaphore(%arg20 : memref<!tpu.dma_semaphore, #tpu.memory_space<semaphore_mem>>)
    %dma_start3A_13 = arith.constant 0 : i32
    %dma_start3A_14 = tpu.memref_slice %arg5[%add3A_7, %dma_start3A_13] : memref<3200x100xi32, #tpu.memory_space<hbm>> -> memref<2x100xi32, #tpu.memory_space<hbm>>
    %dma_start3A_15 = arith.constant 0 : i32
    %dma_start3A_16 = tpu.memref_slice %arg5[%add3A_7, %dma_start3A_15] : memref<3200x100xi32, #tpu.memory_space<hbm>> -> memref<2x100xi32, #tpu.memory_space<hbm>>
    tpu.enqueue_dma source(%dma_start3A_16 : memref<2x100xi32, #tpu.memory_space<hbm>>) target(%arg11 : memref<2x100xi32, #tpu.memory_space<vmem>>) target_semaphore(%arg20 : memref<!tpu.dma_semaphore, #tpu.memory_space<semaphore_mem>>)
    %dma_start3A_17 = tpu.memref_slice %arg3[%add3A_9, %mul3A_0] : memref<320000x64xi32, #tpu.memory_space<hbm>> -> memref<200x32xi32, #tpu.memory_space<hbm>>
    %dma_start3A_18 = tpu.memref_slice %arg3[%add3A_9, %mul3A_0] : memref<320000x64xi32, #tpu.memory_space<hbm>> -> memref<200x32xi32, #tpu.memory_space<hbm>>
    tpu.enqueue_dma source(%dma_start3A_18 : memref<200x32xi32, #tpu.memory_space<hbm>>) target(%arg12 : memref<200x32xi32, #tpu.memory_space<vmem>>) target_semaphore(%arg20 : memref<!tpu.dma_semaphore, #tpu.memory_space<semaphore_mem>>)
    %barrier3A = arith.constant 0 : index
    tpu.barrier barrier_id(%barrier3A)
    %scan3A = arith.constant 0 : i32
    %scan3A_19 = arith.constant 0 : i32
    %scan3A_20 = arith.constant 50 : i32
    %scan3A_21 = arith.addi %scan3A_19, %scan3A_20 : i32
    %scan3A_22 = arith.constant 1 : i32
    scf.for %scan3A_40 = %scan3A_19 to %scan3A_21 step %scan3A_22  : i32 {
      %eq3A = arith.constant 0 : i32
      %eq3A_41 = arith.cmpi eq, %scan3A_40, %eq3A : i32
      %dma_wait3A_42 = arith.constant 0 : i32
      %dma_wait3A_43 = tpu.memref_slice %arg4[%mul3A_4, %dma_wait3A_42] : memref<3200x100xi32, #tpu.memory_space<hbm>> -> memref<2x100xi32, #tpu.memory_space<hbm>>
      %dma_wait3A_44 = arith.constant 0 : i32
      %dma_wait3A_45 = tpu.memref_slice %arg4[%mul3A_4, %dma_wait3A_44] : memref<3200x100xi32, #tpu.memory_space<hbm>> -> memref<2x100xi32, #tpu.memory_space<hbm>>
      tpu.wait_dma2 semaphore(%arg20 : memref<!tpu.dma_semaphore, #tpu.memory_space<semaphore_mem>>) src(%dma_wait3A_45 : memref<2x100xi32, #tpu.memory_space<hbm>>) dst(%arg10 : memref<2x100xi32, #tpu.memory_space<vmem>>)
      %dma_wait3A_46 = arith.constant 0 : i32
      %dma_wait3A_47 = tpu.memref_slice %arg5[%mul3A_4, %dma_wait3A_46] : memref<3200x100xi32, #tpu.memory_space<hbm>> -> memref<2x100xi32, #tpu.memory_space<hbm>>
      %dma_wait3A_48 = arith.constant 0 : i32
      %dma_wait3A_49 = tpu.memref_slice %arg5[%mul3A_4, %dma_wait3A_48] : memref<3200x100xi32, #tpu.memory_space<hbm>> -> memref<2x100xi32, #tpu.memory_space<hbm>>
      tpu.wait_dma2 semaphore(%arg20 : memref<!tpu.dma_semaphore, #tpu.memory_space<semaphore_mem>>) src(%dma_wait3A_49 : memref<2x100xi32, #tpu.memory_space<hbm>>) dst(%arg11 : memref<2x100xi32, #tpu.memory_space<vmem>>)
      %dma_wait3A_50 = tpu.memref_slice %arg3[%mul3A_6, %mul3A_0] : memref<320000x64xi32, #tpu.memory_space<hbm>> -> memref<200x32xi32, #tpu.memory_space<hbm>>
      %dma_wait3A_51 = tpu.memref_slice %arg3[%mul3A_6, %mul3A_0] : memref<320000x64xi32, #tpu.memory_space<hbm>> -> memref<200x32xi32, #tpu.memory_space<hbm>>
      tpu.wait_dma2 semaphore(%arg20 : memref<!tpu.dma_semaphore, #tpu.memory_space<semaphore_mem>>) src(%dma_wait3A_51 : memref<200x32xi32, #tpu.memory_space<hbm>>) dst(%arg12 : memref<200x32xi32, #tpu.memory_space<vmem>>)
      %dma_start3A_52 = arith.constant 0 : i32
      %dma_start3A_53 = arith.constant 0 : i32
      %dma_start3A_54 = tpu.memref_slice %arg10[%dma_start3A_52, %dma_start3A_53] : memref<2x100xi32, #tpu.memory_space<vmem>> -> memref<1x100xi32, #tpu.memory_space<vmem>>
      %dma_start3A_55 = tpu.memref_squeeze %dma_start3A_54 : memref<1x100xi32, #tpu.memory_space<vmem>> -> memref<100xi32, #tpu.memory_space<vmem>>
      %dma_start3A_56 = arith.constant 0 : i32
      %dma_start3A_57 = arith.constant 0 : i32
      %dma_start3A_58 = tpu.memref_slice %arg8[%dma_start3A_56, %dma_start3A_57] : memref<10000x32xi32, #tpu.memory_space<vmem_shared>> -> memref<10000x32xi32, #tpu.memory_space<vmem_shared>>
      tpu.enqueue_indirect_dma source(%dma_start3A_58 : memref<10000x32xi32, #tpu.memory_space<vmem_shared>>) target(%arg16 : memref<100x32xi32, #tpu.memory_space<vmem>>) offsets(%dma_start3A_55 : memref<100xi32, #tpu.memory_space<vmem>>) semaphore(%arg22 : memref<!tpu.dma_semaphore, #tpu.memory_space<semaphore_mem>>)
      %dma_start3A_59 = arith.constant 1 : i32
      %dma_start3A_60 = arith.constant 0 : i32
      %dma_start3A_61 = tpu.memref_slice %arg10[%dma_start3A_59, %dma_start3A_60] : memref<2x100xi32, #tpu.memory_space<vmem>> -> memref<1x100xi32, #tpu.memory_space<vmem>>
      %dma_start3A_62 = tpu.memref_squeeze %dma_start3A_61 : memref<1x100xi32, #tpu.memory_space<vmem>> -> memref<100xi32, #tpu.memory_space<vmem>>
      %dma_start3A_63 = arith.constant 0 : i32
      %dma_start3A_64 = arith.constant 0 : i32
      %dma_start3A_65 = tpu.memref_slice %arg8[%dma_start3A_63, %dma_start3A_64] : memref<10000x32xi32, #tpu.memory_space<vmem_shared>> -> memref<10000x32xi32, #tpu.memory_space<vmem_shared>>
      tpu.enqueue_indirect_dma source(%dma_start3A_65 : memref<10000x32xi32, #tpu.memory_space<vmem_shared>>) target(%arg17 : memref<100x32xi32, #tpu.memory_space<vmem>>) offsets(%dma_start3A_62 : memref<100xi32, #tpu.memory_space<vmem>>) semaphore(%arg23 : memref<!tpu.dma_semaphore, #tpu.memory_space<semaphore_mem>>)
      %dma_wait3A_66 = arith.constant 0 : i32
      %dma_wait3A_67 = arith.constant 0 : i32
      %dma_wait3A_68 = tpu.memref_slice %arg10[%dma_wait3A_66, %dma_wait3A_67] : memref<2x100xi32, #tpu.memory_space<vmem>> -> memref<1x100xi32, #tpu.memory_space<vmem>>
      %dma_wait3A_69 = tpu.memref_squeeze %dma_wait3A_68 : memref<1x100xi32, #tpu.memory_space<vmem>> -> memref<100xi32, #tpu.memory_space<vmem>>
      %dma_wait3A_70 = arith.constant 0 : i32
      %dma_wait3A_71 = arith.constant 0 : i32
      %dma_wait3A_72 = tpu.memref_slice %arg8[%dma_wait3A_70, %dma_wait3A_71] : memref<10000x32xi32, #tpu.memory_space<vmem_shared>> -> memref<10000x32xi32, #tpu.memory_space<vmem_shared>>
      tpu.wait_indirect_dma semaphore(%arg22 : memref<!tpu.dma_semaphore, #tpu.memory_space<semaphore_mem>>) src(%dma_wait3A_72 : memref<10000x32xi32, #tpu.memory_space<vmem_shared>>) dst(%arg16 : memref<100x32xi32, #tpu.memory_space<vmem>>)
      %not3A = arith.constant true
      %not3A_73 = arith.xori %eq3A_41, %not3A : i1
      %convert_element_type3A = arith.extui %not3A_73 : i1 to i32
      %cond3A = arith.constant 0 : i32
      %cond3A_74 = arith.cmpi ne, %convert_element_type3A, %cond3A : i32
      scf.if %cond3A_74 {
        %dma_wait3A_200 = arith.constant 0 : i32
        %dma_wait3A_201 = arith.constant 0 : i32
        %dma_wait3A_202 = tpu.memref_slice %arg11[%dma_wait3A_200, %dma_wait3A_201] : memref<2x100xi32, #tpu.memory_space<vmem>> -> memref<1x100xi32, #tpu.memory_space<vmem>>
        %dma_wait3A_203 = tpu.memref_squeeze %dma_wait3A_202 : memref<1x100xi32, #tpu.memory_space<vmem>> -> memref<100xi32, #tpu.memory_space<vmem>>
        %dma_wait3A_204 = arith.constant 0 : i32
        %dma_wait3A_205 = arith.constant 0 : i32
        %dma_wait3A_206 = tpu.memref_slice %arg9[%dma_wait3A_204, %dma_wait3A_205] : memref<10000x64xf32, #tpu.memory_space<vmem_shared>> -> memref<10000x64xf32, #tpu.memory_space<vmem_shared>>
        tpu.wait_indirect_dma semaphore(%arg24 : memref<!tpu.dma_semaphore, #tpu.memory_space<semaphore_mem>>) src(%arg18 : memref<100x64xf32, #tpu.memory_space<vmem>>) dst(%dma_wait3A_206 : memref<10000x64xf32, #tpu.memory_space<vmem_shared>>)
      } else {
      }
      %parallel_loop3A = arith.constant 0 : i32
      %parallel_loop3A_75 = arith.constant 100 : i32
      %parallel_loop3A_76 = arith.constant 1 : i32
      scf.for %parallel_loop3A_200 = %parallel_loop3A to %parallel_loop3A_75 step %parallel_loop3A_76  : i32 {
        %parallel_loop3A_201 = arith.constant 0 : i32
        %parallel_loop3A_202 = arith.addi %parallel_loop3A_201, %parallel_loop3A_200 : i32
        %parallel_loop3A_203 = arith.index_cast %parallel_loop3A_200 : i32 to index
        %parallel_loop3A_204 = arith.constant 0 : index
        %parallel_loop3A_205 = tpu.vector_load %arg16[%parallel_loop3A_203, %parallel_loop3A_204] {strides = array<i32>} : memref<100x32xi32, #tpu.memory_space<vmem>>, vector<16xi32>,
        %parallel_loop3A_206 = vector.bitcast %parallel_loop3A_205 : vector<16xi32> to vector<32xbf16>
        %parallel_loop3A_207 = arith.index_cast %parallel_loop3A_202 : i32 to index
        %parallel_loop3A_208 = arith.constant 0 : index
        %parallel_loop3A_209 = tpu.vector_load %arg12[%parallel_loop3A_207, %parallel_loop3A_208] {strides = array<i32>} : memref<200x32xi32, #tpu.memory_space<vmem>>, vector<16xi32>,
        %parallel_loop3A_210 = vector.bitcast %parallel_loop3A_209 : vector<16xi32> to vector<32xbf16>
        %parallel_loop3A_211 = arith.addf %parallel_loop3A_206, %parallel_loop3A_210 : vector<32xbf16>
        %parallel_loop3A_212 = arith.constant 0.000000e+00 : bf16
        %parallel_loop3A_213 = vector.broadcast %parallel_loop3A_212 : bf16 to vector<32xbf16>
        %parallel_loop3A_214 = arith.maximumf %parallel_loop3A_211, %parallel_loop3A_213 : vector<32xbf16>
        %parallel_loop3A_215 = tpu.unpack_subelements %parallel_loop3A_214, 0 {pack_format = #tpu.pack_format<interleaved>} : vector<32xbf16> -> vector<16xf32>
        %parallel_loop3A_216 = tpu.unpack_subelements %parallel_loop3A_214, 1 {pack_format = #tpu.pack_format<interleaved>} : vector<32xbf16> -> vector<16xf32>
        %parallel_loop3A_217 = arith.index_cast %parallel_loop3A_200 : i32 to index
        %parallel_loop3A_218 = arith.constant 0 : index
        %parallel_loop3A_219 = tpu.vector_load %arg18[%parallel_loop3A_217, %parallel_loop3A_218] {strides = array<i32>} : memref<100x64xf32, #tpu.memory_space<vmem>>, vector<16xf32>,
        tpu.vector_store %arg18[%parallel_loop3A_217, %parallel_loop3A_218], %parallel_loop3A_215 {strides = array<i32>} : memref<100x64xf32, #tpu.memory_space<vmem>>, vector<16xf32>,
        %parallel_loop3A_220 = arith.index_cast %parallel_loop3A_200 : i32 to index
        %parallel_loop3A_221 = arith.constant 16 : index
        %parallel_loop3A_222 = tpu.vector_load %arg18[%parallel_loop3A_220, %parallel_loop3A_221] {strides = array<i32>} : memref<100x64xf32, #tpu.memory_space<vmem>>, vector<16xf32>,
        tpu.vector_store %arg18[%parallel_loop3A_220, %parallel_loop3A_221], %parallel_loop3A_216 {strides = array<i32>} : memref<100x64xf32, #tpu.memory_space<vmem>>, vector<16xf32>,
        %parallel_loop3A_223 = arith.index_cast %parallel_loop3A_200 : i32 to index
        %parallel_loop3A_224 = arith.constant 16 : index
        %parallel_loop3A_225 = tpu.vector_load %arg16[%parallel_loop3A_223, %parallel_loop3A_224] {strides = array<i32>} : memref<100x32xi32, #tpu.memory_space<vmem>>, vector<16xi32>,
        %parallel_loop3A_226 = vector.bitcast %parallel_loop3A_225 : vector<16xi32> to vector<32xbf16>
        %parallel_loop3A_227 = arith.index_cast %parallel_loop3A_202 : i32 to index
        %parallel_loop3A_228 = arith.constant 16 : index
        %parallel_loop3A_229 = tpu.vector_load %arg12[%parallel_loop3A_227, %parallel_loop3A_228] {strides = array<i32>} : memref<200x32xi32, #tpu.memory_space<vmem>>, vector<16xi32>,
        %parallel_loop3A_230 = vector.bitcast %parallel_loop3A_229 : vector<16xi32> to vector<32xbf16>
        %parallel_loop3A_231 = arith.addf %parallel_loop3A_226, %parallel_loop3A_230 : vector<32xbf16>
        %parallel_loop3A_232 = arith.constant 0.000000e+00 : bf16
        %parallel_loop3A_233 = vector.broadcast %parallel_loop3A_232 : bf16 to vector<32xbf16>
        %parallel_loop3A_234 = arith.maximumf %parallel_loop3A_231, %parallel_loop3A_233 : vector<32xbf16>
        %parallel_loop3A_235 = tpu.unpack_subelements %parallel_loop3A_234, 0 {pack_format = #tpu.pack_format<interleaved>} : vector<32xbf16> -> vector<16xf32>
        %parallel_loop3A_236 = tpu.unpack_subelements %parallel_loop3A_234, 1 {pack_format = #tpu.pack_format<interleaved>} : vector<32xbf16> -> vector<16xf32>
        %parallel_loop3A_237 = arith.index_cast %parallel_loop3A_200 : i32 to index
        %parallel_loop3A_238 = arith.constant 32 : index
        %parallel_loop3A_239 = tpu.vector_load %arg18[%parallel_loop3A_237, %parallel_loop3A_238] {strides = array<i32>} : memref<100x64xf32, #tpu.memory_space<vmem>>, vector<16xf32>,
        tpu.vector_store %arg18[%parallel_loop3A_237, %parallel_loop3A_238], %parallel_loop3A_235 {strides = array<i32>} : memref<100x64xf32, #tpu.memory_space<vmem>>, vector<16xf32>,
        %parallel_loop3A_240 = arith.index_cast %parallel_loop3A_200 : i32 to index
        %parallel_loop3A_241 = arith.constant 48 : index
        %parallel_loop3A_242 = tpu.vector_load %arg18[%parallel_loop3A_240, %parallel_loop3A_241] {strides = array<i32>} : memref<100x64xf32, #tpu.memory_space<vmem>>, vector<16xf32>,
        tpu.vector_store %arg18[%parallel_loop3A_240, %parallel_loop3A_241], %parallel_loop3A_236 {strides = array<i32>} : memref<100x64xf32, #tpu.memory_space<vmem>>, vector<16xf32>,
      } {sc.loop_unroll_factor = 4 : i64, sc.parallel_access}
      %dma_start3A_77 = arith.constant 0 : i32
      %dma_start3A_78 = arith.constant 0 : i32
      %dma_start3A_79 = tpu.memref_slice %arg11[%dma_start3A_77, %dma_start3A_78] : memref<2x100xi32, #tpu.memory_space<vmem>> -> memref<1x100xi32, #tpu.memory_space<vmem>>
      %dma_start3A_80 = tpu.memref_squeeze %dma_start3A_79 : memref<1x100xi32, #tpu.memory_space<vmem>> -> memref<100xi32, #tpu.memory_space<vmem>>
      %dma_start3A_81 = arith.constant 0 : i32
      %dma_start3A_82 = arith.constant 0 : i32
      %dma_start3A_83 = tpu.memref_slice %arg9[%dma_start3A_81, %dma_start3A_82] : memref<10000x64xf32, #tpu.memory_space<vmem_shared>> -> memref<10000x64xf32, #tpu.memory_space<vmem_shared>>
      tpu.enqueue_indirect_dma source(%arg18 : memref<100x64xf32, #tpu.memory_space<vmem>>) target(%dma_start3A_83 : memref<10000x64xf32, #tpu.memory_space<vmem_shared>>) offsets(%dma_start3A_80 : memref<100xi32, #tpu.memory_space<vmem>>) semaphore(%arg24 : memref<!tpu.dma_semaphore, #tpu.memory_space<semaphore_mem>>) {add = true}
      %dma_wait3A_84 = arith.constant 1 : i32
      %dma_wait3A_85 = arith.constant 0 : i32
      %dma_wait3A_86 = tpu.memref_slice %arg10[%dma_wait3A_84, %dma_wait3A_85] : memref<2x100xi32, #tpu.memory_space<vmem>> -> memref<1x100xi32, #tpu.memory_space<vmem>>
      %dma_wait3A_87 = tpu.memref_squeeze %dma_wait3A_86 : memref<1x100xi32, #tpu.memory_space<vmem>> -> memref<100xi32, #tpu.memory_space<vmem>>
      %dma_wait3A_88 = arith.constant 0 : i32
      %dma_wait3A_89 = arith.constant 0 : i32
      %dma_wait3A_90 = tpu.memref_slice %arg8[%dma_wait3A_88, %dma_wait3A_89] : memref<10000x32xi32, #tpu.memory_space<vmem_shared>> -> memref<10000x32xi32, #tpu.memory_space<vmem_shared>>
      tpu.wait_indirect_dma semaphore(%arg23 : memref<!tpu.dma_semaphore, #tpu.memory_space<semaphore_mem>>) src(%dma_wait3A_90 : memref<10000x32xi32, #tpu.memory_space<vmem_shared>>) dst(%arg17 : memref<100x32xi32, #tpu.memory_space<vmem>>)
      %not3A_91 = arith.constant true
      %not3A_92 = arith.xori %eq3A_41, %not3A_91 : i1
      %convert_element_type3A_93 = arith.extui %not3A_92 : i1 to i32
      %cond3A_94 = arith.constant 0 : i32
      %cond3A_95 = arith.cmpi ne, %convert_element_type3A_93, %cond3A_94 : i32
      scf.if %cond3A_95 {
        %dma_wait3A_200 = arith.constant 1 : i32
        %dma_wait3A_201 = arith.constant 0 : i32
        %dma_wait3A_202 = tpu.memref_slice %arg11[%dma_wait3A_200, %dma_wait3A_201] : memref<2x100xi32, #tpu.memory_space<vmem>> -> memref<1x100xi32, #tpu.memory_space<vmem>>
        %dma_wait3A_203 = tpu.memref_squeeze %dma_wait3A_202 : memref<1x100xi32, #tpu.memory_space<vmem>> -> memref<100xi32, #tpu.memory_space<vmem>>
        %dma_wait3A_204 = arith.constant 0 : i32
        %dma_wait3A_205 = arith.constant 0 : i32
        %dma_wait3A_206 = tpu.memref_slice %arg9[%dma_wait3A_204, %dma_wait3A_205] : memref<10000x64xf32, #tpu.memory_space<vmem_shared>> -> memref<10000x64xf32, #tpu.memory_space<vmem_shared>>
        tpu.wait_indirect_dma semaphore(%arg25 : memref<!tpu.dma_semaphore, #tpu.memory_space<semaphore_mem>>) src(%arg19 : memref<100x64xf32, #tpu.memory_space<vmem>>) dst(%dma_wait3A_206 : memref<10000x64xf32, #tpu.memory_space<vmem_shared>>)
      } else {
      }
      %mul3A_96 = arith.constant 2 : i32
      %mul3A_97 = arith.muli %mul3A_96, %scan3A_40 : i32
      %add3A_98 = arith.constant 1 : i32
      %add3A_99 = arith.addi %mul3A_97, %add3A_98 : i32
      %mul3A_100 = arith.constant 2 : i32
      %mul3A_101 = arith.muli %add3A_99, %mul3A_100 : i32
      %add3A_102 = arith.addi %mul3A_4, %mul3A_101 : i32
      %mul3A_103 = arith.constant 200 : i32
      %mul3A_104 = arith.muli %add3A_99, %mul3A_103 : i32
      %add3A_105 = arith.addi %mul3A_6, %mul3A_104 : i32
      %dma_start3A_106 = arith.constant 0 : i32
      %dma_start3A_107 = tpu.memref_slice %arg4[%add3A_102, %dma_start3A_106] : memref<3200x100xi32, #tpu.memory_space<hbm>> -> memref<2x100xi32, #tpu.memory_space<hbm>>
      %dma_start3A_108 = arith.constant 0 : i32
      %dma_start3A_109 = tpu.memref_slice %arg4[%add3A_102, %dma_start3A_108] : memref<3200x100xi32, #tpu.memory_space<hbm>> -> memref<2x100xi32, #tpu.memory_space<hbm>>
      tpu.enqueue_dma source(%dma_start3A_109 : memref<2x100xi32, #tpu.memory_space<hbm>>) target(%arg13 : memref<2x100xi32, #tpu.memory_space<vmem>>) target_semaphore(%arg21 : memref<!tpu.dma_semaphore, #tpu.memory_space<semaphore_mem>>)
      %dma_start3A_110 = arith.constant 0 : i32
      %dma_start3A_111 = tpu.memref_slice %arg5[%add3A_102, %dma_start3A_110] : memref<3200x100xi32, #tpu.memory_space<hbm>> -> memref<2x100xi32, #tpu.memory_space<hbm>>
      %dma_start3A_112 = arith.constant 0 : i32
      %dma_start3A_113 = tpu.memref_slice %arg5[%add3A_102, %dma_start3A_112] : memref<3200x100xi32, #tpu.memory_space<hbm>> -> memref<2x100xi32, #tpu.memory_space<hbm>>
      tpu.enqueue_dma source(%dma_start3A_113 : memref<2x100xi32, #tpu.memory_space<hbm>>) target(%arg14 : memref<2x100xi32, #tpu.memory_space<vmem>>) target_semaphore(%arg21 : memref<!tpu.dma_semaphore, #tpu.memory_space<semaphore_mem>>)
      %dma_start3A_114 = tpu.memref_slice %arg3[%add3A_105, %mul3A_0] : memref<320000x64xi32, #tpu.memory_space<hbm>> -> memref<200x32xi32, #tpu.memory_space<hbm>>
      %dma_start3A_115 = tpu.memref_slice %arg3[%add3A_105, %mul3A_0] : memref<320000x64xi32, #tpu.memory_space<hbm>> -> memref<200x32xi32, #tpu.memory_space<hbm>>
      tpu.enqueue_dma source(%dma_start3A_115 : memref<200x32xi32, #tpu.memory_space<hbm>>) target(%arg15 : memref<200x32xi32, #tpu.memory_space<vmem>>) target_semaphore(%arg21 : memref<!tpu.dma_semaphore, #tpu.memory_space<semaphore_mem>>)
      %parallel_loop3A_116 = arith.constant 0 : i32
      %parallel_loop3A_117 = arith.constant 100 : i32
      %parallel_loop3A_118 = arith.constant 1 : i32
      scf.for %parallel_loop3A_200 = %parallel_loop3A_116 to %parallel_loop3A_117 step %parallel_loop3A_118  : i32 {
        %parallel_loop3A_201 = arith.constant 100 : i32
        %parallel_loop3A_202 = arith.addi %parallel_loop3A_201, %parallel_loop3A_200 : i32
        %parallel_loop3A_203 = arith.index_cast %parallel_loop3A_200 : i32 to index
        %parallel_loop3A_204 = arith.constant 0 : index
        %parallel_loop3A_205 = tpu.vector_load %arg17[%parallel_loop3A_203, %parallel_loop3A_204] {strides = array<i32>} : memref<100x32xi32, #tpu.memory_space<vmem>>, vector<16xi32>,
        %parallel_loop3A_206 = vector.bitcast %parallel_loop3A_205 : vector<16xi32> to vector<32xbf16>
        %parallel_loop3A_207 = arith.index_cast %parallel_loop3A_202 : i32 to index
        %parallel_loop3A_208 = arith.constant 0 : index
        %parallel_loop3A_209 = tpu.vector_load %arg12[%parallel_loop3A_207, %parallel_loop3A_208] {strides = array<i32>} : memref<200x32xi32, #tpu.memory_space<vmem>>, vector<16xi32>,
        %parallel_loop3A_210 = vector.bitcast %parallel_loop3A_209 : vector<16xi32> to vector<32xbf16>
        %parallel_loop3A_211 = arith.addf %parallel_loop3A_206, %parallel_loop3A_210 : vector<32xbf16>
        %parallel_loop3A_212 = arith.constant 0.000000e+00 : bf16
        %parallel_loop3A_213 = vector.broadcast %parallel_loop3A_212 : bf16 to vector<32xbf16>
        %parallel_loop3A_214 = arith.maximumf %parallel_loop3A_211, %parallel_loop3A_213 : vector<32xbf16>
        %parallel_loop3A_215 = tpu.unpack_subelements %parallel_loop3A_214, 0 {pack_format = #tpu.pack_format<interleaved>} : vector<32xbf16> -> vector<16xf32>
        %parallel_loop3A_216 = tpu.unpack_subelements %parallel_loop3A_214, 1 {pack_format = #tpu.pack_format<interleaved>} : vector<32xbf16> -> vector<16xf32>
        %parallel_loop3A_217 = arith.index_cast %parallel_loop3A_200 : i32 to index
        %parallel_loop3A_218 = arith.constant 0 : index
        %parallel_loop3A_219 = tpu.vector_load %arg19[%parallel_loop3A_217, %parallel_loop3A_218] {strides = array<i32>} : memref<100x64xf32, #tpu.memory_space<vmem>>, vector<16xf32>,
        tpu.vector_store %arg19[%parallel_loop3A_217, %parallel_loop3A_218], %parallel_loop3A_215 {strides = array<i32>} : memref<100x64xf32, #tpu.memory_space<vmem>>, vector<16xf32>,
        %parallel_loop3A_220 = arith.index_cast %parallel_loop3A_200 : i32 to index
        %parallel_loop3A_221 = arith.constant 16 : index
        %parallel_loop3A_222 = tpu.vector_load %arg19[%parallel_loop3A_220, %parallel_loop3A_221] {strides = array<i32>} : memref<100x64xf32, #tpu.memory_space<vmem>>, vector<16xf32>,
        tpu.vector_store %arg19[%parallel_loop3A_220, %parallel_loop3A_221], %parallel_loop3A_216 {strides = array<i32>} : memref<100x64xf32, #tpu.memory_space<vmem>>, vector<16xf32>,
        %parallel_loop3A_223 = arith.index_cast %parallel_loop3A_200 : i32 to index
        %parallel_loop3A_224 = arith.constant 16 : index
        %parallel_loop3A_225 = tpu.vector_load %arg17[%parallel_loop3A_223, %parallel_loop3A_224] {strides = array<i32>} : memref<100x32xi32, #tpu.memory_space<vmem>>, vector<16xi32>,
        %parallel_loop3A_226 = vector.bitcast %parallel_loop3A_225 : vector<16xi32> to vector<32xbf16>
        %parallel_loop3A_227 = arith.index_cast %parallel_loop3A_202 : i32 to index
        %parallel_loop3A_228 = arith.constant 16 : index
        %parallel_loop3A_229 = tpu.vector_load %arg12[%parallel_loop3A_227, %parallel_loop3A_228] {strides = array<i32>} : memref<200x32xi32, #tpu.memory_space<vmem>>, vector<16xi32>,
        %parallel_loop3A_230 = vector.bitcast %parallel_loop3A_229 : vector<16xi32> to vector<32xbf16>
        %parallel_loop3A_231 = arith.addf %parallel_loop3A_226, %parallel_loop3A_230 : vector<32xbf16>
        %parallel_loop3A_232 = arith.constant 0.000000e+00 : bf16
        %parallel_loop3A_233 = vector.broadcast %parallel_loop3A_232 : bf16 to vector<32xbf16>
        %parallel_loop3A_234 = arith.maximumf %parallel_loop3A_231, %parallel_loop3A_233 : vector<32xbf16>
        %parallel_loop3A_235 = tpu.unpack_subelements %parallel_loop3A_234, 0 {pack_format = #tpu.pack_format<interleaved>} : vector<32xbf16> -> vector<16xf32>
        %parallel_loop3A_236 = tpu.unpack_subelements %parallel_loop3A_234, 1 {pack_format = #tpu.pack_format<interleaved>} : vector<32xbf16> -> vector<16xf32>
        %parallel_loop3A_237 = arith.index_cast %parallel_loop3A_200 : i32 to index
        %parallel_loop3A_238 = arith.constant 32 : index
        %parallel_loop3A_239 = tpu.vector_load %arg19[%parallel_loop3A_237, %parallel_loop3A_238] {strides = array<i32>} : memref<100x64xf32, #tpu.memory_space<vmem>>, vector<16xf32>,
        tpu.vector_store %arg19[%parallel_loop3A_237, %parallel_loop3A_238], %parallel_loop3A_235 {strides = array<i32>} : memref<100x64xf32, #tpu.memory_space<vmem>>, vector<16xf32>,
        %parallel_loop3A_240 = arith.index_cast %parallel_loop3A_200 : i32 to index
        %parallel_loop3A_241 = arith.constant 48 : index
        %parallel_loop3A_242 = tpu.vector_load %arg19[%parallel_loop3A_240, %parallel_loop3A_241] {strides = array<i32>} : memref<100x64xf32, #tpu.memory_space<vmem>>, vector<16xf32>,
        tpu.vector_store %arg19[%parallel_loop3A_240, %parallel_loop3A_241], %parallel_loop3A_236 {strides = array<i32>} : memref<100x64xf32, #tpu.memory_space<vmem>>, vector<16xf32>,
      } {sc.loop_unroll_factor = 4 : i64, sc.parallel_access}
      %dma_start3A_119 = arith.constant 1 : i32
      %dma_start3A_120 = arith.constant 0 : i32
      %dma_start3A_121 = tpu.memref_slice %arg11[%dma_start3A_119, %dma_start3A_120] : memref<2x100xi32, #tpu.memory_space<vmem>> -> memref<1x100xi32, #tpu.memory_space<vmem>>
      %dma_start3A_122 = tpu.memref_squeeze %dma_start3A_121 : memref<1x100xi32, #tpu.memory_space<vmem>> -> memref<100xi32, #tpu.memory_space<vmem>>
      %dma_start3A_123 = arith.constant 0 : i32
      %dma_start3A_124 = arith.constant 0 : i32
      %dma_start3A_125 = tpu.memref_slice %arg9[%dma_start3A_123, %dma_start3A_124] : memref<10000x64xf32, #tpu.memory_space<vmem_shared>> -> memref<10000x64xf32, #tpu.memory_space<vmem_shared>>
      tpu.enqueue_indirect_dma source(%arg19 : memref<100x64xf32, #tpu.memory_space<vmem>>) target(%dma_start3A_125 : memref<10000x64xf32, #tpu.memory_space<vmem_shared>>) offsets(%dma_start3A_122 : memref<100xi32, #tpu.memory_space<vmem>>) semaphore(%arg25 : memref<!tpu.dma_semaphore, #tpu.memory_space<semaphore_mem>>) {add = true}
      %dma_wait3A_126 = arith.constant 0 : i32
      %dma_wait3A_127 = tpu.memref_slice %arg4[%mul3A_4, %dma_wait3A_126] : memref<3200x100xi32, #tpu.memory_space<hbm>> -> memref<2x100xi32, #tpu.memory_space<hbm>>
      %dma_wait3A_128 = arith.constant 0 : i32
      %dma_wait3A_129 = tpu.memref_slice %arg4[%mul3A_4, %dma_wait3A_128] : memref<3200x100xi32, #tpu.memory_space<hbm>> -> memref<2x100xi32, #tpu.memory_space<hbm>>
      tpu.wait_dma2 semaphore(%arg21 : memref<!tpu.dma_semaphore, #tpu.memory_space<semaphore_mem>>) src(%dma_wait3A_129 : memref<2x100xi32, #tpu.memory_space<hbm>>) dst(%arg13 : memref<2x100xi32, #tpu.memory_space<vmem>>)
      %dma_wait3A_130 = arith.constant 0 : i32
      %dma_wait3A_131 = tpu.memref_slice %arg5[%mul3A_4, %dma_wait3A_130] : memref<3200x100xi32, #tpu.memory_space<hbm>> -> memref<2x100xi32, #tpu.memory_space<hbm>>
      %dma_wait3A_132 = arith.constant 0 : i32
      %dma_wait3A_133 = tpu.memref_slice %arg5[%mul3A_4, %dma_wait3A_132] : memref<3200x100xi32, #tpu.memory_space<hbm>> -> memref<2x100xi32, #tpu.memory_space<hbm>>
      tpu.wait_dma2 semaphore(%arg21 : memref<!tpu.dma_semaphore, #tpu.memory_space<semaphore_mem>>) src(%dma_wait3A_133 : memref<2x100xi32, #tpu.memory_space<hbm>>) dst(%arg14 : memref<2x100xi32, #tpu.memory_space<vmem>>)
      %dma_wait3A_134 = tpu.memref_slice %arg3[%mul3A_6, %mul3A_0] : memref<320000x64xi32, #tpu.memory_space<hbm>> -> memref<200x32xi32, #tpu.memory_space<hbm>>
      %dma_wait3A_135 = tpu.memref_slice %arg3[%mul3A_6, %mul3A_0] : memref<320000x64xi32, #tpu.memory_space<hbm>> -> memref<200x32xi32, #tpu.memory_space<hbm>>
      tpu.wait_dma2 semaphore(%arg21 : memref<!tpu.dma_semaphore, #tpu.memory_space<semaphore_mem>>) src(%dma_wait3A_135 : memref<200x32xi32, #tpu.memory_space<hbm>>) dst(%arg15 : memref<200x32xi32, #tpu.memory_space<vmem>>)
      %dma_start3A_136 = arith.constant 0 : i32
      %dma_start3A_137 = arith.constant 0 : i32
      %dma_start3A_138 = tpu.memref_slice %arg13[%dma_start3A_136, %dma_start3A_137] : memref<2x100xi32, #tpu.memory_space<vmem>> -> memref<1x100xi32, #tpu.memory_space<vmem>>
      %dma_start3A_139 = tpu.memref_squeeze %dma_start3A_138 : memref<1x100xi32, #tpu.memory_space<vmem>> -> memref<100xi32, #tpu.memory_space<vmem>>
      %dma_start3A_140 = arith.constant 0 : i32
      %dma_start3A_141 = arith.constant 0 : i32
      %dma_start3A_142 = tpu.memref_slice %arg8[%dma_start3A_140, %dma_start3A_141] : memref<10000x32xi32, #tpu.memory_space<vmem_shared>> -> memref<10000x32xi32, #tpu.memory_space<vmem_shared>>
      tpu.enqueue_indirect_dma source(%dma_start3A_142 : memref<10000x32xi32, #tpu.memory_space<vmem_shared>>) target(%arg16 : memref<100x32xi32, #tpu.memory_space<vmem>>) offsets(%dma_start3A_139 : memref<100xi32, #tpu.memory_space<vmem>>) semaphore(%arg22 : memref<!tpu.dma_semaphore, #tpu.memory_space<semaphore_mem>>)
      %dma_start3A_143 = arith.constant 1 : i32
      %dma_start3A_144 = arith.constant 0 : i32
      %dma_start3A_145 = tpu.memref_slice %arg13[%dma_start3A_143, %dma_start3A_144] : memref<2x100xi32, #tpu.memory_space<vmem>> -> memref<1x100xi32, #tpu.memory_space<vmem>>
      %dma_start3A_146 = tpu.memref_squeeze %dma_start3A_145 : memref<1x100xi32, #tpu.memory_space<vmem>> -> memref<100xi32, #tpu.memory_space<vmem>>
      %dma_start3A_147 = arith.constant 0 : i32
      %dma_start3A_148 = arith.constant 0 : i32
      %dma_start3A_149 = tpu.memref_slice %arg8[%dma_start3A_147, %dma_start3A_148] : memref<10000x32xi32, #tpu.memory_space<vmem_shared>> -> memref<10000x32xi32, #tpu.memory_space<vmem_shared>>
      tpu.enqueue_indirect_dma source(%dma_start3A_149 : memref<10000x32xi32, #tpu.memory_space<vmem_shared>>) target(%arg17 : memref<100x32xi32, #tpu.memory_space<vmem>>) offsets(%dma_start3A_146 : memref<100xi32, #tpu.memory_space<vmem>>) semaphore(%arg23 : memref<!tpu.dma_semaphore, #tpu.memory_space<semaphore_mem>>)
      %dma_wait3A_150 = arith.constant 0 : i32
      %dma_wait3A_151 = arith.constant 0 : i32
      %dma_wait3A_152 = tpu.memref_slice %arg13[%dma_wait3A_150, %dma_wait3A_151] : memref<2x100xi32, #tpu.memory_space<vmem>> -> memref<1x100xi32, #tpu.memory_space<vmem>>
      %dma_wait3A_153 = tpu.memref_squeeze %dma_wait3A_152 : memref<1x100xi32, #tpu.memory_space<vmem>> -> memref<100xi32, #tpu.memory_space<vmem>>
      %dma_wait3A_154 = arith.constant 0 : i32
      %dma_wait3A_155 = arith.constant 0 : i32
      %dma_wait3A_156 = tpu.memref_slice %arg8[%dma_wait3A_154, %dma_wait3A_155] : memref<10000x32xi32, #tpu.memory_space<vmem_shared>> -> memref<10000x32xi32, #tpu.memory_space<vmem_shared>>
      tpu.wait_indirect_dma semaphore(%arg22 : memref<!tpu.dma_semaphore, #tpu.memory_space<semaphore_mem>>) src(%dma_wait3A_156 : memref<10000x32xi32, #tpu.memory_space<vmem_shared>>) dst(%arg16 : memref<100x32xi32, #tpu.memory_space<vmem>>)
      %not3A_157 = arith.constant false
      %not3A_158 = arith.constant true
      %not3A_159 = arith.xori %not3A_157, %not3A_158 : i1
      %convert_element_type3A_160 = arith.extui %not3A_159 : i1 to i32
      %cond3A_161 = arith.constant 0 : i32
      %cond3A_162 = arith.cmpi ne, %convert_element_type3A_160, %cond3A_161 : i32
      scf.if %cond3A_162 {
        %dma_wait3A_200 = arith.constant 0 : i32
        %dma_wait3A_201 = arith.constant 0 : i32
        %dma_wait3A_202 = tpu.memref_slice %arg14[%dma_wait3A_200, %dma_wait3A_201] : memref<2x100xi32, #tpu.memory_space<vmem>> -> memref<1x100xi32, #tpu.memory_space<vmem>>
        %dma_wait3A_203 = tpu.memref_squeeze %dma_wait3A_202 : memref<1x100xi32, #tpu.memory_space<vmem>> -> memref<100xi32, #tpu.memory_space<vmem>>
        %dma_wait3A_204 = arith.constant 0 : i32
        %dma_wait3A_205 = arith.constant 0 : i32
        %dma_wait3A_206 = tpu.memref_slice %arg9[%dma_wait3A_204, %dma_wait3A_205] : memref<10000x64xf32, #tpu.memory_space<vmem_shared>> -> memref<10000x64xf32, #tpu.memory_space<vmem_shared>>
        tpu.wait_indirect_dma semaphore(%arg24 : memref<!tpu.dma_semaphore, #tpu.memory_space<semaphore_mem>>) src(%arg18 : memref<100x64xf32, #tpu.memory_space<vmem>>) dst(%dma_wait3A_206 : memref<10000x64xf32, #tpu.memory_space<vmem_shared>>)
      } else {
      }
      %parallel_loop3A_163 = arith.constant 0 : i32
      %parallel_loop3A_164 = arith.constant 100 : i32
      %parallel_loop3A_165 = arith.constant 1 : i32
      scf.for %parallel_loop3A_200 = %parallel_loop3A_163 to %parallel_loop3A_164 step %parallel_loop3A_165  : i32 {
        %parallel_loop3A_201 = arith.constant 0 : i32
        %parallel_loop3A_202 = arith.addi %parallel_loop3A_201, %parallel_loop3A_200 : i32
        %parallel_loop3A_203 = arith.index_cast %parallel_loop3A_200 : i32 to index
        %parallel_loop3A_204 = arith.constant 0 : index
        %parallel_loop3A_205 = tpu.vector_load %arg16[%parallel_loop3A_203, %parallel_loop3A_204] {strides = array<i32>} : memref<100x32xi32, #tpu.memory_space<vmem>>, vector<16xi32>,
        %parallel_loop3A_206 = vector.bitcast %parallel_loop3A_205 : vector<16xi32> to vector<32xbf16>
        %parallel_loop3A_207 = arith.index_cast %parallel_loop3A_202 : i32 to index
        %parallel_loop3A_208 = arith.constant 0 : index
        %parallel_loop3A_209 = tpu.vector_load %arg15[%parallel_loop3A_207, %parallel_loop3A_208] {strides = array<i32>} : memref<200x32xi32, #tpu.memory_space<vmem>>, vector<16xi32>,
        %parallel_loop3A_210 = vector.bitcast %parallel_loop3A_209 : vector<16xi32> to vector<32xbf16>
        %parallel_loop3A_211 = arith.addf %parallel_loop3A_206, %parallel_loop3A_210 : vector<32xbf16>
        %parallel_loop3A_212 = arith.constant 0.000000e+00 : bf16
        %parallel_loop3A_213 = vector.broadcast %parallel_loop3A_212 : bf16 to vector<32xbf16>
        %parallel_loop3A_214 = arith.maximumf %parallel_loop3A_211, %parallel_loop3A_213 : vector<32xbf16>
        %parallel_loop3A_215 = tpu.unpack_subelements %parallel_loop3A_214, 0 {pack_format = #tpu.pack_format<interleaved>} : vector<32xbf16> -> vector<16xf32>
        %parallel_loop3A_216 = tpu.unpack_subelements %parallel_loop3A_214, 1 {pack_format = #tpu.pack_format<interleaved>} : vector<32xbf16> -> vector<16xf32>
        %parallel_loop3A_217 = arith.index_cast %parallel_loop3A_200 : i32 to index
        %parallel_loop3A_218 = arith.constant 0 : index
        %parallel_loop3A_219 = tpu.vector_load %arg18[%parallel_loop3A_217, %parallel_loop3A_218] {strides = array<i32>} : memref<100x64xf32, #tpu.memory_space<vmem>>, vector<16xf32>,
        tpu.vector_store %arg18[%parallel_loop3A_217, %parallel_loop3A_218], %parallel_loop3A_215 {strides = array<i32>} : memref<100x64xf32, #tpu.memory_space<vmem>>, vector<16xf32>,
        %parallel_loop3A_220 = arith.index_cast %parallel_loop3A_200 : i32 to index
        %parallel_loop3A_221 = arith.constant 16 : index
        %parallel_loop3A_222 = tpu.vector_load %arg18[%parallel_loop3A_220, %parallel_loop3A_221] {strides = array<i32>} : memref<100x64xf32, #tpu.memory_space<vmem>>, vector<16xf32>,
        tpu.vector_store %arg18[%parallel_loop3A_220, %parallel_loop3A_221], %parallel_loop3A_216 {strides = array<i32>} : memref<100x64xf32, #tpu.memory_space<vmem>>, vector<16xf32>,
        %parallel_loop3A_223 = arith.index_cast %parallel_loop3A_200 : i32 to index
        %parallel_loop3A_224 = arith.constant 16 : index
        %parallel_loop3A_225 = tpu.vector_load %arg16[%parallel_loop3A_223, %parallel_loop3A_224] {strides = array<i32>} : memref<100x32xi32, #tpu.memory_space<vmem>>, vector<16xi32>,
        %parallel_loop3A_226 = vector.bitcast %parallel_loop3A_225 : vector<16xi32> to vector<32xbf16>
        %parallel_loop3A_227 = arith.index_cast %parallel_loop3A_202 : i32 to index
        %parallel_loop3A_228 = arith.constant 16 : index
        %parallel_loop3A_229 = tpu.vector_load %arg15[%parallel_loop3A_227, %parallel_loop3A_228] {strides = array<i32>} : memref<200x32xi32, #tpu.memory_space<vmem>>, vector<16xi32>,
        %parallel_loop3A_230 = vector.bitcast %parallel_loop3A_229 : vector<16xi32> to vector<32xbf16>
        %parallel_loop3A_231 = arith.addf %parallel_loop3A_226, %parallel_loop3A_230 : vector<32xbf16>
        %parallel_loop3A_232 = arith.constant 0.000000e+00 : bf16
        %parallel_loop3A_233 = vector.broadcast %parallel_loop3A_232 : bf16 to vector<32xbf16>
        %parallel_loop3A_234 = arith.maximumf %parallel_loop3A_231, %parallel_loop3A_233 : vector<32xbf16>
        %parallel_loop3A_235 = tpu.unpack_subelements %parallel_loop3A_234, 0 {pack_format = #tpu.pack_format<interleaved>} : vector<32xbf16> -> vector<16xf32>
        %parallel_loop3A_236 = tpu.unpack_subelements %parallel_loop3A_234, 1 {pack_format = #tpu.pack_format<interleaved>} : vector<32xbf16> -> vector<16xf32>
        %parallel_loop3A_237 = arith.index_cast %parallel_loop3A_200 : i32 to index
        %parallel_loop3A_238 = arith.constant 32 : index
        %parallel_loop3A_239 = tpu.vector_load %arg18[%parallel_loop3A_237, %parallel_loop3A_238] {strides = array<i32>} : memref<100x64xf32, #tpu.memory_space<vmem>>, vector<16xf32>,
        tpu.vector_store %arg18[%parallel_loop3A_237, %parallel_loop3A_238], %parallel_loop3A_235 {strides = array<i32>} : memref<100x64xf32, #tpu.memory_space<vmem>>, vector<16xf32>,
        %parallel_loop3A_240 = arith.index_cast %parallel_loop3A_200 : i32 to index
        %parallel_loop3A_241 = arith.constant 48 : index
        %parallel_loop3A_242 = tpu.vector_load %arg18[%parallel_loop3A_240, %parallel_loop3A_241] {strides = array<i32>} : memref<100x64xf32, #tpu.memory_space<vmem>>, vector<16xf32>,
        tpu.vector_store %arg18[%parallel_loop3A_240, %parallel_loop3A_241], %parallel_loop3A_236 {strides = array<i32>} : memref<100x64xf32, #tpu.memory_space<vmem>>, vector<16xf32>,
      } {sc.loop_unroll_factor = 4 : i64, sc.parallel_access}
      %dma_start3A_166 = arith.constant 0 : i32
      %dma_start3A_167 = arith.constant 0 : i32
      %dma_start3A_168 = tpu.memref_slice %arg14[%dma_start3A_166, %dma_start3A_167] : memref<2x100xi32, #tpu.memory_space<vmem>> -> memref<1x100xi32, #tpu.memory_space<vmem>>
      %dma_start3A_169 = tpu.memref_squeeze %dma_start3A_168 : memref<1x100xi32, #tpu.memory_space<vmem>> -> memref<100xi32, #tpu.memory_space<vmem>>
      %dma_start3A_170 = arith.constant 0 : i32
      %dma_start3A_171 = arith.constant 0 : i32
      %dma_start3A_172 = tpu.memref_slice %arg9[%dma_start3A_170, %dma_start3A_171] : memref<10000x64xf32, #tpu.memory_space<vmem_shared>> -> memref<10000x64xf32, #tpu.memory_space<vmem_shared>>
      tpu.enqueue_indirect_dma source(%arg18 : memref<100x64xf32, #tpu.memory_space<vmem>>) target(%dma_start3A_172 : memref<10000x64xf32, #tpu.memory_space<vmem_shared>>) offsets(%dma_start3A_169 : memref<100xi32, #tpu.memory_space<vmem>>) semaphore(%arg24 : memref<!tpu.dma_semaphore, #tpu.memory_space<semaphore_mem>>) {add = true}
      %dma_wait3A_173 = arith.constant 1 : i32
      %dma_wait3A_174 = arith.constant 0 : i32
      %dma_wait3A_175 = tpu.memref_slice %arg13[%dma_wait3A_173, %dma_wait3A_174] : memref<2x100xi32, #tpu.memory_space<vmem>> -> memref<1x100xi32, #tpu.memory_space<vmem>>
      %dma_wait3A_176 = tpu.memref_squeeze %dma_wait3A_175 : memref<1x100xi32, #tpu.memory_space<vmem>> -> memref<100xi32, #tpu.memory_space<vmem>>
      %dma_wait3A_177 = arith.constant 0 : i32
      %dma_wait3A_178 = arith.constant 0 : i32
      %dma_wait3A_179 = tpu.memref_slice %arg8[%dma_wait3A_177, %dma_wait3A_178] : memref<10000x32xi32, #tpu.memory_space<vmem_shared>> -> memref<10000x32xi32, #tpu.memory_space<vmem_shared>>
      tpu.wait_indirect_dma semaphore(%arg23 : memref<!tpu.dma_semaphore, #tpu.memory_space<semaphore_mem>>) src(%dma_wait3A_179 : memref<10000x32xi32, #tpu.memory_space<vmem_shared>>) dst(%arg17 : memref<100x32xi32, #tpu.memory_space<vmem>>)
      %not3A_180 = arith.constant false
      %not3A_181 = arith.constant true
      %not3A_182 = arith.xori %not3A_180, %not3A_181 : i1
      %convert_element_type3A_183 = arith.extui %not3A_182 : i1 to i32
      %cond3A_184 = arith.constant 0 : i32
      %cond3A_185 = arith.cmpi ne, %convert_element_type3A_183, %cond3A_184 : i32
      scf.if %cond3A_185 {
        %dma_wait3A_200 = arith.constant 1 : i32
        %dma_wait3A_201 = arith.constant 0 : i32
        %dma_wait3A_202 = tpu.memref_slice %arg14[%dma_wait3A_200, %dma_wait3A_201] : memref<2x100xi32, #tpu.memory_space<vmem>> -> memref<1x100xi32, #tpu.memory_space<vmem>>
        %dma_wait3A_203 = tpu.memref_squeeze %dma_wait3A_202 : memref<1x100xi32, #tpu.memory_space<vmem>> -> memref<100xi32, #tpu.memory_space<vmem>>
        %dma_wait3A_204 = arith.constant 0 : i32
        %dma_wait3A_205 = arith.constant 0 : i32
        %dma_wait3A_206 = tpu.memref_slice %arg9[%dma_wait3A_204, %dma_wait3A_205] : memref<10000x64xf32, #tpu.memory_space<vmem_shared>> -> memref<10000x64xf32, #tpu.memory_space<vmem_shared>>
        tpu.wait_indirect_dma semaphore(%arg25 : memref<!tpu.dma_semaphore, #tpu.memory_space<semaphore_mem>>) src(%arg19 : memref<100x64xf32, #tpu.memory_space<vmem>>) dst(%dma_wait3A_206 : memref<10000x64xf32, #tpu.memory_space<vmem_shared>>)
      } else {
      }
      %lt3A = arith.constant 49 : i32
      %lt3A_186 = arith.cmpi slt, %scan3A_40, %lt3A : i32
      %convert_element_type3A_187 = arith.extui %lt3A_186 : i1 to i32
      %cond3A_188 = arith.constant 0 : i32
      %cond3A_189 = arith.cmpi ne, %convert_element_type3A_187, %cond3A_188 : i32
      scf.if %cond3A_189 {
        %mul3A_200 = arith.constant 2 : i32
        %mul3A_201 = arith.muli %mul3A_200, %scan3A_40 : i32
        %add3A_202 = arith.constant 2 : i32
        %add3A_203 = arith.addi %mul3A_201, %add3A_202 : i32
        %mul3A_204 = arith.constant 2 : i32
        %mul3A_205 = arith.muli %add3A_203, %mul3A_204 : i32
        %add3A_206 = arith.addi %mul3A_4, %mul3A_205 : i32
        %mul3A_207 = arith.constant 200 : i32
        %mul3A_208 = arith.muli %add3A_203, %mul3A_207 : i32
        %add3A_209 = arith.addi %mul3A_6, %mul3A_208 : i32
        %dma_start3A_210 = arith.constant 0 : i32
        %dma_start3A_211 = tpu.memref_slice %arg4[%add3A_206, %dma_start3A_210] : memref<3200x100xi32, #tpu.memory_space<hbm>> -> memref<2x100xi32, #tpu.memory_space<hbm>>
        %dma_start3A_212 = arith.constant 0 : i32
        %dma_start3A_213 = tpu.memref_slice %arg4[%add3A_206, %dma_start3A_212] : memref<3200x100xi32, #tpu.memory_space<hbm>> -> memref<2x100xi32, #tpu.memory_space<hbm>>
        tpu.enqueue_dma source(%dma_start3A_213 : memref<2x100xi32, #tpu.memory_space<hbm>>) target(%arg10 : memref<2x100xi32, #tpu.memory_space<vmem>>) target_semaphore(%arg20 : memref<!tpu.dma_semaphore, #tpu.memory_space<semaphore_mem>>)
        %dma_start3A_214 = arith.constant 0 : i32
        %dma_start3A_215 = tpu.memref_slice %arg5[%add3A_206, %dma_start3A_214] : memref<3200x100xi32, #tpu.memory_space<hbm>> -> memref<2x100xi32, #tpu.memory_space<hbm>>
        %dma_start3A_216 = arith.constant 0 : i32
        %dma_start3A_217 = tpu.memref_slice %arg5[%add3A_206, %dma_start3A_216] : memref<3200x100xi32, #tpu.memory_space<hbm>> -> memref<2x100xi32, #tpu.memory_space<hbm>>
        tpu.enqueue_dma source(%dma_start3A_217 : memref<2x100xi32, #tpu.memory_space<hbm>>) target(%arg11 : memref<2x100xi32, #tpu.memory_space<vmem>>) target_semaphore(%arg20 : memref<!tpu.dma_semaphore, #tpu.memory_space<semaphore_mem>>)
        %dma_start3A_218 = tpu.memref_slice %arg3[%add3A_209, %mul3A_0] : memref<320000x64xi32, #tpu.memory_space<hbm>> -> memref<200x32xi32, #tpu.memory_space<hbm>>
        %dma_start3A_219 = tpu.memref_slice %arg3[%add3A_209, %mul3A_0] : memref<320000x64xi32, #tpu.memory_space<hbm>> -> memref<200x32xi32, #tpu.memory_space<hbm>>
        tpu.enqueue_dma source(%dma_start3A_219 : memref<200x32xi32, #tpu.memory_space<hbm>>) target(%arg12 : memref<200x32xi32, #tpu.memory_space<vmem>>) target_semaphore(%arg20 : memref<!tpu.dma_semaphore, #tpu.memory_space<semaphore_mem>>)
      } else {
      }
      %parallel_loop3A_190 = arith.constant 0 : i32
      %parallel_loop3A_191 = arith.constant 100 : i32
      %parallel_loop3A_192 = arith.constant 1 : i32
      scf.for %parallel_loop3A_200 = %parallel_loop3A_190 to %parallel_loop3A_191 step %parallel_loop3A_192  : i32 {
        %parallel_loop3A_201 = arith.constant 100 : i32
        %parallel_loop3A_202 = arith.addi %parallel_loop3A_201, %parallel_loop3A_200 : i32
        %parallel_loop3A_203 = arith.index_cast %parallel_loop3A_200 : i32 to index
        %parallel_loop3A_204 = arith.constant 0 : index
        %parallel_loop3A_205 = tpu.vector_load %arg17[%parallel_loop3A_203, %parallel_loop3A_204] {strides = array<i32>} : memref<100x32xi32, #tpu.memory_space<vmem>>, vector<16xi32>,
        %parallel_loop3A_206 = vector.bitcast %parallel_loop3A_205 : vector<16xi32> to vector<32xbf16>
        %parallel_loop3A_207 = arith.index_cast %parallel_loop3A_202 : i32 to index
        %parallel_loop3A_208 = arith.constant 0 : index
        %parallel_loop3A_209 = tpu.vector_load %arg15[%parallel_loop3A_207, %parallel_loop3A_208] {strides = array<i32>} : memref<200x32xi32, #tpu.memory_space<vmem>>, vector<16xi32>,
        %parallel_loop3A_210 = vector.bitcast %parallel_loop3A_209 : vector<16xi32> to vector<32xbf16>
        %parallel_loop3A_211 = arith.addf %parallel_loop3A_206, %parallel_loop3A_210 : vector<32xbf16>
        %parallel_loop3A_212 = arith.constant 0.000000e+00 : bf16
        %parallel_loop3A_213 = vector.broadcast %parallel_loop3A_212 : bf16 to vector<32xbf16>
        %parallel_loop3A_214 = arith.maximumf %parallel_loop3A_211, %parallel_loop3A_213 : vector<32xbf16>
        %parallel_loop3A_215 = tpu.unpack_subelements %parallel_loop3A_214, 0 {pack_format = #tpu.pack_format<interleaved>} : vector<32xbf16> -> vector<16xf32>
        %parallel_loop3A_216 = tpu.unpack_subelements %parallel_loop3A_214, 1 {pack_format = #tpu.pack_format<interleaved>} : vector<32xbf16> -> vector<16xf32>
        %parallel_loop3A_217 = arith.index_cast %parallel_loop3A_200 : i32 to index
        %parallel_loop3A_218 = arith.constant 0 : index
        %parallel_loop3A_219 = tpu.vector_load %arg19[%parallel_loop3A_217, %parallel_loop3A_218] {strides = array<i32>} : memref<100x64xf32, #tpu.memory_space<vmem>>, vector<16xf32>,
        tpu.vector_store %arg19[%parallel_loop3A_217, %parallel_loop3A_218], %parallel_loop3A_215 {strides = array<i32>} : memref<100x64xf32, #tpu.memory_space<vmem>>, vector<16xf32>,
        %parallel_loop3A_220 = arith.index_cast %parallel_loop3A_200 : i32 to index
        %parallel_loop3A_221 = arith.constant 16 : index
        %parallel_loop3A_222 = tpu.vector_load %arg19[%parallel_loop3A_220, %parallel_loop3A_221] {strides = array<i32>} : memref<100x64xf32, #tpu.memory_space<vmem>>, vector<16xf32>,
        tpu.vector_store %arg19[%parallel_loop3A_220, %parallel_loop3A_221], %parallel_loop3A_216 {strides = array<i32>} : memref<100x64xf32, #tpu.memory_space<vmem>>, vector<16xf32>,
        %parallel_loop3A_223 = arith.index_cast %parallel_loop3A_200 : i32 to index
        %parallel_loop3A_224 = arith.constant 16 : index
        %parallel_loop3A_225 = tpu.vector_load %arg17[%parallel_loop3A_223, %parallel_loop3A_224] {strides = array<i32>} : memref<100x32xi32, #tpu.memory_space<vmem>>, vector<16xi32>,
        %parallel_loop3A_226 = vector.bitcast %parallel_loop3A_225 : vector<16xi32> to vector<32xbf16>
        %parallel_loop3A_227 = arith.index_cast %parallel_loop3A_202 : i32 to index
        %parallel_loop3A_228 = arith.constant 16 : index
        %parallel_loop3A_229 = tpu.vector_load %arg15[%parallel_loop3A_227, %parallel_loop3A_228] {strides = array<i32>} : memref<200x32xi32, #tpu.memory_space<vmem>>, vector<16xi32>,
        %parallel_loop3A_230 = vector.bitcast %parallel_loop3A_229 : vector<16xi32> to vector<32xbf16>
        %parallel_loop3A_231 = arith.addf %parallel_loop3A_226, %parallel_loop3A_230 : vector<32xbf16>
        %parallel_loop3A_232 = arith.constant 0.000000e+00 : bf16
        %parallel_loop3A_233 = vector.broadcast %parallel_loop3A_232 : bf16 to vector<32xbf16>
        %parallel_loop3A_234 = arith.maximumf %parallel_loop3A_231, %parallel_loop3A_233 : vector<32xbf16>
        %parallel_loop3A_235 = tpu.unpack_subelements %parallel_loop3A_234, 0 {pack_format = #tpu.pack_format<interleaved>} : vector<32xbf16> -> vector<16xf32>
        %parallel_loop3A_236 = tpu.unpack_subelements %parallel_loop3A_234, 1 {pack_format = #tpu.pack_format<interleaved>} : vector<32xbf16> -> vector<16xf32>
        %parallel_loop3A_237 = arith.index_cast %parallel_loop3A_200 : i32 to index
        %parallel_loop3A_238 = arith.constant 32 : index
        %parallel_loop3A_239 = tpu.vector_load %arg19[%parallel_loop3A_237, %parallel_loop3A_238] {strides = array<i32>} : memref<100x64xf32, #tpu.memory_space<vmem>>, vector<16xf32>,
        tpu.vector_store %arg19[%parallel_loop3A_237, %parallel_loop3A_238], %parallel_loop3A_235 {strides = array<i32>} : memref<100x64xf32, #tpu.memory_space<vmem>>, vector<16xf32>,
        %parallel_loop3A_240 = arith.index_cast %parallel_loop3A_200 : i32 to index
        %parallel_loop3A_241 = arith.constant 48 : index
        %parallel_loop3A_242 = tpu.vector_load %arg19[%parallel_loop3A_240, %parallel_loop3A_241] {strides = array<i32>} : memref<100x64xf32, #tpu.memory_space<vmem>>, vector<16xf32>,
        tpu.vector_store %arg19[%parallel_loop3A_240, %parallel_loop3A_241], %parallel_loop3A_236 {strides = array<i32>} : memref<100x64xf32, #tpu.memory_space<vmem>>, vector<16xf32>,
      } {sc.loop_unroll_factor = 4 : i64, sc.parallel_access}
      %dma_start3A_193 = arith.constant 1 : i32
      %dma_start3A_194 = arith.constant 0 : i32
      %dma_start3A_195 = tpu.memref_slice %arg14[%dma_start3A_193, %dma_start3A_194] : memref<2x100xi32, #tpu.memory_space<vmem>> -> memref<1x100xi32, #tpu.memory_space<vmem>>
      %dma_start3A_196 = tpu.memref_squeeze %dma_start3A_195 : memref<1x100xi32, #tpu.memory_space<vmem>> -> memref<100xi32, #tpu.memory_space<vmem>>
      %dma_start3A_197 = arith.constant 0 : i32
      %dma_start3A_198 = arith.constant 0 : i32
      %dma_start3A_199 = tpu.memref_slice %arg9[%dma_start3A_197, %dma_start3A_198] : memref<10000x64xf32, #tpu.memory_space<vmem_shared>> -> memref<10000x64xf32, #tpu.memory_space<vmem_shared>>
      tpu.enqueue_indirect_dma source(%arg19 : memref<100x64xf32, #tpu.memory_space<vmem>>) target(%dma_start3A_199 : memref<10000x64xf32, #tpu.memory_space<vmem_shared>>) offsets(%dma_start3A_196 : memref<100xi32, #tpu.memory_space<vmem>>) semaphore(%arg25 : memref<!tpu.dma_semaphore, #tpu.memory_space<semaphore_mem>>) {add = true}
    }
    %scan3A_23 = arith.constant 50 : i32
    %dma_wait3A = arith.constant 0 : i32
    %dma_wait3A_24 = arith.constant 0 : i32
    %dma_wait3A_25 = tpu.memref_slice %arg14[%dma_wait3A, %dma_wait3A_24] : memref<2x100xi32, #tpu.memory_space<vmem>> -> memref<1x100xi32, #tpu.memory_space<vmem>>
    %dma_wait3A_26 = tpu.memref_squeeze %dma_wait3A_25 : memref<1x100xi32, #tpu.memory_space<vmem>> -> memref<100xi32, #tpu.memory_space<vmem>>
    %dma_wait3A_27 = arith.constant 0 : i32
    %dma_wait3A_28 = arith.constant 0 : i32
    %dma_wait3A_29 = tpu.memref_slice %arg9[%dma_wait3A_27, %dma_wait3A_28] : memref<10000x64xf32, #tpu.memory_space<vmem_shared>> -> memref<10000x64xf32, #tpu.memory_space<vmem_shared>>
    tpu.wait_indirect_dma semaphore(%arg24 : memref<!tpu.dma_semaphore, #tpu.memory_space<semaphore_mem>>) src(%arg18 : memref<100x64xf32, #tpu.memory_space<vmem>>) dst(%dma_wait3A_29 : memref<10000x64xf32, #tpu.memory_space<vmem_shared>>)
    %dma_wait3A_30 = arith.constant 1 : i32
    %dma_wait3A_31 = arith.constant 0 : i32
    %dma_wait3A_32 = tpu.memref_slice %arg14[%dma_wait3A_30, %dma_wait3A_31] : memref<2x100xi32, #tpu.memory_space<vmem>> -> memref<1x100xi32, #tpu.memory_space<vmem>>
    %dma_wait3A_33 = tpu.memref_squeeze %dma_wait3A_32 : memref<1x100xi32, #tpu.memory_space<vmem>> -> memref<100xi32, #tpu.memory_space<vmem>>
    %dma_wait3A_34 = arith.constant 0 : i32
    %dma_wait3A_35 = arith.constant 0 : i32
    %dma_wait3A_36 = tpu.memref_slice %arg9[%dma_wait3A_34, %dma_wait3A_35] : memref<10000x64xf32, #tpu.memory_space<vmem_shared>> -> memref<10000x64xf32, #tpu.memory_space<vmem_shared>>
    tpu.wait_indirect_dma semaphore(%arg25 : memref<!tpu.dma_semaphore, #tpu.memory_space<semaphore_mem>>) src(%arg19 : memref<100x64xf32, #tpu.memory_space<vmem>>) dst(%dma_wait3A_36 : memref<10000x64xf32, #tpu.memory_space<vmem_shared>>)
    %barrier3A_37 = arith.constant 0 : index
    tpu.barrier barrier_id(%barrier3A_37)
    %mul3A_38 = arith.constant 64 : i32
    %mul3A_39 = arith.muli %arg0, %mul3A_38 : i32
    "tpu.region"() ({
      %run_scoped3A = tpu.sem_alloc : memref<!tpu.dma_semaphore, #tpu.memory_space<semaphore_mem>>
      %dma_start3A_40 = tpu.memref_slice %arg7[%mul3A_2, %mul3A_39] : memref<10000x128xf32, #tpu.memory_space<hbm>> -> memref<625x64xf32, #tpu.memory_space<hbm>>
      %dma_start3A_41 = arith.constant 0 : i32
      %dma_start3A_42 = tpu.memref_slice %arg9[%mul3A_2, %dma_start3A_41] : memref<10000x64xf32, #tpu.memory_space<vmem_shared>> -> memref<625x64xf32, #tpu.memory_space<vmem_shared>>
      tpu.enqueue_dma source(%dma_start3A_42 : memref<625x64xf32, #tpu.memory_space<vmem_shared>>) target(%dma_start3A_40 : memref<625x64xf32, #tpu.memory_space<hbm>>) target_semaphore(%run_scoped3A : memref<!tpu.dma_semaphore, #tpu.memory_space<semaphore_mem>>)
      %dma_wait3A_43 = tpu.memref_slice %arg7[%mul3A_2, %mul3A_39] : memref<10000x128xf32, #tpu.memory_space<hbm>> -> memref<625x64xf32, #tpu.memory_space<hbm>>
      %dma_wait3A_44 = arith.constant 0 : i32
      %dma_wait3A_45 = tpu.memref_slice %arg9[%mul3A_2, %dma_wait3A_44] : memref<10000x64xf32, #tpu.memory_space<vmem_shared>> -> memref<625x64xf32, #tpu.memory_space<vmem_shared>>
      tpu.wait_dma2 semaphore(%run_scoped3A : memref<!tpu.dma_semaphore, #tpu.memory_space<semaphore_mem>>) src(%dma_wait3A_45 : memref<625x64xf32, #tpu.memory_space<vmem_shared>>) dst(%dma_wait3A_43 : memref<625x64xf32, #tpu.memory_space<hbm>>)
      tpu.yield
    }) : () -> ()
    return
  }
}

#map = affine_map<(d0, d1) -> (0, 0)>
module attributes {stable_mosaic.version = 14 : i64} {
  func.func @_gin_edge_body(%arg0: i32, %arg1: i32, %arg2: memref<10000x64xi32, #tpu.memory_space<hbm>>, %arg3: memref<320000x64xi32, #tpu.memory_space<hbm>>, %arg4: memref<3200x100xi32, #tpu.memory_space<hbm>>, %arg5: memref<3200x100xi32, #tpu.memory_space<hbm>>, %arg6: memref<625x64xf32, #tpu.memory_space<hbm>>, %arg7: memref<10000x128xf32, #tpu.memory_space<hbm>>, %arg8: memref<10000x32xi32, #tpu.memory_space<vmem_shared>>, %arg9: memref<10000x64xf32, #tpu.memory_space<vmem_shared>>, %arg10: memref<2x100xi32, #tpu.memory_space<vmem>>, %arg11: memref<2x100xi32, #tpu.memory_space<vmem>>, %arg12: memref<200x32xi32, #tpu.memory_space<vmem>>, %arg13: memref<2x100xi32, #tpu.memory_space<vmem>>, %arg14: memref<2x100xi32, #tpu.memory_space<vmem>>, %arg15: memref<200x32xi32, #tpu.memory_space<vmem>>, %arg16: memref<100x32xi32, #tpu.memory_space<vmem>>, %arg17: memref<100x32xi32, #tpu.memory_space<vmem>>, %arg18: memref<100x64xf32, #tpu.memory_space<vmem>>, %arg19: memref<100x64xf32, #tpu.memory_space<vmem>>, %arg20: memref<!tpu.dma_semaphore, #tpu.memory_space<semaphore_mem>>, %arg21: memref<!tpu.dma_semaphore, #tpu.memory_space<semaphore_mem>>, %arg22: memref<!tpu.dma_semaphore, #tpu.memory_space<semaphore_mem>>, %arg23: memref<!tpu.dma_semaphore, #tpu.memory_space<semaphore_mem>>, %arg24: memref<!tpu.dma_semaphore, #tpu.memory_space<semaphore_mem>>, %arg25: memref<!tpu.dma_semaphore, #tpu.memory_space<semaphore_mem>>) attributes {dimension_semantics = [#tpu.dimension_semantics<core_parallel>, #tpu.dimension_semantics<subcore_parallel>], iteration_bounds = array<i64: 2, 16>, scalar_prefetch = 0 : i64, scratch_operands = 18 : i64, tpu.core_type = #tpu.core_type<sc_vector_subcore>, window_params = [{transform_indices = #map}, {transform_indices = #map}, {transform_indices = #map}, {transform_indices = #map}, {transform_indices = #map}, {transform_indices = #map}]} {
    %mul3A = arith.constant 32 : i32
    %mul3A_0 = arith.muli %arg0, %mul3A : i32
    %mul3A_1 = arith.constant 625 : i32
    %mul3A_2 = arith.muli %arg1, %mul3A_1 : i32
    %mul3A_3 = arith.constant 200 : i32
    %mul3A_4 = arith.muli %arg1, %mul3A_3 : i32
    %mul3A_5 = arith.constant 20000 : i32
    %mul3A_6 = arith.muli %arg1, %mul3A_5 : i32
    "tpu.region"() ({
      %run_scoped3A = tpu.sem_alloc : memref<!tpu.dma_semaphore, #tpu.memory_space<semaphore_mem>>
      %dma_start3A_40 = arith.constant 0 : i32
      %dma_start3A_41 = tpu.memref_slice %arg8[%mul3A_2, %dma_start3A_40] : memref<10000x32xi32, #tpu.memory_space<vmem_shared>> -> memref<625x32xi32, #tpu.memory_space<vmem_shared>>
      %dma_start3A_42 = tpu.memref_slice %arg2[%mul3A_2, %mul3A_0] : memref<10000x64xi32, #tpu.memory_space<hbm>> -> memref<625x32xi32, #tpu.memory_space<hbm>>
      tpu.enqueue_dma source(%dma_start3A_42 : memref<625x32xi32, #tpu.memory_space<hbm>>) target(%dma_start3A_41 : memref<625x32xi32, #tpu.memory_space<vmem_shared>>) target_semaphore(%run_scoped3A : memref<!tpu.dma_semaphore, #tpu.memory_space<semaphore_mem>>)
      %dma_wait3A_43 = arith.constant 0 : i32
      %dma_wait3A_44 = tpu.memref_slice %arg8[%mul3A_2, %dma_wait3A_43] : memref<10000x32xi32, #tpu.memory_space<vmem_shared>> -> memref<625x32xi32, #tpu.memory_space<vmem_shared>>
      %dma_wait3A_45 = tpu.memref_slice %arg2[%mul3A_2, %mul3A_0] : memref<10000x64xi32, #tpu.memory_space<hbm>> -> memref<625x32xi32, #tpu.memory_space<hbm>>
      tpu.wait_dma2 semaphore(%run_scoped3A : memref<!tpu.dma_semaphore, #tpu.memory_space<semaphore_mem>>) src(%dma_wait3A_45 : memref<625x32xi32, #tpu.memory_space<hbm>>) dst(%dma_wait3A_44 : memref<625x32xi32, #tpu.memory_space<vmem_shared>>)
      tpu.yield
    }) : () -> ()
    "tpu.region"() ({
      %run_scoped3A = tpu.sem_alloc : memref<!tpu.dma_semaphore, #tpu.memory_space<semaphore_mem>>
      %dma_start3A_40 = arith.constant 0 : i32
      %dma_start3A_41 = tpu.memref_slice %arg9[%mul3A_2, %dma_start3A_40] : memref<10000x64xf32, #tpu.memory_space<vmem_shared>> -> memref<625x64xf32, #tpu.memory_space<vmem_shared>>
      tpu.enqueue_dma source(%arg6 : memref<625x64xf32, #tpu.memory_space<hbm>>) target(%dma_start3A_41 : memref<625x64xf32, #tpu.memory_space<vmem_shared>>) target_semaphore(%run_scoped3A : memref<!tpu.dma_semaphore, #tpu.memory_space<semaphore_mem>>)
      %dma_wait3A_42 = arith.constant 0 : i32
      %dma_wait3A_43 = tpu.memref_slice %arg9[%mul3A_2, %dma_wait3A_42] : memref<10000x64xf32, #tpu.memory_space<vmem_shared>> -> memref<625x64xf32, #tpu.memory_space<vmem_shared>>
      tpu.wait_dma2 semaphore(%run_scoped3A : memref<!tpu.dma_semaphore, #tpu.memory_space<semaphore_mem>>) src(%arg6 : memref<625x64xf32, #tpu.memory_space<hbm>>) dst(%dma_wait3A_43 : memref<625x64xf32, #tpu.memory_space<vmem_shared>>)
      tpu.yield
    }) : () -> ()
    %add3A = arith.constant 0 : i32
    %add3A_7 = arith.addi %mul3A_4, %add3A : i32
    %add3A_8 = arith.constant 0 : i32
    %add3A_9 = arith.addi %mul3A_6, %add3A_8 : i32
    %dma_start3A = arith.constant 0 : i32
    %dma_start3A_10 = tpu.memref_slice %arg4[%add3A_7, %dma_start3A] : memref<3200x100xi32, #tpu.memory_space<hbm>> -> memref<2x100xi32, #tpu.memory_space<hbm>>
    %dma_start3A_11 = arith.constant 0 : i32
    %dma_start3A_12 = tpu.memref_slice %arg4[%add3A_7, %dma_start3A_11] : memref<3200x100xi32, #tpu.memory_space<hbm>> -> memref<2x100xi32, #tpu.memory_space<hbm>>
    tpu.enqueue_dma source(%dma_start3A_12 : memref<2x100xi32, #tpu.memory_space<hbm>>) target(%arg10 : memref<2x100xi32, #tpu.memory_space<vmem>>) target_semaphore(%arg20 : memref<!tpu.dma_semaphore, #tpu.memory_space<semaphore_mem>>)
    %dma_start3A_13 = arith.constant 0 : i32
    %dma_start3A_14 = tpu.memref_slice %arg5[%add3A_7, %dma_start3A_13] : memref<3200x100xi32, #tpu.memory_space<hbm>> -> memref<2x100xi32, #tpu.memory_space<hbm>>
    %dma_start3A_15 = arith.constant 0 : i32
    %dma_start3A_16 = tpu.memref_slice %arg5[%add3A_7, %dma_start3A_15] : memref<3200x100xi32, #tpu.memory_space<hbm>> -> memref<2x100xi32, #tpu.memory_space<hbm>>
    tpu.enqueue_dma source(%dma_start3A_16 : memref<2x100xi32, #tpu.memory_space<hbm>>) target(%arg11 : memref<2x100xi32, #tpu.memory_space<vmem>>) target_semaphore(%arg20 : memref<!tpu.dma_semaphore, #tpu.memory_space<semaphore_mem>>)
    %dma_start3A_17 = tpu.memref_slice %arg3[%add3A_9, %mul3A_0] : memref<320000x64xi32, #tpu.memory_space<hbm>> -> memref<200x32xi32, #tpu.memory_space<hbm>>
    %dma_start3A_18 = tpu.memref_slice %arg3[%add3A_9, %mul3A_0] : memref<320000x64xi32, #tpu.memory_space<hbm>> -> memref<200x32xi32, #tpu.memory_space<hbm>>
    tpu.enqueue_dma source(%dma_start3A_18 : memref<200x32xi32, #tpu.memory_space<hbm>>) target(%arg12 : memref<200x32xi32, #tpu.memory_space<vmem>>) target_semaphore(%arg20 : memref<!tpu.dma_semaphore, #tpu.memory_space<semaphore_mem>>)
    %barrier3A = arith.constant 0 : index
    tpu.barrier barrier_id(%barrier3A)
    %scan3A = arith.constant 0 : i32
    %scan3A_19 = arith.constant 0 : i32
    %scan3A_20 = arith.constant 50 : i32
    %scan3A_21 = arith.addi %scan3A_19, %scan3A_20 : i32
    %scan3A_22 = arith.constant 1 : i32
    scf.for %scan3A_40 = %scan3A_19 to %scan3A_21 step %scan3A_22  : i32 {
      %eq3A = arith.constant 0 : i32
      %eq3A_41 = arith.cmpi eq, %scan3A_40, %eq3A : i32
      %dma_wait3A_42 = arith.constant 0 : i32
      %dma_wait3A_43 = tpu.memref_slice %arg4[%mul3A_4, %dma_wait3A_42] : memref<3200x100xi32, #tpu.memory_space<hbm>> -> memref<2x100xi32, #tpu.memory_space<hbm>>
      %dma_wait3A_44 = arith.constant 0 : i32
      %dma_wait3A_45 = tpu.memref_slice %arg4[%mul3A_4, %dma_wait3A_44] : memref<3200x100xi32, #tpu.memory_space<hbm>> -> memref<2x100xi32, #tpu.memory_space<hbm>>
      tpu.wait_dma2 semaphore(%arg20 : memref<!tpu.dma_semaphore, #tpu.memory_space<semaphore_mem>>) src(%dma_wait3A_45 : memref<2x100xi32, #tpu.memory_space<hbm>>) dst(%arg10 : memref<2x100xi32, #tpu.memory_space<vmem>>)
      %dma_wait3A_46 = arith.constant 0 : i32
      %dma_wait3A_47 = tpu.memref_slice %arg5[%mul3A_4, %dma_wait3A_46] : memref<3200x100xi32, #tpu.memory_space<hbm>> -> memref<2x100xi32, #tpu.memory_space<hbm>>
      %dma_wait3A_48 = arith.constant 0 : i32
      %dma_wait3A_49 = tpu.memref_slice %arg5[%mul3A_4, %dma_wait3A_48] : memref<3200x100xi32, #tpu.memory_space<hbm>> -> memref<2x100xi32, #tpu.memory_space<hbm>>
      tpu.wait_dma2 semaphore(%arg20 : memref<!tpu.dma_semaphore, #tpu.memory_space<semaphore_mem>>) src(%dma_wait3A_49 : memref<2x100xi32, #tpu.memory_space<hbm>>) dst(%arg11 : memref<2x100xi32, #tpu.memory_space<vmem>>)
      %dma_wait3A_50 = tpu.memref_slice %arg3[%mul3A_6, %mul3A_0] : memref<320000x64xi32, #tpu.memory_space<hbm>> -> memref<200x32xi32, #tpu.memory_space<hbm>>
      %dma_wait3A_51 = tpu.memref_slice %arg3[%mul3A_6, %mul3A_0] : memref<320000x64xi32, #tpu.memory_space<hbm>> -> memref<200x32xi32, #tpu.memory_space<hbm>>
      tpu.wait_dma2 semaphore(%arg20 : memref<!tpu.dma_semaphore, #tpu.memory_space<semaphore_mem>>) src(%dma_wait3A_51 : memref<200x32xi32, #tpu.memory_space<hbm>>) dst(%arg12 : memref<200x32xi32, #tpu.memory_space<vmem>>)
      %dma_start3A_52 = arith.constant 0 : i32
      %dma_start3A_53 = arith.constant 0 : i32
      %dma_start3A_54 = tpu.memref_slice %arg10[%dma_start3A_52, %dma_start3A_53] : memref<2x100xi32, #tpu.memory_space<vmem>> -> memref<1x100xi32, #tpu.memory_space<vmem>>
      %dma_start3A_55 = tpu.memref_squeeze %dma_start3A_54 : memref<1x100xi32, #tpu.memory_space<vmem>> -> memref<100xi32, #tpu.memory_space<vmem>>
      %dma_start3A_56 = arith.constant 0 : i32
      %dma_start3A_57 = arith.constant 0 : i32
      %dma_start3A_58 = tpu.memref_slice %arg8[%dma_start3A_56, %dma_start3A_57] : memref<10000x32xi32, #tpu.memory_space<vmem_shared>> -> memref<10000x32xi32, #tpu.memory_space<vmem_shared>>
      tpu.enqueue_indirect_dma source(%dma_start3A_58 : memref<10000x32xi32, #tpu.memory_space<vmem_shared>>) target(%arg16 : memref<100x32xi32, #tpu.memory_space<vmem>>) offsets(%dma_start3A_55 : memref<100xi32, #tpu.memory_space<vmem>>) semaphore(%arg22 : memref<!tpu.dma_semaphore, #tpu.memory_space<semaphore_mem>>)
      %dma_start3A_59 = arith.constant 1 : i32
      %dma_start3A_60 = arith.constant 0 : i32
      %dma_start3A_61 = tpu.memref_slice %arg10[%dma_start3A_59, %dma_start3A_60] : memref<2x100xi32, #tpu.memory_space<vmem>> -> memref<1x100xi32, #tpu.memory_space<vmem>>
      %dma_start3A_62 = tpu.memref_squeeze %dma_start3A_61 : memref<1x100xi32, #tpu.memory_space<vmem>> -> memref<100xi32, #tpu.memory_space<vmem>>
      %dma_start3A_63 = arith.constant 0 : i32
      %dma_start3A_64 = arith.constant 0 : i32
      %dma_start3A_65 = tpu.memref_slice %arg8[%dma_start3A_63, %dma_start3A_64] : memref<10000x32xi32, #tpu.memory_space<vmem_shared>> -> memref<10000x32xi32, #tpu.memory_space<vmem_shared>>
      tpu.enqueue_indirect_dma source(%dma_start3A_65 : memref<10000x32xi32, #tpu.memory_space<vmem_shared>>) target(%arg17 : memref<100x32xi32, #tpu.memory_space<vmem>>) offsets(%dma_start3A_62 : memref<100xi32, #tpu.memory_space<vmem>>) semaphore(%arg23 : memref<!tpu.dma_semaphore, #tpu.memory_space<semaphore_mem>>)
      %dma_wait3A_66 = arith.constant 0 : i32
      %dma_wait3A_67 = arith.constant 0 : i32
      %dma_wait3A_68 = tpu.memref_slice %arg10[%dma_wait3A_66, %dma_wait3A_67] : memref<2x100xi32, #tpu.memory_space<vmem>> -> memref<1x100xi32, #tpu.memory_space<vmem>>
      %dma_wait3A_69 = tpu.memref_squeeze %dma_wait3A_68 : memref<1x100xi32, #tpu.memory_space<vmem>> -> memref<100xi32, #tpu.memory_space<vmem>>
      %dma_wait3A_70 = arith.constant 0 : i32
      %dma_wait3A_71 = arith.constant 0 : i32
      %dma_wait3A_72 = tpu.memref_slice %arg8[%dma_wait3A_70, %dma_wait3A_71] : memref<10000x32xi32, #tpu.memory_space<vmem_shared>> -> memref<10000x32xi32, #tpu.memory_space<vmem_shared>>
      tpu.wait_indirect_dma semaphore(%arg22 : memref<!tpu.dma_semaphore, #tpu.memory_space<semaphore_mem>>) src(%dma_wait3A_72 : memref<10000x32xi32, #tpu.memory_space<vmem_shared>>) dst(%arg16 : memref<100x32xi32, #tpu.memory_space<vmem>>)
      %not3A = arith.constant true
      %not3A_73 = arith.xori %eq3A_41, %not3A : i1
      %convert_element_type3A = arith.extui %not3A_73 : i1 to i32
      %cond3A = arith.constant 0 : i32
      %cond3A_74 = arith.cmpi ne, %convert_element_type3A, %cond3A : i32
      scf.if %cond3A_74 {
        %dma_wait3A_200 = arith.constant 0 : i32
        %dma_wait3A_201 = arith.constant 0 : i32
        %dma_wait3A_202 = tpu.memref_slice %arg11[%dma_wait3A_200, %dma_wait3A_201] : memref<2x100xi32, #tpu.memory_space<vmem>> -> memref<1x100xi32, #tpu.memory_space<vmem>>
        %dma_wait3A_203 = tpu.memref_squeeze %dma_wait3A_202 : memref<1x100xi32, #tpu.memory_space<vmem>> -> memref<100xi32, #tpu.memory_space<vmem>>
        %dma_wait3A_204 = arith.constant 0 : i32
        %dma_wait3A_205 = arith.constant 0 : i32
        %dma_wait3A_206 = tpu.memref_slice %arg9[%dma_wait3A_204, %dma_wait3A_205] : memref<10000x64xf32, #tpu.memory_space<vmem_shared>> -> memref<10000x64xf32, #tpu.memory_space<vmem_shared>>
        tpu.wait_indirect_dma semaphore(%arg24 : memref<!tpu.dma_semaphore, #tpu.memory_space<semaphore_mem>>) src(%arg18 : memref<100x64xf32, #tpu.memory_space<vmem>>) dst(%dma_wait3A_206 : memref<10000x64xf32, #tpu.memory_space<vmem_shared>>)
      } else {
      }
      %parallel_loop3A = arith.constant 0 : i32
      %parallel_loop3A_75 = arith.constant 100 : i32
      %parallel_loop3A_76 = arith.constant 1 : i32
      scf.for %parallel_loop3A_200 = %parallel_loop3A to %parallel_loop3A_75 step %parallel_loop3A_76  : i32 {
        %parallel_loop3A_201 = arith.constant 0 : i32
        %parallel_loop3A_202 = arith.addi %parallel_loop3A_201, %parallel_loop3A_200 : i32
        %parallel_loop3A_203 = arith.index_cast %parallel_loop3A_200 : i32 to index
        %parallel_loop3A_204 = arith.constant 0 : index
        %parallel_loop3A_205 = tpu.vector_load %arg16[%parallel_loop3A_203, %parallel_loop3A_204] {strides = array<i32>} : memref<100x32xi32, #tpu.memory_space<vmem>>, vector<16xi32>,
        %parallel_loop3A_206 = vector.bitcast %parallel_loop3A_205 : vector<16xi32> to vector<32xbf16>
        %parallel_loop3A_207 = arith.index_cast %parallel_loop3A_202 : i32 to index
        %parallel_loop3A_208 = arith.constant 0 : index
        %parallel_loop3A_209 = tpu.vector_load %arg12[%parallel_loop3A_207, %parallel_loop3A_208] {strides = array<i32>} : memref<200x32xi32, #tpu.memory_space<vmem>>, vector<16xi32>,
        %parallel_loop3A_210 = vector.bitcast %parallel_loop3A_209 : vector<16xi32> to vector<32xbf16>
        %parallel_loop3A_211 = arith.addf %parallel_loop3A_206, %parallel_loop3A_210 : vector<32xbf16>
        %parallel_loop3A_212 = arith.constant 0.000000e+00 : bf16
        %parallel_loop3A_213 = vector.broadcast %parallel_loop3A_212 : bf16 to vector<32xbf16>
        %parallel_loop3A_214 = arith.maximumf %parallel_loop3A_211, %parallel_loop3A_213 : vector<32xbf16>
        %parallel_loop3A_215 = tpu.unpack_subelements %parallel_loop3A_214, 0 {pack_format = #tpu.pack_format<interleaved>} : vector<32xbf16> -> vector<16xf32>
        %parallel_loop3A_216 = tpu.unpack_subelements %parallel_loop3A_214, 1 {pack_format = #tpu.pack_format<interleaved>} : vector<32xbf16> -> vector<16xf32>
        %parallel_loop3A_217 = arith.index_cast %parallel_loop3A_200 : i32 to index
        %parallel_loop3A_218 = arith.constant 0 : index
        %parallel_loop3A_219 = tpu.vector_load %arg18[%parallel_loop3A_217, %parallel_loop3A_218] {strides = array<i32>} : memref<100x64xf32, #tpu.memory_space<vmem>>, vector<16xf32>,
        tpu.vector_store %arg18[%parallel_loop3A_217, %parallel_loop3A_218], %parallel_loop3A_215 {strides = array<i32>} : memref<100x64xf32, #tpu.memory_space<vmem>>, vector<16xf32>,
        %parallel_loop3A_220 = arith.index_cast %parallel_loop3A_200 : i32 to index
        %parallel_loop3A_221 = arith.constant 16 : index
        %parallel_loop3A_222 = tpu.vector_load %arg18[%parallel_loop3A_220, %parallel_loop3A_221] {strides = array<i32>} : memref<100x64xf32, #tpu.memory_space<vmem>>, vector<16xf32>,
        tpu.vector_store %arg18[%parallel_loop3A_220, %parallel_loop3A_221], %parallel_loop3A_216 {strides = array<i32>} : memref<100x64xf32, #tpu.memory_space<vmem>>, vector<16xf32>,
        %parallel_loop3A_223 = arith.index_cast %parallel_loop3A_200 : i32 to index
        %parallel_loop3A_224 = arith.constant 16 : index
        %parallel_loop3A_225 = tpu.vector_load %arg16[%parallel_loop3A_223, %parallel_loop3A_224] {strides = array<i32>} : memref<100x32xi32, #tpu.memory_space<vmem>>, vector<16xi32>,
        %parallel_loop3A_226 = vector.bitcast %parallel_loop3A_225 : vector<16xi32> to vector<32xbf16>
        %parallel_loop3A_227 = arith.index_cast %parallel_loop3A_202 : i32 to index
        %parallel_loop3A_228 = arith.constant 16 : index
        %parallel_loop3A_229 = tpu.vector_load %arg12[%parallel_loop3A_227, %parallel_loop3A_228] {strides = array<i32>} : memref<200x32xi32, #tpu.memory_space<vmem>>, vector<16xi32>,
        %parallel_loop3A_230 = vector.bitcast %parallel_loop3A_229 : vector<16xi32> to vector<32xbf16>
        %parallel_loop3A_231 = arith.addf %parallel_loop3A_226, %parallel_loop3A_230 : vector<32xbf16>
        %parallel_loop3A_232 = arith.constant 0.000000e+00 : bf16
        %parallel_loop3A_233 = vector.broadcast %parallel_loop3A_232 : bf16 to vector<32xbf16>
        %parallel_loop3A_234 = arith.maximumf %parallel_loop3A_231, %parallel_loop3A_233 : vector<32xbf16>
        %parallel_loop3A_235 = tpu.unpack_subelements %parallel_loop3A_234, 0 {pack_format = #tpu.pack_format<interleaved>} : vector<32xbf16> -> vector<16xf32>
        %parallel_loop3A_236 = tpu.unpack_subelements %parallel_loop3A_234, 1 {pack_format = #tpu.pack_format<interleaved>} : vector<32xbf16> -> vector<16xf32>
        %parallel_loop3A_237 = arith.index_cast %parallel_loop3A_200 : i32 to index
        %parallel_loop3A_238 = arith.constant 32 : index
        %parallel_loop3A_239 = tpu.vector_load %arg18[%parallel_loop3A_237, %parallel_loop3A_238] {strides = array<i32>} : memref<100x64xf32, #tpu.memory_space<vmem>>, vector<16xf32>,
        tpu.vector_store %arg18[%parallel_loop3A_237, %parallel_loop3A_238], %parallel_loop3A_235 {strides = array<i32>} : memref<100x64xf32, #tpu.memory_space<vmem>>, vector<16xf32>,
        %parallel_loop3A_240 = arith.index_cast %parallel_loop3A_200 : i32 to index
        %parallel_loop3A_241 = arith.constant 48 : index
        %parallel_loop3A_242 = tpu.vector_load %arg18[%parallel_loop3A_240, %parallel_loop3A_241] {strides = array<i32>} : memref<100x64xf32, #tpu.memory_space<vmem>>, vector<16xf32>,
        tpu.vector_store %arg18[%parallel_loop3A_240, %parallel_loop3A_241], %parallel_loop3A_236 {strides = array<i32>} : memref<100x64xf32, #tpu.memory_space<vmem>>, vector<16xf32>,
      } {sc.loop_unroll_factor = 4 : i64, sc.parallel_access}
      %dma_start3A_77 = arith.constant 0 : i32
      %dma_start3A_78 = arith.constant 0 : i32
      %dma_start3A_79 = tpu.memref_slice %arg11[%dma_start3A_77, %dma_start3A_78] : memref<2x100xi32, #tpu.memory_space<vmem>> -> memref<1x100xi32, #tpu.memory_space<vmem>>
      %dma_start3A_80 = tpu.memref_squeeze %dma_start3A_79 : memref<1x100xi32, #tpu.memory_space<vmem>> -> memref<100xi32, #tpu.memory_space<vmem>>
      %dma_start3A_81 = arith.constant 0 : i32
      %dma_start3A_82 = arith.constant 0 : i32
      %dma_start3A_83 = tpu.memref_slice %arg9[%dma_start3A_81, %dma_start3A_82] : memref<10000x64xf32, #tpu.memory_space<vmem_shared>> -> memref<10000x64xf32, #tpu.memory_space<vmem_shared>>
      tpu.enqueue_indirect_dma source(%arg18 : memref<100x64xf32, #tpu.memory_space<vmem>>) target(%dma_start3A_83 : memref<10000x64xf32, #tpu.memory_space<vmem_shared>>) offsets(%dma_start3A_80 : memref<100xi32, #tpu.memory_space<vmem>>) semaphore(%arg24 : memref<!tpu.dma_semaphore, #tpu.memory_space<semaphore_mem>>) {add = true}
      %dma_wait3A_84 = arith.constant 1 : i32
      %dma_wait3A_85 = arith.constant 0 : i32
      %dma_wait3A_86 = tpu.memref_slice %arg10[%dma_wait3A_84, %dma_wait3A_85] : memref<2x100xi32, #tpu.memory_space<vmem>> -> memref<1x100xi32, #tpu.memory_space<vmem>>
      %dma_wait3A_87 = tpu.memref_squeeze %dma_wait3A_86 : memref<1x100xi32, #tpu.memory_space<vmem>> -> memref<100xi32, #tpu.memory_space<vmem>>
      %dma_wait3A_88 = arith.constant 0 : i32
      %dma_wait3A_89 = arith.constant 0 : i32
      %dma_wait3A_90 = tpu.memref_slice %arg8[%dma_wait3A_88, %dma_wait3A_89] : memref<10000x32xi32, #tpu.memory_space<vmem_shared>> -> memref<10000x32xi32, #tpu.memory_space<vmem_shared>>
      tpu.wait_indirect_dma semaphore(%arg23 : memref<!tpu.dma_semaphore, #tpu.memory_space<semaphore_mem>>) src(%dma_wait3A_90 : memref<10000x32xi32, #tpu.memory_space<vmem_shared>>) dst(%arg17 : memref<100x32xi32, #tpu.memory_space<vmem>>)
      %not3A_91 = arith.constant true
      %not3A_92 = arith.xori %eq3A_41, %not3A_91 : i1
      %convert_element_type3A_93 = arith.extui %not3A_92 : i1 to i32
      %cond3A_94 = arith.constant 0 : i32
      %cond3A_95 = arith.cmpi ne, %convert_element_type3A_93, %cond3A_94 : i32
      scf.if %cond3A_95 {
        %dma_wait3A_200 = arith.constant 1 : i32
        %dma_wait3A_201 = arith.constant 0 : i32
        %dma_wait3A_202 = tpu.memref_slice %arg11[%dma_wait3A_200, %dma_wait3A_201] : memref<2x100xi32, #tpu.memory_space<vmem>> -> memref<1x100xi32, #tpu.memory_space<vmem>>
        %dma_wait3A_203 = tpu.memref_squeeze %dma_wait3A_202 : memref<1x100xi32, #tpu.memory_space<vmem>> -> memref<100xi32, #tpu.memory_space<vmem>>
        %dma_wait3A_204 = arith.constant 0 : i32
        %dma_wait3A_205 = arith.constant 0 : i32
        %dma_wait3A_206 = tpu.memref_slice %arg9[%dma_wait3A_204, %dma_wait3A_205] : memref<10000x64xf32, #tpu.memory_space<vmem_shared>> -> memref<10000x64xf32, #tpu.memory_space<vmem_shared>>
        tpu.wait_indirect_dma semaphore(%arg25 : memref<!tpu.dma_semaphore, #tpu.memory_space<semaphore_mem>>) src(%arg19 : memref<100x64xf32, #tpu.memory_space<vmem>>) dst(%dma_wait3A_206 : memref<10000x64xf32, #tpu.memory_space<vmem_shared>>)
      } else {
      }
      %mul3A_96 = arith.constant 2 : i32
      %mul3A_97 = arith.muli %mul3A_96, %scan3A_40 : i32
      %add3A_98 = arith.constant 1 : i32
      %add3A_99 = arith.addi %mul3A_97, %add3A_98 : i32
      %mul3A_100 = arith.constant 2 : i32
      %mul3A_101 = arith.muli %add3A_99, %mul3A_100 : i32
      %add3A_102 = arith.addi %mul3A_4, %mul3A_101 : i32
      %mul3A_103 = arith.constant 200 : i32
      %mul3A_104 = arith.muli %add3A_99, %mul3A_103 : i32
      %add3A_105 = arith.addi %mul3A_6, %mul3A_104 : i32
      %dma_start3A_106 = arith.constant 0 : i32
      %dma_start3A_107 = tpu.memref_slice %arg4[%add3A_102, %dma_start3A_106] : memref<3200x100xi32, #tpu.memory_space<hbm>> -> memref<2x100xi32, #tpu.memory_space<hbm>>
      %dma_start3A_108 = arith.constant 0 : i32
      %dma_start3A_109 = tpu.memref_slice %arg4[%add3A_102, %dma_start3A_108] : memref<3200x100xi32, #tpu.memory_space<hbm>> -> memref<2x100xi32, #tpu.memory_space<hbm>>
      tpu.enqueue_dma source(%dma_start3A_109 : memref<2x100xi32, #tpu.memory_space<hbm>>) target(%arg13 : memref<2x100xi32, #tpu.memory_space<vmem>>) target_semaphore(%arg21 : memref<!tpu.dma_semaphore, #tpu.memory_space<semaphore_mem>>)
      %dma_start3A_110 = arith.constant 0 : i32
      %dma_start3A_111 = tpu.memref_slice %arg5[%add3A_102, %dma_start3A_110] : memref<3200x100xi32, #tpu.memory_space<hbm>> -> memref<2x100xi32, #tpu.memory_space<hbm>>
      %dma_start3A_112 = arith.constant 0 : i32
      %dma_start3A_113 = tpu.memref_slice %arg5[%add3A_102, %dma_start3A_112] : memref<3200x100xi32, #tpu.memory_space<hbm>> -> memref<2x100xi32, #tpu.memory_space<hbm>>
      tpu.enqueue_dma source(%dma_start3A_113 : memref<2x100xi32, #tpu.memory_space<hbm>>) target(%arg14 : memref<2x100xi32, #tpu.memory_space<vmem>>) target_semaphore(%arg21 : memref<!tpu.dma_semaphore, #tpu.memory_space<semaphore_mem>>)
      %dma_start3A_114 = tpu.memref_slice %arg3[%add3A_105, %mul3A_0] : memref<320000x64xi32, #tpu.memory_space<hbm>> -> memref<200x32xi32, #tpu.memory_space<hbm>>
      %dma_start3A_115 = tpu.memref_slice %arg3[%add3A_105, %mul3A_0] : memref<320000x64xi32, #tpu.memory_space<hbm>> -> memref<200x32xi32, #tpu.memory_space<hbm>>
      tpu.enqueue_dma source(%dma_start3A_115 : memref<200x32xi32, #tpu.memory_space<hbm>>) target(%arg15 : memref<200x32xi32, #tpu.memory_space<vmem>>) target_semaphore(%arg21 : memref<!tpu.dma_semaphore, #tpu.memory_space<semaphore_mem>>)
      %parallel_loop3A_116 = arith.constant 0 : i32
      %parallel_loop3A_117 = arith.constant 100 : i32
      %parallel_loop3A_118 = arith.constant 1 : i32
      scf.for %parallel_loop3A_200 = %parallel_loop3A_116 to %parallel_loop3A_117 step %parallel_loop3A_118  : i32 {
        %parallel_loop3A_201 = arith.constant 100 : i32
        %parallel_loop3A_202 = arith.addi %parallel_loop3A_201, %parallel_loop3A_200 : i32
        %parallel_loop3A_203 = arith.index_cast %parallel_loop3A_200 : i32 to index
        %parallel_loop3A_204 = arith.constant 0 : index
        %parallel_loop3A_205 = tpu.vector_load %arg17[%parallel_loop3A_203, %parallel_loop3A_204] {strides = array<i32>} : memref<100x32xi32, #tpu.memory_space<vmem>>, vector<16xi32>,
        %parallel_loop3A_206 = vector.bitcast %parallel_loop3A_205 : vector<16xi32> to vector<32xbf16>
        %parallel_loop3A_207 = arith.index_cast %parallel_loop3A_202 : i32 to index
        %parallel_loop3A_208 = arith.constant 0 : index
        %parallel_loop3A_209 = tpu.vector_load %arg12[%parallel_loop3A_207, %parallel_loop3A_208] {strides = array<i32>} : memref<200x32xi32, #tpu.memory_space<vmem>>, vector<16xi32>,
        %parallel_loop3A_210 = vector.bitcast %parallel_loop3A_209 : vector<16xi32> to vector<32xbf16>
        %parallel_loop3A_211 = arith.addf %parallel_loop3A_206, %parallel_loop3A_210 : vector<32xbf16>
        %parallel_loop3A_212 = arith.constant 0.000000e+00 : bf16
        %parallel_loop3A_213 = vector.broadcast %parallel_loop3A_212 : bf16 to vector<32xbf16>
        %parallel_loop3A_214 = arith.maximumf %parallel_loop3A_211, %parallel_loop3A_213 : vector<32xbf16>
        %parallel_loop3A_215 = tpu.unpack_subelements %parallel_loop3A_214, 0 {pack_format = #tpu.pack_format<interleaved>} : vector<32xbf16> -> vector<16xf32>
        %parallel_loop3A_216 = tpu.unpack_subelements %parallel_loop3A_214, 1 {pack_format = #tpu.pack_format<interleaved>} : vector<32xbf16> -> vector<16xf32>
        %parallel_loop3A_217 = arith.index_cast %parallel_loop3A_200 : i32 to index
        %parallel_loop3A_218 = arith.constant 0 : index
        %parallel_loop3A_219 = tpu.vector_load %arg19[%parallel_loop3A_217, %parallel_loop3A_218] {strides = array<i32>} : memref<100x64xf32, #tpu.memory_space<vmem>>, vector<16xf32>,
        tpu.vector_store %arg19[%parallel_loop3A_217, %parallel_loop3A_218], %parallel_loop3A_215 {strides = array<i32>} : memref<100x64xf32, #tpu.memory_space<vmem>>, vector<16xf32>,
        %parallel_loop3A_220 = arith.index_cast %parallel_loop3A_200 : i32 to index
        %parallel_loop3A_221 = arith.constant 16 : index
        %parallel_loop3A_222 = tpu.vector_load %arg19[%parallel_loop3A_220, %parallel_loop3A_221] {strides = array<i32>} : memref<100x64xf32, #tpu.memory_space<vmem>>, vector<16xf32>,
        tpu.vector_store %arg19[%parallel_loop3A_220, %parallel_loop3A_221], %parallel_loop3A_216 {strides = array<i32>} : memref<100x64xf32, #tpu.memory_space<vmem>>, vector<16xf32>,
        %parallel_loop3A_223 = arith.index_cast %parallel_loop3A_200 : i32 to index
        %parallel_loop3A_224 = arith.constant 16 : index
        %parallel_loop3A_225 = tpu.vector_load %arg17[%parallel_loop3A_223, %parallel_loop3A_224] {strides = array<i32>} : memref<100x32xi32, #tpu.memory_space<vmem>>, vector<16xi32>,
        %parallel_loop3A_226 = vector.bitcast %parallel_loop3A_225 : vector<16xi32> to vector<32xbf16>
        %parallel_loop3A_227 = arith.index_cast %parallel_loop3A_202 : i32 to index
        %parallel_loop3A_228 = arith.constant 16 : index
        %parallel_loop3A_229 = tpu.vector_load %arg12[%parallel_loop3A_227, %parallel_loop3A_228] {strides = array<i32>} : memref<200x32xi32, #tpu.memory_space<vmem>>, vector<16xi32>,
        %parallel_loop3A_230 = vector.bitcast %parallel_loop3A_229 : vector<16xi32> to vector<32xbf16>
        %parallel_loop3A_231 = arith.addf %parallel_loop3A_226, %parallel_loop3A_230 : vector<32xbf16>
        %parallel_loop3A_232 = arith.constant 0.000000e+00 : bf16
        %parallel_loop3A_233 = vector.broadcast %parallel_loop3A_232 : bf16 to vector<32xbf16>
        %parallel_loop3A_234 = arith.maximumf %parallel_loop3A_231, %parallel_loop3A_233 : vector<32xbf16>
        %parallel_loop3A_235 = tpu.unpack_subelements %parallel_loop3A_234, 0 {pack_format = #tpu.pack_format<interleaved>} : vector<32xbf16> -> vector<16xf32>
        %parallel_loop3A_236 = tpu.unpack_subelements %parallel_loop3A_234, 1 {pack_format = #tpu.pack_format<interleaved>} : vector<32xbf16> -> vector<16xf32>
        %parallel_loop3A_237 = arith.index_cast %parallel_loop3A_200 : i32 to index
        %parallel_loop3A_238 = arith.constant 32 : index
        %parallel_loop3A_239 = tpu.vector_load %arg19[%parallel_loop3A_237, %parallel_loop3A_238] {strides = array<i32>} : memref<100x64xf32, #tpu.memory_space<vmem>>, vector<16xf32>,
        tpu.vector_store %arg19[%parallel_loop3A_237, %parallel_loop3A_238], %parallel_loop3A_235 {strides = array<i32>} : memref<100x64xf32, #tpu.memory_space<vmem>>, vector<16xf32>,
        %parallel_loop3A_240 = arith.index_cast %parallel_loop3A_200 : i32 to index
        %parallel_loop3A_241 = arith.constant 48 : index
        %parallel_loop3A_242 = tpu.vector_load %arg19[%parallel_loop3A_240, %parallel_loop3A_241] {strides = array<i32>} : memref<100x64xf32, #tpu.memory_space<vmem>>, vector<16xf32>,
        tpu.vector_store %arg19[%parallel_loop3A_240, %parallel_loop3A_241], %parallel_loop3A_236 {strides = array<i32>} : memref<100x64xf32, #tpu.memory_space<vmem>>, vector<16xf32>,
      } {sc.loop_unroll_factor = 4 : i64, sc.parallel_access}
      %dma_start3A_119 = arith.constant 1 : i32
      %dma_start3A_120 = arith.constant 0 : i32
      %dma_start3A_121 = tpu.memref_slice %arg11[%dma_start3A_119, %dma_start3A_120] : memref<2x100xi32, #tpu.memory_space<vmem>> -> memref<1x100xi32, #tpu.memory_space<vmem>>
      %dma_start3A_122 = tpu.memref_squeeze %dma_start3A_121 : memref<1x100xi32, #tpu.memory_space<vmem>> -> memref<100xi32, #tpu.memory_space<vmem>>
      %dma_start3A_123 = arith.constant 0 : i32
      %dma_start3A_124 = arith.constant 0 : i32
      %dma_start3A_125 = tpu.memref_slice %arg9[%dma_start3A_123, %dma_start3A_124] : memref<10000x64xf32, #tpu.memory_space<vmem_shared>> -> memref<10000x64xf32, #tpu.memory_space<vmem_shared>>
      tpu.enqueue_indirect_dma source(%arg19 : memref<100x64xf32, #tpu.memory_space<vmem>>) target(%dma_start3A_125 : memref<10000x64xf32, #tpu.memory_space<vmem_shared>>) offsets(%dma_start3A_122 : memref<100xi32, #tpu.memory_space<vmem>>) semaphore(%arg25 : memref<!tpu.dma_semaphore, #tpu.memory_space<semaphore_mem>>) {add = true}
      %dma_wait3A_126 = arith.constant 0 : i32
      %dma_wait3A_127 = tpu.memref_slice %arg4[%mul3A_4, %dma_wait3A_126] : memref<3200x100xi32, #tpu.memory_space<hbm>> -> memref<2x100xi32, #tpu.memory_space<hbm>>
      %dma_wait3A_128 = arith.constant 0 : i32
      %dma_wait3A_129 = tpu.memref_slice %arg4[%mul3A_4, %dma_wait3A_128] : memref<3200x100xi32, #tpu.memory_space<hbm>> -> memref<2x100xi32, #tpu.memory_space<hbm>>
      tpu.wait_dma2 semaphore(%arg21 : memref<!tpu.dma_semaphore, #tpu.memory_space<semaphore_mem>>) src(%dma_wait3A_129 : memref<2x100xi32, #tpu.memory_space<hbm>>) dst(%arg13 : memref<2x100xi32, #tpu.memory_space<vmem>>)
      %dma_wait3A_130 = arith.constant 0 : i32
      %dma_wait3A_131 = tpu.memref_slice %arg5[%mul3A_4, %dma_wait3A_130] : memref<3200x100xi32, #tpu.memory_space<hbm>> -> memref<2x100xi32, #tpu.memory_space<hbm>>
      %dma_wait3A_132 = arith.constant 0 : i32
      %dma_wait3A_133 = tpu.memref_slice %arg5[%mul3A_4, %dma_wait3A_132] : memref<3200x100xi32, #tpu.memory_space<hbm>> -> memref<2x100xi32, #tpu.memory_space<hbm>>
      tpu.wait_dma2 semaphore(%arg21 : memref<!tpu.dma_semaphore, #tpu.memory_space<semaphore_mem>>) src(%dma_wait3A_133 : memref<2x100xi32, #tpu.memory_space<hbm>>) dst(%arg14 : memref<2x100xi32, #tpu.memory_space<vmem>>)
      %dma_wait3A_134 = tpu.memref_slice %arg3[%mul3A_6, %mul3A_0] : memref<320000x64xi32, #tpu.memory_space<hbm>> -> memref<200x32xi32, #tpu.memory_space<hbm>>
      %dma_wait3A_135 = tpu.memref_slice %arg3[%mul3A_6, %mul3A_0] : memref<320000x64xi32, #tpu.memory_space<hbm>> -> memref<200x32xi32, #tpu.memory_space<hbm>>
      tpu.wait_dma2 semaphore(%arg21 : memref<!tpu.dma_semaphore, #tpu.memory_space<semaphore_mem>>) src(%dma_wait3A_135 : memref<200x32xi32, #tpu.memory_space<hbm>>) dst(%arg15 : memref<200x32xi32, #tpu.memory_space<vmem>>)
      %dma_start3A_136 = arith.constant 0 : i32
      %dma_start3A_137 = arith.constant 0 : i32
      %dma_start3A_138 = tpu.memref_slice %arg13[%dma_start3A_136, %dma_start3A_137] : memref<2x100xi32, #tpu.memory_space<vmem>> -> memref<1x100xi32, #tpu.memory_space<vmem>>
      %dma_start3A_139 = tpu.memref_squeeze %dma_start3A_138 : memref<1x100xi32, #tpu.memory_space<vmem>> -> memref<100xi32, #tpu.memory_space<vmem>>
      %dma_start3A_140 = arith.constant 0 : i32
      %dma_start3A_141 = arith.constant 0 : i32
      %dma_start3A_142 = tpu.memref_slice %arg8[%dma_start3A_140, %dma_start3A_141] : memref<10000x32xi32, #tpu.memory_space<vmem_shared>> -> memref<10000x32xi32, #tpu.memory_space<vmem_shared>>
      tpu.enqueue_indirect_dma source(%dma_start3A_142 : memref<10000x32xi32, #tpu.memory_space<vmem_shared>>) target(%arg16 : memref<100x32xi32, #tpu.memory_space<vmem>>) offsets(%dma_start3A_139 : memref<100xi32, #tpu.memory_space<vmem>>) semaphore(%arg22 : memref<!tpu.dma_semaphore, #tpu.memory_space<semaphore_mem>>)
      %dma_start3A_143 = arith.constant 1 : i32
      %dma_start3A_144 = arith.constant 0 : i32
      %dma_start3A_145 = tpu.memref_slice %arg13[%dma_start3A_143, %dma_start3A_144] : memref<2x100xi32, #tpu.memory_space<vmem>> -> memref<1x100xi32, #tpu.memory_space<vmem>>
      %dma_start3A_146 = tpu.memref_squeeze %dma_start3A_145 : memref<1x100xi32, #tpu.memory_space<vmem>> -> memref<100xi32, #tpu.memory_space<vmem>>
      %dma_start3A_147 = arith.constant 0 : i32
      %dma_start3A_148 = arith.constant 0 : i32
      %dma_start3A_149 = tpu.memref_slice %arg8[%dma_start3A_147, %dma_start3A_148] : memref<10000x32xi32, #tpu.memory_space<vmem_shared>> -> memref<10000x32xi32, #tpu.memory_space<vmem_shared>>
      tpu.enqueue_indirect_dma source(%dma_start3A_149 : memref<10000x32xi32, #tpu.memory_space<vmem_shared>>) target(%arg17 : memref<100x32xi32, #tpu.memory_space<vmem>>) offsets(%dma_start3A_146 : memref<100xi32, #tpu.memory_space<vmem>>) semaphore(%arg23 : memref<!tpu.dma_semaphore, #tpu.memory_space<semaphore_mem>>)
      %dma_wait3A_150 = arith.constant 0 : i32
      %dma_wait3A_151 = arith.constant 0 : i32
      %dma_wait3A_152 = tpu.memref_slice %arg13[%dma_wait3A_150, %dma_wait3A_151] : memref<2x100xi32, #tpu.memory_space<vmem>> -> memref<1x100xi32, #tpu.memory_space<vmem>>
      %dma_wait3A_153 = tpu.memref_squeeze %dma_wait3A_152 : memref<1x100xi32, #tpu.memory_space<vmem>> -> memref<100xi32, #tpu.memory_space<vmem>>
      %dma_wait3A_154 = arith.constant 0 : i32
      %dma_wait3A_155 = arith.constant 0 : i32
      %dma_wait3A_156 = tpu.memref_slice %arg8[%dma_wait3A_154, %dma_wait3A_155] : memref<10000x32xi32, #tpu.memory_space<vmem_shared>> -> memref<10000x32xi32, #tpu.memory_space<vmem_shared>>
      tpu.wait_indirect_dma semaphore(%arg22 : memref<!tpu.dma_semaphore, #tpu.memory_space<semaphore_mem>>) src(%dma_wait3A_156 : memref<10000x32xi32, #tpu.memory_space<vmem_shared>>) dst(%arg16 : memref<100x32xi32, #tpu.memory_space<vmem>>)
      %not3A_157 = arith.constant false
      %not3A_158 = arith.constant true
      %not3A_159 = arith.xori %not3A_157, %not3A_158 : i1
      %convert_element_type3A_160 = arith.extui %not3A_159 : i1 to i32
      %cond3A_161 = arith.constant 0 : i32
      %cond3A_162 = arith.cmpi ne, %convert_element_type3A_160, %cond3A_161 : i32
      scf.if %cond3A_162 {
        %dma_wait3A_200 = arith.constant 0 : i32
        %dma_wait3A_201 = arith.constant 0 : i32
        %dma_wait3A_202 = tpu.memref_slice %arg14[%dma_wait3A_200, %dma_wait3A_201] : memref<2x100xi32, #tpu.memory_space<vmem>> -> memref<1x100xi32, #tpu.memory_space<vmem>>
        %dma_wait3A_203 = tpu.memref_squeeze %dma_wait3A_202 : memref<1x100xi32, #tpu.memory_space<vmem>> -> memref<100xi32, #tpu.memory_space<vmem>>
        %dma_wait3A_204 = arith.constant 0 : i32
        %dma_wait3A_205 = arith.constant 0 : i32
        %dma_wait3A_206 = tpu.memref_slice %arg9[%dma_wait3A_204, %dma_wait3A_205] : memref<10000x64xf32, #tpu.memory_space<vmem_shared>> -> memref<10000x64xf32, #tpu.memory_space<vmem_shared>>
        tpu.wait_indirect_dma semaphore(%arg24 : memref<!tpu.dma_semaphore, #tpu.memory_space<semaphore_mem>>) src(%arg18 : memref<100x64xf32, #tpu.memory_space<vmem>>) dst(%dma_wait3A_206 : memref<10000x64xf32, #tpu.memory_space<vmem_shared>>)
      } else {
      }
      %parallel_loop3A_163 = arith.constant 0 : i32
      %parallel_loop3A_164 = arith.constant 100 : i32
      %parallel_loop3A_165 = arith.constant 1 : i32
      scf.for %parallel_loop3A_200 = %parallel_loop3A_163 to %parallel_loop3A_164 step %parallel_loop3A_165  : i32 {
        %parallel_loop3A_201 = arith.constant 0 : i32
        %parallel_loop3A_202 = arith.addi %parallel_loop3A_201, %parallel_loop3A_200 : i32
        %parallel_loop3A_203 = arith.index_cast %parallel_loop3A_200 : i32 to index
        %parallel_loop3A_204 = arith.constant 0 : index
        %parallel_loop3A_205 = tpu.vector_load %arg16[%parallel_loop3A_203, %parallel_loop3A_204] {strides = array<i32>} : memref<100x32xi32, #tpu.memory_space<vmem>>, vector<16xi32>,
        %parallel_loop3A_206 = vector.bitcast %parallel_loop3A_205 : vector<16xi32> to vector<32xbf16>
        %parallel_loop3A_207 = arith.index_cast %parallel_loop3A_202 : i32 to index
        %parallel_loop3A_208 = arith.constant 0 : index
        %parallel_loop3A_209 = tpu.vector_load %arg15[%parallel_loop3A_207, %parallel_loop3A_208] {strides = array<i32>} : memref<200x32xi32, #tpu.memory_space<vmem>>, vector<16xi32>,
        %parallel_loop3A_210 = vector.bitcast %parallel_loop3A_209 : vector<16xi32> to vector<32xbf16>
        %parallel_loop3A_211 = arith.addf %parallel_loop3A_206, %parallel_loop3A_210 : vector<32xbf16>
        %parallel_loop3A_212 = arith.constant 0.000000e+00 : bf16
        %parallel_loop3A_213 = vector.broadcast %parallel_loop3A_212 : bf16 to vector<32xbf16>
        %parallel_loop3A_214 = arith.maximumf %parallel_loop3A_211, %parallel_loop3A_213 : vector<32xbf16>
        %parallel_loop3A_215 = tpu.unpack_subelements %parallel_loop3A_214, 0 {pack_format = #tpu.pack_format<interleaved>} : vector<32xbf16> -> vector<16xf32>
        %parallel_loop3A_216 = tpu.unpack_subelements %parallel_loop3A_214, 1 {pack_format = #tpu.pack_format<interleaved>} : vector<32xbf16> -> vector<16xf32>
        %parallel_loop3A_217 = arith.index_cast %parallel_loop3A_200 : i32 to index
        %parallel_loop3A_218 = arith.constant 0 : index
        %parallel_loop3A_219 = tpu.vector_load %arg18[%parallel_loop3A_217, %parallel_loop3A_218] {strides = array<i32>} : memref<100x64xf32, #tpu.memory_space<vmem>>, vector<16xf32>,
        tpu.vector_store %arg18[%parallel_loop3A_217, %parallel_loop3A_218], %parallel_loop3A_215 {strides = array<i32>} : memref<100x64xf32, #tpu.memory_space<vmem>>, vector<16xf32>,
        %parallel_loop3A_220 = arith.index_cast %parallel_loop3A_200 : i32 to index
        %parallel_loop3A_221 = arith.constant 16 : index
        %parallel_loop3A_222 = tpu.vector_load %arg18[%parallel_loop3A_220, %parallel_loop3A_221] {strides = array<i32>} : memref<100x64xf32, #tpu.memory_space<vmem>>, vector<16xf32>,
        tpu.vector_store %arg18[%parallel_loop3A_220, %parallel_loop3A_221], %parallel_loop3A_216 {strides = array<i32>} : memref<100x64xf32, #tpu.memory_space<vmem>>, vector<16xf32>,
        %parallel_loop3A_223 = arith.index_cast %parallel_loop3A_200 : i32 to index
        %parallel_loop3A_224 = arith.constant 16 : index
        %parallel_loop3A_225 = tpu.vector_load %arg16[%parallel_loop3A_223, %parallel_loop3A_224] {strides = array<i32>} : memref<100x32xi32, #tpu.memory_space<vmem>>, vector<16xi32>,
        %parallel_loop3A_226 = vector.bitcast %parallel_loop3A_225 : vector<16xi32> to vector<32xbf16>
        %parallel_loop3A_227 = arith.index_cast %parallel_loop3A_202 : i32 to index
        %parallel_loop3A_228 = arith.constant 16 : index
        %parallel_loop3A_229 = tpu.vector_load %arg15[%parallel_loop3A_227, %parallel_loop3A_228] {strides = array<i32>} : memref<200x32xi32, #tpu.memory_space<vmem>>, vector<16xi32>,
        %parallel_loop3A_230 = vector.bitcast %parallel_loop3A_229 : vector<16xi32> to vector<32xbf16>
        %parallel_loop3A_231 = arith.addf %parallel_loop3A_226, %parallel_loop3A_230 : vector<32xbf16>
        %parallel_loop3A_232 = arith.constant 0.000000e+00 : bf16
        %parallel_loop3A_233 = vector.broadcast %parallel_loop3A_232 : bf16 to vector<32xbf16>
        %parallel_loop3A_234 = arith.maximumf %parallel_loop3A_231, %parallel_loop3A_233 : vector<32xbf16>
        %parallel_loop3A_235 = tpu.unpack_subelements %parallel_loop3A_234, 0 {pack_format = #tpu.pack_format<interleaved>} : vector<32xbf16> -> vector<16xf32>
        %parallel_loop3A_236 = tpu.unpack_subelements %parallel_loop3A_234, 1 {pack_format = #tpu.pack_format<interleaved>} : vector<32xbf16> -> vector<16xf32>
        %parallel_loop3A_237 = arith.index_cast %parallel_loop3A_200 : i32 to index
        %parallel_loop3A_238 = arith.constant 32 : index
        %parallel_loop3A_239 = tpu.vector_load %arg18[%parallel_loop3A_237, %parallel_loop3A_238] {strides = array<i32>} : memref<100x64xf32, #tpu.memory_space<vmem>>, vector<16xf32>,
        tpu.vector_store %arg18[%parallel_loop3A_237, %parallel_loop3A_238], %parallel_loop3A_235 {strides = array<i32>} : memref<100x64xf32, #tpu.memory_space<vmem>>, vector<16xf32>,
        %parallel_loop3A_240 = arith.index_cast %parallel_loop3A_200 : i32 to index
        %parallel_loop3A_241 = arith.constant 48 : index
        %parallel_loop3A_242 = tpu.vector_load %arg18[%parallel_loop3A_240, %parallel_loop3A_241] {strides = array<i32>} : memref<100x64xf32, #tpu.memory_space<vmem>>, vector<16xf32>,
        tpu.vector_store %arg18[%parallel_loop3A_240, %parallel_loop3A_241], %parallel_loop3A_236 {strides = array<i32>} : memref<100x64xf32, #tpu.memory_space<vmem>>, vector<16xf32>,
      } {sc.loop_unroll_factor = 4 : i64, sc.parallel_access}
      %dma_start3A_166 = arith.constant 0 : i32
      %dma_start3A_167 = arith.constant 0 : i32
      %dma_start3A_168 = tpu.memref_slice %arg14[%dma_start3A_166, %dma_start3A_167] : memref<2x100xi32, #tpu.memory_space<vmem>> -> memref<1x100xi32, #tpu.memory_space<vmem>>
      %dma_start3A_169 = tpu.memref_squeeze %dma_start3A_168 : memref<1x100xi32, #tpu.memory_space<vmem>> -> memref<100xi32, #tpu.memory_space<vmem>>
      %dma_start3A_170 = arith.constant 0 : i32
      %dma_start3A_171 = arith.constant 0 : i32
      %dma_start3A_172 = tpu.memref_slice %arg9[%dma_start3A_170, %dma_start3A_171] : memref<10000x64xf32, #tpu.memory_space<vmem_shared>> -> memref<10000x64xf32, #tpu.memory_space<vmem_shared>>
      tpu.enqueue_indirect_dma source(%arg18 : memref<100x64xf32, #tpu.memory_space<vmem>>) target(%dma_start3A_172 : memref<10000x64xf32, #tpu.memory_space<vmem_shared>>) offsets(%dma_start3A_169 : memref<100xi32, #tpu.memory_space<vmem>>) semaphore(%arg24 : memref<!tpu.dma_semaphore, #tpu.memory_space<semaphore_mem>>) {add = true}
      %dma_wait3A_173 = arith.constant 1 : i32
      %dma_wait3A_174 = arith.constant 0 : i32
      %dma_wait3A_175 = tpu.memref_slice %arg13[%dma_wait3A_173, %dma_wait3A_174] : memref<2x100xi32, #tpu.memory_space<vmem>> -> memref<1x100xi32, #tpu.memory_space<vmem>>
      %dma_wait3A_176 = tpu.memref_squeeze %dma_wait3A_175 : memref<1x100xi32, #tpu.memory_space<vmem>> -> memref<100xi32, #tpu.memory_space<vmem>>
      %dma_wait3A_177 = arith.constant 0 : i32
      %dma_wait3A_178 = arith.constant 0 : i32
      %dma_wait3A_179 = tpu.memref_slice %arg8[%dma_wait3A_177, %dma_wait3A_178] : memref<10000x32xi32, #tpu.memory_space<vmem_shared>> -> memref<10000x32xi32, #tpu.memory_space<vmem_shared>>
      tpu.wait_indirect_dma semaphore(%arg23 : memref<!tpu.dma_semaphore, #tpu.memory_space<semaphore_mem>>) src(%dma_wait3A_179 : memref<10000x32xi32, #tpu.memory_space<vmem_shared>>) dst(%arg17 : memref<100x32xi32, #tpu.memory_space<vmem>>)
      %not3A_180 = arith.constant false
      %not3A_181 = arith.constant true
      %not3A_182 = arith.xori %not3A_180, %not3A_181 : i1
      %convert_element_type3A_183 = arith.extui %not3A_182 : i1 to i32
      %cond3A_184 = arith.constant 0 : i32
      %cond3A_185 = arith.cmpi ne, %convert_element_type3A_183, %cond3A_184 : i32
      scf.if %cond3A_185 {
        %dma_wait3A_200 = arith.constant 1 : i32
        %dma_wait3A_201 = arith.constant 0 : i32
        %dma_wait3A_202 = tpu.memref_slice %arg14[%dma_wait3A_200, %dma_wait3A_201] : memref<2x100xi32, #tpu.memory_space<vmem>> -> memref<1x100xi32, #tpu.memory_space<vmem>>
        %dma_wait3A_203 = tpu.memref_squeeze %dma_wait3A_202 : memref<1x100xi32, #tpu.memory_space<vmem>> -> memref<100xi32, #tpu.memory_space<vmem>>
        %dma_wait3A_204 = arith.constant 0 : i32
        %dma_wait3A_205 = arith.constant 0 : i32
        %dma_wait3A_206 = tpu.memref_slice %arg9[%dma_wait3A_204, %dma_wait3A_205] : memref<10000x64xf32, #tpu.memory_space<vmem_shared>> -> memref<10000x64xf32, #tpu.memory_space<vmem_shared>>
        tpu.wait_indirect_dma semaphore(%arg25 : memref<!tpu.dma_semaphore, #tpu.memory_space<semaphore_mem>>) src(%arg19 : memref<100x64xf32, #tpu.memory_space<vmem>>) dst(%dma_wait3A_206 : memref<10000x64xf32, #tpu.memory_space<vmem_shared>>)
      } else {
      }
      %lt3A = arith.constant 49 : i32
      %lt3A_186 = arith.cmpi slt, %scan3A_40, %lt3A : i32
      %convert_element_type3A_187 = arith.extui %lt3A_186 : i1 to i32
      %cond3A_188 = arith.constant 0 : i32
      %cond3A_189 = arith.cmpi ne, %convert_element_type3A_187, %cond3A_188 : i32
      scf.if %cond3A_189 {
        %mul3A_200 = arith.constant 2 : i32
        %mul3A_201 = arith.muli %mul3A_200, %scan3A_40 : i32
        %add3A_202 = arith.constant 2 : i32
        %add3A_203 = arith.addi %mul3A_201, %add3A_202 : i32
        %mul3A_204 = arith.constant 2 : i32
        %mul3A_205 = arith.muli %add3A_203, %mul3A_204 : i32
        %add3A_206 = arith.addi %mul3A_4, %mul3A_205 : i32
        %mul3A_207 = arith.constant 200 : i32
        %mul3A_208 = arith.muli %add3A_203, %mul3A_207 : i32
        %add3A_209 = arith.addi %mul3A_6, %mul3A_208 : i32
        %dma_start3A_210 = arith.constant 0 : i32
        %dma_start3A_211 = tpu.memref_slice %arg4[%add3A_206, %dma_start3A_210] : memref<3200x100xi32, #tpu.memory_space<hbm>> -> memref<2x100xi32, #tpu.memory_space<hbm>>
        %dma_start3A_212 = arith.constant 0 : i32
        %dma_start3A_213 = tpu.memref_slice %arg4[%add3A_206, %dma_start3A_212] : memref<3200x100xi32, #tpu.memory_space<hbm>> -> memref<2x100xi32, #tpu.memory_space<hbm>>
        tpu.enqueue_dma source(%dma_start3A_213 : memref<2x100xi32, #tpu.memory_space<hbm>>) target(%arg10 : memref<2x100xi32, #tpu.memory_space<vmem>>) target_semaphore(%arg20 : memref<!tpu.dma_semaphore, #tpu.memory_space<semaphore_mem>>)
        %dma_start3A_214 = arith.constant 0 : i32
        %dma_start3A_215 = tpu.memref_slice %arg5[%add3A_206, %dma_start3A_214] : memref<3200x100xi32, #tpu.memory_space<hbm>> -> memref<2x100xi32, #tpu.memory_space<hbm>>
        %dma_start3A_216 = arith.constant 0 : i32
        %dma_start3A_217 = tpu.memref_slice %arg5[%add3A_206, %dma_start3A_216] : memref<3200x100xi32, #tpu.memory_space<hbm>> -> memref<2x100xi32, #tpu.memory_space<hbm>>
        tpu.enqueue_dma source(%dma_start3A_217 : memref<2x100xi32, #tpu.memory_space<hbm>>) target(%arg11 : memref<2x100xi32, #tpu.memory_space<vmem>>) target_semaphore(%arg20 : memref<!tpu.dma_semaphore, #tpu.memory_space<semaphore_mem>>)
        %dma_start3A_218 = tpu.memref_slice %arg3[%add3A_209, %mul3A_0] : memref<320000x64xi32, #tpu.memory_space<hbm>> -> memref<200x32xi32, #tpu.memory_space<hbm>>
        %dma_start3A_219 = tpu.memref_slice %arg3[%add3A_209, %mul3A_0] : memref<320000x64xi32, #tpu.memory_space<hbm>> -> memref<200x32xi32, #tpu.memory_space<hbm>>
        tpu.enqueue_dma source(%dma_start3A_219 : memref<200x32xi32, #tpu.memory_space<hbm>>) target(%arg12 : memref<200x32xi32, #tpu.memory_space<vmem>>) target_semaphore(%arg20 : memref<!tpu.dma_semaphore, #tpu.memory_space<semaphore_mem>>)
      } else {
      }
      %parallel_loop3A_190 = arith.constant 0 : i32
      %parallel_loop3A_191 = arith.constant 100 : i32
      %parallel_loop3A_192 = arith.constant 1 : i32
      scf.for %parallel_loop3A_200 = %parallel_loop3A_190 to %parallel_loop3A_191 step %parallel_loop3A_192  : i32 {
        %parallel_loop3A_201 = arith.constant 100 : i32
        %parallel_loop3A_202 = arith.addi %parallel_loop3A_201, %parallel_loop3A_200 : i32
        %parallel_loop3A_203 = arith.index_cast %parallel_loop3A_200 : i32 to index
        %parallel_loop3A_204 = arith.constant 0 : index
        %parallel_loop3A_205 = tpu.vector_load %arg17[%parallel_loop3A_203, %parallel_loop3A_204] {strides = array<i32>} : memref<100x32xi32, #tpu.memory_space<vmem>>, vector<16xi32>,
        %parallel_loop3A_206 = vector.bitcast %parallel_loop3A_205 : vector<16xi32> to vector<32xbf16>
        %parallel_loop3A_207 = arith.index_cast %parallel_loop3A_202 : i32 to index
        %parallel_loop3A_208 = arith.constant 0 : index
        %parallel_loop3A_209 = tpu.vector_load %arg15[%parallel_loop3A_207, %parallel_loop3A_208] {strides = array<i32>} : memref<200x32xi32, #tpu.memory_space<vmem>>, vector<16xi32>,
        %parallel_loop3A_210 = vector.bitcast %parallel_loop3A_209 : vector<16xi32> to vector<32xbf16>
        %parallel_loop3A_211 = arith.addf %parallel_loop3A_206, %parallel_loop3A_210 : vector<32xbf16>
        %parallel_loop3A_212 = arith.constant 0.000000e+00 : bf16
        %parallel_loop3A_213 = vector.broadcast %parallel_loop3A_212 : bf16 to vector<32xbf16>
        %parallel_loop3A_214 = arith.maximumf %parallel_loop3A_211, %parallel_loop3A_213 : vector<32xbf16>
        %parallel_loop3A_215 = tpu.unpack_subelements %parallel_loop3A_214, 0 {pack_format = #tpu.pack_format<interleaved>} : vector<32xbf16> -> vector<16xf32>
        %parallel_loop3A_216 = tpu.unpack_subelements %parallel_loop3A_214, 1 {pack_format = #tpu.pack_format<interleaved>} : vector<32xbf16> -> vector<16xf32>
        %parallel_loop3A_217 = arith.index_cast %parallel_loop3A_200 : i32 to index
        %parallel_loop3A_218 = arith.constant 0 : index
        %parallel_loop3A_219 = tpu.vector_load %arg19[%parallel_loop3A_217, %parallel_loop3A_218] {strides = array<i32>} : memref<100x64xf32, #tpu.memory_space<vmem>>, vector<16xf32>,
        tpu.vector_store %arg19[%parallel_loop3A_217, %parallel_loop3A_218], %parallel_loop3A_215 {strides = array<i32>} : memref<100x64xf32, #tpu.memory_space<vmem>>, vector<16xf32>,
        %parallel_loop3A_220 = arith.index_cast %parallel_loop3A_200 : i32 to index
        %parallel_loop3A_221 = arith.constant 16 : index
        %parallel_loop3A_222 = tpu.vector_load %arg19[%parallel_loop3A_220, %parallel_loop3A_221] {strides = array<i32>} : memref<100x64xf32, #tpu.memory_space<vmem>>, vector<16xf32>,
        tpu.vector_store %arg19[%parallel_loop3A_220, %parallel_loop3A_221], %parallel_loop3A_216 {strides = array<i32>} : memref<100x64xf32, #tpu.memory_space<vmem>>, vector<16xf32>,
        %parallel_loop3A_223 = arith.index_cast %parallel_loop3A_200 : i32 to index
        %parallel_loop3A_224 = arith.constant 16 : index
        %parallel_loop3A_225 = tpu.vector_load %arg17[%parallel_loop3A_223, %parallel_loop3A_224] {strides = array<i32>} : memref<100x32xi32, #tpu.memory_space<vmem>>, vector<16xi32>,
        %parallel_loop3A_226 = vector.bitcast %parallel_loop3A_225 : vector<16xi32> to vector<32xbf16>
        %parallel_loop3A_227 = arith.index_cast %parallel_loop3A_202 : i32 to index
        %parallel_loop3A_228 = arith.constant 16 : index
        %parallel_loop3A_229 = tpu.vector_load %arg15[%parallel_loop3A_227, %parallel_loop3A_228] {strides = array<i32>} : memref<200x32xi32, #tpu.memory_space<vmem>>, vector<16xi32>,
        %parallel_loop3A_230 = vector.bitcast %parallel_loop3A_229 : vector<16xi32> to vector<32xbf16>
        %parallel_loop3A_231 = arith.addf %parallel_loop3A_226, %parallel_loop3A_230 : vector<32xbf16>
        %parallel_loop3A_232 = arith.constant 0.000000e+00 : bf16
        %parallel_loop3A_233 = vector.broadcast %parallel_loop3A_232 : bf16 to vector<32xbf16>
        %parallel_loop3A_234 = arith.maximumf %parallel_loop3A_231, %parallel_loop3A_233 : vector<32xbf16>
        %parallel_loop3A_235 = tpu.unpack_subelements %parallel_loop3A_234, 0 {pack_format = #tpu.pack_format<interleaved>} : vector<32xbf16> -> vector<16xf32>
        %parallel_loop3A_236 = tpu.unpack_subelements %parallel_loop3A_234, 1 {pack_format = #tpu.pack_format<interleaved>} : vector<32xbf16> -> vector<16xf32>
        %parallel_loop3A_237 = arith.index_cast %parallel_loop3A_200 : i32 to index
        %parallel_loop3A_238 = arith.constant 32 : index
        %parallel_loop3A_239 = tpu.vector_load %arg19[%parallel_loop3A_237, %parallel_loop3A_238] {strides = array<i32>} : memref<100x64xf32, #tpu.memory_space<vmem>>, vector<16xf32>,
        tpu.vector_store %arg19[%parallel_loop3A_237, %parallel_loop3A_238], %parallel_loop3A_235 {strides = array<i32>} : memref<100x64xf32, #tpu.memory_space<vmem>>, vector<16xf32>,
        %parallel_loop3A_240 = arith.index_cast %parallel_loop3A_200 : i32 to index
        %parallel_loop3A_241 = arith.constant 48 : index
        %parallel_loop3A_242 = tpu.vector_load %arg19[%parallel_loop3A_240, %parallel_loop3A_241] {strides = array<i32>} : memref<100x64xf32, #tpu.memory_space<vmem>>, vector<16xf32>,
        tpu.vector_store %arg19[%parallel_loop3A_240, %parallel_loop3A_241], %parallel_loop3A_236 {strides = array<i32>} : memref<100x64xf32, #tpu.memory_space<vmem>>, vector<16xf32>,
      } {sc.loop_unroll_factor = 4 : i64, sc.parallel_access}
      %dma_start3A_193 = arith.constant 1 : i32
      %dma_start3A_194 = arith.constant 0 : i32
      %dma_start3A_195 = tpu.memref_slice %arg14[%dma_start3A_193, %dma_start3A_194] : memref<2x100xi32, #tpu.memory_space<vmem>> -> memref<1x100xi32, #tpu.memory_space<vmem>>
      %dma_start3A_196 = tpu.memref_squeeze %dma_start3A_195 : memref<1x100xi32, #tpu.memory_space<vmem>> -> memref<100xi32, #tpu.memory_space<vmem>>
      %dma_start3A_197 = arith.constant 0 : i32
      %dma_start3A_198 = arith.constant 0 : i32
      %dma_start3A_199 = tpu.memref_slice %arg9[%dma_start3A_197, %dma_start3A_198] : memref<10000x64xf32, #tpu.memory_space<vmem_shared>> -> memref<10000x64xf32, #tpu.memory_space<vmem_shared>>
      tpu.enqueue_indirect_dma source(%arg19 : memref<100x64xf32, #tpu.memory_space<vmem>>) target(%dma_start3A_199 : memref<10000x64xf32, #tpu.memory_space<vmem_shared>>) offsets(%dma_start3A_196 : memref<100xi32, #tpu.memory_space<vmem>>) semaphore(%arg25 : memref<!tpu.dma_semaphore, #tpu.memory_space<semaphore_mem>>) {add = true}
    }
    %scan3A_23 = arith.constant 50 : i32
    %dma_wait3A = arith.constant 0 : i32
    %dma_wait3A_24 = arith.constant 0 : i32
    %dma_wait3A_25 = tpu.memref_slice %arg14[%dma_wait3A, %dma_wait3A_24] : memref<2x100xi32, #tpu.memory_space<vmem>> -> memref<1x100xi32, #tpu.memory_space<vmem>>
    %dma_wait3A_26 = tpu.memref_squeeze %dma_wait3A_25 : memref<1x100xi32, #tpu.memory_space<vmem>> -> memref<100xi32, #tpu.memory_space<vmem>>
    %dma_wait3A_27 = arith.constant 0 : i32
    %dma_wait3A_28 = arith.constant 0 : i32
    %dma_wait3A_29 = tpu.memref_slice %arg9[%dma_wait3A_27, %dma_wait3A_28] : memref<10000x64xf32, #tpu.memory_space<vmem_shared>> -> memref<10000x64xf32, #tpu.memory_space<vmem_shared>>
    tpu.wait_indirect_dma semaphore(%arg24 : memref<!tpu.dma_semaphore, #tpu.memory_space<semaphore_mem>>) src(%arg18 : memref<100x64xf32, #tpu.memory_space<vmem>>) dst(%dma_wait3A_29 : memref<10000x64xf32, #tpu.memory_space<vmem_shared>>)
    %dma_wait3A_30 = arith.constant 1 : i32
    %dma_wait3A_31 = arith.constant 0 : i32
    %dma_wait3A_32 = tpu.memref_slice %arg14[%dma_wait3A_30, %dma_wait3A_31] : memref<2x100xi32, #tpu.memory_space<vmem>> -> memref<1x100xi32, #tpu.memory_space<vmem>>
    %dma_wait3A_33 = tpu.memref_squeeze %dma_wait3A_32 : memref<1x100xi32, #tpu.memory_space<vmem>> -> memref<100xi32, #tpu.memory_space<vmem>>
    %dma_wait3A_34 = arith.constant 0 : i32
    %dma_wait3A_35 = arith.constant 0 : i32
    %dma_wait3A_36 = tpu.memref_slice %arg9[%dma_wait3A_34, %dma_wait3A_35] : memref<10000x64xf32, #tpu.memory_space<vmem_shared>> -> memref<10000x64xf32, #tpu.memory_space<vmem_shared>>
    tpu.wait_indirect_dma semaphore(%arg25 : memref<!tpu.dma_semaphore, #tpu.memory_space<semaphore_mem>>) src(%arg19 : memref<100x64xf32, #tpu.memory_space<vmem>>) dst(%dma_wait3A_36 : memref<10000x64xf32, #tpu.memory_space<vmem_shared>>)
    %barrier3A_37 = arith.constant 0 : index
    tpu.barrier barrier_id(%barrier3A_37)
    %mul3A_38 = arith.constant 64 : i32
    %mul3A_39 = arith.muli %arg0, %mul3A_38 : i32
    "tpu.region"() ({
      %run_scoped3A = tpu.sem_alloc : memref<!tpu.dma_semaphore, #tpu.memory_space<semaphore_mem>>
      %dma_start3A_40 = tpu.memref_slice %arg7[%mul3A_2, %mul3A_39] : memref<10000x128xf32, #tpu.memory_space<hbm>> -> memref<625x64xf32, #tpu.memory_space<hbm>>
      %dma_start3A_41 = arith.constant 0 : i32
      %dma_start3A_42 = tpu.memref_slice %arg9[%mul3A_2, %dma_start3A_41] : memref<10000x64xf32, #tpu.memory_space<vmem_shared>> -> memref<625x64xf32, #tpu.memory_space<vmem_shared>>
      tpu.enqueue_dma source(%dma_start3A_42 : memref<625x64xf32, #tpu.memory_space<vmem_shared>>) target(%dma_start3A_40 : memref<625x64xf32, #tpu.memory_space<hbm>>) target_semaphore(%run_scoped3A : memref<!tpu.dma_semaphore, #tpu.memory_space<semaphore_mem>>)
      %dma_wait3A_43 = tpu.memref_slice %arg7[%mul3A_2, %mul3A_39] : memref<10000x128xf32, #tpu.memory_space<hbm>> -> memref<625x64xf32, #tpu.memory_space<hbm>>
      %dma_wait3A_44 = arith.constant 0 : i32
      %dma_wait3A_45 = tpu.memref_slice %arg9[%mul3A_2, %dma_wait3A_44] : memref<10000x64xf32, #tpu.memory_space<vmem_shared>> -> memref<625x64xf32, #tpu.memory_space<vmem_shared>>
      tpu.wait_dma2 semaphore(%run_scoped3A : memref<!tpu.dma_semaphore, #tpu.memory_space<semaphore_mem>>) src(%dma_wait3A_45 : memref<625x64xf32, #tpu.memory_space<vmem_shared>>) dst(%dma_wait3A_43 : memref<625x64xf32, #tpu.memory_space<hbm>>)
      tpu.yield
    }) : () -> ()
    return
  }
}

#map = affine_map<(d0, d1) -> (0, 0)>
module attributes {stable_mosaic.version = 14 : i64} {
  func.func @_gin_edge_body(%arg0: i32, %arg1: i32, %arg2: memref<10000x64xi32, #tpu.memory_space<hbm>>, %arg3: memref<320000x64xi32, #tpu.memory_space<hbm>>, %arg4: memref<3200x100xi32, #tpu.memory_space<hbm>>, %arg5: memref<3200x100xi32, #tpu.memory_space<hbm>>, %arg6: memref<625x64xf32, #tpu.memory_space<hbm>>, %arg7: memref<10000x128xf32, #tpu.memory_space<hbm>>, %arg8: memref<10000x32xi32, #tpu.memory_space<vmem_shared>>, %arg9: memref<10000x64xf32, #tpu.memory_space<vmem_shared>>, %arg10: memref<2x100xi32, #tpu.memory_space<vmem>>, %arg11: memref<2x100xi32, #tpu.memory_space<vmem>>, %arg12: memref<200x32xi32, #tpu.memory_space<vmem>>, %arg13: memref<2x100xi32, #tpu.memory_space<vmem>>, %arg14: memref<2x100xi32, #tpu.memory_space<vmem>>, %arg15: memref<200x32xi32, #tpu.memory_space<vmem>>, %arg16: memref<100x32xi32, #tpu.memory_space<vmem>>, %arg17: memref<100x32xi32, #tpu.memory_space<vmem>>, %arg18: memref<100x64xf32, #tpu.memory_space<vmem>>, %arg19: memref<100x64xf32, #tpu.memory_space<vmem>>, %arg20: memref<!tpu.dma_semaphore, #tpu.memory_space<semaphore_mem>>, %arg21: memref<!tpu.dma_semaphore, #tpu.memory_space<semaphore_mem>>, %arg22: memref<!tpu.dma_semaphore, #tpu.memory_space<semaphore_mem>>, %arg23: memref<!tpu.dma_semaphore, #tpu.memory_space<semaphore_mem>>, %arg24: memref<!tpu.dma_semaphore, #tpu.memory_space<semaphore_mem>>, %arg25: memref<!tpu.dma_semaphore, #tpu.memory_space<semaphore_mem>>) attributes {dimension_semantics = [#tpu.dimension_semantics<core_parallel>, #tpu.dimension_semantics<subcore_parallel>], iteration_bounds = array<i64: 2, 16>, scalar_prefetch = 0 : i64, scratch_operands = 18 : i64, tpu.core_type = #tpu.core_type<sc_vector_subcore>, window_params = [{transform_indices = #map}, {transform_indices = #map}, {transform_indices = #map}, {transform_indices = #map}, {transform_indices = #map}, {transform_indices = #map}]} {
    %mul3A = arith.constant 32 : i32
    %mul3A_0 = arith.muli %arg0, %mul3A : i32
    %mul3A_1 = arith.constant 625 : i32
    %mul3A_2 = arith.muli %arg1, %mul3A_1 : i32
    %mul3A_3 = arith.constant 200 : i32
    %mul3A_4 = arith.muli %arg1, %mul3A_3 : i32
    %mul3A_5 = arith.constant 20000 : i32
    %mul3A_6 = arith.muli %arg1, %mul3A_5 : i32
    "tpu.region"() ({
      %run_scoped3A = tpu.sem_alloc : memref<!tpu.dma_semaphore, #tpu.memory_space<semaphore_mem>>
      %dma_start3A_40 = arith.constant 0 : i32
      %dma_start3A_41 = tpu.memref_slice %arg8[%mul3A_2, %dma_start3A_40] : memref<10000x32xi32, #tpu.memory_space<vmem_shared>> -> memref<625x32xi32, #tpu.memory_space<vmem_shared>>
      %dma_start3A_42 = tpu.memref_slice %arg2[%mul3A_2, %mul3A_0] : memref<10000x64xi32, #tpu.memory_space<hbm>> -> memref<625x32xi32, #tpu.memory_space<hbm>>
      tpu.enqueue_dma source(%dma_start3A_42 : memref<625x32xi32, #tpu.memory_space<hbm>>) target(%dma_start3A_41 : memref<625x32xi32, #tpu.memory_space<vmem_shared>>) target_semaphore(%run_scoped3A : memref<!tpu.dma_semaphore, #tpu.memory_space<semaphore_mem>>)
      %dma_wait3A_43 = arith.constant 0 : i32
      %dma_wait3A_44 = tpu.memref_slice %arg8[%mul3A_2, %dma_wait3A_43] : memref<10000x32xi32, #tpu.memory_space<vmem_shared>> -> memref<625x32xi32, #tpu.memory_space<vmem_shared>>
      %dma_wait3A_45 = tpu.memref_slice %arg2[%mul3A_2, %mul3A_0] : memref<10000x64xi32, #tpu.memory_space<hbm>> -> memref<625x32xi32, #tpu.memory_space<hbm>>
      tpu.wait_dma2 semaphore(%run_scoped3A : memref<!tpu.dma_semaphore, #tpu.memory_space<semaphore_mem>>) src(%dma_wait3A_45 : memref<625x32xi32, #tpu.memory_space<hbm>>) dst(%dma_wait3A_44 : memref<625x32xi32, #tpu.memory_space<vmem_shared>>)
      tpu.yield
    }) : () -> ()
    "tpu.region"() ({
      %run_scoped3A = tpu.sem_alloc : memref<!tpu.dma_semaphore, #tpu.memory_space<semaphore_mem>>
      %dma_start3A_40 = arith.constant 0 : i32
      %dma_start3A_41 = tpu.memref_slice %arg9[%mul3A_2, %dma_start3A_40] : memref<10000x64xf32, #tpu.memory_space<vmem_shared>> -> memref<625x64xf32, #tpu.memory_space<vmem_shared>>
      tpu.enqueue_dma source(%arg6 : memref<625x64xf32, #tpu.memory_space<hbm>>) target(%dma_start3A_41 : memref<625x64xf32, #tpu.memory_space<vmem_shared>>) target_semaphore(%run_scoped3A : memref<!tpu.dma_semaphore, #tpu.memory_space<semaphore_mem>>)
      %dma_wait3A_42 = arith.constant 0 : i32
      %dma_wait3A_43 = tpu.memref_slice %arg9[%mul3A_2, %dma_wait3A_42] : memref<10000x64xf32, #tpu.memory_space<vmem_shared>> -> memref<625x64xf32, #tpu.memory_space<vmem_shared>>
      tpu.wait_dma2 semaphore(%run_scoped3A : memref<!tpu.dma_semaphore, #tpu.memory_space<semaphore_mem>>) src(%arg6 : memref<625x64xf32, #tpu.memory_space<hbm>>) dst(%dma_wait3A_43 : memref<625x64xf32, #tpu.memory_space<vmem_shared>>)
      tpu.yield
    }) : () -> ()
    %add3A = arith.constant 0 : i32
    %add3A_7 = arith.addi %mul3A_4, %add3A : i32
    %add3A_8 = arith.constant 0 : i32
    %add3A_9 = arith.addi %mul3A_6, %add3A_8 : i32
    %dma_start3A = arith.constant 0 : i32
    %dma_start3A_10 = tpu.memref_slice %arg4[%add3A_7, %dma_start3A] : memref<3200x100xi32, #tpu.memory_space<hbm>> -> memref<2x100xi32, #tpu.memory_space<hbm>>
    %dma_start3A_11 = arith.constant 0 : i32
    %dma_start3A_12 = tpu.memref_slice %arg4[%add3A_7, %dma_start3A_11] : memref<3200x100xi32, #tpu.memory_space<hbm>> -> memref<2x100xi32, #tpu.memory_space<hbm>>
    tpu.enqueue_dma source(%dma_start3A_12 : memref<2x100xi32, #tpu.memory_space<hbm>>) target(%arg10 : memref<2x100xi32, #tpu.memory_space<vmem>>) target_semaphore(%arg20 : memref<!tpu.dma_semaphore, #tpu.memory_space<semaphore_mem>>)
    %dma_start3A_13 = arith.constant 0 : i32
    %dma_start3A_14 = tpu.memref_slice %arg5[%add3A_7, %dma_start3A_13] : memref<3200x100xi32, #tpu.memory_space<hbm>> -> memref<2x100xi32, #tpu.memory_space<hbm>>
    %dma_start3A_15 = arith.constant 0 : i32
    %dma_start3A_16 = tpu.memref_slice %arg5[%add3A_7, %dma_start3A_15] : memref<3200x100xi32, #tpu.memory_space<hbm>> -> memref<2x100xi32, #tpu.memory_space<hbm>>
    tpu.enqueue_dma source(%dma_start3A_16 : memref<2x100xi32, #tpu.memory_space<hbm>>) target(%arg11 : memref<2x100xi32, #tpu.memory_space<vmem>>) target_semaphore(%arg20 : memref<!tpu.dma_semaphore, #tpu.memory_space<semaphore_mem>>)
    %dma_start3A_17 = tpu.memref_slice %arg3[%add3A_9, %mul3A_0] : memref<320000x64xi32, #tpu.memory_space<hbm>> -> memref<200x32xi32, #tpu.memory_space<hbm>>
    %dma_start3A_18 = tpu.memref_slice %arg3[%add3A_9, %mul3A_0] : memref<320000x64xi32, #tpu.memory_space<hbm>> -> memref<200x32xi32, #tpu.memory_space<hbm>>
    tpu.enqueue_dma source(%dma_start3A_18 : memref<200x32xi32, #tpu.memory_space<hbm>>) target(%arg12 : memref<200x32xi32, #tpu.memory_space<vmem>>) target_semaphore(%arg20 : memref<!tpu.dma_semaphore, #tpu.memory_space<semaphore_mem>>)
    %barrier3A = arith.constant 0 : index
    tpu.barrier barrier_id(%barrier3A)
    %scan3A = arith.constant 0 : i32
    %scan3A_19 = arith.constant 0 : i32
    %scan3A_20 = arith.constant 50 : i32
    %scan3A_21 = arith.addi %scan3A_19, %scan3A_20 : i32
    %scan3A_22 = arith.constant 1 : i32
    scf.for %scan3A_40 = %scan3A_19 to %scan3A_21 step %scan3A_22  : i32 {
      %eq3A = arith.constant 0 : i32
      %eq3A_41 = arith.cmpi eq, %scan3A_40, %eq3A : i32
      %dma_wait3A_42 = arith.constant 0 : i32
      %dma_wait3A_43 = tpu.memref_slice %arg4[%mul3A_4, %dma_wait3A_42] : memref<3200x100xi32, #tpu.memory_space<hbm>> -> memref<2x100xi32, #tpu.memory_space<hbm>>
      %dma_wait3A_44 = arith.constant 0 : i32
      %dma_wait3A_45 = tpu.memref_slice %arg4[%mul3A_4, %dma_wait3A_44] : memref<3200x100xi32, #tpu.memory_space<hbm>> -> memref<2x100xi32, #tpu.memory_space<hbm>>
      tpu.wait_dma2 semaphore(%arg20 : memref<!tpu.dma_semaphore, #tpu.memory_space<semaphore_mem>>) src(%dma_wait3A_45 : memref<2x100xi32, #tpu.memory_space<hbm>>) dst(%arg10 : memref<2x100xi32, #tpu.memory_space<vmem>>)
      %dma_wait3A_46 = arith.constant 0 : i32
      %dma_wait3A_47 = tpu.memref_slice %arg5[%mul3A_4, %dma_wait3A_46] : memref<3200x100xi32, #tpu.memory_space<hbm>> -> memref<2x100xi32, #tpu.memory_space<hbm>>
      %dma_wait3A_48 = arith.constant 0 : i32
      %dma_wait3A_49 = tpu.memref_slice %arg5[%mul3A_4, %dma_wait3A_48] : memref<3200x100xi32, #tpu.memory_space<hbm>> -> memref<2x100xi32, #tpu.memory_space<hbm>>
      tpu.wait_dma2 semaphore(%arg20 : memref<!tpu.dma_semaphore, #tpu.memory_space<semaphore_mem>>) src(%dma_wait3A_49 : memref<2x100xi32, #tpu.memory_space<hbm>>) dst(%arg11 : memref<2x100xi32, #tpu.memory_space<vmem>>)
      %dma_wait3A_50 = tpu.memref_slice %arg3[%mul3A_6, %mul3A_0] : memref<320000x64xi32, #tpu.memory_space<hbm>> -> memref<200x32xi32, #tpu.memory_space<hbm>>
      %dma_wait3A_51 = tpu.memref_slice %arg3[%mul3A_6, %mul3A_0] : memref<320000x64xi32, #tpu.memory_space<hbm>> -> memref<200x32xi32, #tpu.memory_space<hbm>>
      tpu.wait_dma2 semaphore(%arg20 : memref<!tpu.dma_semaphore, #tpu.memory_space<semaphore_mem>>) src(%dma_wait3A_51 : memref<200x32xi32, #tpu.memory_space<hbm>>) dst(%arg12 : memref<200x32xi32, #tpu.memory_space<vmem>>)
      %dma_start3A_52 = arith.constant 0 : i32
      %dma_start3A_53 = arith.constant 0 : i32
      %dma_start3A_54 = tpu.memref_slice %arg10[%dma_start3A_52, %dma_start3A_53] : memref<2x100xi32, #tpu.memory_space<vmem>> -> memref<1x100xi32, #tpu.memory_space<vmem>>
      %dma_start3A_55 = tpu.memref_squeeze %dma_start3A_54 : memref<1x100xi32, #tpu.memory_space<vmem>> -> memref<100xi32, #tpu.memory_space<vmem>>
      %dma_start3A_56 = arith.constant 0 : i32
      %dma_start3A_57 = arith.constant 0 : i32
      %dma_start3A_58 = tpu.memref_slice %arg8[%dma_start3A_56, %dma_start3A_57] : memref<10000x32xi32, #tpu.memory_space<vmem_shared>> -> memref<10000x32xi32, #tpu.memory_space<vmem_shared>>
      tpu.enqueue_indirect_dma source(%dma_start3A_58 : memref<10000x32xi32, #tpu.memory_space<vmem_shared>>) target(%arg16 : memref<100x32xi32, #tpu.memory_space<vmem>>) offsets(%dma_start3A_55 : memref<100xi32, #tpu.memory_space<vmem>>) semaphore(%arg22 : memref<!tpu.dma_semaphore, #tpu.memory_space<semaphore_mem>>)
      %dma_start3A_59 = arith.constant 1 : i32
      %dma_start3A_60 = arith.constant 0 : i32
      %dma_start3A_61 = tpu.memref_slice %arg10[%dma_start3A_59, %dma_start3A_60] : memref<2x100xi32, #tpu.memory_space<vmem>> -> memref<1x100xi32, #tpu.memory_space<vmem>>
      %dma_start3A_62 = tpu.memref_squeeze %dma_start3A_61 : memref<1x100xi32, #tpu.memory_space<vmem>> -> memref<100xi32, #tpu.memory_space<vmem>>
      %dma_start3A_63 = arith.constant 0 : i32
      %dma_start3A_64 = arith.constant 0 : i32
      %dma_start3A_65 = tpu.memref_slice %arg8[%dma_start3A_63, %dma_start3A_64] : memref<10000x32xi32, #tpu.memory_space<vmem_shared>> -> memref<10000x32xi32, #tpu.memory_space<vmem_shared>>
      tpu.enqueue_indirect_dma source(%dma_start3A_65 : memref<10000x32xi32, #tpu.memory_space<vmem_shared>>) target(%arg17 : memref<100x32xi32, #tpu.memory_space<vmem>>) offsets(%dma_start3A_62 : memref<100xi32, #tpu.memory_space<vmem>>) semaphore(%arg23 : memref<!tpu.dma_semaphore, #tpu.memory_space<semaphore_mem>>)
      %dma_wait3A_66 = arith.constant 0 : i32
      %dma_wait3A_67 = arith.constant 0 : i32
      %dma_wait3A_68 = tpu.memref_slice %arg10[%dma_wait3A_66, %dma_wait3A_67] : memref<2x100xi32, #tpu.memory_space<vmem>> -> memref<1x100xi32, #tpu.memory_space<vmem>>
      %dma_wait3A_69 = tpu.memref_squeeze %dma_wait3A_68 : memref<1x100xi32, #tpu.memory_space<vmem>> -> memref<100xi32, #tpu.memory_space<vmem>>
      %dma_wait3A_70 = arith.constant 0 : i32
      %dma_wait3A_71 = arith.constant 0 : i32
      %dma_wait3A_72 = tpu.memref_slice %arg8[%dma_wait3A_70, %dma_wait3A_71] : memref<10000x32xi32, #tpu.memory_space<vmem_shared>> -> memref<10000x32xi32, #tpu.memory_space<vmem_shared>>
      tpu.wait_indirect_dma semaphore(%arg22 : memref<!tpu.dma_semaphore, #tpu.memory_space<semaphore_mem>>) src(%dma_wait3A_72 : memref<10000x32xi32, #tpu.memory_space<vmem_shared>>) dst(%arg16 : memref<100x32xi32, #tpu.memory_space<vmem>>)
      %not3A = arith.constant true
      %not3A_73 = arith.xori %eq3A_41, %not3A : i1
      %convert_element_type3A = arith.extui %not3A_73 : i1 to i32
      %cond3A = arith.constant 0 : i32
      %cond3A_74 = arith.cmpi ne, %convert_element_type3A, %cond3A : i32
      scf.if %cond3A_74 {
        %dma_wait3A_200 = arith.constant 0 : i32
        %dma_wait3A_201 = arith.constant 0 : i32
        %dma_wait3A_202 = tpu.memref_slice %arg11[%dma_wait3A_200, %dma_wait3A_201] : memref<2x100xi32, #tpu.memory_space<vmem>> -> memref<1x100xi32, #tpu.memory_space<vmem>>
        %dma_wait3A_203 = tpu.memref_squeeze %dma_wait3A_202 : memref<1x100xi32, #tpu.memory_space<vmem>> -> memref<100xi32, #tpu.memory_space<vmem>>
        %dma_wait3A_204 = arith.constant 0 : i32
        %dma_wait3A_205 = arith.constant 0 : i32
        %dma_wait3A_206 = tpu.memref_slice %arg9[%dma_wait3A_204, %dma_wait3A_205] : memref<10000x64xf32, #tpu.memory_space<vmem_shared>> -> memref<10000x64xf32, #tpu.memory_space<vmem_shared>>
        tpu.wait_indirect_dma semaphore(%arg24 : memref<!tpu.dma_semaphore, #tpu.memory_space<semaphore_mem>>) src(%arg18 : memref<100x64xf32, #tpu.memory_space<vmem>>) dst(%dma_wait3A_206 : memref<10000x64xf32, #tpu.memory_space<vmem_shared>>)
      } else {
      }
      %parallel_loop3A = arith.constant 0 : i32
      %parallel_loop3A_75 = arith.constant 100 : i32
      %parallel_loop3A_76 = arith.constant 1 : i32
      scf.for %parallel_loop3A_200 = %parallel_loop3A to %parallel_loop3A_75 step %parallel_loop3A_76  : i32 {
        %parallel_loop3A_201 = arith.constant 0 : i32
        %parallel_loop3A_202 = arith.addi %parallel_loop3A_201, %parallel_loop3A_200 : i32
        %parallel_loop3A_203 = arith.index_cast %parallel_loop3A_200 : i32 to index
        %parallel_loop3A_204 = arith.constant 0 : index
        %parallel_loop3A_205 = tpu.vector_load %arg16[%parallel_loop3A_203, %parallel_loop3A_204] {strides = array<i32>} : memref<100x32xi32, #tpu.memory_space<vmem>>, vector<16xi32>,
        %parallel_loop3A_206 = vector.bitcast %parallel_loop3A_205 : vector<16xi32> to vector<32xbf16>
        %parallel_loop3A_207 = arith.index_cast %parallel_loop3A_202 : i32 to index
        %parallel_loop3A_208 = arith.constant 0 : index
        %parallel_loop3A_209 = tpu.vector_load %arg12[%parallel_loop3A_207, %parallel_loop3A_208] {strides = array<i32>} : memref<200x32xi32, #tpu.memory_space<vmem>>, vector<16xi32>,
        %parallel_loop3A_210 = vector.bitcast %parallel_loop3A_209 : vector<16xi32> to vector<32xbf16>
        %parallel_loop3A_211 = arith.addf %parallel_loop3A_206, %parallel_loop3A_210 : vector<32xbf16>
        %parallel_loop3A_212 = arith.constant 0.000000e+00 : bf16
        %parallel_loop3A_213 = vector.broadcast %parallel_loop3A_212 : bf16 to vector<32xbf16>
        %parallel_loop3A_214 = arith.maximumf %parallel_loop3A_211, %parallel_loop3A_213 : vector<32xbf16>
        %parallel_loop3A_215 = tpu.unpack_subelements %parallel_loop3A_214, 0 {pack_format = #tpu.pack_format<interleaved>} : vector<32xbf16> -> vector<16xf32>
        %parallel_loop3A_216 = tpu.unpack_subelements %parallel_loop3A_214, 1 {pack_format = #tpu.pack_format<interleaved>} : vector<32xbf16> -> vector<16xf32>
        %parallel_loop3A_217 = arith.index_cast %parallel_loop3A_200 : i32 to index
        %parallel_loop3A_218 = arith.constant 0 : index
        %parallel_loop3A_219 = tpu.vector_load %arg18[%parallel_loop3A_217, %parallel_loop3A_218] {strides = array<i32>} : memref<100x64xf32, #tpu.memory_space<vmem>>, vector<16xf32>,
        tpu.vector_store %arg18[%parallel_loop3A_217, %parallel_loop3A_218], %parallel_loop3A_215 {strides = array<i32>} : memref<100x64xf32, #tpu.memory_space<vmem>>, vector<16xf32>,
        %parallel_loop3A_220 = arith.index_cast %parallel_loop3A_200 : i32 to index
        %parallel_loop3A_221 = arith.constant 16 : index
        %parallel_loop3A_222 = tpu.vector_load %arg18[%parallel_loop3A_220, %parallel_loop3A_221] {strides = array<i32>} : memref<100x64xf32, #tpu.memory_space<vmem>>, vector<16xf32>,
        tpu.vector_store %arg18[%parallel_loop3A_220, %parallel_loop3A_221], %parallel_loop3A_216 {strides = array<i32>} : memref<100x64xf32, #tpu.memory_space<vmem>>, vector<16xf32>,
        %parallel_loop3A_223 = arith.index_cast %parallel_loop3A_200 : i32 to index
        %parallel_loop3A_224 = arith.constant 16 : index
        %parallel_loop3A_225 = tpu.vector_load %arg16[%parallel_loop3A_223, %parallel_loop3A_224] {strides = array<i32>} : memref<100x32xi32, #tpu.memory_space<vmem>>, vector<16xi32>,
        %parallel_loop3A_226 = vector.bitcast %parallel_loop3A_225 : vector<16xi32> to vector<32xbf16>
        %parallel_loop3A_227 = arith.index_cast %parallel_loop3A_202 : i32 to index
        %parallel_loop3A_228 = arith.constant 16 : index
        %parallel_loop3A_229 = tpu.vector_load %arg12[%parallel_loop3A_227, %parallel_loop3A_228] {strides = array<i32>} : memref<200x32xi32, #tpu.memory_space<vmem>>, vector<16xi32>,
        %parallel_loop3A_230 = vector.bitcast %parallel_loop3A_229 : vector<16xi32> to vector<32xbf16>
        %parallel_loop3A_231 = arith.addf %parallel_loop3A_226, %parallel_loop3A_230 : vector<32xbf16>
        %parallel_loop3A_232 = arith.constant 0.000000e+00 : bf16
        %parallel_loop3A_233 = vector.broadcast %parallel_loop3A_232 : bf16 to vector<32xbf16>
        %parallel_loop3A_234 = arith.maximumf %parallel_loop3A_231, %parallel_loop3A_233 : vector<32xbf16>
        %parallel_loop3A_235 = tpu.unpack_subelements %parallel_loop3A_234, 0 {pack_format = #tpu.pack_format<interleaved>} : vector<32xbf16> -> vector<16xf32>
        %parallel_loop3A_236 = tpu.unpack_subelements %parallel_loop3A_234, 1 {pack_format = #tpu.pack_format<interleaved>} : vector<32xbf16> -> vector<16xf32>
        %parallel_loop3A_237 = arith.index_cast %parallel_loop3A_200 : i32 to index
        %parallel_loop3A_238 = arith.constant 32 : index
        %parallel_loop3A_239 = tpu.vector_load %arg18[%parallel_loop3A_237, %parallel_loop3A_238] {strides = array<i32>} : memref<100x64xf32, #tpu.memory_space<vmem>>, vector<16xf32>,
        tpu.vector_store %arg18[%parallel_loop3A_237, %parallel_loop3A_238], %parallel_loop3A_235 {strides = array<i32>} : memref<100x64xf32, #tpu.memory_space<vmem>>, vector<16xf32>,
        %parallel_loop3A_240 = arith.index_cast %parallel_loop3A_200 : i32 to index
        %parallel_loop3A_241 = arith.constant 48 : index
        %parallel_loop3A_242 = tpu.vector_load %arg18[%parallel_loop3A_240, %parallel_loop3A_241] {strides = array<i32>} : memref<100x64xf32, #tpu.memory_space<vmem>>, vector<16xf32>,
        tpu.vector_store %arg18[%parallel_loop3A_240, %parallel_loop3A_241], %parallel_loop3A_236 {strides = array<i32>} : memref<100x64xf32, #tpu.memory_space<vmem>>, vector<16xf32>,
      } {sc.loop_unroll_factor = 4 : i64, sc.parallel_access}
      %dma_start3A_77 = arith.constant 0 : i32
      %dma_start3A_78 = arith.constant 0 : i32
      %dma_start3A_79 = tpu.memref_slice %arg11[%dma_start3A_77, %dma_start3A_78] : memref<2x100xi32, #tpu.memory_space<vmem>> -> memref<1x100xi32, #tpu.memory_space<vmem>>
      %dma_start3A_80 = tpu.memref_squeeze %dma_start3A_79 : memref<1x100xi32, #tpu.memory_space<vmem>> -> memref<100xi32, #tpu.memory_space<vmem>>
      %dma_start3A_81 = arith.constant 0 : i32
      %dma_start3A_82 = arith.constant 0 : i32
      %dma_start3A_83 = tpu.memref_slice %arg9[%dma_start3A_81, %dma_start3A_82] : memref<10000x64xf32, #tpu.memory_space<vmem_shared>> -> memref<10000x64xf32, #tpu.memory_space<vmem_shared>>
      tpu.enqueue_indirect_dma source(%arg18 : memref<100x64xf32, #tpu.memory_space<vmem>>) target(%dma_start3A_83 : memref<10000x64xf32, #tpu.memory_space<vmem_shared>>) offsets(%dma_start3A_80 : memref<100xi32, #tpu.memory_space<vmem>>) semaphore(%arg24 : memref<!tpu.dma_semaphore, #tpu.memory_space<semaphore_mem>>) {add = true}
      %dma_wait3A_84 = arith.constant 1 : i32
      %dma_wait3A_85 = arith.constant 0 : i32
      %dma_wait3A_86 = tpu.memref_slice %arg10[%dma_wait3A_84, %dma_wait3A_85] : memref<2x100xi32, #tpu.memory_space<vmem>> -> memref<1x100xi32, #tpu.memory_space<vmem>>
      %dma_wait3A_87 = tpu.memref_squeeze %dma_wait3A_86 : memref<1x100xi32, #tpu.memory_space<vmem>> -> memref<100xi32, #tpu.memory_space<vmem>>
      %dma_wait3A_88 = arith.constant 0 : i32
      %dma_wait3A_89 = arith.constant 0 : i32
      %dma_wait3A_90 = tpu.memref_slice %arg8[%dma_wait3A_88, %dma_wait3A_89] : memref<10000x32xi32, #tpu.memory_space<vmem_shared>> -> memref<10000x32xi32, #tpu.memory_space<vmem_shared>>
      tpu.wait_indirect_dma semaphore(%arg23 : memref<!tpu.dma_semaphore, #tpu.memory_space<semaphore_mem>>) src(%dma_wait3A_90 : memref<10000x32xi32, #tpu.memory_space<vmem_shared>>) dst(%arg17 : memref<100x32xi32, #tpu.memory_space<vmem>>)
      %not3A_91 = arith.constant true
      %not3A_92 = arith.xori %eq3A_41, %not3A_91 : i1
      %convert_element_type3A_93 = arith.extui %not3A_92 : i1 to i32
      %cond3A_94 = arith.constant 0 : i32
      %cond3A_95 = arith.cmpi ne, %convert_element_type3A_93, %cond3A_94 : i32
      scf.if %cond3A_95 {
        %dma_wait3A_200 = arith.constant 1 : i32
        %dma_wait3A_201 = arith.constant 0 : i32
        %dma_wait3A_202 = tpu.memref_slice %arg11[%dma_wait3A_200, %dma_wait3A_201] : memref<2x100xi32, #tpu.memory_space<vmem>> -> memref<1x100xi32, #tpu.memory_space<vmem>>
        %dma_wait3A_203 = tpu.memref_squeeze %dma_wait3A_202 : memref<1x100xi32, #tpu.memory_space<vmem>> -> memref<100xi32, #tpu.memory_space<vmem>>
        %dma_wait3A_204 = arith.constant 0 : i32
        %dma_wait3A_205 = arith.constant 0 : i32
        %dma_wait3A_206 = tpu.memref_slice %arg9[%dma_wait3A_204, %dma_wait3A_205] : memref<10000x64xf32, #tpu.memory_space<vmem_shared>> -> memref<10000x64xf32, #tpu.memory_space<vmem_shared>>
        tpu.wait_indirect_dma semaphore(%arg25 : memref<!tpu.dma_semaphore, #tpu.memory_space<semaphore_mem>>) src(%arg19 : memref<100x64xf32, #tpu.memory_space<vmem>>) dst(%dma_wait3A_206 : memref<10000x64xf32, #tpu.memory_space<vmem_shared>>)
      } else {
      }
      %mul3A_96 = arith.constant 2 : i32
      %mul3A_97 = arith.muli %mul3A_96, %scan3A_40 : i32
      %add3A_98 = arith.constant 1 : i32
      %add3A_99 = arith.addi %mul3A_97, %add3A_98 : i32
      %mul3A_100 = arith.constant 2 : i32
      %mul3A_101 = arith.muli %add3A_99, %mul3A_100 : i32
      %add3A_102 = arith.addi %mul3A_4, %mul3A_101 : i32
      %mul3A_103 = arith.constant 200 : i32
      %mul3A_104 = arith.muli %add3A_99, %mul3A_103 : i32
      %add3A_105 = arith.addi %mul3A_6, %mul3A_104 : i32
      %dma_start3A_106 = arith.constant 0 : i32
      %dma_start3A_107 = tpu.memref_slice %arg4[%add3A_102, %dma_start3A_106] : memref<3200x100xi32, #tpu.memory_space<hbm>> -> memref<2x100xi32, #tpu.memory_space<hbm>>
      %dma_start3A_108 = arith.constant 0 : i32
      %dma_start3A_109 = tpu.memref_slice %arg4[%add3A_102, %dma_start3A_108] : memref<3200x100xi32, #tpu.memory_space<hbm>> -> memref<2x100xi32, #tpu.memory_space<hbm>>
      tpu.enqueue_dma source(%dma_start3A_109 : memref<2x100xi32, #tpu.memory_space<hbm>>) target(%arg13 : memref<2x100xi32, #tpu.memory_space<vmem>>) target_semaphore(%arg21 : memref<!tpu.dma_semaphore, #tpu.memory_space<semaphore_mem>>)
      %dma_start3A_110 = arith.constant 0 : i32
      %dma_start3A_111 = tpu.memref_slice %arg5[%add3A_102, %dma_start3A_110] : memref<3200x100xi32, #tpu.memory_space<hbm>> -> memref<2x100xi32, #tpu.memory_space<hbm>>
      %dma_start3A_112 = arith.constant 0 : i32
      %dma_start3A_113 = tpu.memref_slice %arg5[%add3A_102, %dma_start3A_112] : memref<3200x100xi32, #tpu.memory_space<hbm>> -> memref<2x100xi32, #tpu.memory_space<hbm>>
      tpu.enqueue_dma source(%dma_start3A_113 : memref<2x100xi32, #tpu.memory_space<hbm>>) target(%arg14 : memref<2x100xi32, #tpu.memory_space<vmem>>) target_semaphore(%arg21 : memref<!tpu.dma_semaphore, #tpu.memory_space<semaphore_mem>>)
      %dma_start3A_114 = tpu.memref_slice %arg3[%add3A_105, %mul3A_0] : memref<320000x64xi32, #tpu.memory_space<hbm>> -> memref<200x32xi32, #tpu.memory_space<hbm>>
      %dma_start3A_115 = tpu.memref_slice %arg3[%add3A_105, %mul3A_0] : memref<320000x64xi32, #tpu.memory_space<hbm>> -> memref<200x32xi32, #tpu.memory_space<hbm>>
      tpu.enqueue_dma source(%dma_start3A_115 : memref<200x32xi32, #tpu.memory_space<hbm>>) target(%arg15 : memref<200x32xi32, #tpu.memory_space<vmem>>) target_semaphore(%arg21 : memref<!tpu.dma_semaphore, #tpu.memory_space<semaphore_mem>>)
      %parallel_loop3A_116 = arith.constant 0 : i32
      %parallel_loop3A_117 = arith.constant 100 : i32
      %parallel_loop3A_118 = arith.constant 1 : i32
      scf.for %parallel_loop3A_200 = %parallel_loop3A_116 to %parallel_loop3A_117 step %parallel_loop3A_118  : i32 {
        %parallel_loop3A_201 = arith.constant 100 : i32
        %parallel_loop3A_202 = arith.addi %parallel_loop3A_201, %parallel_loop3A_200 : i32
        %parallel_loop3A_203 = arith.index_cast %parallel_loop3A_200 : i32 to index
        %parallel_loop3A_204 = arith.constant 0 : index
        %parallel_loop3A_205 = tpu.vector_load %arg17[%parallel_loop3A_203, %parallel_loop3A_204] {strides = array<i32>} : memref<100x32xi32, #tpu.memory_space<vmem>>, vector<16xi32>,
        %parallel_loop3A_206 = vector.bitcast %parallel_loop3A_205 : vector<16xi32> to vector<32xbf16>
        %parallel_loop3A_207 = arith.index_cast %parallel_loop3A_202 : i32 to index
        %parallel_loop3A_208 = arith.constant 0 : index
        %parallel_loop3A_209 = tpu.vector_load %arg12[%parallel_loop3A_207, %parallel_loop3A_208] {strides = array<i32>} : memref<200x32xi32, #tpu.memory_space<vmem>>, vector<16xi32>,
        %parallel_loop3A_210 = vector.bitcast %parallel_loop3A_209 : vector<16xi32> to vector<32xbf16>
        %parallel_loop3A_211 = arith.addf %parallel_loop3A_206, %parallel_loop3A_210 : vector<32xbf16>
        %parallel_loop3A_212 = arith.constant 0.000000e+00 : bf16
        %parallel_loop3A_213 = vector.broadcast %parallel_loop3A_212 : bf16 to vector<32xbf16>
        %parallel_loop3A_214 = arith.maximumf %parallel_loop3A_211, %parallel_loop3A_213 : vector<32xbf16>
        %parallel_loop3A_215 = tpu.unpack_subelements %parallel_loop3A_214, 0 {pack_format = #tpu.pack_format<interleaved>} : vector<32xbf16> -> vector<16xf32>
        %parallel_loop3A_216 = tpu.unpack_subelements %parallel_loop3A_214, 1 {pack_format = #tpu.pack_format<interleaved>} : vector<32xbf16> -> vector<16xf32>
        %parallel_loop3A_217 = arith.index_cast %parallel_loop3A_200 : i32 to index
        %parallel_loop3A_218 = arith.constant 0 : index
        %parallel_loop3A_219 = tpu.vector_load %arg19[%parallel_loop3A_217, %parallel_loop3A_218] {strides = array<i32>} : memref<100x64xf32, #tpu.memory_space<vmem>>, vector<16xf32>,
        tpu.vector_store %arg19[%parallel_loop3A_217, %parallel_loop3A_218], %parallel_loop3A_215 {strides = array<i32>} : memref<100x64xf32, #tpu.memory_space<vmem>>, vector<16xf32>,
        %parallel_loop3A_220 = arith.index_cast %parallel_loop3A_200 : i32 to index
        %parallel_loop3A_221 = arith.constant 16 : index
        %parallel_loop3A_222 = tpu.vector_load %arg19[%parallel_loop3A_220, %parallel_loop3A_221] {strides = array<i32>} : memref<100x64xf32, #tpu.memory_space<vmem>>, vector<16xf32>,
        tpu.vector_store %arg19[%parallel_loop3A_220, %parallel_loop3A_221], %parallel_loop3A_216 {strides = array<i32>} : memref<100x64xf32, #tpu.memory_space<vmem>>, vector<16xf32>,
        %parallel_loop3A_223 = arith.index_cast %parallel_loop3A_200 : i32 to index
        %parallel_loop3A_224 = arith.constant 16 : index
        %parallel_loop3A_225 = tpu.vector_load %arg17[%parallel_loop3A_223, %parallel_loop3A_224] {strides = array<i32>} : memref<100x32xi32, #tpu.memory_space<vmem>>, vector<16xi32>,
        %parallel_loop3A_226 = vector.bitcast %parallel_loop3A_225 : vector<16xi32> to vector<32xbf16>
        %parallel_loop3A_227 = arith.index_cast %parallel_loop3A_202 : i32 to index
        %parallel_loop3A_228 = arith.constant 16 : index
        %parallel_loop3A_229 = tpu.vector_load %arg12[%parallel_loop3A_227, %parallel_loop3A_228] {strides = array<i32>} : memref<200x32xi32, #tpu.memory_space<vmem>>, vector<16xi32>,
        %parallel_loop3A_230 = vector.bitcast %parallel_loop3A_229 : vector<16xi32> to vector<32xbf16>
        %parallel_loop3A_231 = arith.addf %parallel_loop3A_226, %parallel_loop3A_230 : vector<32xbf16>
        %parallel_loop3A_232 = arith.constant 0.000000e+00 : bf16
        %parallel_loop3A_233 = vector.broadcast %parallel_loop3A_232 : bf16 to vector<32xbf16>
        %parallel_loop3A_234 = arith.maximumf %parallel_loop3A_231, %parallel_loop3A_233 : vector<32xbf16>
        %parallel_loop3A_235 = tpu.unpack_subelements %parallel_loop3A_234, 0 {pack_format = #tpu.pack_format<interleaved>} : vector<32xbf16> -> vector<16xf32>
        %parallel_loop3A_236 = tpu.unpack_subelements %parallel_loop3A_234, 1 {pack_format = #tpu.pack_format<interleaved>} : vector<32xbf16> -> vector<16xf32>
        %parallel_loop3A_237 = arith.index_cast %parallel_loop3A_200 : i32 to index
        %parallel_loop3A_238 = arith.constant 32 : index
        %parallel_loop3A_239 = tpu.vector_load %arg19[%parallel_loop3A_237, %parallel_loop3A_238] {strides = array<i32>} : memref<100x64xf32, #tpu.memory_space<vmem>>, vector<16xf32>,
        tpu.vector_store %arg19[%parallel_loop3A_237, %parallel_loop3A_238], %parallel_loop3A_235 {strides = array<i32>} : memref<100x64xf32, #tpu.memory_space<vmem>>, vector<16xf32>,
        %parallel_loop3A_240 = arith.index_cast %parallel_loop3A_200 : i32 to index
        %parallel_loop3A_241 = arith.constant 48 : index
        %parallel_loop3A_242 = tpu.vector_load %arg19[%parallel_loop3A_240, %parallel_loop3A_241] {strides = array<i32>} : memref<100x64xf32, #tpu.memory_space<vmem>>, vector<16xf32>,
        tpu.vector_store %arg19[%parallel_loop3A_240, %parallel_loop3A_241], %parallel_loop3A_236 {strides = array<i32>} : memref<100x64xf32, #tpu.memory_space<vmem>>, vector<16xf32>,
      } {sc.loop_unroll_factor = 4 : i64, sc.parallel_access}
      %dma_start3A_119 = arith.constant 1 : i32
      %dma_start3A_120 = arith.constant 0 : i32
      %dma_start3A_121 = tpu.memref_slice %arg11[%dma_start3A_119, %dma_start3A_120] : memref<2x100xi32, #tpu.memory_space<vmem>> -> memref<1x100xi32, #tpu.memory_space<vmem>>
      %dma_start3A_122 = tpu.memref_squeeze %dma_start3A_121 : memref<1x100xi32, #tpu.memory_space<vmem>> -> memref<100xi32, #tpu.memory_space<vmem>>
      %dma_start3A_123 = arith.constant 0 : i32
      %dma_start3A_124 = arith.constant 0 : i32
      %dma_start3A_125 = tpu.memref_slice %arg9[%dma_start3A_123, %dma_start3A_124] : memref<10000x64xf32, #tpu.memory_space<vmem_shared>> -> memref<10000x64xf32, #tpu.memory_space<vmem_shared>>
      tpu.enqueue_indirect_dma source(%arg19 : memref<100x64xf32, #tpu.memory_space<vmem>>) target(%dma_start3A_125 : memref<10000x64xf32, #tpu.memory_space<vmem_shared>>) offsets(%dma_start3A_122 : memref<100xi32, #tpu.memory_space<vmem>>) semaphore(%arg25 : memref<!tpu.dma_semaphore, #tpu.memory_space<semaphore_mem>>) {add = true}
      %dma_wait3A_126 = arith.constant 0 : i32
      %dma_wait3A_127 = tpu.memref_slice %arg4[%mul3A_4, %dma_wait3A_126] : memref<3200x100xi32, #tpu.memory_space<hbm>> -> memref<2x100xi32, #tpu.memory_space<hbm>>
      %dma_wait3A_128 = arith.constant 0 : i32
      %dma_wait3A_129 = tpu.memref_slice %arg4[%mul3A_4, %dma_wait3A_128] : memref<3200x100xi32, #tpu.memory_space<hbm>> -> memref<2x100xi32, #tpu.memory_space<hbm>>
      tpu.wait_dma2 semaphore(%arg21 : memref<!tpu.dma_semaphore, #tpu.memory_space<semaphore_mem>>) src(%dma_wait3A_129 : memref<2x100xi32, #tpu.memory_space<hbm>>) dst(%arg13 : memref<2x100xi32, #tpu.memory_space<vmem>>)
      %dma_wait3A_130 = arith.constant 0 : i32
      %dma_wait3A_131 = tpu.memref_slice %arg5[%mul3A_4, %dma_wait3A_130] : memref<3200x100xi32, #tpu.memory_space<hbm>> -> memref<2x100xi32, #tpu.memory_space<hbm>>
      %dma_wait3A_132 = arith.constant 0 : i32
      %dma_wait3A_133 = tpu.memref_slice %arg5[%mul3A_4, %dma_wait3A_132] : memref<3200x100xi32, #tpu.memory_space<hbm>> -> memref<2x100xi32, #tpu.memory_space<hbm>>
      tpu.wait_dma2 semaphore(%arg21 : memref<!tpu.dma_semaphore, #tpu.memory_space<semaphore_mem>>) src(%dma_wait3A_133 : memref<2x100xi32, #tpu.memory_space<hbm>>) dst(%arg14 : memref<2x100xi32, #tpu.memory_space<vmem>>)
      %dma_wait3A_134 = tpu.memref_slice %arg3[%mul3A_6, %mul3A_0] : memref<320000x64xi32, #tpu.memory_space<hbm>> -> memref<200x32xi32, #tpu.memory_space<hbm>>
      %dma_wait3A_135 = tpu.memref_slice %arg3[%mul3A_6, %mul3A_0] : memref<320000x64xi32, #tpu.memory_space<hbm>> -> memref<200x32xi32, #tpu.memory_space<hbm>>
      tpu.wait_dma2 semaphore(%arg21 : memref<!tpu.dma_semaphore, #tpu.memory_space<semaphore_mem>>) src(%dma_wait3A_135 : memref<200x32xi32, #tpu.memory_space<hbm>>) dst(%arg15 : memref<200x32xi32, #tpu.memory_space<vmem>>)
      %dma_start3A_136 = arith.constant 0 : i32
      %dma_start3A_137 = arith.constant 0 : i32
      %dma_start3A_138 = tpu.memref_slice %arg13[%dma_start3A_136, %dma_start3A_137] : memref<2x100xi32, #tpu.memory_space<vmem>> -> memref<1x100xi32, #tpu.memory_space<vmem>>
      %dma_start3A_139 = tpu.memref_squeeze %dma_start3A_138 : memref<1x100xi32, #tpu.memory_space<vmem>> -> memref<100xi32, #tpu.memory_space<vmem>>
      %dma_start3A_140 = arith.constant 0 : i32
      %dma_start3A_141 = arith.constant 0 : i32
      %dma_start3A_142 = tpu.memref_slice %arg8[%dma_start3A_140, %dma_start3A_141] : memref<10000x32xi32, #tpu.memory_space<vmem_shared>> -> memref<10000x32xi32, #tpu.memory_space<vmem_shared>>
      tpu.enqueue_indirect_dma source(%dma_start3A_142 : memref<10000x32xi32, #tpu.memory_space<vmem_shared>>) target(%arg16 : memref<100x32xi32, #tpu.memory_space<vmem>>) offsets(%dma_start3A_139 : memref<100xi32, #tpu.memory_space<vmem>>) semaphore(%arg22 : memref<!tpu.dma_semaphore, #tpu.memory_space<semaphore_mem>>)
      %dma_start3A_143 = arith.constant 1 : i32
      %dma_start3A_144 = arith.constant 0 : i32
      %dma_start3A_145 = tpu.memref_slice %arg13[%dma_start3A_143, %dma_start3A_144] : memref<2x100xi32, #tpu.memory_space<vmem>> -> memref<1x100xi32, #tpu.memory_space<vmem>>
      %dma_start3A_146 = tpu.memref_squeeze %dma_start3A_145 : memref<1x100xi32, #tpu.memory_space<vmem>> -> memref<100xi32, #tpu.memory_space<vmem>>
      %dma_start3A_147 = arith.constant 0 : i32
      %dma_start3A_148 = arith.constant 0 : i32
      %dma_start3A_149 = tpu.memref_slice %arg8[%dma_start3A_147, %dma_start3A_148] : memref<10000x32xi32, #tpu.memory_space<vmem_shared>> -> memref<10000x32xi32, #tpu.memory_space<vmem_shared>>
      tpu.enqueue_indirect_dma source(%dma_start3A_149 : memref<10000x32xi32, #tpu.memory_space<vmem_shared>>) target(%arg17 : memref<100x32xi32, #tpu.memory_space<vmem>>) offsets(%dma_start3A_146 : memref<100xi32, #tpu.memory_space<vmem>>) semaphore(%arg23 : memref<!tpu.dma_semaphore, #tpu.memory_space<semaphore_mem>>)
      %dma_wait3A_150 = arith.constant 0 : i32
      %dma_wait3A_151 = arith.constant 0 : i32
      %dma_wait3A_152 = tpu.memref_slice %arg13[%dma_wait3A_150, %dma_wait3A_151] : memref<2x100xi32, #tpu.memory_space<vmem>> -> memref<1x100xi32, #tpu.memory_space<vmem>>
      %dma_wait3A_153 = tpu.memref_squeeze %dma_wait3A_152 : memref<1x100xi32, #tpu.memory_space<vmem>> -> memref<100xi32, #tpu.memory_space<vmem>>
      %dma_wait3A_154 = arith.constant 0 : i32
      %dma_wait3A_155 = arith.constant 0 : i32
      %dma_wait3A_156 = tpu.memref_slice %arg8[%dma_wait3A_154, %dma_wait3A_155] : memref<10000x32xi32, #tpu.memory_space<vmem_shared>> -> memref<10000x32xi32, #tpu.memory_space<vmem_shared>>
      tpu.wait_indirect_dma semaphore(%arg22 : memref<!tpu.dma_semaphore, #tpu.memory_space<semaphore_mem>>) src(%dma_wait3A_156 : memref<10000x32xi32, #tpu.memory_space<vmem_shared>>) dst(%arg16 : memref<100x32xi32, #tpu.memory_space<vmem>>)
      %not3A_157 = arith.constant false
      %not3A_158 = arith.constant true
      %not3A_159 = arith.xori %not3A_157, %not3A_158 : i1
      %convert_element_type3A_160 = arith.extui %not3A_159 : i1 to i32
      %cond3A_161 = arith.constant 0 : i32
      %cond3A_162 = arith.cmpi ne, %convert_element_type3A_160, %cond3A_161 : i32
      scf.if %cond3A_162 {
        %dma_wait3A_200 = arith.constant 0 : i32
        %dma_wait3A_201 = arith.constant 0 : i32
        %dma_wait3A_202 = tpu.memref_slice %arg14[%dma_wait3A_200, %dma_wait3A_201] : memref<2x100xi32, #tpu.memory_space<vmem>> -> memref<1x100xi32, #tpu.memory_space<vmem>>
        %dma_wait3A_203 = tpu.memref_squeeze %dma_wait3A_202 : memref<1x100xi32, #tpu.memory_space<vmem>> -> memref<100xi32, #tpu.memory_space<vmem>>
        %dma_wait3A_204 = arith.constant 0 : i32
        %dma_wait3A_205 = arith.constant 0 : i32
        %dma_wait3A_206 = tpu.memref_slice %arg9[%dma_wait3A_204, %dma_wait3A_205] : memref<10000x64xf32, #tpu.memory_space<vmem_shared>> -> memref<10000x64xf32, #tpu.memory_space<vmem_shared>>
        tpu.wait_indirect_dma semaphore(%arg24 : memref<!tpu.dma_semaphore, #tpu.memory_space<semaphore_mem>>) src(%arg18 : memref<100x64xf32, #tpu.memory_space<vmem>>) dst(%dma_wait3A_206 : memref<10000x64xf32, #tpu.memory_space<vmem_shared>>)
      } else {
      }
      %parallel_loop3A_163 = arith.constant 0 : i32
      %parallel_loop3A_164 = arith.constant 100 : i32
      %parallel_loop3A_165 = arith.constant 1 : i32
      scf.for %parallel_loop3A_200 = %parallel_loop3A_163 to %parallel_loop3A_164 step %parallel_loop3A_165  : i32 {
        %parallel_loop3A_201 = arith.constant 0 : i32
        %parallel_loop3A_202 = arith.addi %parallel_loop3A_201, %parallel_loop3A_200 : i32
        %parallel_loop3A_203 = arith.index_cast %parallel_loop3A_200 : i32 to index
        %parallel_loop3A_204 = arith.constant 0 : index
        %parallel_loop3A_205 = tpu.vector_load %arg16[%parallel_loop3A_203, %parallel_loop3A_204] {strides = array<i32>} : memref<100x32xi32, #tpu.memory_space<vmem>>, vector<16xi32>,
        %parallel_loop3A_206 = vector.bitcast %parallel_loop3A_205 : vector<16xi32> to vector<32xbf16>
        %parallel_loop3A_207 = arith.index_cast %parallel_loop3A_202 : i32 to index
        %parallel_loop3A_208 = arith.constant 0 : index
        %parallel_loop3A_209 = tpu.vector_load %arg15[%parallel_loop3A_207, %parallel_loop3A_208] {strides = array<i32>} : memref<200x32xi32, #tpu.memory_space<vmem>>, vector<16xi32>,
        %parallel_loop3A_210 = vector.bitcast %parallel_loop3A_209 : vector<16xi32> to vector<32xbf16>
        %parallel_loop3A_211 = arith.addf %parallel_loop3A_206, %parallel_loop3A_210 : vector<32xbf16>
        %parallel_loop3A_212 = arith.constant 0.000000e+00 : bf16
        %parallel_loop3A_213 = vector.broadcast %parallel_loop3A_212 : bf16 to vector<32xbf16>
        %parallel_loop3A_214 = arith.maximumf %parallel_loop3A_211, %parallel_loop3A_213 : vector<32xbf16>
        %parallel_loop3A_215 = tpu.unpack_subelements %parallel_loop3A_214, 0 {pack_format = #tpu.pack_format<interleaved>} : vector<32xbf16> -> vector<16xf32>
        %parallel_loop3A_216 = tpu.unpack_subelements %parallel_loop3A_214, 1 {pack_format = #tpu.pack_format<interleaved>} : vector<32xbf16> -> vector<16xf32>
        %parallel_loop3A_217 = arith.index_cast %parallel_loop3A_200 : i32 to index
        %parallel_loop3A_218 = arith.constant 0 : index
        %parallel_loop3A_219 = tpu.vector_load %arg18[%parallel_loop3A_217, %parallel_loop3A_218] {strides = array<i32>} : memref<100x64xf32, #tpu.memory_space<vmem>>, vector<16xf32>,
        tpu.vector_store %arg18[%parallel_loop3A_217, %parallel_loop3A_218], %parallel_loop3A_215 {strides = array<i32>} : memref<100x64xf32, #tpu.memory_space<vmem>>, vector<16xf32>,
        %parallel_loop3A_220 = arith.index_cast %parallel_loop3A_200 : i32 to index
        %parallel_loop3A_221 = arith.constant 16 : index
        %parallel_loop3A_222 = tpu.vector_load %arg18[%parallel_loop3A_220, %parallel_loop3A_221] {strides = array<i32>} : memref<100x64xf32, #tpu.memory_space<vmem>>, vector<16xf32>,
        tpu.vector_store %arg18[%parallel_loop3A_220, %parallel_loop3A_221], %parallel_loop3A_216 {strides = array<i32>} : memref<100x64xf32, #tpu.memory_space<vmem>>, vector<16xf32>,
        %parallel_loop3A_223 = arith.index_cast %parallel_loop3A_200 : i32 to index
        %parallel_loop3A_224 = arith.constant 16 : index
        %parallel_loop3A_225 = tpu.vector_load %arg16[%parallel_loop3A_223, %parallel_loop3A_224] {strides = array<i32>} : memref<100x32xi32, #tpu.memory_space<vmem>>, vector<16xi32>,
        %parallel_loop3A_226 = vector.bitcast %parallel_loop3A_225 : vector<16xi32> to vector<32xbf16>
        %parallel_loop3A_227 = arith.index_cast %parallel_loop3A_202 : i32 to index
        %parallel_loop3A_228 = arith.constant 16 : index
        %parallel_loop3A_229 = tpu.vector_load %arg15[%parallel_loop3A_227, %parallel_loop3A_228] {strides = array<i32>} : memref<200x32xi32, #tpu.memory_space<vmem>>, vector<16xi32>,
        %parallel_loop3A_230 = vector.bitcast %parallel_loop3A_229 : vector<16xi32> to vector<32xbf16>
        %parallel_loop3A_231 = arith.addf %parallel_loop3A_226, %parallel_loop3A_230 : vector<32xbf16>
        %parallel_loop3A_232 = arith.constant 0.000000e+00 : bf16
        %parallel_loop3A_233 = vector.broadcast %parallel_loop3A_232 : bf16 to vector<32xbf16>
        %parallel_loop3A_234 = arith.maximumf %parallel_loop3A_231, %parallel_loop3A_233 : vector<32xbf16>
        %parallel_loop3A_235 = tpu.unpack_subelements %parallel_loop3A_234, 0 {pack_format = #tpu.pack_format<interleaved>} : vector<32xbf16> -> vector<16xf32>
        %parallel_loop3A_236 = tpu.unpack_subelements %parallel_loop3A_234, 1 {pack_format = #tpu.pack_format<interleaved>} : vector<32xbf16> -> vector<16xf32>
        %parallel_loop3A_237 = arith.index_cast %parallel_loop3A_200 : i32 to index
        %parallel_loop3A_238 = arith.constant 32 : index
        %parallel_loop3A_239 = tpu.vector_load %arg18[%parallel_loop3A_237, %parallel_loop3A_238] {strides = array<i32>} : memref<100x64xf32, #tpu.memory_space<vmem>>, vector<16xf32>,
        tpu.vector_store %arg18[%parallel_loop3A_237, %parallel_loop3A_238], %parallel_loop3A_235 {strides = array<i32>} : memref<100x64xf32, #tpu.memory_space<vmem>>, vector<16xf32>,
        %parallel_loop3A_240 = arith.index_cast %parallel_loop3A_200 : i32 to index
        %parallel_loop3A_241 = arith.constant 48 : index
        %parallel_loop3A_242 = tpu.vector_load %arg18[%parallel_loop3A_240, %parallel_loop3A_241] {strides = array<i32>} : memref<100x64xf32, #tpu.memory_space<vmem>>, vector<16xf32>,
        tpu.vector_store %arg18[%parallel_loop3A_240, %parallel_loop3A_241], %parallel_loop3A_236 {strides = array<i32>} : memref<100x64xf32, #tpu.memory_space<vmem>>, vector<16xf32>,
      } {sc.loop_unroll_factor = 4 : i64, sc.parallel_access}
      %dma_start3A_166 = arith.constant 0 : i32
      %dma_start3A_167 = arith.constant 0 : i32
      %dma_start3A_168 = tpu.memref_slice %arg14[%dma_start3A_166, %dma_start3A_167] : memref<2x100xi32, #tpu.memory_space<vmem>> -> memref<1x100xi32, #tpu.memory_space<vmem>>
      %dma_start3A_169 = tpu.memref_squeeze %dma_start3A_168 : memref<1x100xi32, #tpu.memory_space<vmem>> -> memref<100xi32, #tpu.memory_space<vmem>>
      %dma_start3A_170 = arith.constant 0 : i32
      %dma_start3A_171 = arith.constant 0 : i32
      %dma_start3A_172 = tpu.memref_slice %arg9[%dma_start3A_170, %dma_start3A_171] : memref<10000x64xf32, #tpu.memory_space<vmem_shared>> -> memref<10000x64xf32, #tpu.memory_space<vmem_shared>>
      tpu.enqueue_indirect_dma source(%arg18 : memref<100x64xf32, #tpu.memory_space<vmem>>) target(%dma_start3A_172 : memref<10000x64xf32, #tpu.memory_space<vmem_shared>>) offsets(%dma_start3A_169 : memref<100xi32, #tpu.memory_space<vmem>>) semaphore(%arg24 : memref<!tpu.dma_semaphore, #tpu.memory_space<semaphore_mem>>) {add = true}
      %dma_wait3A_173 = arith.constant 1 : i32
      %dma_wait3A_174 = arith.constant 0 : i32
      %dma_wait3A_175 = tpu.memref_slice %arg13[%dma_wait3A_173, %dma_wait3A_174] : memref<2x100xi32, #tpu.memory_space<vmem>> -> memref<1x100xi32, #tpu.memory_space<vmem>>
      %dma_wait3A_176 = tpu.memref_squeeze %dma_wait3A_175 : memref<1x100xi32, #tpu.memory_space<vmem>> -> memref<100xi32, #tpu.memory_space<vmem>>
      %dma_wait3A_177 = arith.constant 0 : i32
      %dma_wait3A_178 = arith.constant 0 : i32
      %dma_wait3A_179 = tpu.memref_slice %arg8[%dma_wait3A_177, %dma_wait3A_178] : memref<10000x32xi32, #tpu.memory_space<vmem_shared>> -> memref<10000x32xi32, #tpu.memory_space<vmem_shared>>
      tpu.wait_indirect_dma semaphore(%arg23 : memref<!tpu.dma_semaphore, #tpu.memory_space<semaphore_mem>>) src(%dma_wait3A_179 : memref<10000x32xi32, #tpu.memory_space<vmem_shared>>) dst(%arg17 : memref<100x32xi32, #tpu.memory_space<vmem>>)
      %not3A_180 = arith.constant false
      %not3A_181 = arith.constant true
      %not3A_182 = arith.xori %not3A_180, %not3A_181 : i1
      %convert_element_type3A_183 = arith.extui %not3A_182 : i1 to i32
      %cond3A_184 = arith.constant 0 : i32
      %cond3A_185 = arith.cmpi ne, %convert_element_type3A_183, %cond3A_184 : i32
      scf.if %cond3A_185 {
        %dma_wait3A_200 = arith.constant 1 : i32
        %dma_wait3A_201 = arith.constant 0 : i32
        %dma_wait3A_202 = tpu.memref_slice %arg14[%dma_wait3A_200, %dma_wait3A_201] : memref<2x100xi32, #tpu.memory_space<vmem>> -> memref<1x100xi32, #tpu.memory_space<vmem>>
        %dma_wait3A_203 = tpu.memref_squeeze %dma_wait3A_202 : memref<1x100xi32, #tpu.memory_space<vmem>> -> memref<100xi32, #tpu.memory_space<vmem>>
        %dma_wait3A_204 = arith.constant 0 : i32
        %dma_wait3A_205 = arith.constant 0 : i32
        %dma_wait3A_206 = tpu.memref_slice %arg9[%dma_wait3A_204, %dma_wait3A_205] : memref<10000x64xf32, #tpu.memory_space<vmem_shared>> -> memref<10000x64xf32, #tpu.memory_space<vmem_shared>>
        tpu.wait_indirect_dma semaphore(%arg25 : memref<!tpu.dma_semaphore, #tpu.memory_space<semaphore_mem>>) src(%arg19 : memref<100x64xf32, #tpu.memory_space<vmem>>) dst(%dma_wait3A_206 : memref<10000x64xf32, #tpu.memory_space<vmem_shared>>)
      } else {
      }
      %lt3A = arith.constant 49 : i32
      %lt3A_186 = arith.cmpi slt, %scan3A_40, %lt3A : i32
      %convert_element_type3A_187 = arith.extui %lt3A_186 : i1 to i32
      %cond3A_188 = arith.constant 0 : i32
      %cond3A_189 = arith.cmpi ne, %convert_element_type3A_187, %cond3A_188 : i32
      scf.if %cond3A_189 {
        %mul3A_200 = arith.constant 2 : i32
        %mul3A_201 = arith.muli %mul3A_200, %scan3A_40 : i32
        %add3A_202 = arith.constant 2 : i32
        %add3A_203 = arith.addi %mul3A_201, %add3A_202 : i32
        %mul3A_204 = arith.constant 2 : i32
        %mul3A_205 = arith.muli %add3A_203, %mul3A_204 : i32
        %add3A_206 = arith.addi %mul3A_4, %mul3A_205 : i32
        %mul3A_207 = arith.constant 200 : i32
        %mul3A_208 = arith.muli %add3A_203, %mul3A_207 : i32
        %add3A_209 = arith.addi %mul3A_6, %mul3A_208 : i32
        %dma_start3A_210 = arith.constant 0 : i32
        %dma_start3A_211 = tpu.memref_slice %arg4[%add3A_206, %dma_start3A_210] : memref<3200x100xi32, #tpu.memory_space<hbm>> -> memref<2x100xi32, #tpu.memory_space<hbm>>
        %dma_start3A_212 = arith.constant 0 : i32
        %dma_start3A_213 = tpu.memref_slice %arg4[%add3A_206, %dma_start3A_212] : memref<3200x100xi32, #tpu.memory_space<hbm>> -> memref<2x100xi32, #tpu.memory_space<hbm>>
        tpu.enqueue_dma source(%dma_start3A_213 : memref<2x100xi32, #tpu.memory_space<hbm>>) target(%arg10 : memref<2x100xi32, #tpu.memory_space<vmem>>) target_semaphore(%arg20 : memref<!tpu.dma_semaphore, #tpu.memory_space<semaphore_mem>>)
        %dma_start3A_214 = arith.constant 0 : i32
        %dma_start3A_215 = tpu.memref_slice %arg5[%add3A_206, %dma_start3A_214] : memref<3200x100xi32, #tpu.memory_space<hbm>> -> memref<2x100xi32, #tpu.memory_space<hbm>>
        %dma_start3A_216 = arith.constant 0 : i32
        %dma_start3A_217 = tpu.memref_slice %arg5[%add3A_206, %dma_start3A_216] : memref<3200x100xi32, #tpu.memory_space<hbm>> -> memref<2x100xi32, #tpu.memory_space<hbm>>
        tpu.enqueue_dma source(%dma_start3A_217 : memref<2x100xi32, #tpu.memory_space<hbm>>) target(%arg11 : memref<2x100xi32, #tpu.memory_space<vmem>>) target_semaphore(%arg20 : memref<!tpu.dma_semaphore, #tpu.memory_space<semaphore_mem>>)
        %dma_start3A_218 = tpu.memref_slice %arg3[%add3A_209, %mul3A_0] : memref<320000x64xi32, #tpu.memory_space<hbm>> -> memref<200x32xi32, #tpu.memory_space<hbm>>
        %dma_start3A_219 = tpu.memref_slice %arg3[%add3A_209, %mul3A_0] : memref<320000x64xi32, #tpu.memory_space<hbm>> -> memref<200x32xi32, #tpu.memory_space<hbm>>
        tpu.enqueue_dma source(%dma_start3A_219 : memref<200x32xi32, #tpu.memory_space<hbm>>) target(%arg12 : memref<200x32xi32, #tpu.memory_space<vmem>>) target_semaphore(%arg20 : memref<!tpu.dma_semaphore, #tpu.memory_space<semaphore_mem>>)
      } else {
      }
      %parallel_loop3A_190 = arith.constant 0 : i32
      %parallel_loop3A_191 = arith.constant 100 : i32
      %parallel_loop3A_192 = arith.constant 1 : i32
      scf.for %parallel_loop3A_200 = %parallel_loop3A_190 to %parallel_loop3A_191 step %parallel_loop3A_192  : i32 {
        %parallel_loop3A_201 = arith.constant 100 : i32
        %parallel_loop3A_202 = arith.addi %parallel_loop3A_201, %parallel_loop3A_200 : i32
        %parallel_loop3A_203 = arith.index_cast %parallel_loop3A_200 : i32 to index
        %parallel_loop3A_204 = arith.constant 0 : index
        %parallel_loop3A_205 = tpu.vector_load %arg17[%parallel_loop3A_203, %parallel_loop3A_204] {strides = array<i32>} : memref<100x32xi32, #tpu.memory_space<vmem>>, vector<16xi32>,
        %parallel_loop3A_206 = vector.bitcast %parallel_loop3A_205 : vector<16xi32> to vector<32xbf16>
        %parallel_loop3A_207 = arith.index_cast %parallel_loop3A_202 : i32 to index
        %parallel_loop3A_208 = arith.constant 0 : index
        %parallel_loop3A_209 = tpu.vector_load %arg15[%parallel_loop3A_207, %parallel_loop3A_208] {strides = array<i32>} : memref<200x32xi32, #tpu.memory_space<vmem>>, vector<16xi32>,
        %parallel_loop3A_210 = vector.bitcast %parallel_loop3A_209 : vector<16xi32> to vector<32xbf16>
        %parallel_loop3A_211 = arith.addf %parallel_loop3A_206, %parallel_loop3A_210 : vector<32xbf16>
        %parallel_loop3A_212 = arith.constant 0.000000e+00 : bf16
        %parallel_loop3A_213 = vector.broadcast %parallel_loop3A_212 : bf16 to vector<32xbf16>
        %parallel_loop3A_214 = arith.maximumf %parallel_loop3A_211, %parallel_loop3A_213 : vector<32xbf16>
        %parallel_loop3A_215 = tpu.unpack_subelements %parallel_loop3A_214, 0 {pack_format = #tpu.pack_format<interleaved>} : vector<32xbf16> -> vector<16xf32>
        %parallel_loop3A_216 = tpu.unpack_subelements %parallel_loop3A_214, 1 {pack_format = #tpu.pack_format<interleaved>} : vector<32xbf16> -> vector<16xf32>
        %parallel_loop3A_217 = arith.index_cast %parallel_loop3A_200 : i32 to index
        %parallel_loop3A_218 = arith.constant 0 : index
        %parallel_loop3A_219 = tpu.vector_load %arg19[%parallel_loop3A_217, %parallel_loop3A_218] {strides = array<i32>} : memref<100x64xf32, #tpu.memory_space<vmem>>, vector<16xf32>,
        tpu.vector_store %arg19[%parallel_loop3A_217, %parallel_loop3A_218], %parallel_loop3A_215 {strides = array<i32>} : memref<100x64xf32, #tpu.memory_space<vmem>>, vector<16xf32>,
        %parallel_loop3A_220 = arith.index_cast %parallel_loop3A_200 : i32 to index
        %parallel_loop3A_221 = arith.constant 16 : index
        %parallel_loop3A_222 = tpu.vector_load %arg19[%parallel_loop3A_220, %parallel_loop3A_221] {strides = array<i32>} : memref<100x64xf32, #tpu.memory_space<vmem>>, vector<16xf32>,
        tpu.vector_store %arg19[%parallel_loop3A_220, %parallel_loop3A_221], %parallel_loop3A_216 {strides = array<i32>} : memref<100x64xf32, #tpu.memory_space<vmem>>, vector<16xf32>,
        %parallel_loop3A_223 = arith.index_cast %parallel_loop3A_200 : i32 to index
        %parallel_loop3A_224 = arith.constant 16 : index
        %parallel_loop3A_225 = tpu.vector_load %arg17[%parallel_loop3A_223, %parallel_loop3A_224] {strides = array<i32>} : memref<100x32xi32, #tpu.memory_space<vmem>>, vector<16xi32>,
        %parallel_loop3A_226 = vector.bitcast %parallel_loop3A_225 : vector<16xi32> to vector<32xbf16>
        %parallel_loop3A_227 = arith.index_cast %parallel_loop3A_202 : i32 to index
        %parallel_loop3A_228 = arith.constant 16 : index
        %parallel_loop3A_229 = tpu.vector_load %arg15[%parallel_loop3A_227, %parallel_loop3A_228] {strides = array<i32>} : memref<200x32xi32, #tpu.memory_space<vmem>>, vector<16xi32>,
        %parallel_loop3A_230 = vector.bitcast %parallel_loop3A_229 : vector<16xi32> to vector<32xbf16>
        %parallel_loop3A_231 = arith.addf %parallel_loop3A_226, %parallel_loop3A_230 : vector<32xbf16>
        %parallel_loop3A_232 = arith.constant 0.000000e+00 : bf16
        %parallel_loop3A_233 = vector.broadcast %parallel_loop3A_232 : bf16 to vector<32xbf16>
        %parallel_loop3A_234 = arith.maximumf %parallel_loop3A_231, %parallel_loop3A_233 : vector<32xbf16>
        %parallel_loop3A_235 = tpu.unpack_subelements %parallel_loop3A_234, 0 {pack_format = #tpu.pack_format<interleaved>} : vector<32xbf16> -> vector<16xf32>
        %parallel_loop3A_236 = tpu.unpack_subelements %parallel_loop3A_234, 1 {pack_format = #tpu.pack_format<interleaved>} : vector<32xbf16> -> vector<16xf32>
        %parallel_loop3A_237 = arith.index_cast %parallel_loop3A_200 : i32 to index
        %parallel_loop3A_238 = arith.constant 32 : index
        %parallel_loop3A_239 = tpu.vector_load %arg19[%parallel_loop3A_237, %parallel_loop3A_238] {strides = array<i32>} : memref<100x64xf32, #tpu.memory_space<vmem>>, vector<16xf32>,
        tpu.vector_store %arg19[%parallel_loop3A_237, %parallel_loop3A_238], %parallel_loop3A_235 {strides = array<i32>} : memref<100x64xf32, #tpu.memory_space<vmem>>, vector<16xf32>,
        %parallel_loop3A_240 = arith.index_cast %parallel_loop3A_200 : i32 to index
        %parallel_loop3A_241 = arith.constant 48 : index
        %parallel_loop3A_242 = tpu.vector_load %arg19[%parallel_loop3A_240, %parallel_loop3A_241] {strides = array<i32>} : memref<100x64xf32, #tpu.memory_space<vmem>>, vector<16xf32>,
        tpu.vector_store %arg19[%parallel_loop3A_240, %parallel_loop3A_241], %parallel_loop3A_236 {strides = array<i32>} : memref<100x64xf32, #tpu.memory_space<vmem>>, vector<16xf32>,
      } {sc.loop_unroll_factor = 4 : i64, sc.parallel_access}
      %dma_start3A_193 = arith.constant 1 : i32
      %dma_start3A_194 = arith.constant 0 : i32
      %dma_start3A_195 = tpu.memref_slice %arg14[%dma_start3A_193, %dma_start3A_194] : memref<2x100xi32, #tpu.memory_space<vmem>> -> memref<1x100xi32, #tpu.memory_space<vmem>>
      %dma_start3A_196 = tpu.memref_squeeze %dma_start3A_195 : memref<1x100xi32, #tpu.memory_space<vmem>> -> memref<100xi32, #tpu.memory_space<vmem>>
      %dma_start3A_197 = arith.constant 0 : i32
      %dma_start3A_198 = arith.constant 0 : i32
      %dma_start3A_199 = tpu.memref_slice %arg9[%dma_start3A_197, %dma_start3A_198] : memref<10000x64xf32, #tpu.memory_space<vmem_shared>> -> memref<10000x64xf32, #tpu.memory_space<vmem_shared>>
      tpu.enqueue_indirect_dma source(%arg19 : memref<100x64xf32, #tpu.memory_space<vmem>>) target(%dma_start3A_199 : memref<10000x64xf32, #tpu.memory_space<vmem_shared>>) offsets(%dma_start3A_196 : memref<100xi32, #tpu.memory_space<vmem>>) semaphore(%arg25 : memref<!tpu.dma_semaphore, #tpu.memory_space<semaphore_mem>>) {add = true}
    }
    %scan3A_23 = arith.constant 50 : i32
    %dma_wait3A = arith.constant 0 : i32
    %dma_wait3A_24 = arith.constant 0 : i32
    %dma_wait3A_25 = tpu.memref_slice %arg14[%dma_wait3A, %dma_wait3A_24] : memref<2x100xi32, #tpu.memory_space<vmem>> -> memref<1x100xi32, #tpu.memory_space<vmem>>
    %dma_wait3A_26 = tpu.memref_squeeze %dma_wait3A_25 : memref<1x100xi32, #tpu.memory_space<vmem>> -> memref<100xi32, #tpu.memory_space<vmem>>
    %dma_wait3A_27 = arith.constant 0 : i32
    %dma_wait3A_28 = arith.constant 0 : i32
    %dma_wait3A_29 = tpu.memref_slice %arg9[%dma_wait3A_27, %dma_wait3A_28] : memref<10000x64xf32, #tpu.memory_space<vmem_shared>> -> memref<10000x64xf32, #tpu.memory_space<vmem_shared>>
    tpu.wait_indirect_dma semaphore(%arg24 : memref<!tpu.dma_semaphore, #tpu.memory_space<semaphore_mem>>) src(%arg18 : memref<100x64xf32, #tpu.memory_space<vmem>>) dst(%dma_wait3A_29 : memref<10000x64xf32, #tpu.memory_space<vmem_shared>>)
    %dma_wait3A_30 = arith.constant 1 : i32
    %dma_wait3A_31 = arith.constant 0 : i32
    %dma_wait3A_32 = tpu.memref_slice %arg14[%dma_wait3A_30, %dma_wait3A_31] : memref<2x100xi32, #tpu.memory_space<vmem>> -> memref<1x100xi32, #tpu.memory_space<vmem>>
    %dma_wait3A_33 = tpu.memref_squeeze %dma_wait3A_32 : memref<1x100xi32, #tpu.memory_space<vmem>> -> memref<100xi32, #tpu.memory_space<vmem>>
    %dma_wait3A_34 = arith.constant 0 : i32
    %dma_wait3A_35 = arith.constant 0 : i32
    %dma_wait3A_36 = tpu.memref_slice %arg9[%dma_wait3A_34, %dma_wait3A_35] : memref<10000x64xf32, #tpu.memory_space<vmem_shared>> -> memref<10000x64xf32, #tpu.memory_space<vmem_shared>>
    tpu.wait_indirect_dma semaphore(%arg25 : memref<!tpu.dma_semaphore, #tpu.memory_space<semaphore_mem>>) src(%arg19 : memref<100x64xf32, #tpu.memory_space<vmem>>) dst(%dma_wait3A_36 : memref<10000x64xf32, #tpu.memory_space<vmem_shared>>)
    %barrier3A_37 = arith.constant 0 : index
    tpu.barrier barrier_id(%barrier3A_37)
    %mul3A_38 = arith.constant 64 : i32
    %mul3A_39 = arith.muli %arg0, %mul3A_38 : i32
    "tpu.region"() ({
      %run_scoped3A = tpu.sem_alloc : memref<!tpu.dma_semaphore, #tpu.memory_space<semaphore_mem>>
      %dma_start3A_40 = tpu.memref_slice %arg7[%mul3A_2, %mul3A_39] : memref<10000x128xf32, #tpu.memory_space<hbm>> -> memref<625x64xf32, #tpu.memory_space<hbm>>
      %dma_start3A_41 = arith.constant 0 : i32
      %dma_start3A_42 = tpu.memref_slice %arg9[%mul3A_2, %dma_start3A_41] : memref<10000x64xf32, #tpu.memory_space<vmem_shared>> -> memref<625x64xf32, #tpu.memory_space<vmem_shared>>
      tpu.enqueue_dma source(%dma_start3A_42 : memref<625x64xf32, #tpu.memory_space<vmem_shared>>) target(%dma_start3A_40 : memref<625x64xf32, #tpu.memory_space<hbm>>) target_semaphore(%run_scoped3A : memref<!tpu.dma_semaphore, #tpu.memory_space<semaphore_mem>>)
      %dma_wait3A_43 = tpu.memref_slice %arg7[%mul3A_2, %mul3A_39] : memref<10000x128xf32, #tpu.memory_space<hbm>> -> memref<625x64xf32, #tpu.memory_space<hbm>>
      %dma_wait3A_44 = arith.constant 0 : i32
      %dma_wait3A_45 = tpu.memref_slice %arg9[%mul3A_2, %dma_wait3A_44] : memref<10000x64xf32, #tpu.memory_space<vmem_shared>> -> memref<625x64xf32, #tpu.memory_space<vmem_shared>>
      tpu.wait_dma2 semaphore(%run_scoped3A : memref<!tpu.dma_semaphore, #tpu.memory_space<semaphore_mem>>) src(%dma_wait3A_45 : memref<625x64xf32, #tpu.memory_space<vmem_shared>>) dst(%dma_wait3A_43 : memref<625x64xf32, #tpu.memory_space<hbm>>)
      tpu.yield
    }) : () -> ()
    return
  }
}

module attributes {stable_mosaic.version = 14 : i64} {
  func.func @_edge_emb_body(%arg0: i32, %arg1: memref<4000x16xf32, #tpu.memory_space<vmem>>, %arg2: memref<3x16x64xf32, #tpu.memory_space<vmem>>, %arg3: memref<3x16x64xf32, #tpu.memory_space<vmem>>, %arg4: memref<4000x64xi32, #tpu.memory_space<vmem>>, %arg5: memref<4000x64xi32, #tpu.memory_space<vmem>>, %arg6: memref<4000x64xi32, #tpu.memory_space<vmem>>) attributes {dimension_semantics = [#tpu.dimension_semantics<arbitrary>], iteration_bounds = array<i64: 80>, scalar_prefetch = 0 : i64, scratch_operands = 0 : i64, tpu.core_type = #tpu.core_type<tc>, window_params = [{transform_indices = @transform_0, window_bounds = array<i64: 4000, 16>}, {pipeline_mode = #tpu.pipeline_mode<synchronous>, transform_indices = @transform_1, window_bounds = array<i64: 3, 16, 64>}, {pipeline_mode = #tpu.pipeline_mode<synchronous>, transform_indices = @transform_2, window_bounds = array<i64: 3, 16, 64>}, {transform_indices = @transform_3, window_bounds = array<i64: 4000, 64>}, {transform_indices = @transform_4, window_bounds = array<i64: 4000, 64>}, {transform_indices = @transform_5, window_bounds = array<i64: 4000, 64>}]} {
    %get3A = arith.constant 0 : index
    %get3A_0 = arith.constant 0 : index
    %get3A_1 = vector.load %arg1[%get3A, %get3A_0] : memref<4000x16xf32, #tpu.memory_space<vmem>>, vector<4000x16xf32>
    %get3A_2 = arith.constant 0 : index
    %get3A_3 = arith.constant 0 : index
    %get3A_4 = arith.constant 0 : index
    %get3A_5 = vector.load %arg2[%get3A_2, %get3A_3, %get3A_4] : memref<3x16x64xf32, #tpu.memory_space<vmem>>, vector<1x16x64xf32>
    %get3A_6 = vector.shape_cast %get3A_5 : vector<1x16x64xf32> to vector<16x64xf32>
    %dot_general3A = arith.constant dense<0.000000e+00> : vector<4000x64xf32>
    %dot_general3A_7 = tpu.matmul %get3A_1, %get3A_6, %dot_general3A {dimension_numbers = #tpu.dot_dimension_numbers<[1], [0], [0], [1], [0, 0, 1, 1], [], []>, transpose_lhs_hint = false} : vector<4000x16xf32>, vector<16x64xf32>, vector<4000x64xf32> -> vector<4000x64xf32>
    %get3A_8 = arith.constant 0 : index
    %get3A_9 = arith.constant 0 : index
    %get3A_10 = arith.constant 0 : index
    %get3A_11 = vector.load %arg3[%get3A_8, %get3A_9, %get3A_10] : memref<3x16x64xf32, #tpu.memory_space<vmem>>, vector<1x16x64xf32>
    %get3A_12 = vector.shape_cast %get3A_11 : vector<1x16x64xf32> to vector<16x64xf32>
    %dot_general3A_13 = arith.constant dense<0.000000e+00> : vector<4000x64xf32>
    %dot_general3A_14 = tpu.matmul %get3A_1, %get3A_12, %dot_general3A_13 {dimension_numbers = #tpu.dot_dimension_numbers<[1], [0], [0], [1], [0, 0, 1, 1], [], []>, transpose_lhs_hint = false} : vector<4000x16xf32>, vector<16x64xf32>, vector<4000x64xf32> -> vector<4000x64xf32>
    %bitcast_convert_type3A = tpu.bitcast %dot_general3A_7 : vector<4000x64xf32> -> vector<4000x64xi32>
    %bitcast_convert_type3A_15 = tpu.bitcast %dot_general3A_14 : vector<4000x64xf32> -> vector<4000x64xi32>
    %add3A = arith.constant 32767 : i32
    %add3A_16 = vector.broadcast %add3A : i32 to vector<4000x64xi32>
    %add3A_17 = arith.addi %bitcast_convert_type3A_15, %add3A_16 : vector<4000x64xi32>
    %shift_right_arithmetic3A = arith.constant 16 : i32
    %shift_right_arithmetic3A_18 = vector.broadcast %shift_right_arithmetic3A : i32 to vector<4000x64xi32>
    %shift_right_arithmetic3A_19 = arith.shrsi %bitcast_convert_type3A_15, %shift_right_arithmetic3A_18 : vector<4000x64xi32>
    %and3A = arith.constant 1 : i32
    %and3A_20 = vector.broadcast %and3A : i32 to vector<4000x64xi32>
    %and3A_21 = arith.andi %shift_right_arithmetic3A_19, %and3A_20 : vector<4000x64xi32>
    %add3A_22 = arith.addi %add3A_17, %and3A_21 : vector<4000x64xi32>
    %shift_right_arithmetic3A_23 = arith.constant 16 : i32
    %shift_right_arithmetic3A_24 = vector.broadcast %shift_right_arithmetic3A_23 : i32 to vector<4000x64xi32>
    %shift_right_arithmetic3A_25 = arith.shrsi %add3A_22, %shift_right_arithmetic3A_24 : vector<4000x64xi32>
    %shift_left3A = arith.constant 16 : i32
    %shift_left3A_26 = vector.broadcast %shift_left3A : i32 to vector<4000x64xi32>
    %shift_left3A_27 = arith.shli %shift_right_arithmetic3A_25, %shift_left3A_26 : vector<4000x64xi32>
    %add3A_28 = arith.constant 32767 : i32
    %add3A_29 = vector.broadcast %add3A_28 : i32 to vector<4000x64xi32>
    %add3A_30 = arith.addi %bitcast_convert_type3A, %add3A_29 : vector<4000x64xi32>
    %shift_right_arithmetic3A_31 = arith.constant 16 : i32
    %shift_right_arithmetic3A_32 = vector.broadcast %shift_right_arithmetic3A_31 : i32 to vector<4000x64xi32>
    %shift_right_arithmetic3A_33 = arith.shrsi %bitcast_convert_type3A, %shift_right_arithmetic3A_32 : vector<4000x64xi32>
    %and3A_34 = arith.constant 1 : i32
    %and3A_35 = vector.broadcast %and3A_34 : i32 to vector<4000x64xi32>
    %and3A_36 = arith.andi %shift_right_arithmetic3A_33, %and3A_35 : vector<4000x64xi32>
    %add3A_37 = arith.addi %add3A_30, %and3A_36 : vector<4000x64xi32>
    %shift_right_arithmetic3A_38 = arith.constant 16 : i32
    %shift_right_arithmetic3A_39 = vector.broadcast %shift_right_arithmetic3A_38 : i32 to vector<4000x64xi32>
    %shift_right_arithmetic3A_40 = arith.shrsi %add3A_37, %shift_right_arithmetic3A_39 : vector<4000x64xi32>
    %and3A_41 = arith.constant 65535 : i32
    %and3A_42 = vector.broadcast %and3A_41 : i32 to vector<4000x64xi32>
    %and3A_43 = arith.andi %shift_right_arithmetic3A_40, %and3A_42 : vector<4000x64xi32>
    %or3A = arith.ori %shift_left3A_27, %and3A_43 : vector<4000x64xi32>
    %swap3A = arith.constant 0 : index
    %swap3A_44 = arith.constant 0 : index
    %swap3A_45 = vector.load %arg4[%swap3A, %swap3A_44] : memref<4000x64xi32, #tpu.memory_space<vmem>>, vector<4000x64xi32>
    tpu.vector_store %arg4[%swap3A, %swap3A_44], %or3A {strides = array<i32>} : memref<4000x64xi32, #tpu.memory_space<vmem>>, vector<4000x64xi32>,
    %get3A_46 = arith.constant 1 : index
    %get3A_47 = arith.constant 0 : index
    %get3A_48 = arith.constant 0 : index
    %get3A_49 = vector.load %arg2[%get3A_46, %get3A_47, %get3A_48] : memref<3x16x64xf32, #tpu.memory_space<vmem>>, vector<1x16x64xf32>
    %get3A_50 = vector.shape_cast %get3A_49 : vector<1x16x64xf32> to vector<16x64xf32>
    %dot_general3A_51 = arith.constant dense<0.000000e+00> : vector<4000x64xf32>
    %dot_general3A_52 = tpu.matmul %get3A_1, %get3A_50, %dot_general3A_51 {dimension_numbers = #tpu.dot_dimension_numbers<[1], [0], [0], [1], [0, 0, 1, 1], [], []>, transpose_lhs_hint = false} : vector<4000x16xf32>, vector<16x64xf32>, vector<4000x64xf32> -> vector<4000x64xf32>
    %get3A_53 = arith.constant 1 : index
    %get3A_54 = arith.constant 0 : index
    %get3A_55 = arith.constant 0 : index
    %get3A_56 = vector.load %arg3[%get3A_53, %get3A_54, %get3A_55] : memref<3x16x64xf32, #tpu.memory_space<vmem>>, vector<1x16x64xf32>
    %get3A_57 = vector.shape_cast %get3A_56 : vector<1x16x64xf32> to vector<16x64xf32>
    %dot_general3A_58 = arith.constant dense<0.000000e+00> : vector<4000x64xf32>
    %dot_general3A_59 = tpu.matmul %get3A_1, %get3A_57, %dot_general3A_58 {dimension_numbers = #tpu.dot_dimension_numbers<[1], [0], [0], [1], [0, 0, 1, 1], [], []>, transpose_lhs_hint = false} : vector<4000x16xf32>, vector<16x64xf32>, vector<4000x64xf32> -> vector<4000x64xf32>
    %bitcast_convert_type3A_60 = tpu.bitcast %dot_general3A_52 : vector<4000x64xf32> -> vector<4000x64xi32>
    %bitcast_convert_type3A_61 = tpu.bitcast %dot_general3A_59 : vector<4000x64xf32> -> vector<4000x64xi32>
    %add3A_62 = arith.constant 32767 : i32
    %add3A_63 = vector.broadcast %add3A_62 : i32 to vector<4000x64xi32>
    %add3A_64 = arith.addi %bitcast_convert_type3A_61, %add3A_63 : vector<4000x64xi32>
    %shift_right_arithmetic3A_65 = arith.constant 16 : i32
    %shift_right_arithmetic3A_66 = vector.broadcast %shift_right_arithmetic3A_65 : i32 to vector<4000x64xi32>
    %shift_right_arithmetic3A_67 = arith.shrsi %bitcast_convert_type3A_61, %shift_right_arithmetic3A_66 : vector<4000x64xi32>
    %and3A_68 = arith.constant 1 : i32
    %and3A_69 = vector.broadcast %and3A_68 : i32 to vector<4000x64xi32>
    %and3A_70 = arith.andi %shift_right_arithmetic3A_67, %and3A_69 : vector<4000x64xi32>
    %add3A_71 = arith.addi %add3A_64, %and3A_70 : vector<4000x64xi32>
    %shift_right_arithmetic3A_72 = arith.constant 16 : i32
    %shift_right_arithmetic3A_73 = vector.broadcast %shift_right_arithmetic3A_72 : i32 to vector<4000x64xi32>
    %shift_right_arithmetic3A_74 = arith.shrsi %add3A_71, %shift_right_arithmetic3A_73 : vector<4000x64xi32>
    %shift_left3A_75 = arith.constant 16 : i32
    %shift_left3A_76 = vector.broadcast %shift_left3A_75 : i32 to vector<4000x64xi32>
    %shift_left3A_77 = arith.shli %shift_right_arithmetic3A_74, %shift_left3A_76 : vector<4000x64xi32>
    %add3A_78 = arith.constant 32767 : i32
    %add3A_79 = vector.broadcast %add3A_78 : i32 to vector<4000x64xi32>
    %add3A_80 = arith.addi %bitcast_convert_type3A_60, %add3A_79 : vector<4000x64xi32>
    %shift_right_arithmetic3A_81 = arith.constant 16 : i32
    %shift_right_arithmetic3A_82 = vector.broadcast %shift_right_arithmetic3A_81 : i32 to vector<4000x64xi32>
    %shift_right_arithmetic3A_83 = arith.shrsi %bitcast_convert_type3A_60, %shift_right_arithmetic3A_82 : vector<4000x64xi32>
    %and3A_84 = arith.constant 1 : i32
    %and3A_85 = vector.broadcast %and3A_84 : i32 to vector<4000x64xi32>
    %and3A_86 = arith.andi %shift_right_arithmetic3A_83, %and3A_85 : vector<4000x64xi32>
    %add3A_87 = arith.addi %add3A_80, %and3A_86 : vector<4000x64xi32>
    %shift_right_arithmetic3A_88 = arith.constant 16 : i32
    %shift_right_arithmetic3A_89 = vector.broadcast %shift_right_arithmetic3A_88 : i32 to vector<4000x64xi32>
    %shift_right_arithmetic3A_90 = arith.shrsi %add3A_87, %shift_right_arithmetic3A_89 : vector<4000x64xi32>
    %and3A_91 = arith.constant 65535 : i32
    %and3A_92 = vector.broadcast %and3A_91 : i32 to vector<4000x64xi32>
    %and3A_93 = arith.andi %shift_right_arithmetic3A_90, %and3A_92 : vector<4000x64xi32>
    %or3A_94 = arith.ori %shift_left3A_77, %and3A_93 : vector<4000x64xi32>
    %swap3A_95 = arith.constant 0 : index
    %swap3A_96 = arith.constant 0 : index
    %swap3A_97 = vector.load %arg5[%swap3A_95, %swap3A_96] : memref<4000x64xi32, #tpu.memory_space<vmem>>, vector<4000x64xi32>
    tpu.vector_store %arg5[%swap3A_95, %swap3A_96], %or3A_94 {strides = array<i32>} : memref<4000x64xi32, #tpu.memory_space<vmem>>, vector<4000x64xi32>,
    %get3A_98 = arith.constant 2 : index
    %get3A_99 = arith.constant 0 : index
    %get3A_100 = arith.constant 0 : index
    %get3A_101 = vector.load %arg2[%get3A_98, %get3A_99, %get3A_100] : memref<3x16x64xf32, #tpu.memory_space<vmem>>, vector<1x16x64xf32>
    %get3A_102 = vector.shape_cast %get3A_101 : vector<1x16x64xf32> to vector<16x64xf32>
    %dot_general3A_103 = arith.constant dense<0.000000e+00> : vector<4000x64xf32>
    %dot_general3A_104 = tpu.matmul %get3A_1, %get3A_102, %dot_general3A_103 {dimension_numbers = #tpu.dot_dimension_numbers<[1], [0], [0], [1], [0, 0, 1, 1], [], []>, transpose_lhs_hint = false} : vector<4000x16xf32>, vector<16x64xf32>, vector<4000x64xf32> -> vector<4000x64xf32>
    %get3A_105 = arith.constant 2 : index
    %get3A_106 = arith.constant 0 : index
    %get3A_107 = arith.constant 0 : index
    %get3A_108 = vector.load %arg3[%get3A_105, %get3A_106, %get3A_107] : memref<3x16x64xf32, #tpu.memory_space<vmem>>, vector<1x16x64xf32>
    %get3A_109 = vector.shape_cast %get3A_108 : vector<1x16x64xf32> to vector<16x64xf32>
    %dot_general3A_110 = arith.constant dense<0.000000e+00> : vector<4000x64xf32>
    %dot_general3A_111 = tpu.matmul %get3A_1, %get3A_109, %dot_general3A_110 {dimension_numbers = #tpu.dot_dimension_numbers<[1], [0], [0], [1], [0, 0, 1, 1], [], []>, transpose_lhs_hint = false} : vector<4000x16xf32>, vector<16x64xf32>, vector<4000x64xf32> -> vector<4000x64xf32>
    %bitcast_convert_type3A_112 = tpu.bitcast %dot_general3A_104 : vector<4000x64xf32> -> vector<4000x64xi32>
    %bitcast_convert_type3A_113 = tpu.bitcast %dot_general3A_111 : vector<4000x64xf32> -> vector<4000x64xi32>
    %add3A_114 = arith.constant 32767 : i32
    %add3A_115 = vector.broadcast %add3A_114 : i32 to vector<4000x64xi32>
    %add3A_116 = arith.addi %bitcast_convert_type3A_113, %add3A_115 : vector<4000x64xi32>
    %shift_right_arithmetic3A_117 = arith.constant 16 : i32
    %shift_right_arithmetic3A_118 = vector.broadcast %shift_right_arithmetic3A_117 : i32 to vector<4000x64xi32>
    %shift_right_arithmetic3A_119 = arith.shrsi %bitcast_convert_type3A_113, %shift_right_arithmetic3A_118 : vector<4000x64xi32>
    %and3A_120 = arith.constant 1 : i32
    %and3A_121 = vector.broadcast %and3A_120 : i32 to vector<4000x64xi32>
    %and3A_122 = arith.andi %shift_right_arithmetic3A_119, %and3A_121 : vector<4000x64xi32>
    %add3A_123 = arith.addi %add3A_116, %and3A_122 : vector<4000x64xi32>
    %shift_right_arithmetic3A_124 = arith.constant 16 : i32
    %shift_right_arithmetic3A_125 = vector.broadcast %shift_right_arithmetic3A_124 : i32 to vector<4000x64xi32>
    %shift_right_arithmetic3A_126 = arith.shrsi %add3A_123, %shift_right_arithmetic3A_125 : vector<4000x64xi32>
    %shift_left3A_127 = arith.constant 16 : i32
    %shift_left3A_128 = vector.broadcast %shift_left3A_127 : i32 to vector<4000x64xi32>
    %shift_left3A_129 = arith.shli %shift_right_arithmetic3A_126, %shift_left3A_128 : vector<4000x64xi32>
    %add3A_130 = arith.constant 32767 : i32
    %add3A_131 = vector.broadcast %add3A_130 : i32 to vector<4000x64xi32>
    %add3A_132 = arith.addi %bitcast_convert_type3A_112, %add3A_131 : vector<4000x64xi32>
    %shift_right_arithmetic3A_133 = arith.constant 16 : i32
    %shift_right_arithmetic3A_134 = vector.broadcast %shift_right_arithmetic3A_133 : i32 to vector<4000x64xi32>
    %shift_right_arithmetic3A_135 = arith.shrsi %bitcast_convert_type3A_112, %shift_right_arithmetic3A_134 : vector<4000x64xi32>
    %and3A_136 = arith.constant 1 : i32
    %and3A_137 = vector.broadcast %and3A_136 : i32 to vector<4000x64xi32>
    %and3A_138 = arith.andi %shift_right_arithmetic3A_135, %and3A_137 : vector<4000x64xi32>
    %add3A_139 = arith.addi %add3A_132, %and3A_138 : vector<4000x64xi32>
    %shift_right_arithmetic3A_140 = arith.constant 16 : i32
    %shift_right_arithmetic3A_141 = vector.broadcast %shift_right_arithmetic3A_140 : i32 to vector<4000x64xi32>
    %shift_right_arithmetic3A_142 = arith.shrsi %add3A_139, %shift_right_arithmetic3A_141 : vector<4000x64xi32>
    %and3A_143 = arith.constant 65535 : i32
    %and3A_144 = vector.broadcast %and3A_143 : i32 to vector<4000x64xi32>
    %and3A_145 = arith.andi %shift_right_arithmetic3A_142, %and3A_144 : vector<4000x64xi32>
    %or3A_146 = arith.ori %shift_left3A_129, %and3A_145 : vector<4000x64xi32>
    %swap3A_147 = arith.constant 0 : index
    %swap3A_148 = arith.constant 0 : index
    %swap3A_149 = vector.load %arg6[%swap3A_147, %swap3A_148] : memref<4000x64xi32, #tpu.memory_space<vmem>>, vector<4000x64xi32>
    tpu.vector_store %arg6[%swap3A_147, %swap3A_148], %or3A_146 {strides = array<i32>} : memref<4000x64xi32, #tpu.memory_space<vmem>>, vector<4000x64xi32>,
    return
  }
  func.func @transform_0(%arg0: i32) -> (i32, i32) {
    %c0_i32 = arith.constant 0 : i32
    %c0_i32_0 = arith.constant 0 : i32
    return %arg0, %c0_i32 : i32, i32
  }
  func.func @transform_1(%arg0: i32) -> (i32, i32, i32) {
    %c0_i32 = arith.constant 0 : i32
    %c0_i32_0 = arith.constant 0 : i32
    %c0_i32_1 = arith.constant 0 : i32
    %c0_i32_2 = arith.constant 0 : i32
    return %c0_i32, %c0_i32_0, %c0_i32_1 : i32, i32, i32
  }
  func.func @transform_2(%arg0: i32) -> (i32, i32, i32) {
    %c0_i32 = arith.constant 0 : i32
    %c0_i32_0 = arith.constant 0 : i32
    %c0_i32_1 = arith.constant 0 : i32
    %c0_i32_2 = arith.constant 0 : i32
    return %c0_i32, %c0_i32_0, %c0_i32_1 : i32, i32, i32
  }
  func.func @transform_3(%arg0: i32) -> (i32, i32) {
    %c0_i32 = arith.constant 0 : i32
    %c0_i32_0 = arith.constant 0 : i32
    return %arg0, %c0_i32 : i32, i32
  }
  func.func @transform_4(%arg0: i32) -> (i32, i32) {
    %c0_i32 = arith.constant 0 : i32
    %c0_i32_0 = arith.constant 0 : i32
    return %arg0, %c0_i32 : i32, i32
  }
  func.func @transform_5(%arg0: i32) -> (i32, i32) {
    %c0_i32 = arith.constant 0 : i32
    %c0_i32_0 = arith.constant 0 : i32
    return %arg0, %c0_i32 : i32, i32
  }
}

module attributes {stable_mosaic.version = 14 : i64} {
  func.func @_encode_body(%arg0: i32, %arg1: memref<2000x128xf32, #tpu.memory_space<vmem>>, %arg2: memref<128x128xf32, #tpu.memory_space<vmem>>, %arg3: memref<128x64xf32, #tpu.memory_space<vmem>>, %arg4: memref<128x64xf32, #tpu.memory_space<vmem>>, %arg5: memref<2000x128xf32, #tpu.memory_space<vmem>>, %arg6: memref<2000x64xi32, #tpu.memory_space<vmem>>) attributes {dimension_semantics = [#tpu.dimension_semantics<arbitrary>], iteration_bounds = array<i64: 5>, scalar_prefetch = 0 : i64, scratch_operands = 0 : i64, tpu.core_type = #tpu.core_type<tc>, window_params = [{transform_indices = @transform_0, window_bounds = array<i64: 2000, 128>}, {pipeline_mode = #tpu.pipeline_mode<synchronous>, transform_indices = @transform_1, window_bounds = array<i64: 128, 128>}, {pipeline_mode = #tpu.pipeline_mode<synchronous>, transform_indices = @transform_2, window_bounds = array<i64: 128, 64>}, {pipeline_mode = #tpu.pipeline_mode<synchronous>, transform_indices = @transform_3, window_bounds = array<i64: 128, 64>}, {transform_indices = @transform_4, window_bounds = array<i64: 2000, 128>}, {transform_indices = @transform_5, window_bounds = array<i64: 2000, 64>}]} {
    %get3A = arith.constant 0 : index
    %get3A_0 = arith.constant 0 : index
    %get3A_1 = vector.load %arg1[%get3A, %get3A_0] : memref<2000x128xf32, #tpu.memory_space<vmem>>, vector<2000x128xf32>
    %get3A_2 = arith.constant 0 : index
    %get3A_3 = arith.constant 0 : index
    %get3A_4 = vector.load %arg2[%get3A_2, %get3A_3] : memref<128x128xf32, #tpu.memory_space<vmem>>, vector<128x128xf32>
    %dot_general3A = arith.constant dense<0.000000e+00> : vector<2000x128xf32>
    %dot_general3A_5 = tpu.matmul %get3A_1, %get3A_4, %dot_general3A {dimension_numbers = #tpu.dot_dimension_numbers<[1], [0], [0], [1], [0, 0, 1, 1], [], []>, transpose_lhs_hint = false} : vector<2000x128xf32>, vector<128x128xf32>, vector<2000x128xf32> -> vector<2000x128xf32>
    %swap3A = arith.constant 0 : index
    %swap3A_6 = arith.constant 0 : index
    %swap3A_7 = vector.load %arg5[%swap3A, %swap3A_6] : memref<2000x128xf32, #tpu.memory_space<vmem>>, vector<2000x128xf32>
    tpu.vector_store %arg5[%swap3A, %swap3A_6], %dot_general3A_5 {strides = array<i32>} : memref<2000x128xf32, #tpu.memory_space<vmem>>, vector<2000x128xf32>,
    %get3A_8 = arith.constant 0 : index
    %get3A_9 = arith.constant 0 : index
    %get3A_10 = vector.load %arg3[%get3A_8, %get3A_9] : memref<128x64xf32, #tpu.memory_space<vmem>>, vector<128x64xf32>
    %dot_general3A_11 = arith.constant dense<0.000000e+00> : vector<2000x64xf32>
    %dot_general3A_12 = tpu.matmul %get3A_1, %get3A_10, %dot_general3A_11 {dimension_numbers = #tpu.dot_dimension_numbers<[1], [0], [0], [1], [0, 0, 1, 1], [], []>, transpose_lhs_hint = false} : vector<2000x128xf32>, vector<128x64xf32>, vector<2000x64xf32> -> vector<2000x64xf32>
    %get3A_13 = arith.constant 0 : index
    %get3A_14 = arith.constant 0 : index
    %get3A_15 = vector.load %arg4[%get3A_13, %get3A_14] : memref<128x64xf32, #tpu.memory_space<vmem>>, vector<128x64xf32>
    %dot_general3A_16 = arith.constant dense<0.000000e+00> : vector<2000x64xf32>
    %dot_general3A_17 = tpu.matmul %get3A_1, %get3A_15, %dot_general3A_16 {dimension_numbers = #tpu.dot_dimension_numbers<[1], [0], [0], [1], [0, 0, 1, 1], [], []>, transpose_lhs_hint = false} : vector<2000x128xf32>, vector<128x64xf32>, vector<2000x64xf32> -> vector<2000x64xf32>
    %bitcast_convert_type3A = tpu.bitcast %dot_general3A_12 : vector<2000x64xf32> -> vector<2000x64xi32>
    %bitcast_convert_type3A_18 = tpu.bitcast %dot_general3A_17 : vector<2000x64xf32> -> vector<2000x64xi32>
    %add3A = arith.constant 32767 : i32
    %add3A_19 = vector.broadcast %add3A : i32 to vector<2000x64xi32>
    %add3A_20 = arith.addi %bitcast_convert_type3A_18, %add3A_19 : vector<2000x64xi32>
    %shift_right_arithmetic3A = arith.constant 16 : i32
    %shift_right_arithmetic3A_21 = vector.broadcast %shift_right_arithmetic3A : i32 to vector<2000x64xi32>
    %shift_right_arithmetic3A_22 = arith.shrsi %bitcast_convert_type3A_18, %shift_right_arithmetic3A_21 : vector<2000x64xi32>
    %and3A = arith.constant 1 : i32
    %and3A_23 = vector.broadcast %and3A : i32 to vector<2000x64xi32>
    %and3A_24 = arith.andi %shift_right_arithmetic3A_22, %and3A_23 : vector<2000x64xi32>
    %add3A_25 = arith.addi %add3A_20, %and3A_24 : vector<2000x64xi32>
    %shift_right_arithmetic3A_26 = arith.constant 16 : i32
    %shift_right_arithmetic3A_27 = vector.broadcast %shift_right_arithmetic3A_26 : i32 to vector<2000x64xi32>
    %shift_right_arithmetic3A_28 = arith.shrsi %add3A_25, %shift_right_arithmetic3A_27 : vector<2000x64xi32>
    %shift_left3A = arith.constant 16 : i32
    %shift_left3A_29 = vector.broadcast %shift_left3A : i32 to vector<2000x64xi32>
    %shift_left3A_30 = arith.shli %shift_right_arithmetic3A_28, %shift_left3A_29 : vector<2000x64xi32>
    %add3A_31 = arith.constant 32767 : i32
    %add3A_32 = vector.broadcast %add3A_31 : i32 to vector<2000x64xi32>
    %add3A_33 = arith.addi %bitcast_convert_type3A, %add3A_32 : vector<2000x64xi32>
    %shift_right_arithmetic3A_34 = arith.constant 16 : i32
    %shift_right_arithmetic3A_35 = vector.broadcast %shift_right_arithmetic3A_34 : i32 to vector<2000x64xi32>
    %shift_right_arithmetic3A_36 = arith.shrsi %bitcast_convert_type3A, %shift_right_arithmetic3A_35 : vector<2000x64xi32>
    %and3A_37 = arith.constant 1 : i32
    %and3A_38 = vector.broadcast %and3A_37 : i32 to vector<2000x64xi32>
    %and3A_39 = arith.andi %shift_right_arithmetic3A_36, %and3A_38 : vector<2000x64xi32>
    %add3A_40 = arith.addi %add3A_33, %and3A_39 : vector<2000x64xi32>
    %shift_right_arithmetic3A_41 = arith.constant 16 : i32
    %shift_right_arithmetic3A_42 = vector.broadcast %shift_right_arithmetic3A_41 : i32 to vector<2000x64xi32>
    %shift_right_arithmetic3A_43 = arith.shrsi %add3A_40, %shift_right_arithmetic3A_42 : vector<2000x64xi32>
    %and3A_44 = arith.constant 65535 : i32
    %and3A_45 = vector.broadcast %and3A_44 : i32 to vector<2000x64xi32>
    %and3A_46 = arith.andi %shift_right_arithmetic3A_43, %and3A_45 : vector<2000x64xi32>
    %or3A = arith.ori %shift_left3A_30, %and3A_46 : vector<2000x64xi32>
    %swap3A_47 = arith.constant 0 : index
    %swap3A_48 = arith.constant 0 : index
    %swap3A_49 = vector.load %arg6[%swap3A_47, %swap3A_48] : memref<2000x64xi32, #tpu.memory_space<vmem>>, vector<2000x64xi32>
    tpu.vector_store %arg6[%swap3A_47, %swap3A_48], %or3A {strides = array<i32>} : memref<2000x64xi32, #tpu.memory_space<vmem>>, vector<2000x64xi32>,
    return
  }
  func.func @transform_0(%arg0: i32) -> (i32, i32) {
    %c0_i32 = arith.constant 0 : i32
    %c0_i32_0 = arith.constant 0 : i32
    return %arg0, %c0_i32 : i32, i32
  }
  func.func @transform_1(%arg0: i32) -> (i32, i32) {
    %c0_i32 = arith.constant 0 : i32
    %c0_i32_0 = arith.constant 0 : i32
    %c0_i32_1 = arith.constant 0 : i32
    return %c0_i32, %c0_i32_0 : i32, i32
  }
  func.func @transform_2(%arg0: i32) -> (i32, i32) {
    %c0_i32 = arith.constant 0 : i32
    %c0_i32_0 = arith.constant 0 : i32
    %c0_i32_1 = arith.constant 0 : i32
    return %c0_i32, %c0_i32_0 : i32, i32
  }
  func.func @transform_3(%arg0: i32) -> (i32, i32) {
    %c0_i32 = arith.constant 0 : i32
    %c0_i32_0 = arith.constant 0 : i32
    %c0_i32_1 = arith.constant 0 : i32
    return %c0_i32, %c0_i32_0 : i32, i32
  }
  func.func @transform_4(%arg0: i32) -> (i32, i32) {
    %c0_i32 = arith.constant 0 : i32
    %c0_i32_0 = arith.constant 0 : i32
    return %arg0, %c0_i32 : i32, i32
  }
  func.func @transform_5(%arg0: i32) -> (i32, i32) {
    %c0_i32 = arith.constant 0 : i32
    %c0_i32_0 = arith.constant 0 : i32
    return %arg0, %c0_i32 : i32, i32
  }
}

module attributes {stable_mosaic.version = 14 : i64} {
  func.func @_mlp_body(%arg0: i32, %arg1: memref<2000x128xf32, #tpu.memory_space<vmem>>, %arg2: memref<2000x128xf32, #tpu.memory_space<vmem>>, %arg3: memref<1x1xf32, #tpu.memory_space<vmem>>, %arg4: memref<128x256xf32, #tpu.memory_space<vmem>>, %arg5: memref<1x256xf32, #tpu.memory_space<vmem>>, %arg6: memref<256x128xf32, #tpu.memory_space<vmem>>, %arg7: memref<1x128xf32, #tpu.memory_space<vmem>>, %arg8: memref<256x64xf32, #tpu.memory_space<vmem>>, %arg9: memref<1x64xf32, #tpu.memory_space<vmem>>, %arg10: memref<256x64xf32, #tpu.memory_space<vmem>>, %arg11: memref<1x64xf32, #tpu.memory_space<vmem>>, %arg12: memref<2000x128xf32, #tpu.memory_space<vmem>>, %arg13: memref<2000x64xi32, #tpu.memory_space<vmem>>) attributes {dimension_semantics = [#tpu.dimension_semantics<arbitrary>], iteration_bounds = array<i64: 5>, scalar_prefetch = 0 : i64, scratch_operands = 0 : i64, tpu.core_type = #tpu.core_type<tc>, window_params = [{transform_indices = @transform_0, window_bounds = array<i64: 2000, 128>}, {transform_indices = @transform_1, window_bounds = array<i64: 2000, 128>}, {pipeline_mode = #tpu.pipeline_mode<synchronous>, transform_indices = @transform_2, window_bounds = array<i64: 1, 1>}, {pipeline_mode = #tpu.pipeline_mode<synchronous>, transform_indices = @transform_3, window_bounds = array<i64: 128, 256>}, {pipeline_mode = #tpu.pipeline_mode<synchronous>, transform_indices = @transform_4, window_bounds = array<i64: 1, 256>}, {pipeline_mode = #tpu.pipeline_mode<synchronous>, transform_indices = @transform_5, window_bounds = array<i64: 256, 128>}, {pipeline_mode = #tpu.pipeline_mode<synchronous>, transform_indices = @transform_6, window_bounds = array<i64: 1, 128>}, {pipeline_mode = #tpu.pipeline_mode<synchronous>, transform_indices = @transform_7, window_bounds = array<i64: 256, 64>}, {pipeline_mode = #tpu.pipeline_mode<synchronous>, transform_indices = @transform_8, window_bounds = array<i64: 1, 64>}, {pipeline_mode = #tpu.pipeline_mode<synchronous>, transform_indices = @transform_9, window_bounds = array<i64: 256, 64>}, {pipeline_mode = #tpu.pipeline_mode<synchronous>, transform_indices = @transform_10, window_bounds = array<i64: 1, 64>}, {transform_indices = @transform_11, window_bounds = array<i64: 2000, 128>}, {transform_indices = @transform_12, window_bounds = array<i64: 2000, 64>}]} {
    %get3A = arith.constant 0 : index
    %get3A_0 = arith.constant 0 : index
    %get3A_1 = vector.load %arg3[%get3A, %get3A_0] : memref<1x1xf32, #tpu.memory_space<vmem>>, vector<1x1xf32>
    %get3A_2 = vector.extract %get3A_1[0, 0] : f32 from vector<1x1xf32>
    %add3A = arith.constant 1.000000e+00 : f32
    %add3A_3 = arith.addf %add3A, %get3A_2 : f32
    %get3A_4 = arith.constant 0 : index
    %get3A_5 = arith.constant 0 : index
    %get3A_6 = vector.load %arg1[%get3A_4, %get3A_5] : memref<2000x128xf32, #tpu.memory_space<vmem>>, vector<2000x128xf32>
    %mul3A = vector.broadcast %add3A_3 : f32 to vector<2000x128xf32>
    %mul3A_7 = arith.mulf %mul3A, %get3A_6 : vector<2000x128xf32>
    %get3A_8 = arith.constant 0 : index
    %get3A_9 = arith.constant 0 : index
    %get3A_10 = vector.load %arg2[%get3A_8, %get3A_9] : memref<2000x128xf32, #tpu.memory_space<vmem>>, vector<2000x128xf32>
    %add3A_11 = arith.addf %mul3A_7, %get3A_10 : vector<2000x128xf32>
    %get3A_12 = arith.constant 0 : index
    %get3A_13 = arith.constant 0 : index
    %get3A_14 = vector.load %arg4[%get3A_12, %get3A_13] : memref<128x256xf32, #tpu.memory_space<vmem>>, vector<128x256xf32>
    %dot_general3A = arith.constant dense<0.000000e+00> : vector<2000x256xf32>
    %dot_general3A_15 = tpu.matmul %add3A_11, %get3A_14, %dot_general3A {dimension_numbers = #tpu.dot_dimension_numbers<[1], [0], [0], [1], [0, 0, 1, 1], [], []>, transpose_lhs_hint = false} : vector<2000x128xf32>, vector<128x256xf32>, vector<2000x256xf32> -> vector<2000x256xf32>
    %get3A_16 = arith.constant 0 : index
    %get3A_17 = arith.constant 0 : index
    %get3A_18 = vector.load %arg5[%get3A_16, %get3A_17] : memref<1x256xf32, #tpu.memory_space<vmem>>, vector<1x256xf32>
    %add3A_19 = vector.broadcast %get3A_18 : vector<1x256xf32> to vector<2000x256xf32>
    %add3A_20 = arith.addf %dot_general3A_15, %add3A_19 : vector<2000x256xf32>
    %max3A = arith.constant 0.000000e+00 : f32
    %max3A_21 = vector.broadcast %max3A : f32 to vector<2000x256xf32>
    %max3A_22 = arith.maximumf %add3A_20, %max3A_21 : vector<2000x256xf32>
    %get3A_23 = arith.constant 0 : index
    %get3A_24 = arith.constant 0 : index
    %get3A_25 = vector.load %arg6[%get3A_23, %get3A_24] : memref<256x128xf32, #tpu.memory_space<vmem>>, vector<256x128xf32>
    %dot_general3A_26 = arith.constant dense<0.000000e+00> : vector<2000x128xf32>
    %dot_general3A_27 = tpu.matmul %max3A_22, %get3A_25, %dot_general3A_26 {dimension_numbers = #tpu.dot_dimension_numbers<[1], [0], [0], [1], [0, 0, 1, 1], [], []>, transpose_lhs_hint = false} : vector<2000x256xf32>, vector<256x128xf32>, vector<2000x128xf32> -> vector<2000x128xf32>
    %get3A_28 = arith.constant 0 : index
    %get3A_29 = arith.constant 0 : index
    %get3A_30 = vector.load %arg7[%get3A_28, %get3A_29] : memref<1x128xf32, #tpu.memory_space<vmem>>, vector<1x128xf32>
    %add3A_31 = vector.broadcast %get3A_30 : vector<1x128xf32> to vector<2000x128xf32>
    %add3A_32 = arith.addf %dot_general3A_27, %add3A_31 : vector<2000x128xf32>
    %get3A_33 = arith.constant 0 : index
    %get3A_34 = arith.constant 0 : index
    %get3A_35 = vector.load %arg8[%get3A_33, %get3A_34] : memref<256x64xf32, #tpu.memory_space<vmem>>, vector<256x64xf32>
    %dot_general3A_36 = arith.constant dense<0.000000e+00> : vector<2000x64xf32>
    %dot_general3A_37 = tpu.matmul %max3A_22, %get3A_35, %dot_general3A_36 {dimension_numbers = #tpu.dot_dimension_numbers<[1], [0], [0], [1], [0, 0, 1, 1], [], []>, transpose_lhs_hint = false} : vector<2000x256xf32>, vector<256x64xf32>, vector<2000x64xf32> -> vector<2000x64xf32>
    %get3A_38 = arith.constant 0 : index
    %get3A_39 = arith.constant 0 : index
    %get3A_40 = vector.load %arg9[%get3A_38, %get3A_39] : memref<1x64xf32, #tpu.memory_space<vmem>>, vector<1x64xf32>
    %add3A_41 = vector.broadcast %get3A_40 : vector<1x64xf32> to vector<2000x64xf32>
    %add3A_42 = arith.addf %dot_general3A_37, %add3A_41 : vector<2000x64xf32>
    %get3A_43 = arith.constant 0 : index
    %get3A_44 = arith.constant 0 : index
    %get3A_45 = vector.load %arg10[%get3A_43, %get3A_44] : memref<256x64xf32, #tpu.memory_space<vmem>>, vector<256x64xf32>
    %dot_general3A_46 = arith.constant dense<0.000000e+00> : vector<2000x64xf32>
    %dot_general3A_47 = tpu.matmul %max3A_22, %get3A_45, %dot_general3A_46 {dimension_numbers = #tpu.dot_dimension_numbers<[1], [0], [0], [1], [0, 0, 1, 1], [], []>, transpose_lhs_hint = false} : vector<2000x256xf32>, vector<256x64xf32>, vector<2000x64xf32> -> vector<2000x64xf32>
    %get3A_48 = arith.constant 0 : index
    %get3A_49 = arith.constant 0 : index
    %get3A_50 = vector.load %arg11[%get3A_48, %get3A_49] : memref<1x64xf32, #tpu.memory_space<vmem>>, vector<1x64xf32>
    %add3A_51 = vector.broadcast %get3A_50 : vector<1x64xf32> to vector<2000x64xf32>
    %add3A_52 = arith.addf %dot_general3A_47, %add3A_51 : vector<2000x64xf32>
    %max3A_53 = arith.constant 0.000000e+00 : f32
    %max3A_54 = vector.broadcast %max3A_53 : f32 to vector<2000x128xf32>
    %max3A_55 = arith.maximumf %add3A_32, %max3A_54 : vector<2000x128xf32>
    %max3A_56 = arith.constant 0.000000e+00 : f32
    %max3A_57 = vector.broadcast %max3A_56 : f32 to vector<2000x64xf32>
    %max3A_58 = arith.maximumf %add3A_42, %max3A_57 : vector<2000x64xf32>
    %max3A_59 = arith.constant 0.000000e+00 : f32
    %max3A_60 = vector.broadcast %max3A_59 : f32 to vector<2000x64xf32>
    %max3A_61 = arith.maximumf %add3A_52, %max3A_60 : vector<2000x64xf32>
    %swap3A = arith.constant 0 : index
    %swap3A_62 = arith.constant 0 : index
    %swap3A_63 = vector.load %arg12[%swap3A, %swap3A_62] : memref<2000x128xf32, #tpu.memory_space<vmem>>, vector<2000x128xf32>
    tpu.vector_store %arg12[%swap3A, %swap3A_62], %max3A_55 {strides = array<i32>} : memref<2000x128xf32, #tpu.memory_space<vmem>>, vector<2000x128xf32>,
    %bitcast_convert_type3A = tpu.bitcast %max3A_58 : vector<2000x64xf32> -> vector<2000x64xi32>
    %bitcast_convert_type3A_64 = tpu.bitcast %max3A_61 : vector<2000x64xf32> -> vector<2000x64xi32>
    %add3A_65 = arith.constant 32767 : i32
    %add3A_66 = vector.broadcast %add3A_65 : i32 to vector<2000x64xi32>
    %add3A_67 = arith.addi %bitcast_convert_type3A_64, %add3A_66 : vector<2000x64xi32>
    %shift_right_arithmetic3A = arith.constant 16 : i32
    %shift_right_arithmetic3A_68 = vector.broadcast %shift_right_arithmetic3A : i32 to vector<2000x64xi32>
    %shift_right_arithmetic3A_69 = arith.shrsi %bitcast_convert_type3A_64, %shift_right_arithmetic3A_68 : vector<2000x64xi32>
    %and3A = arith.constant 1 : i32
    %and3A_70 = vector.broadcast %and3A : i32 to vector<2000x64xi32>
    %and3A_71 = arith.andi %shift_right_arithmetic3A_69, %and3A_70 : vector<2000x64xi32>
    %add3A_72 = arith.addi %add3A_67, %and3A_71 : vector<2000x64xi32>
    %shift_right_arithmetic3A_73 = arith.constant 16 : i32
    %shift_right_arithmetic3A_74 = vector.broadcast %shift_right_arithmetic3A_73 : i32 to vector<2000x64xi32>
    %shift_right_arithmetic3A_75 = arith.shrsi %add3A_72, %shift_right_arithmetic3A_74 : vector<2000x64xi32>
    %shift_left3A = arith.constant 16 : i32
    %shift_left3A_76 = vector.broadcast %shift_left3A : i32 to vector<2000x64xi32>
    %shift_left3A_77 = arith.shli %shift_right_arithmetic3A_75, %shift_left3A_76 : vector<2000x64xi32>
    %add3A_78 = arith.constant 32767 : i32
    %add3A_79 = vector.broadcast %add3A_78 : i32 to vector<2000x64xi32>
    %add3A_80 = arith.addi %bitcast_convert_type3A, %add3A_79 : vector<2000x64xi32>
    %shift_right_arithmetic3A_81 = arith.constant 16 : i32
    %shift_right_arithmetic3A_82 = vector.broadcast %shift_right_arithmetic3A_81 : i32 to vector<2000x64xi32>
    %shift_right_arithmetic3A_83 = arith.shrsi %bitcast_convert_type3A, %shift_right_arithmetic3A_82 : vector<2000x64xi32>
    %and3A_84 = arith.constant 1 : i32
    %and3A_85 = vector.broadcast %and3A_84 : i32 to vector<2000x64xi32>
    %and3A_86 = arith.andi %shift_right_arithmetic3A_83, %and3A_85 : vector<2000x64xi32>
    %add3A_87 = arith.addi %add3A_80, %and3A_86 : vector<2000x64xi32>
    %shift_right_arithmetic3A_88 = arith.constant 16 : i32
    %shift_right_arithmetic3A_89 = vector.broadcast %shift_right_arithmetic3A_88 : i32 to vector<2000x64xi32>
    %shift_right_arithmetic3A_90 = arith.shrsi %add3A_87, %shift_right_arithmetic3A_89 : vector<2000x64xi32>
    %and3A_91 = arith.constant 65535 : i32
    %and3A_92 = vector.broadcast %and3A_91 : i32 to vector<2000x64xi32>
    %and3A_93 = arith.andi %shift_right_arithmetic3A_90, %and3A_92 : vector<2000x64xi32>
    %or3A = arith.ori %shift_left3A_77, %and3A_93 : vector<2000x64xi32>
    %swap3A_94 = arith.constant 0 : index
    %swap3A_95 = arith.constant 0 : index
    %swap3A_96 = vector.load %arg13[%swap3A_94, %swap3A_95] : memref<2000x64xi32, #tpu.memory_space<vmem>>, vector<2000x64xi32>
    tpu.vector_store %arg13[%swap3A_94, %swap3A_95], %or3A {strides = array<i32>} : memref<2000x64xi32, #tpu.memory_space<vmem>>, vector<2000x64xi32>,
    return
  }
  func.func @transform_0(%arg0: i32) -> (i32, i32) {
    %c0_i32 = arith.constant 0 : i32
    %c0_i32_0 = arith.constant 0 : i32
    return %arg0, %c0_i32 : i32, i32
  }
  func.func @transform_1(%arg0: i32) -> (i32, i32) {
    %c0_i32 = arith.constant 0 : i32
    %c0_i32_0 = arith.constant 0 : i32
    return %arg0, %c0_i32 : i32, i32
  }
  func.func @transform_2(%arg0: i32) -> (i32, i32) {
    %c0_i32 = arith.constant 0 : i32
    %c0_i32_0 = arith.constant 0 : i32
    %c0_i32_1 = arith.constant 0 : i32
    return %c0_i32, %c0_i32_0 : i32, i32
  }
  func.func @transform_3(%arg0: i32) -> (i32, i32) {
    %c0_i32 = arith.constant 0 : i32
    %c0_i32_0 = arith.constant 0 : i32
    %c0_i32_1 = arith.constant 0 : i32
    return %c0_i32, %c0_i32_0 : i32, i32
  }
  func.func @transform_4(%arg0: i32) -> (i32, i32) {
    %c0_i32 = arith.constant 0 : i32
    %c0_i32_0 = arith.constant 0 : i32
    %c0_i32_1 = arith.constant 0 : i32
    return %c0_i32, %c0_i32_0 : i32, i32
  }
  func.func @transform_5(%arg0: i32) -> (i32, i32) {
    %c0_i32 = arith.constant 0 : i32
    %c0_i32_0 = arith.constant 0 : i32
    %c0_i32_1 = arith.constant 0 : i32
    return %c0_i32, %c0_i32_0 : i32, i32
  }
  func.func @transform_6(%arg0: i32) -> (i32, i32) {
    %c0_i32 = arith.constant 0 : i32
    %c0_i32_0 = arith.constant 0 : i32
    %c0_i32_1 = arith.constant 0 : i32
    return %c0_i32, %c0_i32_0 : i32, i32
  }
  func.func @transform_7(%arg0: i32) -> (i32, i32) {
    %c0_i32 = arith.constant 0 : i32
    %c0_i32_0 = arith.constant 0 : i32
    %c0_i32_1 = arith.constant 0 : i32
    return %c0_i32, %c0_i32_0 : i32, i32
  }
  func.func @transform_8(%arg0: i32) -> (i32, i32) {
    %c0_i32 = arith.constant 0 : i32
    %c0_i32_0 = arith.constant 0 : i32
    %c0_i32_1 = arith.constant 0 : i32
    return %c0_i32, %c0_i32_0 : i32, i32
  }
  func.func @transform_9(%arg0: i32) -> (i32, i32) {
    %c0_i32 = arith.constant 0 : i32
    %c0_i32_0 = arith.constant 0 : i32
    %c0_i32_1 = arith.constant 0 : i32
    return %c0_i32, %c0_i32_0 : i32, i32
  }
  func.func @transform_10(%arg0: i32) -> (i32, i32) {
    %c0_i32 = arith.constant 0 : i32
    %c0_i32_0 = arith.constant 0 : i32
    %c0_i32_1 = arith.constant 0 : i32
    return %c0_i32, %c0_i32_0 : i32, i32
  }
  func.func @transform_11(%arg0: i32) -> (i32, i32) {
    %c0_i32 = arith.constant 0 : i32
    %c0_i32_0 = arith.constant 0 : i32
    return %arg0, %c0_i32 : i32, i32
  }
  func.func @transform_12(%arg0: i32) -> (i32, i32) {
    %c0_i32 = arith.constant 0 : i32
    %c0_i32_0 = arith.constant 0 : i32
    return %arg0, %c0_i32 : i32, i32
  }
}

module attributes {stable_mosaic.version = 14 : i64} {
  func.func @_mlp_pool_body(%arg0: memref<10000x128xf32, #tpu.memory_space<vmem>>, %arg1: memref<10000x128xf32, #tpu.memory_space<vmem>>, %arg2: memref<1x1xf32, #tpu.memory_space<vmem>>, %arg3: memref<128x256xf32, #tpu.memory_space<vmem>>, %arg4: memref<1x256xf32, #tpu.memory_space<vmem>>, %arg5: memref<256x128xf32, #tpu.memory_space<vmem>>, %arg6: memref<1x128xf32, #tpu.memory_space<vmem>>, %arg7: memref<1x10000xi32, #tpu.memory_space<vmem>>, %arg8: memref<128x10xf32, #tpu.memory_space<vmem>>, %arg9: memref<1x10xf32, #tpu.memory_space<vmem>>, %arg10: memref<64x10xf32, #tpu.memory_space<vmem>>, %arg11: memref<64x128xf32, #tpu.memory_space<vmem>>) attributes {dimension_semantics = [], scalar_prefetch = 0 : i64, scratch_operands = 0 : i64, tpu.core_type = #tpu.core_type<tc>} {
    %get3A = arith.constant 0 : index
    %get3A_0 = arith.constant 0 : index
    %get3A_1 = vector.load %arg2[%get3A, %get3A_0] : memref<1x1xf32, #tpu.memory_space<vmem>>, vector<1x1xf32>
    %get3A_2 = vector.extract %get3A_1[0, 0] : f32 from vector<1x1xf32>
    %add3A = arith.constant 1.000000e+00 : f32
    %add3A_3 = arith.addf %add3A, %get3A_2 : f32
    %get3A_4 = arith.constant 0 : index
    %get3A_5 = arith.constant 0 : index
    %get3A_6 = vector.load %arg0[%get3A_4, %get3A_5] : memref<10000x128xf32, #tpu.memory_space<vmem>>, vector<10000x128xf32>
    %mul3A = vector.broadcast %add3A_3 : f32 to vector<10000x128xf32>
    %mul3A_7 = arith.mulf %mul3A, %get3A_6 : vector<10000x128xf32>
    %get3A_8 = arith.constant 0 : index
    %get3A_9 = arith.constant 0 : index
    %get3A_10 = vector.load %arg1[%get3A_8, %get3A_9] : memref<10000x128xf32, #tpu.memory_space<vmem>>, vector<10000x128xf32>
    %add3A_11 = arith.addf %mul3A_7, %get3A_10 : vector<10000x128xf32>
    %get3A_12 = arith.constant 0 : index
    %get3A_13 = arith.constant 0 : index
    %get3A_14 = vector.load %arg3[%get3A_12, %get3A_13] : memref<128x256xf32, #tpu.memory_space<vmem>>, vector<128x256xf32>
    %dot_general3A = arith.constant dense<0.000000e+00> : vector<10000x256xf32>
    %dot_general3A_15 = tpu.matmul %add3A_11, %get3A_14, %dot_general3A {dimension_numbers = #tpu.dot_dimension_numbers<[1], [0], [0], [1], [0, 0, 1, 1], [], []>, transpose_lhs_hint = false} : vector<10000x128xf32>, vector<128x256xf32>, vector<10000x256xf32> -> vector<10000x256xf32>
    %get3A_16 = arith.constant 0 : index
    %get3A_17 = arith.constant 0 : index
    %get3A_18 = vector.load %arg4[%get3A_16, %get3A_17] : memref<1x256xf32, #tpu.memory_space<vmem>>, vector<1x256xf32>
    %add3A_19 = vector.broadcast %get3A_18 : vector<1x256xf32> to vector<10000x256xf32>
    %add3A_20 = arith.addf %dot_general3A_15, %add3A_19 : vector<10000x256xf32>
    %max3A = arith.constant 0.000000e+00 : f32
    %max3A_21 = vector.broadcast %max3A : f32 to vector<10000x256xf32>
    %max3A_22 = arith.maximumf %add3A_20, %max3A_21 : vector<10000x256xf32>
    %get3A_23 = arith.constant 0 : index
    %get3A_24 = arith.constant 0 : index
    %get3A_25 = vector.load %arg5[%get3A_23, %get3A_24] : memref<256x128xf32, #tpu.memory_space<vmem>>, vector<256x128xf32>
    %dot_general3A_26 = arith.constant dense<0.000000e+00> : vector<10000x128xf32>
    %dot_general3A_27 = tpu.matmul %max3A_22, %get3A_25, %dot_general3A_26 {dimension_numbers = #tpu.dot_dimension_numbers<[1], [0], [0], [1], [0, 0, 1, 1], [], []>, transpose_lhs_hint = false} : vector<10000x256xf32>, vector<256x128xf32>, vector<10000x128xf32> -> vector<10000x128xf32>
    %get3A_28 = arith.constant 0 : index
    %get3A_29 = arith.constant 0 : index
    %get3A_30 = vector.load %arg6[%get3A_28, %get3A_29] : memref<1x128xf32, #tpu.memory_space<vmem>>, vector<1x128xf32>
    %add3A_31 = vector.broadcast %get3A_30 : vector<1x128xf32> to vector<10000x128xf32>
    %add3A_32 = arith.addf %dot_general3A_27, %add3A_31 : vector<10000x128xf32>
    %get3A_33 = arith.constant 0 : index
    %get3A_34 = arith.constant 0 : index
    %get3A_35 = vector.load %arg7[%get3A_33, %get3A_34] : memref<1x10000xi32, #tpu.memory_space<vmem>>, vector<1x10000xi32>
    %iota3A = tpu.iota {dimensions = array<i32: 0>} : vector<64x10000xi32>
    %eq3A = vector.broadcast %get3A_35 : vector<1x10000xi32> to vector<64x10000xi32>
    %eq3A_36 = arith.cmpi eq, %iota3A, %eq3A : vector<64x10000xi32>
    %convert_element_type3A = arith.extui %eq3A_36 : vector<64x10000xi1> to vector<64x10000xi32>
    %convert_element_type3A_37 = arith.sitofp %convert_element_type3A : vector<64x10000xi32> to vector<64x10000xf32>
    %dot_general3A_38 = arith.constant dense<0.000000e+00> : vector<64x128xf32>
    %dot_general3A_39 = tpu.matmul %convert_element_type3A_37, %add3A_32, %dot_general3A_38 {dimension_numbers = #tpu.dot_dimension_numbers<[1], [0], [0], [1], [0, 0, 1, 1], [], []>, transpose_lhs_hint = false} : vector<64x10000xf32>, vector<10000x128xf32>, vector<64x128xf32> -> vector<64x128xf32>
    %reduce_sum3A = arith.constant dense<0.000000e+00> : vector<64xf32>
    %reduce_sum3A_40 = vector.multi_reduction <add>, %convert_element_type3A_37, %reduce_sum3A [1] : vector<64x10000xf32> to vector<64xf32>
    %broadcast_in_dim3A = vector.shape_cast %reduce_sum3A_40 : vector<64xf32> to vector<64x1xf32>
    %max3A_41 = arith.constant 1.000000e+00 : f32
    %max3A_42 = vector.broadcast %max3A_41 : f32 to vector<64x1xf32>
    %max3A_43 = arith.maximumf %broadcast_in_dim3A, %max3A_42 : vector<64x1xf32>
    %div3A = vector.broadcast %max3A_43 : vector<64x1xf32> to vector<64x128xf32>
    %div3A_44 = arith.divf %dot_general3A_39, %div3A : vector<64x128xf32>
    %swap3A = arith.constant 0 : index
    %swap3A_45 = arith.constant 0 : index
    %swap3A_46 = vector.load %arg11[%swap3A, %swap3A_45] : memref<64x128xf32, #tpu.memory_space<vmem>>, vector<64x128xf32>
    tpu.vector_store %arg11[%swap3A, %swap3A_45], %div3A_44 {strides = array<i32>} : memref<64x128xf32, #tpu.memory_space<vmem>>, vector<64x128xf32>,
    %get3A_47 = arith.constant 0 : index
    %get3A_48 = arith.constant 0 : index
    %get3A_49 = vector.load %arg8[%get3A_47, %get3A_48] : memref<128x10xf32, #tpu.memory_space<vmem>>, vector<128x10xf32>
    %dot_general3A_50 = arith.constant dense<0.000000e+00> : vector<64x10xf32>
    %dot_general3A_51 = tpu.matmul %div3A_44, %get3A_49, %dot_general3A_50 {dimension_numbers = #tpu.dot_dimension_numbers<[1], [0], [0], [1], [0, 0, 1, 1], [], []>, transpose_lhs_hint = false} : vector<64x128xf32>, vector<128x10xf32>, vector<64x10xf32> -> vector<64x10xf32>
    %get3A_52 = arith.constant 0 : index
    %get3A_53 = arith.constant 0 : index
    %get3A_54 = vector.load %arg9[%get3A_52, %get3A_53] : memref<1x10xf32, #tpu.memory_space<vmem>>, vector<1x10xf32>
    %add3A_55 = vector.broadcast %get3A_54 : vector<1x10xf32> to vector<64x10xf32>
    %add3A_56 = arith.addf %dot_general3A_51, %add3A_55 : vector<64x10xf32>
    %swap3A_57 = arith.constant 0 : index
    %swap3A_58 = arith.constant 0 : index
    %swap3A_59 = vector.load %arg10[%swap3A_57, %swap3A_58] : memref<64x10xf32, #tpu.memory_space<vmem>>, vector<64x10xf32>
    tpu.vector_store %arg10[%swap3A_57, %swap3A_58], %add3A_56 {strides = array<i32>} : memref<64x10xf32, #tpu.memory_space<vmem>>, vector<64x10xf32>,
    return
  }
}

</mosaic_0001>

<sc_bundles>
// kernel: kernel.10.cloned.1.call-start
scs
__scs_entry_jumppad:
0x0: {  	(pc) =	sbr.rel $0x88, $3  }
0x1: {  	(tag) =	ssettag $0x0;
	lr =	simm.s32 $0x1  }
0x2: {  	[smem:$0x3F94] =	sst lr;
	_ =	strace $0xD0000000  }
0x3: {  	_ = 	snop  }
0x4: {  	_ = 	snop  }
0x5: {  	_ = 	snop  }
0x6: {  	_ = 	snop  }
0x7: {  	_ = 	snop  }
__scs_overlays_trampoline_lowered:
0x8: {  	[smem:$0x3FA3] =	sst s0  }
0x9: {  	[smem:$0x3FA4] =	sst s1  }
0xa: {  	[smem:$0x3FA5] =	sst s2  }
0xb: {  	[smem:$0x3FA6] =	sst s3  }
0xc: {  	[smem:$0x3FA7] =	sst s4  }
0xd: {  	[smem:$0x3FA8] =	sst s5  }
0xe: {  	[smem:$0x3FA9] =	sst s6  }
0xf: {  	[smem:$0x3FAA] =	sst s7  }
0x10: {  	[smem:$0x3FAB] =	sst s8  }
0x11: {  	[smem:$0x3FAC] =	sst s9;
	s0 =	simm.s32 @!p0 $0x0  }
0x12: {  	s1 =	sld [smem:$0x3F92];
	s0 =	simm.s32 @p0 $0x1  }
0x13: {  	[smem:$0x3FAD] =	sst s0;
	s0 =	simm.s32 @!p1 $0x0  }
0x14: {  	s2 =	sld [smem:$0x3F91];
	s0 =	simm.s32 @p1 $0x1  }
0x15: {  	[smem:$0x3FAE] =	sst s0;
	s0 =	simm.s32 @!p2 $0x0  }
0x16: {  	s3 =	sld [smem:$0x3FDB];
	s0 =	simm.s32 @p2 $0x1  }
0x17: {  	s4 =	simm.s32 $0x1BF5;
	[smem:$0x3FB0] =	sst s0  }
0x18: {  	s0 =	sld [smem:$0x3F93];
	_ =	swait.ge [sflag:s4], $0x0  }
0x19: {  	s7 =	sld [smem:$0x3F94]  }
0x1a: {  	s8 =	sadd.s32 $0xFFFFE003, lr  }
0x1b: {  	s9 =	sadd.s32 $0xFFFFFEF7, lr;
	s5 =	simm.s32 $0xFFFFFFFF;
	p2 =	slt.u32 s8, $0xFFFFF086  }
0x1c: {  	p1 =	slt.u32 s9, $0xF7A;
	s5 =	simm.s32 @!p2 $0x0  }
0x1d: {  	s5 =	simm.s32 @p1 $0x1;
	p0 =	seq.s32 s7, s2  }
0x1e: {  	s7 =	smul.u32 @!p0 $0xF7A, s2;
	p2 =	seq.s32 @!p0 s5, $0x0  }
0x1f: {  	s9 =	smul.u32 $0xF7A, s1;
	s8 =	simm.s32 @!p0 $0x1BF5;
	p2 =	por !p2, p0  }
0x20: {  	[sflag:s8] =	ssyncset.s32 @!p0 $0xFFFFF086;
	s6 =	sadd.s32 @!p0 s3, s7;
	s7 =	simm.s32 @!p0 $0x108  }
0x21: {  	s3 =	sadd.s32 s3, s9;
	s6 =	sadd.s32 @!p0 $0x88, s6;
	s7 =	simm.s32 @p2 $0x1082  }
0x22: {  	[simem:s7], [sflag:s8] =	dma.local @!p0 [hbm:s6], $0xF7A  }
0x23: {  	s9 =	sor.u32 $0xD0000000, s2;
	s6 =	simm.s32 $0x108;
	_ =	swait.ge @!p0 [sflag:s8], $0x0  }
0x24: {  	s3 =	sadd.s32 $0x88, s3;
	s6 =	simm.s32 @!p1 $0x1082;
	[sflag:s4] =	ssyncset.s32 $0xFFFFF086  }
0x25: {  	[simem:s6], [sflag:s4] =	dma.local [hbm:s3], $0xF7A  }
0x26: {  	[smem:$0x3F94] =	sst s1;
	(tag) =	ssettag s2;
	_ =	strace s9  }
0x27: {  	s1 =	sld [smem:$0x3FA4]  }
0x28: {  	s2 =	sld [smem:$0x3FA5]  }
0x29: {  	s4 =	sld [smem:$0x3FA7]  }
0x2a: {  	p0 =	seq.s32 s5, $0x0;
	s5 =	sld [smem:$0x3FA8]  }
0x2b: {  	s6 =	sld [smem:$0x3FA9]  }
0x2c: {  	s7 =	sld [smem:$0x3FAA]  }
0x2d: {  	s3 =	simm.s32 $0x108;
	s8 =	sld [smem:$0x3FAB]  }
0x2e: {  	s3 =	simm.s32 @!p0 $0x1082;
	s9 =	sld [smem:$0x3FAC]  }
0x2f: {  	lr =	sadd.s32 s0, s3;
	s0 =	sld [smem:$0x3FA3]  }
0x30: {  	s3 =	sld [smem:$0x3FA6]  }
0x31: {  	[smem:$0x3FAF] =	sst s10  }
0x32: {  	s10 =	sld [smem:$0x3FAD];
	_ =	sdelay $0x3  }
0x33: {  	p0 =	seq.s32 s10, $0x1;
	s10 =	sld [smem:$0x3FAF];
	_ =	sdelay $0x3  }
0x34: {  	[smem:$0x3FAF] =	sst s10  }
0x35: {  	s10 =	sld [smem:$0x3FAE];
	_ =	sdelay $0x3  }
0x36: {  	p1 =	seq.s32 s10, $0x1;
	s10 =	sld [smem:$0x3FAF];
	_ =	sdelay $0x3  }
0x37: {  	[smem:$0x3FAF] =	sst s10  }
0x38: {  	s10 =	sld [smem:$0x3FB0]  }
0x39: {  	_ = 	snop;
	(pc) =	sbr.ind lr, $3  }
0x3a: {  	_ = 	snop  }
0x3b: {  	_ = 	snop  }
0x3c: {  	p2 =	seq.s32 s10, $0x1;
	s10 =	sld [smem:$0x3FAF]  }
0x3d: {  	_ =	shalt  }
0x3e: {  	_ =	shalt  }
0x3f: {  	_ =	shalt  }
0x40: {  	_ =	shalt  }
0x41: {  	_ =	shalt  }
0x42: {  	_ =	shalt  }
0x43: {  	_ =	shalt  }
0x44: {  	_ =	shalt  }
0x45: {  	_ =	shalt  }
0x46: {  	_ =	shalt  }
0x47: {  	_ =	shalt  }
0x48: {  	_ =	shalt  }
0x49: {  	_ =	shalt  }
0x4a: {  	_ =	shalt  }
0x4b: {  	_ =	shalt  }
0x4c: {  	_ =	shalt  }
0x4d: {  	_ =	shalt  }
0x4e: {  	_ =	shalt  }
0x4f: {  	_ =	shalt  }
0x50: {  	_ =	shalt  }
0x51: {  	_ =	shalt  }
0x52: {  	_ =	shalt  }
0x53: {  	_ =	shalt  }
0x54: {  	_ =	shalt  }
0x55: {  	_ =	shalt  }
0x56: {  	_ =	shalt  }
0x57: {  	_ =	shalt  }
0x58: {  	_ =	shalt  }
0x59: {  	_ =	shalt  }
0x5a: {  	_ =	shalt  }
0x5b: {  	_ =	shalt  }
0x5c: {  	_ =	shalt  }
0x5d: {  	_ =	shalt  }
0x5e: {  	_ =	shalt  }
0x5f: {  	_ =	shalt  }
0x60: {  	_ =	shalt  }
0x61: {  	_ =	shalt  }
0x62: {  	_ =	shalt  }
0x63: {  	_ =	shalt  }
0x64: {  	_ =	shalt  }
0x65: {  	_ =	shalt  }
0x66: {  	_ =	shalt  }
0x67: {  	_ =	shalt  }
0x68: {  	_ =	shalt  }
0x69: {  	_ =	shalt  }
0x6a: {  	_ =	shalt  }
0x6b: {  	_ =	shalt  }
0x6c: {  	_ =	shalt  }
0x6d: {  	_ =	shalt  }
0x6e: {  	_ =	shalt  }
0x6f: {  	_ =	shalt  }
0x70: {  	_ =	shalt  }
0x71: {  	_ =	shalt  }
0x72: {  	_ =	shalt  }
0x73: {  	_ =	shalt  }
0x74: {  	_ =	shalt  }
0x75: {  	_ =	shalt  }
0x76: {  	_ =	shalt  }
0x77: {  	_ =	shalt  }
0x78: {  	_ =	shalt  }
0x79: {  	_ =	shalt  }
0x7a: {  	_ =	shalt  }
0x7b: {  	_ =	shalt  }
0x7c: {  	_ =	shalt  }
0x7d: {  	_ =	shalt  }
0x7e: {  	_ =	shalt  }
0x7f: {  	_ =	shalt  }
0x80: {  	_ =	shalt  }
0x81: {  	_ =	shalt  }
0x82: {  	_ =	shalt  }
0x83: {  	_ =	shalt  }
0x84: {  	_ =	shalt  }
0x85: {  	_ =	shalt  }
0x86: {  	_ =	shalt  }
0x87: {  	_ =	shalt  }
.Lfunc_end0:
.L_simem_size_0:
called_computation_lowered:
.L_overlay_start_0:
0x88: {  	s2 =	sld [smem:$0x3FD9]  }
0x89: {  	s3 =	sld [smem:$0x3FFE];
	_ =	sdelay $0x1  }
0x8a: {  	s1 =	srdreg.scid  }
0x8b: {  	s0 =	sand.u32 $0x1, s1  }
0x8c: {  	s16 =	sshll.u32 s0, $0xA;
	s2 =	sadd.s32 s3, s2  }
0x8d: {  	s2 =	sadd.s32 s2, s16  }
0x8e: {  	[smem:$0x3FBB] =	sst s2  }
0x8f: {  	_ = 	snop  }
0x90: {  	(tm) =	ssettm $0x1  }
0x91: {  	s17 =	sld [smem:$0x3FFB];
	_ =	sdelay $0x3  }
0x92: {  	_ =	strace s17  }
0x93: {  	s2 =	sld [smem:$0x3FFC];
	_ =	sdelay $0x3  }
0x94: {  	_ =	strace s2  }
0x95: {  	s2 =	sld [smem:$0x3FFD];
	_ =	sdelay $0x3  }
0x96: {  	_ =	strace s2  }
0x97: {  	_ =	strace $0x8FFFFFFF  }
0x98: {  	s18 =	sld [smem:$0x3FDB];
	_ =	sdelay $0x1  }
0x99: {  	s19 =	simm.s32 $_scs_section_size  }
0x9a: {  	s4 =	simm.s32 $_size__tile_overlayer_lowered;
	s5 =	simm.s32 $_tile_overlayer_lowered  }
0x9b: {  	s22 =	simm.s32 $0x1BFF;
	s21 =	sshll.u32 s5, $0x1;
	s2 =	sadd.s32 s19, s18  }
0x9c: {  	s6 =	simm.s32 $0x0;
	s20 =	sshll.u32 s4, $0x1;
	s4 =	sadd.s32 s21, s2  }
0x9d: {  	[timem:s6], [sflag:s22] =	dma.local [hbm:s4], s20  }
0x9e: {  	_ =	swait.ge [sflag:s22], s20  }
0x9f: {  	s3 =	ssub.s32 $0x0, s20;
	[sflag:s22] =	ssyncset.done $0x0  }
0xa0: {  	[sflag:s22] =	ssyncadd.s32 s3;
	_ =	sdelay $0x1  }
0xa1: {  	s23 =	simm.s32 $0x1B8B  }
0xa2: {  	_ =	swait.ge [sflag:s23], $0x1  }
0xa3: {  	[sflag:s23] =	ssyncset.done $0x0  }
0xa4: {  	s25 =	simm.s32 $0x1B8E;
	s24 =	sld [smem:$0x3FFE];
	[sflag:s23] =	ssyncadd.s32 $0xFFFFFFFF  }
0xa5: {  	s26 =	simm.s32 $execute0_lowered;
	[smem:$0x3FD2] =	sst s25  }
0xa6: {  	s4 =	sshll.u32 s26, $0x1;
	_ =	strace $0x80000046;
	[dreg:$0x1] =	wrdreg $0xFFFFFFFF  }
0xa7: {  	s28 =	simm.s32 $_size_execute0_lowered;
	s2 =	sadd.s32 s2, s4;
	[dreg:$0x0] =	wrdreg $0x0  }
0xa8: {  	s4 =	sshll.u32 s28, $0x1;
	[dreg:$0x2] =	wrdreg s2  }
0xa9: {  	[dreg:$0x3] =	wrdreg s4  }
0xaa: {  	[dreg:$0x4] =	wrdreg $0xC0  }
0xab: {  	_ =	task [dreg:s6], $0x5FFFF  }
0xac: {  	[dreg:$0x1] =	wrdreg $0xFFFFFFFF  }
0xad: {  	[dreg:$0x0] =	wrdreg $0x60  }
0xae: {  	[dreg:$0x2] =	wrdreg s24  }
0xaf: {  	[dreg:$0x3] =	wrdreg $0x0  }
0xb0: {  	[dreg:$0x4] =	wrdreg $0x4E200  }
0xb1: {  	[dreg:$0x5] =	wrdreg $0x9  }
0xb2: {  	_ =	task.clear_ibuf [dreg:s6], $0x6FFFF;
	_ =	strace $0x90000046  }
0xb3: {  	s29 =	simm.s32 $0x9;
	_ =	strace $0x80000048  }
0xb4: {  	_ =	swait.ge [sflag:s29], $0x1  }
0xb5: {  	[sflag:s29] =	ssyncadd.s32 $0xFFFFFFFF  }
0xb6: {  	_ =	strace $0x90000048  }
0xb7: {  	_ =	sfence  }
0xb8: {  	s30 =	sld [smem:$0x0];
	_ =	sdelay $0x2  }
0xb9: {  	s31 =	sshll.u32 s1, $0xD;
	s1 =	sshrl.u32 s1, $0x2  }
0xba: {  	s3 =	sand.u32 $0x4000, s31;
	s1 =	sadd.s32 s1, s30  }
0xbb: {  	s0 =	sor.u32 s3, s0;
	s1 =	sshll.u32 s1, $0x11  }
0xbc: {  	s0 =	sor.u32 s1, s0  }
0xbd: {  	s0 =	sadd.s32 $0x8F2B, s0  }
0xbe: {  	[sflag:s0] =	ssyncadd.remote.s32 $0x1  }
0xbf: {  	_ =	sfence.sel $0xFFFF  }
0xc0: {  	[dreg:$0x0] =	wrdreg $0xFFFFFFFF;
	(pc) =	sbr.abs _section_cstart, $3  }
0xc1: {  	[dreg:$0x1] =	wrdreg $0xFFFFFFFF  }
0xc2: {  	_ =	task.clear_ibuf [dreg:s6], $0x2FFFF;
	_ =	strace $0x9FFFFFFF  }
0xc3: {  	(tm) =	ssettm $0x7FFFFFFF  }
tec
execute0_lowered:
.L_overlay_start_1:
0x0: {  	(tag) =	ssettag $0x1  }
0x1: {  	s0 =	rddreg [dreg:$0x0]  }
0x2: {  	s2 =	rddreg [dreg:$0x1]  }
0x3: {  	s1 =	srdreg.scid;
	s15 =	stileid.u32  }
0x4: {  	s3 =	rddreg [dreg:$0x2];
	s4 =	simm.s32 $0x0;
	s19 =	simm.s32 $0x8  }
0x5: {  	s31 =	simm.s32 $0x64;
	s30 =	simm.s32 $0x12C20;
	s17 =	simm.s32 $0x151A0  }
0x6: {  	s18 =	simm.s32 $0x2;
	s20 =	simm.s32 $0x5;
	s9 =	smul.u32 $0x9C40, s15  }
0x7: {  	[smem:$0x7FF] =	sst s4;
	s11 =	smul.u32 $0x13880, s15;
	s7 =	sadd.s32 $0x2BC800, s0  }
0x8: {  	s1 =	sand.u32 $0x1, s1;
	s8 =	sadd.s32 $0x2B2400, s0;
	s13 =	sadd.s32 $0x2C6C00, s0  }
0x9: {  	s14 =	smul.u32 $0x138800, s15;
	s23 =	sshll.u32 s15, $0x6;
	s5 =	sshll.u32 s1, $0x5  }
0xa: {  	_ =	strace $0x80000047;
	s10 =	sshll.u32 s1, $0x6;
	[dreg:$0x4] =	wrdreg s13  }
0xb: {  	s1 =	ssub.s32 $0x2, s1;
	s16 =	sor.u32 $0x1C07, s23;
	s23 =	simm.s32 $0x138A0  }
0xc: {  	s6 =	sor.u32 s5, s9;
	s10 =	sor.u32 s10, s11;
	s21 =	sshrl.u32 s1, $0x1  }
0xd: {  	s22 =	sshrl.u32 s11, $0x2;
	s11 =	smul.u32 $0x4E20, s15;
	s14 =	sor.u32 s5, s14  }
0xe: {  	s9 =	sadd.s32 s9, s3;
	[dreg:$0x6] =	wrdreg s16;
	s6 =	sshrl.u32 s6, $0x3  }
0xf: {  	s10 =	sshrl.u32 s10, $0x3;
	s1 =	ssub.s32 s1, s21;
	s13 =	sadd.s32 s22, s2  }
0x10: {  	[dreg:$0x7] =	wrdreg s9;
	s24 =	sshrl.u32 s14, $0x3;
	s21 =	simm.s32 $0x1  }
0x11: {  	s22 =	simm.s32 $0x4;
	s14 =	simm.s32 $0x105D0;
	s12 =	sadd.s32 s6, s0  }
0x12: {  	s6 =	sadd.s32 $0x6800, s0;
	s0 =	sadd.s32 s10, s0;
	s28 =	smax.u32 s1, $0x1  }
0x13: {  	s10 =	smul.u32 $0xC8, s15;
	s29 =	sshrl.u32 s13, $0x3;
	[dreg:$0xc] =	wrdreg s28  }
0x14: {  	s15 =	smul.u32 $0xA28, s15;
	s12 =	sadd.s32 $0x29EA00, s12;
	[dreg:$0xd] =	wrdreg s29  }
0x15: {  	s1 =	simm.s32 $0x11FA0;
	s9 =	sadd.s32 s6, s24;
	[dreg:$0x5] =	wrdreg s12  }
0x16: {  	s13 =	simm.s32 $0x6;
	s0 =	sadd.s32 $0x2C8000, s0;
	[dreg:$0xa] =	wrdreg s9  }
0x17: {  	s24 =	simm.s32 $0x7;
	s25 =	sadd.s32 s7, s15;
	[dreg:$0xb] =	wrdreg s0  }
0x18: {  	s26 =	sadd.s32 s8, s15;
	s9 =	simm.s32 $0x3;
	[dreg:$0x8] =	wrdreg s25  }
0x19: {  	v0 =	vimm.bf16 $0.0e+00;
	s12 =	simm.s32 $0x10500;
	s15 =	simm.s32 $0x0;
	[dreg:$0x9] =	wrdreg s26  }
.LBB2_1:
0x1a: {  	[dreg:$0xe] =	wrdreg s15  }
0x1b: {  	s0 =	rddreg [dreg:$0x5]  }
0x1c: {  	s25 =	rddreg [dreg:$0xd]  }
0x1d: {  	[spmem:s25@s22], [sflag:s16] =	dma.strided [hbm:s0@s19], $0x9C4, s21, $0x4   }
0x1e: {  	_ =	swait.ge [sflag:s24], $0x9C4  }
0x1f: {  	s26 =	rddreg [dreg:$0x7]  }
0x20: {  	[sflag:s24] =	ssyncset.done $0x0;
	s29 =	rddreg [dreg:$0x4];
	s28 =	sshrl.u32 s26, $0x3  }
0x21: {  	[sflag:s24] =	ssyncadd.s32 $0xFFFFF63C;
	[dreg:$0xf] =	wrdreg s28  }
0x22: {  	[spmem:s28], [sflag:s16] =	dma.local [hbm:s29], $0x1388  }
0x23: {  	_ =	swait.ge [sflag:s24], $0x1388  }
0x24: {  	[sflag:s24] =	ssyncset.done $0x0  }
0x25: {  	s16 =	simm.s32 $0xEA60;
	s15 =	rddreg [dreg:$0x8];
	[sflag:s24] =	ssyncadd.s32 $0xFFFFEC78  }
0x26: {  	[tilespmem:s16], [sflag:$0x1] =	stream.linear.gather [hbm4b:s15+s4], $0xD0, $0x38;
	[tilespmem:$0x16AA0] =	vst v63  }
0x27: {  	s26 =	simm.s32 $0x20;
	s19 =	rddreg [dreg:$0x9];
	s24 =	simm.s32 $0xEB30  }
0x28: {  	[tilespmem:s24], [sflag:$0x1] =	stream.linear.gather [hbm4b:s19+s4], $0xD0, $0x38;
	[tilespmem:$0x16AA0] =	vst v63  }
0x29: {  	s28 =	simm.s32 $0x40;
	s29 =	simm.s32 $0xEC00;
	s25 =	rddreg [dreg:$0xa]  }
0x2a: {  	[tilespmem:s29], [sflag:$0x1] =	stream.strided.gather [hbm4b:s25+s26], $0x1900, s28, s26, $0x38;
	[tilespmem:$0x16AA0] =	vst v63  }
0x2b: {  	s0 =	simm.s32 $0x0;
	[bflag:$0x0] =	sbarrier.arrive $0xFFFF  }
.LBB2_2:
0x2c: {  	_ =	swait.ge [sflag:s21], $0xD0  }
0x2d: {  	[sflag:s21] =	ssyncset.done $0x0  }
0x2e: {  	[sflag:s21] =	ssyncadd.s32 $0xFFFFFF30  }
0x2f: {  	_ =	swait.ge [sflag:s21], $0xD0  }
0x30: {  	[sflag:s21] =	ssyncset.done $0x0  }
0x31: {  	[sflag:s21] =	ssyncadd.s32 $0xFFFFFF30  }
0x32: {  	_ =	swait.ge [sflag:s21], $0x1900  }
0x33: {  	[sflag:s21] =	ssyncset.done $0x0  }
0x34: {  	s15 =	simm.s32 $0xEA60;
	[sflag:s21] =	ssyncadd.s32 $0xFFFFE700  }
0x35: {  	[tilespmem:s1], [sflag:$0x3] =	stream.indirect.gather [spmem:s2], $0x20, s15, s31, $0xb8;
	[tilespmem:$0x16AA0] =	vst v63  }
0x36: {  	s29 =	simm.s32 $0xEAC8  }
0x37: {  	[tilespmem:s30], [sflag:$0x4] =	stream.indirect.gather [spmem:s2], $0x20, s29, s31, $0xb8;
	[tilespmem:$0x16AA0] =	vst v63  }
0x38: {  	_ =	swait.ge [sflag:s9], $0xC80  }
0x39: {  	p0 =	seq.s32 s0, $0x0;
	[sflag:s9] =	ssyncset.done $0x0  }
0x3a: {  	s15 =	simm.s32 @!p0 $0x5;
	[sflag:s9] =	ssyncadd.s32 $0xFFFFF380  }
0x3b: {  	_ =	swait.ge @!p0 [sflag:s15], $0x1900  }
0x3c: {  	[sflag:s15] =	ssyncset.done @!p0 $0x0  }
0x3d: {  	s26 =	simm.s32 $0x11FE0;
	[sflag:s15] =	ssyncadd.s32 @!p0 $0xFFFFE700  }
0x3e: {  	s25 =	simm.s32 $0xEC40;
	v1 =	vld [tilespmem:s26+$0x20]  }
0x3f: {  	v2 =	vld [tilespmem:s25+$0x20];
	_ =	sdelay $0x2  }
0x40: {  	v3 =	vld [tilespmem:s26+$0xFFFFFFE0]  }
0x41: {  	v4 =	vld [tilespmem:s25+$0xFFFFFFE0]  }
0x42: {  	v1 =	vadd.bf16 v2, v1  }
0x43: {  	s16 =	simm.s32 $0x12060;
	v6 =	vld [tilespmem:s25+$0x0]  }
0x44: {  	v9 =	vld [tilespmem:s16+$0xFFFFFFE0];
	v1 =	vmax.bf16 v1, v0  }
0x45: {  	s15 =	simm.s32 $0x13920;
	v2 =	vld [tilespmem:s25+$0xFFFFFFC0];
	v5 =	vunpack.i.l.bf16.f32 v1  }
0x46: {  	v3 =	vadd.bf16 v4, v3;
	v4 =	vld [tilespmem:s26+$0x0];
	v1 =	vunpack.i.u.bf16.f32 v1;
	[tilespmem:s15+$0x40] =	vst v5  }
0x47: {  	v5 =	vld [tilespmem:s26+$0xFFFFFFC0];
	[tilespmem:s15+$0x50] =	vst v1  }
0x48: {  	v3 =	vmax.bf16 v3, v0;
	v7 =	vld [tilespmem:s26+$0x30]  }
0x49: {  	v1 =	vunpack.i.l.bf16.f32 v3;
	v3 =	vunpack.i.u.bf16.f32 v3;
	v8 =	vld [tilespmem:s25+$0x30]  }
0x4a: {  	s24 =	simm.s32 $0xECC0;
	[tilespmem:s15+$0xFFFFFFD0] =	vst v3;
	v3 =	vld [tilespmem:s16+$0x20]  }
0x4b: {  	v4 =	vadd.bf16 v6, v4;
	v6 =	vld [tilespmem:s24+$0x20]  }
0x4c: {  	v11 =	vld [tilespmem:s24+$0xFFFFFFE0];
	[tilespmem:s15+$0xFFFFFFC0] =	vst v1;
	v2 =	vadd.bf16 v2, v5  }
0x4d: {  	v1 =	vld [tilespmem:s26+$0xFFFFFFF0];
	v4 =	vmax.bf16 v4, v0  }
0x4e: {  	v10 =	vunpack.i.l.bf16.f32 v4;
	v5 =	vld [tilespmem:s24+$0xFFFFFFC0];
	v2 =	vmax.bf16 v2, v0  }
0x4f: {  	[tilespmem:s15+$0x0] =	vst v10;
	v10 =	vld [tilespmem:s24+$0x0];
	v7 =	vadd.bf16 v8, v7;
	v12 =	vunpack.i.l.bf16.f32 v2  }
0x50: {  	v8 =	vld [tilespmem:s16+$0x0];
	v3 =	vadd.bf16 v6, v3;
	v2 =	vunpack.i.u.bf16.f32 v2;
	[tilespmem:s15+$0xFFFFFF80] =	vst v12  }
0x51: {  	v4 =	vunpack.i.u.bf16.f32 v4;
	v6 =	vld [tilespmem:s16+$0xFFFFFFC0];
	[tilespmem:s15+$0xFFFFFF90] =	vst v2;
	v2 =	vmax.bf16 v7, v0  }
0x52: {  	[tilespmem:s15+$0x10] =	vst v4;
	v3 =	vmax.bf16 v3, v0;
	v4 =	vunpack.i.u.bf16.f32 v2;
	v12 =	vld [tilespmem:s26+$0xFFFFFFD0]  }
0x53: {  	s19 =	simm.s32 $0x13A20;
	v7 =	vadd.bf16 v11, v9;
	v13 =	vld [tilespmem:s25+$0xFFFFFFD0];
	[tilespmem:s15+$0x70] =	vst v4;
	v4 =	vunpack.i.l.bf16.f32 v3  }
0x54: {  	v9 =	vunpack.i.l.bf16.f32 v2;
	v2 =	vld [tilespmem:s26+$0x10];
	v3 =	vunpack.i.u.bf16.f32 v3;
	[tilespmem:s19+$0x40] =	vst v4  }
0x55: {  	v7 =	vmax.bf16 v7, v0;
	v8 =	vadd.bf16 v10, v8;
	v4 =	vld [tilespmem:s25+$0xFFFFFFF0];
	[tilespmem:s19+$0x50] =	vst v3  }
0x56: {  	[tilespmem:s15+$0x60] =	vst v9;
	v3 =	vadd.bf16 v5, v6;
	v6 =	vunpack.i.l.bf16.f32 v7;
	v5 =	vld [tilespmem:s16+$0x30]  }
0x57: {  	v9 =	vunpack.i.u.bf16.f32 v7;
	[tilespmem:s19+$0xFFFFFFC0] =	vst v6;
	v6 =	vmax.bf16 v8, v0;
	v7 =	vld [tilespmem:s24+$0x30]  }
0x58: {  	[tilespmem:s19+$0xFFFFFFD0] =	vst v9;
	v3 =	vmax.bf16 v3, v0;
	v8 =	vunpack.i.u.bf16.f32 v6;
	v10 =	vunpack.i.l.bf16.f32 v6;
	v6 =	vld [tilespmem:s25+$0x10]  }
0x59: {  	s28 =	simm.s32 $0x120E0;
	s26 =	simm.s32 $0x4;
	s25 =	simm.s32 $0xECC0;
	v9 =	vunpack.i.u.bf16.f32 v3;
	v11 =	vunpack.i.l.bf16.f32 v3;
	v3 =	vld [tilespmem:s16+$0xFFFFFFF0];
	[tilespmem:s19+$0x0] =	vst v10;
	v10 =	vadd.bf16 v13, v12  }
.LBB2_3:
0x5a: {  	v12 =	vld [tilespmem:s28+$0x20];
	[tilespmem:s19+$0xFFFFFF80] =	vst v11;
	s24 =	sadd.s32 $0x80, s24;
	v1 =	vadd.bf16 v4, v1  }
0x5b: {  	v4 =	vld [tilespmem:s24+$0x20];
	[tilespmem:s19+$0xFFFFFF90] =	vst v9;
	v9 =	vmax.bf16 v10, v0  }
0x5c: {  	v10 =	vld [tilespmem:s24+$0xFFFFFFC0];
	[tilespmem:s19+$0x10] =	vst v8;
	v5 =	vadd.bf16 v7, v5;
	v7 =	vunpack.i.u.bf16.f32 v9;
	v11 =	vmax.bf16 v1, v0  }
0x5d: {  	s26 =	sadd.s32 $0x4, s26;
	v9 =	vunpack.i.l.bf16.f32 v9;
	v8 =	vld [tilespmem:s28+$0xFFFFFFE0];
	[tilespmem:s15+$0xFFFFFFB0] =	vst v7;
	v7 =	vunpack.i.u.bf16.f32 v11;
	v2 =	vadd.bf16 v6, v2  }
0x5e: {  	p1 =	slt.u32 s26, $0x60;
	v6 =	vld [tilespmem:s24+$0xFFFFFFE0];
	v5 =	vmax.bf16 v5, v0;
	[tilespmem:s15+$0xFFFFFFA0] =	vst v9;
	v9 =	vunpack.i.l.bf16.f32 v11;
	v1 =	vmov v3  }
0x5f: {  	v3 =	vld [tilespmem:s28+$0x0];
	v11 =	vunpack.i.u.bf16.f32 v5;
	v13 =	vunpack.i.l.bf16.f32 v5;
	[tilespmem:s15+$0xFFFFFFE0] =	vst v9;
	v2 =	vmax.bf16 v2, v0  }
0x60: {  	v5 =	vld [tilespmem:s24+$0x0];
	v4 =	vadd.bf16 v4, v12;
	[tilespmem:s19+$0x70] =	vst v11;
	v9 =	vunpack.i.u.bf16.f32 v2;
	v2 =	vunpack.i.l.bf16.f32 v2  }
0x61: {  	v11 =	vld [tilespmem:s28+$0xFFFFFFC0];
	[tilespmem:s15+$0xFFFFFFF0] =	vst v7  }
0x62: {  	v4 =	vmax.bf16 v4, v0;
	v12 =	vld [tilespmem:s16+$0xFFFFFFD0];
	[tilespmem:s15+$0x20] =	vst v2  }
0x63: {  	v2 =	vadd.bf16 v6, v8;
	v6 =	vunpack.i.l.bf16.f32 v4;
	v14 =	vld [tilespmem:s25+$0xFFFFFFD0];
	[tilespmem:s15+$0x30] =	vst v9;
	s15 =	smov.u32 s19;
	s19 =	sadd.s32 $0x100, s19  }
0x64: {  	v7 =	vunpack.i.u.bf16.f32 v4;
	[tilespmem:s19+$0x40] =	vst v6;
	v4 =	vld [tilespmem:s25+$0xFFFFFFF0]  }
.Ltmp0:
0x65: {  	v6 =	vmax.bf16 v2, v0;
	v3 =	vadd.bf16 v5, v3;
	[tilespmem:s19+$0x50] =	vst v7;
	v2 =	vld [tilespmem:s16+$0x10];
	s16 =	smov.u32 s28;
	(pc) =	sbr.rel @p1 .LBB2_3-.Ltmp0, $4  }
0x66: {  	v8 =	vadd.bf16 v10, v11;
	v9 =	vunpack.i.u.bf16.f32 v6;
	v6 =	vunpack.i.l.bf16.f32 v6;
	v5 =	vld [tilespmem:s28+$0x30];
	[tilespmem:s15+$0x60] =	vst v13  }
0x67: {  	[tilespmem:s19+$0xFFFFFFC0] =	vst v6;
	v3 =	vmax.bf16 v3, v0;
	v7 =	vld [tilespmem:s24+$0x30]  }
0x68: {  	v10 =	vmax.bf16 v8, v0;
	[tilespmem:s19+$0xFFFFFFD0] =	vst v9;
	v8 =	vunpack.i.u.bf16.f32 v3;
	v13 =	vunpack.i.l.bf16.f32 v3;
	v6 =	vld [tilespmem:s25+$0x10];
	s25 =	smov.u32 s24  }
0x69: {  	s28 =	sadd.s32 $0x80, s28;
	v9 =	vunpack.i.u.bf16.f32 v10;
	v11 =	vunpack.i.l.bf16.f32 v10;
	v3 =	vld [tilespmem:s16+$0xFFFFFFF0];
	[tilespmem:s19+$0x0] =	vst v13;
	v10 =	vadd.bf16 v14, v12  }
0x6a: {  	[tilespmem:s19+$0xFFFFFF80] =	vst v11  }
0x6b: {  	[tilespmem:s19+$0xFFFFFF90] =	vst v9  }
0x6c: {  	v1 =	vadd.bf16 v4, v1;
	v4 =	vmax.bf16 v10, v0;
	v9 =	vld [tilespmem:s16+$0xFFFFFFD0]  }
0x6d: {  	[tilespmem:s19+$0x10] =	vst v8;
	v8 =	vld [tilespmem:s25+$0xFFFFFFD0];
	v5 =	vadd.bf16 v7, v5;
	v7 =	vunpack.i.u.bf16.f32 v4  }
0x6e: {  	v1 =	vmax.bf16 v1, v0;
	v4 =	vunpack.i.l.bf16.f32 v4;
	[tilespmem:s15+$0xFFFFFFB0] =	vst v7  }
0x6f: {  	v2 =	vadd.bf16 v6, v2;
	[tilespmem:s15+$0xFFFFFFA0] =	vst v4;
	v4 =	vunpack.i.l.bf16.f32 v1;
	v6 =	vld [tilespmem:s25+$0xFFFFFFF0];
	v5 =	vmax.bf16 v5, v0  }
0x70: {  	[tilespmem:s15+$0xFFFFFFE0] =	vst v4;
	v4 =	vld [tilespmem:s16+$0x10];
	v7 =	vunpack.i.u.bf16.f32 v5  }
0x71: {  	v1 =	vunpack.i.u.bf16.f32 v1;
	[tilespmem:s19+$0x70] =	vst v7;
	v7 =	vld [tilespmem:s25+$0x10]  }
0x72: {  	[tilespmem:s15+$0xFFFFFFF0] =	vst v1;
	v2 =	vmax.bf16 v2, v0;
	v5 =	vunpack.i.l.bf16.f32 v5;
	v1 =	vadd.bf16 v8, v9  }
0x73: {  	v10 =	vunpack.i.l.bf16.f32 v2;
	v2 =	vunpack.i.u.bf16.f32 v2;
	[tilespmem:s19+$0x60] =	vst v5  }
0x74: {  	[tilespmem:s15+$0x30] =	vst v2;
	v2 =	vadd.bf16 v6, v3;
	v1 =	vmax.bf16 v1, v0  }
0x75: {  	[tilespmem:s15+$0x20] =	vst v10;
	v3 =	vunpack.i.u.bf16.f32 v1  }
0x76: {  	v1 =	vunpack.i.l.bf16.f32 v1;
	v2 =	vmax.bf16 v2, v0;
	[tilespmem:s19+$0xFFFFFFB0] =	vst v3;
	v3 =	vadd.bf16 v7, v4  }
0x77: {  	[tilespmem:s19+$0xFFFFFFA0] =	vst v1;
	v1 =	vunpack.i.l.bf16.f32 v2  }
0x78: {  	v2 =	vunpack.i.u.bf16.f32 v2;
	[tilespmem:s19+$0xFFFFFFE0] =	vst v1;
	v1 =	vmax.bf16 v3, v0  }
0x79: {  	[tilespmem:s19+$0xFFFFFFF0] =	vst v2;
	v3 =	vunpack.i.l.bf16.f32 v1  }
0x7a: {  	v1 =	vunpack.i.u.bf16.f32 v1;
	[tilespmem:s19+$0x20] =	vst v3  }
0x7b: {  	s24 =	simm.s32 $0xEB30;
	[tilespmem:s19+$0x30] =	vst v1  }
0x7c: {  	[spmem:s3] =	stream.indirect.scatter.add.f32 [tilespmem:s23], [sflag:$0x5], $0x40, s24, s31, $0xb8;
	[tilespmem:$0x16AA0] =	vst v63  }
0x7d: {  	s25 =	sshllo.u32 s0, $0x1;
	_ =	swait.ge [sflag:s22], $0xC80  }
0x7e: {  	s26 =	sshll.u32 s25, $0x1;
	s15 =	smul.u32 $0xC8, s25;
	[sflag:s22] =	ssyncset.done $0x0  }
0x7f: {  	s16 =	sadd.s32 s10, s26;
	s19 =	simm.s32 @!p0 $0x6;
	[sflag:s22] =	ssyncadd.s32 $0xFFFFF380  }
0x80: {  	s16 =	smul.u32 $0xD, s16;
	s15 =	sadd.s32 s11, s15;
	_ =	swait.ge @!p0 [sflag:s19], $0x1900  }
0x81: {  	s15 =	sshll.u32 s15, $0x6;
	[sflag:s19] =	ssyncset.done @!p0 $0x0  }
0x82: {  	s15 =	sor.u32 s5, s15;
	s24 =	sadd.s32 s7, s16;
	[sflag:s19] =	ssyncadd.s32 @!p0 $0xFFFFE700  }
0x83: {  	[tilespmem:s12], [sflag:$0x2] =	stream.linear.gather [hbm4b:s24+s4], $0xD0, $0x38;
	[tilespmem:$0x16AA0] =	vst v63  }
0x84: {  	s25 =	simm.s32 $0x20;
	s15 =	sshrl.u32 s15, $0x3;
	s16 =	sadd.s32 s8, s16  }
0x85: {  	[tilespmem:s14], [sflag:$0x2] =	stream.linear.gather [hbm4b:s16+s4], $0xD0, $0x38;
	[tilespmem:$0x16AA0] =	vst v63  }
0x86: {  	s26 =	simm.s32 $0x40;
	s15 =	sadd.s32 s6, s15;
	s24 =	simm.s32 $0x106A0  }
0x87: {  	[tilespmem:s24], [sflag:$0x2] =	stream.strided.gather [hbm4b:s15+s25], $0x1900, s26, s25, $0x38;
	[tilespmem:$0x16AA0] =	vst v63  }
0x88: {  	s15 =	simm.s32 $0x12C60  }
0x89: {  	s26 =	simm.s32 $0xF8F0;
	v1 =	vld [tilespmem:s15+$0x20]  }
0x8a: {  	v2 =	vld [tilespmem:s26+$0xFFFFFFF0];
	_ =	sdelay $0x2  }
0x8b: {  	v3 =	vld [tilespmem:s15+$0xFFFFFFE0]  }
0x8c: {  	v4 =	vld [tilespmem:s26+$0xFFFFFFB0]  }
0x8d: {  	v1 =	vadd.bf16 v2, v1  }
0x8e: {  	s19 =	simm.s32 $0x12CE0;
	v6 =	vld [tilespmem:s26+$0xFFFFFFD0]  }
0x8f: {  	v9 =	vld [tilespmem:s19+$0xFFFFFFE0];
	v1 =	vmax.bf16 v1, v0  }
0x90: {  	s16 =	simm.s32 $0x15220;
	v2 =	vld [tilespmem:s26+$0xFFFFFF90];
	v5 =	vunpack.i.l.bf16.f32 v1  }
0x91: {  	v3 =	vadd.bf16 v4, v3;
	v4 =	vld [tilespmem:s15+$0x0];
	v1 =	vunpack.i.u.bf16.f32 v1;
	[tilespmem:s16+$0x40] =	vst v5  }
0x92: {  	v5 =	vld [tilespmem:s15+$0xFFFFFFC0];
	[tilespmem:s16+$0x50] =	vst v1  }
0x93: {  	v3 =	vmax.bf16 v3, v0;
	v7 =	vld [tilespmem:s15+$0x30]  }
0x94: {  	v1 =	vunpack.i.l.bf16.f32 v3;
	v3 =	vunpack.i.u.bf16.f32 v3;
	v8 =	vld [tilespmem:s26+$0x0]  }
0x95: {  	s25 =	simm.s32 $0xF970;
	[tilespmem:s16+$0xFFFFFFD0] =	vst v3;
	v3 =	vld [tilespmem:s19+$0x20]  }
0x96: {  	v4 =	vadd.bf16 v6, v4;
	v6 =	vld [tilespmem:s25+$0xFFFFFFF0]  }
0x97: {  	v11 =	vld [tilespmem:s25+$0xFFFFFFB0];
	[tilespmem:s16+$0xFFFFFFC0] =	vst v1;
	v2 =	vadd.bf16 v2, v5  }
0x98: {  	v1 =	vld [tilespmem:s15+$0xFFFFFFF0];
	v4 =	vmax.bf16 v4, v0  }
0x99: {  	v10 =	vunpack.i.l.bf16.f32 v4;
	v5 =	vld [tilespmem:s25+$0xFFFFFF90];
	v2 =	vmax.bf16 v2, v0  }
0x9a: {  	[tilespmem:s16+$0x0] =	vst v10;
	v10 =	vld [tilespmem:s25+$0xFFFFFFD0];
	v7 =	vadd.bf16 v8, v7;
	v12 =	vunpack.i.l.bf16.f32 v2  }
0x9b: {  	v8 =	vld [tilespmem:s19+$0x0];
	v3 =	vadd.bf16 v6, v3;
	v2 =	vunpack.i.u.bf16.f32 v2;
	[tilespmem:s16+$0xFFFFFF80] =	vst v12  }
0x9c: {  	v4 =	vunpack.i.u.bf16.f32 v4;
	v6 =	vld [tilespmem:s19+$0xFFFFFFC0];
	[tilespmem:s16+$0xFFFFFF90] =	vst v2;
	v2 =	vmax.bf16 v7, v0  }
0x9d: {  	[tilespmem:s16+$0x10] =	vst v4;
	v3 =	vmax.bf16 v3, v0;
	v4 =	vunpack.i.u.bf16.f32 v2;
	v12 =	vld [tilespmem:s15+$0xFFFFFFD0]  }
0x9e: {  	s24 =	simm.s32 $0x15320;
	v7 =	vadd.bf16 v11, v9;
	v13 =	vld [tilespmem:s26+$0xFFFFFFA0];
	[tilespmem:s16+$0x70] =	vst v4;
	v4 =	vunpack.i.l.bf16.f32 v3  }
0x9f: {  	v9 =	vunpack.i.l.bf16.f32 v2;
	v2 =	vld [tilespmem:s15+$0x10];
	v3 =	vunpack.i.u.bf16.f32 v3;
	[tilespmem:s24+$0x40] =	vst v4  }
0xa0: {  	v7 =	vmax.bf16 v7, v0;
	v8 =	vadd.bf16 v10, v8;
	v4 =	vld [tilespmem:s26+$0xFFFFFFC0];
	[tilespmem:s24+$0x50] =	vst v3  }
0xa1: {  	[tilespmem:s16+$0x60] =	vst v9;
	v3 =	vadd.bf16 v5, v6;
	v6 =	vunpack.i.l.bf16.f32 v7;
	v5 =	vld [tilespmem:s19+$0x30]  }
0xa2: {  	v9 =	vunpack.i.u.bf16.f32 v7;
	[tilespmem:s24+$0xFFFFFFC0] =	vst v6;
	v6 =	vmax.bf16 v8, v0;
	v7 =	vld [tilespmem:s25+$0x0]  }
0xa3: {  	s28 =	simm.s32 $0x4;
	[tilespmem:s24+$0xFFFFFFD0] =	vst v9;
	v3 =	vmax.bf16 v3, v0;
	v8 =	vunpack.i.u.bf16.f32 v6;
	v10 =	vunpack.i.l.bf16.f32 v6;
	v6 =	vld [tilespmem:s26+$0xFFFFFFE0]  }
0xa4: {  	s29 =	simm.s32 $0x12D60;
	s15 =	sshll.u32 s0, $0x1;
	s26 =	simm.s32 $0xF970;
	v9 =	vunpack.i.u.bf16.f32 v3;
	v11 =	vunpack.i.l.bf16.f32 v3;
	v3 =	vld [tilespmem:s19+$0xFFFFFFF0];
	[tilespmem:s24+$0x0] =	vst v10;
	v10 =	vadd.bf16 v13, v12  }
.LBB2_5:
0xa5: {  	v12 =	vld [tilespmem:s29+$0x20];
	[tilespmem:s24+$0xFFFFFF80] =	vst v11;
	s25 =	sadd.s32 $0x80, s25;
	v1 =	vadd.bf16 v4, v1  }
0xa6: {  	v4 =	vld [tilespmem:s25+$0xFFFFFFF0];
	[tilespmem:s24+$0xFFFFFF90] =	vst v9;
	v9 =	vmax.bf16 v10, v0  }
0xa7: {  	v10 =	vld [tilespmem:s25+$0xFFFFFF90];
	[tilespmem:s24+$0x10] =	vst v8;
	v5 =	vadd.bf16 v7, v5;
	v7 =	vunpack.i.u.bf16.f32 v9;
	v11 =	vmax.bf16 v1, v0  }
0xa8: {  	s28 =	sadd.s32 $0x4, s28;
	v9 =	vunpack.i.l.bf16.f32 v9;
	v8 =	vld [tilespmem:s29+$0xFFFFFFE0];
	[tilespmem:s16+$0xFFFFFFB0] =	vst v7;
	v7 =	vunpack.i.u.bf16.f32 v11;
	v2 =	vadd.bf16 v6, v2  }
0xa9: {  	p0 =	slt.u32 s28, $0x60;
	v6 =	vld [tilespmem:s25+$0xFFFFFFB0];
	v5 =	vmax.bf16 v5, v0;
	[tilespmem:s16+$0xFFFFFFA0] =	vst v9;
	v9 =	vunpack.i.l.bf16.f32 v11;
	v1 =	vmov v3  }
0xaa: {  	v3 =	vld [tilespmem:s29+$0x0];
	v11 =	vunpack.i.u.bf16.f32 v5;
	v13 =	vunpack.i.l.bf16.f32 v5;
	[tilespmem:s16+$0xFFFFFFE0] =	vst v9;
	v2 =	vmax.bf16 v2, v0  }
0xab: {  	v5 =	vld [tilespmem:s25+$0xFFFFFFD0];
	v4 =	vadd.bf16 v4, v12;
	[tilespmem:s24+$0x70] =	vst v11;
	v9 =	vunpack.i.u.bf16.f32 v2;
	v2 =	vunpack.i.l.bf16.f32 v2  }
0xac: {  	v11 =	vld [tilespmem:s29+$0xFFFFFFC0];
	[tilespmem:s16+$0xFFFFFFF0] =	vst v7  }
0xad: {  	v4 =	vmax.bf16 v4, v0;
	v12 =	vld [tilespmem:s19+$0xFFFFFFD0];
	[tilespmem:s16+$0x20] =	vst v2  }
0xae: {  	v2 =	vadd.bf16 v6, v8;
	v6 =	vunpack.i.l.bf16.f32 v4;
	v14 =	vld [tilespmem:s26+$0xFFFFFFA0];
	[tilespmem:s16+$0x30] =	vst v9;
	s16 =	smov.u32 s24;
	s24 =	sadd.s32 $0x100, s24  }
0xaf: {  	v7 =	vunpack.i.u.bf16.f32 v4;
	[tilespmem:s24+$0x40] =	vst v6;
	v4 =	vld [tilespmem:s26+$0xFFFFFFC0]  }
.Ltmp1:
0xb0: {  	v6 =	vmax.bf16 v2, v0;
	v3 =	vadd.bf16 v5, v3;
	[tilespmem:s24+$0x50] =	vst v7;
	v2 =	vld [tilespmem:s19+$0x10];
	s19 =	smov.u32 s29;
	(pc) =	sbr.rel @p0 .LBB2_5-.Ltmp1, $4  }
0xb1: {  	v8 =	vadd.bf16 v10, v11;
	v9 =	vunpack.i.u.bf16.f32 v6;
	v6 =	vunpack.i.l.bf16.f32 v6;
	v5 =	vld [tilespmem:s29+$0x30];
	[tilespmem:s16+$0x60] =	vst v13  }
0xb2: {  	[tilespmem:s24+$0xFFFFFFC0] =	vst v6;
	v3 =	vmax.bf16 v3, v0;
	v7 =	vld [tilespmem:s25+$0x0]  }
0xb3: {  	v10 =	vmax.bf16 v8, v0;
	[tilespmem:s24+$0xFFFFFFD0] =	vst v9;
	v8 =	vunpack.i.u.bf16.f32 v3;
	v13 =	vunpack.i.l.bf16.f32 v3;
	v6 =	vld [tilespmem:s26+$0xFFFFFFE0];
	s26 =	smov.u32 s25  }
0xb4: {  	s29 =	sadd.s32 $0x80, s29;
	v9 =	vunpack.i.u.bf16.f32 v10;
	v11 =	vunpack.i.l.bf16.f32 v10;
	v3 =	vld [tilespmem:s19+$0xFFFFFFF0];
	[tilespmem:s24+$0x0] =	vst v13;
	v10 =	vadd.bf16 v14, v12  }
0xb5: {  	[tilespmem:s24+$0xFFFFFF80] =	vst v11  }
0xb6: {  	[tilespmem:s24+$0xFFFFFF90] =	vst v9  }
0xb7: {  	v1 =	vadd.bf16 v4, v1;
	v4 =	vmax.bf16 v10, v0;
	v9 =	vld [tilespmem:s19+$0xFFFFFFD0]  }
0xb8: {  	[tilespmem:s24+$0x10] =	vst v8;
	v8 =	vld [tilespmem:s26+$0xFFFFFFA0];
	v5 =	vadd.bf16 v7, v5;
	v7 =	vunpack.i.u.bf16.f32 v4  }
0xb9: {  	v1 =	vmax.bf16 v1, v0;
	v4 =	vunpack.i.l.bf16.f32 v4;
	[tilespmem:s16+$0xFFFFFFB0] =	vst v7  }
0xba: {  	v2 =	vadd.bf16 v6, v2;
	[tilespmem:s16+$0xFFFFFFA0] =	vst v4;
	v4 =	vunpack.i.l.bf16.f32 v1;
	v6 =	vld [tilespmem:s26+$0xFFFFFFC0];
	v5 =	vmax.bf16 v5, v0  }
0xbb: {  	[tilespmem:s16+$0xFFFFFFE0] =	vst v4;
	v4 =	vld [tilespmem:s19+$0x10];
	v7 =	vunpack.i.u.bf16.f32 v5  }
0xbc: {  	v1 =	vunpack.i.u.bf16.f32 v1;
	[tilespmem:s24+$0x70] =	vst v7;
	v7 =	vld [tilespmem:s26+$0xFFFFFFE0]  }
0xbd: {  	[tilespmem:s16+$0xFFFFFFF0] =	vst v1;
	v2 =	vmax.bf16 v2, v0;
	v5 =	vunpack.i.l.bf16.f32 v5;
	v1 =	vadd.bf16 v8, v9  }
0xbe: {  	v10 =	vunpack.i.l.bf16.f32 v2;
	v2 =	vunpack.i.u.bf16.f32 v2;
	[tilespmem:s24+$0x60] =	vst v5  }
0xbf: {  	[tilespmem:s16+$0x30] =	vst v2;
	v2 =	vadd.bf16 v6, v3;
	v1 =	vmax.bf16 v1, v0  }
0xc0: {  	[tilespmem:s16+$0x20] =	vst v10;
	v3 =	vunpack.i.u.bf16.f32 v1  }
0xc1: {  	v1 =	vunpack.i.l.bf16.f32 v1;
	v2 =	vmax.bf16 v2, v0;
	[tilespmem:s24+$0xFFFFFFB0] =	vst v3;
	v3 =	vadd.bf16 v7, v4  }
0xc2: {  	[tilespmem:s24+$0xFFFFFFA0] =	vst v1;
	v1 =	vunpack.i.l.bf16.f32 v2  }
0xc3: {  	v2 =	vunpack.i.u.bf16.f32 v2;
	[tilespmem:s24+$0xFFFFFFE0] =	vst v1;
	v1 =	vmax.bf16 v3, v0  }
0xc4: {  	[tilespmem:s24+$0xFFFFFFF0] =	vst v2;
	v3 =	vunpack.i.l.bf16.f32 v1  }
0xc5: {  	v1 =	vunpack.i.u.bf16.f32 v1;
	[tilespmem:s24+$0x20] =	vst v3  }
0xc6: {  	s25 =	simm.s32 $0xEB98;
	[tilespmem:s24+$0x30] =	vst v1  }
0xc7: {  	[spmem:s3] =	stream.indirect.scatter.add.f32 [tilespmem:s17], [sflag:$0x6], $0x40, s25, s31, $0xb8;
	[tilespmem:$0x16AA0] =	vst v63  }
0xc8: {  	_ =	swait.ge [sflag:s18], $0xD0  }
0xc9: {  	[sflag:s18] =	ssyncset.done $0x0  }
0xca: {  	[sflag:s18] =	ssyncadd.s32 $0xFFFFFF30  }
0xcb: {  	_ =	swait.ge [sflag:s18], $0xD0  }
0xcc: {  	[sflag:s18] =	ssyncset.done $0x0  }
0xcd: {  	[sflag:s18] =	ssyncadd.s32 $0xFFFFFF30  }
0xce: {  	_ =	swait.ge [sflag:s18], $0x1900  }
0xcf: {  	[sflag:s18] =	ssyncset.done $0x0  }
0xd0: {  	[sflag:s18] =	ssyncadd.s32 $0xFFFFE700  }
0xd1: {  	[tilespmem:s1], [sflag:$0x3] =	stream.indirect.gather [spmem:s2], $0x20, s12, s31, $0xb8;
	[tilespmem:$0x16AA0] =	vst v63  }
0xd2: {  	s26 =	simm.s32 $0x10568  }
0xd3: {  	[tilespmem:s30], [sflag:$0x4] =	stream.indirect.gather [spmem:s2], $0x20, s26, s31, $0xb8;
	[tilespmem:$0x16AA0] =	vst v63  }
0xd4: {  	_ =	swait.ge [sflag:s9], $0xC80  }
0xd5: {  	[sflag:s9] =	ssyncset.done $0x0  }
0xd6: {  	[sflag:s9] =	ssyncadd.s32 $0xFFFFF380  }
0xd7: {  	_ =	swait.ge [sflag:s20], $0x1900  }
0xd8: {  	[sflag:s20] =	ssyncset.done $0x0  }
0xd9: {  	s28 =	simm.s32 $0x11FE0;
	[sflag:s20] =	ssyncadd.s32 $0xFFFFE700  }
0xda: {  	s26 =	simm.s32 $0x106E0;
	v1 =	vld [tilespmem:s28+$0x20]  }
0xdb: {  	v2 =	vld [tilespmem:s26+$0x20];
	_ =	sdelay $0x2  }
0xdc: {  	v3 =	vld [tilespmem:s28+$0xFFFFFFE0]  }
0xdd: {  	v4 =	vld [tilespmem:s26+$0xFFFFFFE0]  }
0xde: {  	v1 =	vadd.bf16 v2, v1  }
0xdf: {  	s19 =	simm.s32 $0x12060;
	v6 =	vld [tilespmem:s26+$0x0]  }
0xe0: {  	v9 =	vld [tilespmem:s19+$0xFFFFFFE0];
	v1 =	vmax.bf16 v1, v0  }
0xe1: {  	s16 =	simm.s32 $0x13920;
	v2 =	vld [tilespmem:s26+$0xFFFFFFC0];
	v5 =	vunpack.i.l.bf16.f32 v1  }
0xe2: {  	v3 =	vadd.bf16 v4, v3;
	v4 =	vld [tilespmem:s28+$0x0];
	v1 =	vunpack.i.u.bf16.f32 v1;
	[tilespmem:s16+$0x40] =	vst v5  }
0xe3: {  	v5 =	vld [tilespmem:s28+$0xFFFFFFC0];
	[tilespmem:s16+$0x50] =	vst v1  }
0xe4: {  	v3 =	vmax.bf16 v3, v0;
	v7 =	vld [tilespmem:s28+$0x30]  }
0xe5: {  	v1 =	vunpack.i.l.bf16.f32 v3;
	v3 =	vunpack.i.u.bf16.f32 v3;
	v8 =	vld [tilespmem:s26+$0x30]  }
0xe6: {  	s25 =	simm.s32 $0x10760;
	[tilespmem:s16+$0xFFFFFFD0] =	vst v3;
	v3 =	vld [tilespmem:s19+$0x20]  }
0xe7: {  	v4 =	vadd.bf16 v6, v4;
	v6 =	vld [tilespmem:s25+$0x20]  }
0xe8: {  	v11 =	vld [tilespmem:s25+$0xFFFFFFE0];
	[tilespmem:s16+$0xFFFFFFC0] =	vst v1;
	v2 =	vadd.bf16 v2, v5  }
0xe9: {  	v1 =	vld [tilespmem:s28+$0xFFFFFFF0];
	v4 =	vmax.bf16 v4, v0  }
0xea: {  	v10 =	vunpack.i.l.bf16.f32 v4;
	v5 =	vld [tilespmem:s25+$0xFFFFFFC0];
	v2 =	vmax.bf16 v2, v0  }
0xeb: {  	[tilespmem:s16+$0x0] =	vst v10;
	v10 =	vld [tilespmem:s25+$0x0];
	v7 =	vadd.bf16 v8, v7;
	v12 =	vunpack.i.l.bf16.f32 v2  }
0xec: {  	v8 =	vld [tilespmem:s19+$0x0];
	v3 =	vadd.bf16 v6, v3;
	v2 =	vunpack.i.u.bf16.f32 v2;
	[tilespmem:s16+$0xFFFFFF80] =	vst v12  }
0xed: {  	v4 =	vunpack.i.u.bf16.f32 v4;
	v6 =	vld [tilespmem:s19+$0xFFFFFFC0];
	[tilespmem:s16+$0xFFFFFF90] =	vst v2;
	v2 =	vmax.bf16 v7, v0  }
0xee: {  	[tilespmem:s16+$0x10] =	vst v4;
	v3 =	vmax.bf16 v3, v0;
	v4 =	vunpack.i.u.bf16.f32 v2;
	v12 =	vld [tilespmem:s28+$0xFFFFFFD0]  }
0xef: {  	s24 =	simm.s32 $0x13A20;
	v7 =	vadd.bf16 v11, v9;
	v13 =	vld [tilespmem:s26+$0xFFFFFFD0];
	[tilespmem:s16+$0x70] =	vst v4;
	v4 =	vunpack.i.l.bf16.f32 v3  }
0xf0: {  	v9 =	vunpack.i.l.bf16.f32 v2;
	v2 =	vld [tilespmem:s28+$0x10];
	v3 =	vunpack.i.u.bf16.f32 v3;
	[tilespmem:s24+$0x40] =	vst v4  }
0xf1: {  	v7 =	vmax.bf16 v7, v0;
	v8 =	vadd.bf16 v10, v8;
	v4 =	vld [tilespmem:s26+$0xFFFFFFF0];
	[tilespmem:s24+$0x50] =	vst v3  }
0xf2: {  	[tilespmem:s16+$0x60] =	vst v9;
	v3 =	vadd.bf16 v5, v6;
	v6 =	vunpack.i.l.bf16.f32 v7;
	v5 =	vld [tilespmem:s19+$0x30]  }
0xf3: {  	v9 =	vunpack.i.u.bf16.f32 v7;
	[tilespmem:s24+$0xFFFFFFC0] =	vst v6;
	v6 =	vmax.bf16 v8, v0;
	v7 =	vld [tilespmem:s25+$0x30]  }
0xf4: {  	[tilespmem:s24+$0xFFFFFFD0] =	vst v9;
	v3 =	vmax.bf16 v3, v0;
	v8 =	vunpack.i.u.bf16.f32 v6;
	v10 =	vunpack.i.l.bf16.f32 v6;
	v6 =	vld [tilespmem:s26+$0x10]  }
0xf5: {  	s29 =	simm.s32 $0x120E0;
	s28 =	simm.s32 $0x4;
	s26 =	simm.s32 $0x10760;
	v9 =	vunpack.i.u.bf16.f32 v3;
	v11 =	vunpack.i.l.bf16.f32 v3;
	v3 =	vld [tilespmem:s19+$0xFFFFFFF0];
	[tilespmem:s24+$0x0] =	vst v10;
	v10 =	vadd.bf16 v13, v12  }
.LBB2_7:
0xf6: {  	v12 =	vld [tilespmem:s29+$0x20];
	[tilespmem:s24+$0xFFFFFF80] =	vst v11;
	s25 =	sadd.s32 $0x80, s25;
	v1 =	vadd.bf16 v4, v1  }
0xf7: {  	v4 =	vld [tilespmem:s25+$0x20];
	[tilespmem:s24+$0xFFFFFF90] =	vst v9;
	v9 =	vmax.bf16 v10, v0  }
0xf8: {  	v10 =	vld [tilespmem:s25+$0xFFFFFFC0];
	[tilespmem:s24+$0x10] =	vst v8;
	v5 =	vadd.bf16 v7, v5;
	v7 =	vunpack.i.u.bf16.f32 v9;
	v11 =	vmax.bf16 v1, v0  }
0xf9: {  	s28 =	sadd.s32 $0x4, s28;
	v9 =	vunpack.i.l.bf16.f32 v9;
	v8 =	vld [tilespmem:s29+$0xFFFFFFE0];
	[tilespmem:s16+$0xFFFFFFB0] =	vst v7;
	v7 =	vunpack.i.u.bf16.f32 v11;
	v2 =	vadd.bf16 v6, v2  }
0xfa: {  	p0 =	slt.u32 s28, $0x60;
	v6 =	vld [tilespmem:s25+$0xFFFFFFE0];
	v5 =	vmax.bf16 v5, v0;
	[tilespmem:s16+$0xFFFFFFA0] =	vst v9;
	v9 =	vunpack.i.l.bf16.f32 v11;
	v1 =	vmov v3  }
0xfb: {  	v3 =	vld [tilespmem:s29+$0x0];
	v11 =	vunpack.i.u.bf16.f32 v5;
	v13 =	vunpack.i.l.bf16.f32 v5;
	[tilespmem:s16+$0xFFFFFFE0] =	vst v9;
	v2 =	vmax.bf16 v2, v0  }
0xfc: {  	v5 =	vld [tilespmem:s25+$0x0];
	v4 =	vadd.bf16 v4, v12;
	[tilespmem:s24+$0x70] =	vst v11;
	v9 =	vunpack.i.u.bf16.f32 v2;
	v2 =	vunpack.i.l.bf16.f32 v2  }
0xfd: {  	v11 =	vld [tilespmem:s29+$0xFFFFFFC0];
	[tilespmem:s16+$0xFFFFFFF0] =	vst v7  }
0xfe: {  	v4 =	vmax.bf16 v4, v0;
	v12 =	vld [tilespmem:s19+$0xFFFFFFD0];
	[tilespmem:s16+$0x20] =	vst v2  }
0xff: {  	v2 =	vadd.bf16 v6, v8;
	v6 =	vunpack.i.l.bf16.f32 v4;
	v14 =	vld [tilespmem:s26+$0xFFFFFFD0];
	[tilespmem:s16+$0x30] =	vst v9;
	s16 =	smov.u32 s24;
	s24 =	sadd.s32 $0x100, s24  }
0x100: {  	v7 =	vunpack.i.u.bf16.f32 v4;
	[tilespmem:s24+$0x40] =	vst v6;
	v4 =	vld [tilespmem:s26+$0xFFFFFFF0]  }
.Ltmp2:
0x101: {  	v6 =	vmax.bf16 v2, v0;
	v3 =	vadd.bf16 v5, v3;
	[tilespmem:s24+$0x50] =	vst v7;
	v2 =	vld [tilespmem:s19+$0x10];
	s19 =	smov.u32 s29;
	(pc) =	sbr.rel @p0 .LBB2_7-.Ltmp2, $4  }
0x102: {  	v8 =	vadd.bf16 v10, v11;
	v9 =	vunpack.i.u.bf16.f32 v6;
	v6 =	vunpack.i.l.bf16.f32 v6;
	v5 =	vld [tilespmem:s29+$0x30];
	[tilespmem:s16+$0x60] =	vst v13  }
0x103: {  	[tilespmem:s24+$0xFFFFFFC0] =	vst v6;
	v3 =	vmax.bf16 v3, v0;
	v7 =	vld [tilespmem:s25+$0x30]  }
0x104: {  	v10 =	vmax.bf16 v8, v0;
	[tilespmem:s24+$0xFFFFFFD0] =	vst v9;
	v8 =	vunpack.i.u.bf16.f32 v3;
	v13 =	vunpack.i.l.bf16.f32 v3;
	v6 =	vld [tilespmem:s26+$0x10];
	s26 =	smov.u32 s25  }
0x105: {  	s29 =	sadd.s32 $0x80, s29;
	v9 =	vunpack.i.u.bf16.f32 v10;
	v11 =	vunpack.i.l.bf16.f32 v10;
	v3 =	vld [tilespmem:s19+$0xFFFFFFF0];
	[tilespmem:s24+$0x0] =	vst v13;
	v10 =	vadd.bf16 v14, v12  }
0x106: {  	[tilespmem:s24+$0xFFFFFF80] =	vst v11  }
0x107: {  	[tilespmem:s24+$0xFFFFFF90] =	vst v9  }
0x108: {  	v1 =	vadd.bf16 v4, v1;
	v4 =	vmax.bf16 v10, v0;
	v9 =	vld [tilespmem:s19+$0xFFFFFFD0]  }
0x109: {  	[tilespmem:s24+$0x10] =	vst v8;
	v8 =	vld [tilespmem:s26+$0xFFFFFFD0];
	v5 =	vadd.bf16 v7, v5;
	v7 =	vunpack.i.u.bf16.f32 v4  }
0x10a: {  	v1 =	vmax.bf16 v1, v0;
	v4 =	vunpack.i.l.bf16.f32 v4;
	[tilespmem:s16+$0xFFFFFFB0] =	vst v7  }
0x10b: {  	v2 =	vadd.bf16 v6, v2;
	[tilespmem:s16+$0xFFFFFFA0] =	vst v4;
	v4 =	vunpack.i.l.bf16.f32 v1;
	v6 =	vld [tilespmem:s26+$0xFFFFFFF0];
	v5 =	vmax.bf16 v5, v0  }
0x10c: {  	[tilespmem:s16+$0xFFFFFFE0] =	vst v4;
	v4 =	vld [tilespmem:s19+$0x10];
	v7 =	vunpack.i.u.bf16.f32 v5  }
0x10d: {  	v1 =	vunpack.i.u.bf16.f32 v1;
	[tilespmem:s24+$0x70] =	vst v7;
	v7 =	vld [tilespmem:s26+$0x10]  }
0x10e: {  	[tilespmem:s16+$0xFFFFFFF0] =	vst v1;
	v2 =	vmax.bf16 v2, v0;
	v5 =	vunpack.i.l.bf16.f32 v5;
	v1 =	vadd.bf16 v8, v9  }
0x10f: {  	v10 =	vunpack.i.l.bf16.f32 v2;
	v2 =	vunpack.i.u.bf16.f32 v2;
	[tilespmem:s24+$0x60] =	vst v5  }
0x110: {  	[tilespmem:s16+$0x30] =	vst v2;
	v2 =	vadd.bf16 v6, v3;
	v1 =	vmax.bf16 v1, v0  }
0x111: {  	[tilespmem:s16+$0x20] =	vst v10;
	v3 =	vunpack.i.u.bf16.f32 v1  }
0x112: {  	v1 =	vunpack.i.l.bf16.f32 v1;
	v2 =	vmax.bf16 v2, v0;
	[tilespmem:s24+$0xFFFFFFB0] =	vst v3;
	v3 =	vadd.bf16 v7, v4  }
0x113: {  	[tilespmem:s24+$0xFFFFFFA0] =	vst v1;
	v1 =	vunpack.i.l.bf16.f32 v2  }
0x114: {  	v2 =	vunpack.i.u.bf16.f32 v2;
	[tilespmem:s24+$0xFFFFFFE0] =	vst v1;
	v1 =	vmax.bf16 v3, v0  }
0x115: {  	p0 =	seq.s32 s0, $0x31;
	[tilespmem:s24+$0xFFFFFFF0] =	vst v2;
	v3 =	vunpack.i.l.bf16.f32 v1  }
0x116: {  	s15 =	sadd.s32 @!p0 $0x2, s15;
	v1 =	vunpack.i.u.bf16.f32 v1;
	[tilespmem:s24+$0x20] =	vst v3  }
0x117: {  	s16 =	sshll.u32 @!p0 s15, $0x1;
	[tilespmem:s24+$0x30] =	vst v1  }
0x118: {  	[spmem:s3] =	stream.indirect.scatter.add.f32 [tilespmem:s23], [sflag:$0x5], $0x40, s14, s31, $0xb8;
	[tilespmem:$0x16AA0] =	vst v63  }
0x119: {  	s15 =	smul.u32 @!p0 $0xC8, s15;
	s16 =	sadd.s32 @!p0 s10, s16;
	_ =	swait.ge [sflag:s22], $0xC80  }
0x11a: {  	s16 =	smul.u32 @!p0 $0xD, s16;
	[sflag:s22] =	ssyncset.done $0x0  }
0x11b: {  	s25 =	simm.s32 @!p0 $0xEA60;
	s15 =	sadd.s32 @!p0 s11, s15;
	[sflag:s22] =	ssyncadd.s32 $0xFFFFF380  }
0x11c: {  	s15 =	sshll.u32 @!p0 s15, $0x6;
	s19 =	sadd.s32 @!p0 s7, s16;
	_ =	swait.ge [sflag:s13], $0x1900  }
0x11d: {  	s16 =	sadd.s32 @!p0 s8, s16;
	s15 =	sor.u32 @!p0 s5, s15;
	[sflag:s13] =	ssyncset.done $0x0  }
0x11e: {  	s15 =	sshrl.u32 @!p0 s15, $0x3;
	s24 =	simm.s32 @!p0 $0x0;
	[sflag:s13] =	ssyncadd.s32 $0xFFFFE700  }
0x11f: {  	[tilespmem:s25], [sflag:$0x1] =	stream.linear.gather @!p0 [hbm4b:s19+s24], $0xD0, $0x38;
	[tilespmem:$0x16AA0] =	vst v63  }
0x120: {  	s15 =	sadd.s32 @!p0 s6, s15;
	s19 =	simm.s32 @!p0 $0xEB30;
	s25 =	simm.s32 $0x12C60  }
0x121: {  	[tilespmem:s19], [sflag:$0x1] =	stream.linear.gather @!p0 [hbm4b:s16+s24], $0xD0, $0x38;
	[tilespmem:$0x16AA0] =	vst v63  }
0x122: {  	s16 =	simm.s32 @!p0 $0x20;
	s19 =	simm.s32 @!p0 $0x40;
	s24 =	simm.s32 @!p0 $0xEC00  }
0x123: {  	[tilespmem:s24], [sflag:$0x1] =	stream.strided.gather @!p0 [hbm4b:s15+s16], $0x1900, s19, s16, $0x38;
	[tilespmem:$0x16AA0] =	vst v63  }
0x124: {  	s29 =	simm.s32 $0x11390;
	v1 =	vld [tilespmem:s25+$0x20]  }
0x125: {  	v2 =	vld [tilespmem:s29+$0xFFFFFFF0];
	_ =	sdelay $0x2  }
0x126: {  	v3 =	vld [tilespmem:s25+$0xFFFFFFE0]  }
0x127: {  	v4 =	vld [tilespmem:s29+$0xFFFFFFB0]  }
0x128: {  	v1 =	vadd.bf16 v2, v1  }
0x129: {  	s16 =	simm.s32 $0x12CE0;
	v6 =	vld [tilespmem:s29+$0xFFFFFFD0]  }
0x12a: {  	v9 =	vld [tilespmem:s16+$0xFFFFFFE0];
	v1 =	vmax.bf16 v1, v0  }
0x12b: {  	s15 =	simm.s32 $0x15220;
	v2 =	vld [tilespmem:s29+$0xFFFFFF90];
	v5 =	vunpack.i.l.bf16.f32 v1  }
0x12c: {  	v3 =	vadd.bf16 v4, v3;
	v4 =	vld [tilespmem:s25+$0x0];
	v1 =	vunpack.i.u.bf16.f32 v1;
	[tilespmem:s15+$0x40] =	vst v5  }
0x12d: {  	v5 =	vld [tilespmem:s25+$0xFFFFFFC0];
	[tilespmem:s15+$0x50] =	vst v1  }
0x12e: {  	v3 =	vmax.bf16 v3, v0;
	v7 =	vld [tilespmem:s25+$0x30]  }
0x12f: {  	v1 =	vunpack.i.l.bf16.f32 v3;
	v3 =	vunpack.i.u.bf16.f32 v3;
	v8 =	vld [tilespmem:s29+$0x0]  }
0x130: {  	s24 =	simm.s32 $0x11410;
	[tilespmem:s15+$0xFFFFFFD0] =	vst v3;
	v3 =	vld [tilespmem:s16+$0x20]  }
0x131: {  	v4 =	vadd.bf16 v6, v4;
	v6 =	vld [tilespmem:s24+$0xFFFFFFF0]  }
0x132: {  	v11 =	vld [tilespmem:s24+$0xFFFFFFB0];
	[tilespmem:s15+$0xFFFFFFC0] =	vst v1;
	v2 =	vadd.bf16 v2, v5  }
0x133: {  	v1 =	vld [tilespmem:s25+$0xFFFFFFF0];
	v4 =	vmax.bf16 v4, v0  }
0x134: {  	v10 =	vunpack.i.l.bf16.f32 v4;
	v5 =	vld [tilespmem:s24+$0xFFFFFF90];
	v2 =	vmax.bf16 v2, v0  }
0x135: {  	[tilespmem:s15+$0x0] =	vst v10;
	v10 =	vld [tilespmem:s24+$0xFFFFFFD0];
	v7 =	vadd.bf16 v8, v7;
	v12 =	vunpack.i.l.bf16.f32 v2  }
0x136: {  	v8 =	vld [tilespmem:s16+$0x0];
	v3 =	vadd.bf16 v6, v3;
	v2 =	vunpack.i.u.bf16.f32 v2;
	[tilespmem:s15+$0xFFFFFF80] =	vst v12  }
0x137: {  	v4 =	vunpack.i.u.bf16.f32 v4;
	v6 =	vld [tilespmem:s16+$0xFFFFFFC0];
	[tilespmem:s15+$0xFFFFFF90] =	vst v2;
	v2 =	vmax.bf16 v7, v0  }
0x138: {  	[tilespmem:s15+$0x10] =	vst v4;
	v3 =	vmax.bf16 v3, v0;
	v4 =	vunpack.i.u.bf16.f32 v2;
	v12 =	vld [tilespmem:s25+$0xFFFFFFD0]  }
0x139: {  	s19 =	simm.s32 $0x15320;
	v7 =	vadd.bf16 v11, v9;
	v13 =	vld [tilespmem:s29+$0xFFFFFFA0];
	[tilespmem:s15+$0x70] =	vst v4;
	v4 =	vunpack.i.l.bf16.f32 v3  }
0x13a: {  	v9 =	vunpack.i.l.bf16.f32 v2;
	v2 =	vld [tilespmem:s25+$0x10];
	v3 =	vunpack.i.u.bf16.f32 v3;
	[tilespmem:s19+$0x40] =	vst v4  }
0x13b: {  	v7 =	vmax.bf16 v7, v0;
	v8 =	vadd.bf16 v10, v8;
	v4 =	vld [tilespmem:s29+$0xFFFFFFC0];
	[tilespmem:s19+$0x50] =	vst v3  }
0x13c: {  	[tilespmem:s15+$0x60] =	vst v9;
	v3 =	vadd.bf16 v5, v6;
	v6 =	vunpack.i.l.bf16.f32 v7;
	v5 =	vld [tilespmem:s16+$0x30]  }
0x13d: {  	v9 =	vunpack.i.u.bf16.f32 v7;
	[tilespmem:s19+$0xFFFFFFC0] =	vst v6;
	v6 =	vmax.bf16 v8, v0;
	v7 =	vld [tilespmem:s24+$0x0]  }
0x13e: {  	[tilespmem:s19+$0xFFFFFFD0] =	vst v9;
	v3 =	vmax.bf16 v3, v0;
	v8 =	vunpack.i.u.bf16.f32 v6;
	v10 =	vunpack.i.l.bf16.f32 v6;
	v6 =	vld [tilespmem:s29+$0xFFFFFFE0]  }
0x13f: {  	s28 =	simm.s32 $0x12D60;
	s26 =	simm.s32 $0x4;
	s25 =	simm.s32 $0x11410;
	v9 =	vunpack.i.u.bf16.f32 v3;
	v11 =	vunpack.i.l.bf16.f32 v3;
	v3 =	vld [tilespmem:s16+$0xFFFFFFF0];
	[tilespmem:s19+$0x0] =	vst v10;
	v10 =	vadd.bf16 v13, v12  }
.LBB2_9:
0x140: {  	v12 =	vld [tilespmem:s28+$0x20];
	[tilespmem:s19+$0xFFFFFF80] =	vst v11;
	s24 =	sadd.s32 $0x80, s24;
	v1 =	vadd.bf16 v4, v1  }
0x141: {  	v4 =	vld [tilespmem:s24+$0xFFFFFFF0];
	[tilespmem:s19+$0xFFFFFF90] =	vst v9;
	v9 =	vmax.bf16 v10, v0  }
0x142: {  	v10 =	vld [tilespmem:s24+$0xFFFFFF90];
	[tilespmem:s19+$0x10] =	vst v8;
	v5 =	vadd.bf16 v7, v5;
	v7 =	vunpack.i.u.bf16.f32 v9;
	v11 =	vmax.bf16 v1, v0  }
0x143: {  	s26 =	sadd.s32 $0x4, s26;
	v9 =	vunpack.i.l.bf16.f32 v9;
	v8 =	vld [tilespmem:s28+$0xFFFFFFE0];
	[tilespmem:s15+$0xFFFFFFB0] =	vst v7;
	v7 =	vunpack.i.u.bf16.f32 v11;
	v2 =	vadd.bf16 v6, v2  }
0x144: {  	p0 =	slt.u32 s26, $0x60;
	v6 =	vld [tilespmem:s24+$0xFFFFFFB0];
	v5 =	vmax.bf16 v5, v0;
	[tilespmem:s15+$0xFFFFFFA0] =	vst v9;
	v9 =	vunpack.i.l.bf16.f32 v11;
	v1 =	vmov v3  }
0x145: {  	v3 =	vld [tilespmem:s28+$0x0];
	v11 =	vunpack.i.u.bf16.f32 v5;
	v13 =	vunpack.i.l.bf16.f32 v5;
	[tilespmem:s15+$0xFFFFFFE0] =	vst v9;
	v2 =	vmax.bf16 v2, v0  }
0x146: {  	v5 =	vld [tilespmem:s24+$0xFFFFFFD0];
	v4 =	vadd.bf16 v4, v12;
	[tilespmem:s19+$0x70] =	vst v11;
	v9 =	vunpack.i.u.bf16.f32 v2;
	v2 =	vunpack.i.l.bf16.f32 v2  }
0x147: {  	v11 =	vld [tilespmem:s28+$0xFFFFFFC0];
	[tilespmem:s15+$0xFFFFFFF0] =	vst v7  }
0x148: {  	v4 =	vmax.bf16 v4, v0;
	v12 =	vld [tilespmem:s16+$0xFFFFFFD0];
	[tilespmem:s15+$0x20] =	vst v2  }
0x149: {  	v2 =	vadd.bf16 v6, v8;
	v6 =	vunpack.i.l.bf16.f32 v4;
	v14 =	vld [tilespmem:s25+$0xFFFFFFA0];
	[tilespmem:s15+$0x30] =	vst v9;
	s15 =	smov.u32 s19;
	s19 =	sadd.s32 $0x100, s19  }
0x14a: {  	v7 =	vunpack.i.u.bf16.f32 v4;
	[tilespmem:s19+$0x40] =	vst v6;
	v4 =	vld [tilespmem:s25+$0xFFFFFFC0]  }
.Ltmp3:
0x14b: {  	v6 =	vmax.bf16 v2, v0;
	v3 =	vadd.bf16 v5, v3;
	[tilespmem:s19+$0x50] =	vst v7;
	v2 =	vld [tilespmem:s16+$0x10];
	s16 =	smov.u32 s28;
	(pc) =	sbr.rel @p0 .LBB2_9-.Ltmp3, $4  }
0x14c: {  	v8 =	vadd.bf16 v10, v11;
	v9 =	vunpack.i.u.bf16.f32 v6;
	v6 =	vunpack.i.l.bf16.f32 v6;
	v5 =	vld [tilespmem:s28+$0x30];
	[tilespmem:s15+$0x60] =	vst v13  }
0x14d: {  	[tilespmem:s19+$0xFFFFFFC0] =	vst v6;
	v3 =	vmax.bf16 v3, v0;
	v7 =	vld [tilespmem:s24+$0x0]  }
0x14e: {  	v10 =	vmax.bf16 v8, v0;
	[tilespmem:s19+$0xFFFFFFD0] =	vst v9;
	v8 =	vunpack.i.u.bf16.f32 v3;
	v13 =	vunpack.i.l.bf16.f32 v3;
	v6 =	vld [tilespmem:s25+$0xFFFFFFE0];
	s25 =	smov.u32 s24  }
0x14f: {  	s28 =	sadd.s32 $0x80, s28;
	v9 =	vunpack.i.u.bf16.f32 v10;
	v11 =	vunpack.i.l.bf16.f32 v10;
	v3 =	vld [tilespmem:s16+$0xFFFFFFF0];
	[tilespmem:s19+$0x0] =	vst v13;
	v10 =	vadd.bf16 v14, v12  }
0x150: {  	[tilespmem:s19+$0xFFFFFF80] =	vst v11  }
0x151: {  	[tilespmem:s19+$0xFFFFFF90] =	vst v9  }
0x152: {  	v1 =	vadd.bf16 v4, v1;
	v55 =	vmax.bf16 v10, v0;
	v9 =	vld [tilespmem:s16+$0xFFFFFFD0]  }
0x153: {  	[tilespmem:s19+$0x10] =	vst v8;
	v57 =	vld [tilespmem:s25+$0xFFFFFFA0];
	v56 =	vunpack.i.u.bf16.f32 v55  }
0x154: {  	v5 =	vadd.bf16 v7, v5;
	v1 =	vmax.bf16 v1, v0;
	v4 =	vunpack.i.l.bf16.f32 v55;
	[tilespmem:s15+$0xFFFFFFB0] =	vst v56  }
0x155: {  	v59 =	vld [tilespmem:s25+$0xFFFFFFC0];
	[tilespmem:s15+$0xFFFFFFA0] =	vst v4;
	v58 =	vunpack.i.l.bf16.f32 v1  }
0x156: {  	v61 =	vld [tilespmem:s16+$0x10];
	v2 =	vadd.bf16 v6, v2;
	v1 =	vunpack.i.u.bf16.f32 v1;
	v5 =	vmax.bf16 v5, v0;
	[tilespmem:s15+$0xFFFFFFE0] =	vst v58  }
0x157: {  	v62 =	vld [tilespmem:s25+$0xFFFFFFE0];
	[tilespmem:s15+$0xFFFFFFF0] =	vst v1;
	v60 =	vunpack.i.u.bf16.f32 v5  }
0x158: {  	v2 =	vmax.bf16 v2, v0;
	v5 =	vunpack.i.l.bf16.f32 v5;
	[tilespmem:s19+$0x70] =	vst v60;
	v1 =	vadd.bf16 v57, v9  }
0x159: {  	v63 =	vunpack.i.l.bf16.f32 v2;
	v2 =	vunpack.i.u.bf16.f32 v2;
	[tilespmem:s19+$0x60] =	vst v5  }
0x15a: {  	[tilespmem:s15+$0x30] =	vst v2;
	v2 =	vadd.bf16 v59, v3;
	v1 =	vmax.bf16 v1, v0  }
0x15b: {  	[tilespmem:s15+$0x20] =	vst v63;
	v3 =	vunpack.i.u.bf16.f32 v1  }
0x15c: {  	s0 =	sadd.s32 $0x1, s0;
	v2 =	vmax.bf16 v2, v0;
	v1 =	vunpack.i.l.bf16.f32 v1;
	[tilespmem:s19+$0xFFFFFFB0] =	vst v3;
	v3 =	vadd.bf16 v62, v61  }
0x15d: {  	p0 =	sne.s32 s0, $0x32;
	[tilespmem:s19+$0xFFFFFFA0] =	vst v1;
	v1 =	vunpack.i.l.bf16.f32 v2  }
.Ltmp4:
0x15e: {  	v2 =	vunpack.i.u.bf16.f32 v2;
	[tilespmem:s19+$0xFFFFFFE0] =	vst v1;
	v1 =	vmax.bf16 v3, v0;
	(pc) =	sbr.rel @p0 .LBB2_2-.Ltmp4, $4  }
0x15f: {  	[tilespmem:s19+$0xFFFFFFF0] =	vst v2;
	v3 =	vunpack.i.l.bf16.f32 v1  }
0x160: {  	v1 =	vunpack.i.u.bf16.f32 v1;
	[tilespmem:s19+$0x20] =	vst v3  }
0x161: {  	s29 =	simm.s32 $0x10638;
	[tilespmem:s19+$0x30] =	vst v1  }
0x162: {  	[spmem:s3] =	stream.indirect.scatter.add.f32 [tilespmem:s17], [sflag:$0x6], $0x40, s29, s31, $0xb8;
	[tilespmem:$0x16AA0] =	vst v63  }
0x163: {  	_ =	swait.ge [sflag:s20], $0x1900  }
0x164: {  	[sflag:s20] =	ssyncset.done $0x0  }
0x165: {  	[sflag:s20] =	ssyncadd.s32 $0xFFFFE700  }
0x166: {  	_ =	swait.ge [sflag:s13], $0x1900  }
0x167: {  	[sflag:s13] =	ssyncset.done $0x0  }
0x168: {  	[sflag:s13] =	ssyncadd.s32 $0xFFFFE700  }
0x169: {  	[bflag:$0x0] =	sbarrier.arrive $0xFFFF  }
0x16a: {  	s16 =	rddreg [dreg:$0x6]  }
0x16b: {  	s0 =	rddreg [dreg:$0xb]  }
0x16c: {  	s19 =	simm.s32 $0x8;
	s15 =	simm.s32 $0x10;
	s24 =	rddreg [dreg:$0xf]  }
0x16d: {  	[hbm:s0@s15], [sflag:s16] =	dma.strided [spmem:s24@s19], $0x1388, s21, $0x8   }
0x16e: {  	s24 =	simm.s32 $0x7  }
0x16f: {  	_ =	swait.ge [sflag:s24], $0x1388  }
0x170: {  	s28 =	rddreg [dreg:$0xe]  }
0x171: {  	s29 =	rddreg [dreg:$0xc];
	s15 =	sadd.s32 $0x1, s28  }
0x172: {  	p0 =	sne.s32 s15, s29  }
.Ltmp5:
0x173: {  	_ = 	snop;
	(pc) =	sbr.rel @p0 .LBB2_1-.Ltmp5, $3  }
0x174: {  	_ =	sdelay $0x1  }
0x175: {  	[sflag:s24] =	ssyncset.done $0x0  }
0x176: {  	[sflag:s24] =	ssyncadd.s32 $0xFFFFEC78  }
0x177: {  	_ =	sfence.sel $0x180000  }
0x178: {  	[bflag:$0x0] =	sbarrier.arrive $0xFFFF  }
0x179: {  	_ =	strace $0x90000047  }
0x17a: {  	s0 =	stileid.u32;
	[bflag:$0x2] =	sbarrier.arrive $0xFFFF  }
0x17b: {  	p0 =	sne.s32 s0, $0x0;
	s0 =	rddreg [dreg:$0x3]  }
0x17c: {  	s0 =	sadd.s32 @!p0 $0x100000, s0  }
0x17d: {  	[sflag:s0] =	ssyncadd.tile.s32 @!p0 $0x1;
	_ =	shalt  }
.Lfunc_end2:
_tile_overlayer_lowered:
.L_overlay_start_2:
0x17e: {  	(tag) =	ssettag $0x2  }
0x17f: {  	s0 =	rddreg [dreg:$0x0];
	s2 =	stileid.u32  }
0x180: {  	s1 =	rddreg [dreg:$0x1];
	p0 =	sne.s32 s2, $0x0  }
0x181: {  	s3 =	rddreg [dreg:$0x2];
	[bflag:$0x3] =	sbarrier.arrive $0xFFFF;
	s2 =	simm.s32 @!p0 $0x1C07  }
0x182: {  	[timem:s3], [sflag:s2] =	dma.local @!p0 [hbm:s0], s1  }
0x183: {  	s0 =	simm.s32 @!p0 $0x7  }
0x184: {  	_ =	swait.ge @!p0 [sflag:s0], s1  }
0x185: {  	s1 =	ssub.s32 @!p0 $0x0, s1;
	[sflag:s0] =	ssyncset.done @!p0 $0x0  }
0x186: {  	[sflag:s0] =	ssyncadd.s32 @!p0 s1  }
0x187: {  	[bflag:$0x3] =	sbarrier.arrive $0xFFFF  }
0x188: {  	_ =	shalt  }

// kernel: kernel.13.cloned.1.call-start
scs
__scs_entry_jumppad:
0x0: {  	(pc) =	sbr.rel $0x88, $3  }
0x1: {  	(tag) =	ssettag $0x0;
	lr =	simm.s32 $0x1  }
0x2: {  	[smem:$0x3F94] =	sst lr;
	_ =	strace $0xD0000000  }
0x3: {  	_ = 	snop  }
0x4: {  	_ = 	snop  }
0x5: {  	_ = 	snop  }
0x6: {  	_ = 	snop  }
0x7: {  	_ = 	snop  }
__scs_overlays_trampoline_lowered:
0x8: {  	[smem:$0x3FA3] =	sst s0  }
0x9: {  	[smem:$0x3FA4] =	sst s1  }
0xa: {  	[smem:$0x3FA5] =	sst s2  }
0xb: {  	[smem:$0x3FA6] =	sst s3  }
0xc: {  	[smem:$0x3FA7] =	sst s4  }
0xd: {  	[smem:$0x3FA8] =	sst s5  }
0xe: {  	[smem:$0x3FA9] =	sst s6  }
0xf: {  	[smem:$0x3FAA] =	sst s7  }
0x10: {  	[smem:$0x3FAB] =	sst s8  }
0x11: {  	[smem:$0x3FAC] =	sst s9;
	s0 =	simm.s32 @!p0 $0x0  }
0x12: {  	s1 =	sld [smem:$0x3F92];
	s0 =	simm.s32 @p0 $0x1  }
0x13: {  	[smem:$0x3FAD] =	sst s0;
	s0 =	simm.s32 @!p1 $0x0  }
0x14: {  	s2 =	sld [smem:$0x3F91];
	s0 =	simm.s32 @p1 $0x1  }
0x15: {  	[smem:$0x3FAE] =	sst s0;
	s0 =	simm.s32 @!p2 $0x0  }
0x16: {  	s3 =	sld [smem:$0x3FDB];
	s0 =	simm.s32 @p2 $0x1  }
0x17: {  	s4 =	simm.s32 $0x1BF5;
	[smem:$0x3FB0] =	sst s0  }
0x18: {  	s0 =	sld [smem:$0x3F93];
	_ =	swait.ge [sflag:s4], $0x0  }
0x19: {  	s7 =	sld [smem:$0x3F94]  }
0x1a: {  	s8 =	sadd.s32 $0xFFFFE003, lr  }
0x1b: {  	s9 =	sadd.s32 $0xFFFFFEF7, lr;
	s5 =	simm.s32 $0xFFFFFFFF;
	p2 =	slt.u32 s8, $0xFFFFF086  }
0x1c: {  	p1 =	slt.u32 s9, $0xF7A;
	s5 =	simm.s32 @!p2 $0x0  }
0x1d: {  	s5 =	simm.s32 @p1 $0x1;
	p0 =	seq.s32 s7, s2  }
0x1e: {  	s7 =	smul.u32 @!p0 $0xF7A, s2;
	p2 =	seq.s32 @!p0 s5, $0x0  }
0x1f: {  	s9 =	smul.u32 $0xF7A, s1;
	s8 =	simm.s32 @!p0 $0x1BF5;
	p2 =	por !p2, p0  }
0x20: {  	[sflag:s8] =	ssyncset.s32 @!p0 $0xFFFFF086;
	s6 =	sadd.s32 @!p0 s3, s7;
	s7 =	simm.s32 @!p0 $0x108  }
0x21: {  	s3 =	sadd.s32 s3, s9;
	s6 =	sadd.s32 @!p0 $0x88, s6;
	s7 =	simm.s32 @p2 $0x1082  }
0x22: {  	[simem:s7], [sflag:s8] =	dma.local @!p0 [hbm:s6], $0xF7A  }
0x23: {  	s9 =	sor.u32 $0xD0000000, s2;
	s6 =	simm.s32 $0x108;
	_ =	swait.ge @!p0 [sflag:s8], $0x0  }
0x24: {  	s3 =	sadd.s32 $0x88, s3;
	s6 =	simm.s32 @!p1 $0x1082;
	[sflag:s4] =	ssyncset.s32 $0xFFFFF086  }
0x25: {  	[simem:s6], [sflag:s4] =	dma.local [hbm:s3], $0xF7A  }
0x26: {  	[smem:$0x3F94] =	sst s1;
	(tag) =	ssettag s2;
	_ =	strace s9  }
0x27: {  	s1 =	sld [smem:$0x3FA4]  }
0x28: {  	s2 =	sld [smem:$0x3FA5]  }
0x29: {  	s4 =	sld [smem:$0x3FA7]  }
0x2a: {  	p0 =	seq.s32 s5, $0x0;
	s5 =	sld [smem:$0x3FA8]  }
0x2b: {  	s6 =	sld [smem:$0x3FA9]  }
0x2c: {  	s7 =	sld [smem:$0x3FAA]  }
0x2d: {  	s3 =	simm.s32 $0x108;
	s8 =	sld [smem:$0x3FAB]  }
0x2e: {  	s3 =	simm.s32 @!p0 $0x1082;
	s9 =	sld [smem:$0x3FAC]  }
0x2f: {  	lr =	sadd.s32 s0, s3;
	s0 =	sld [smem:$0x3FA3]  }
0x30: {  	s3 =	sld [smem:$0x3FA6]  }
0x31: {  	[smem:$0x3FAF] =	sst s10  }
0x32: {  	s10 =	sld [smem:$0x3FAD];
	_ =	sdelay $0x3  }
0x33: {  	p0 =	seq.s32 s10, $0x1;
	s10 =	sld [smem:$0x3FAF];
	_ =	sdelay $0x3  }
0x34: {  	[smem:$0x3FAF] =	sst s10  }
0x35: {  	s10 =	sld [smem:$0x3FAE];
	_ =	sdelay $0x3  }
0x36: {  	p1 =	seq.s32 s10, $0x1;
	s10 =	sld [smem:$0x3FAF];
	_ =	sdelay $0x3  }
0x37: {  	[smem:$0x3FAF] =	sst s10  }
0x38: {  	s10 =	sld [smem:$0x3FB0]  }
0x39: {  	_ = 	snop;
	(pc) =	sbr.ind lr, $3  }
0x3a: {  	_ = 	snop  }
0x3b: {  	_ = 	snop  }
0x3c: {  	p2 =	seq.s32 s10, $0x1;
	s10 =	sld [smem:$0x3FAF]  }
0x3d: {  	_ =	shalt  }
0x3e: {  	_ =	shalt  }
0x3f: {  	_ =	shalt  }
0x40: {  	_ =	shalt  }
0x41: {  	_ =	shalt  }
0x42: {  	_ =	shalt  }
0x43: {  	_ =	shalt  }
0x44: {  	_ =	shalt  }
0x45: {  	_ =	shalt  }
0x46: {  	_ =	shalt  }
0x47: {  	_ =	shalt  }
0x48: {  	_ =	shalt  }
0x49: {  	_ =	shalt  }
0x4a: {  	_ =	shalt  }
0x4b: {  	_ =	shalt  }
0x4c: {  	_ =	shalt  }
0x4d: {  	_ =	shalt  }
0x4e: {  	_ =	shalt  }
0x4f: {  	_ =	shalt  }
0x50: {  	_ =	shalt  }
0x51: {  	_ =	shalt  }
0x52: {  	_ =	shalt  }
0x53: {  	_ =	shalt  }
0x54: {  	_ =	shalt  }
0x55: {  	_ =	shalt  }
0x56: {  	_ =	shalt  }
0x57: {  	_ =	shalt  }
0x58: {  	_ =	shalt  }
0x59: {  	_ =	shalt  }
0x5a: {  	_ =	shalt  }
0x5b: {  	_ =	shalt  }
0x5c: {  	_ =	shalt  }
0x5d: {  	_ =	shalt  }
0x5e: {  	_ =	shalt  }
0x5f: {  	_ =	shalt  }
0x60: {  	_ =	shalt  }
0x61: {  	_ =	shalt  }
0x62: {  	_ =	shalt  }
0x63: {  	_ =	shalt  }
0x64: {  	_ =	shalt  }
0x65: {  	_ =	shalt  }
0x66: {  	_ =	shalt  }
0x67: {  	_ =	shalt  }
0x68: {  	_ =	shalt  }
0x69: {  	_ =	shalt  }
0x6a: {  	_ =	shalt  }
0x6b: {  	_ =	shalt  }
0x6c: {  	_ =	shalt  }
0x6d: {  	_ =	shalt  }
0x6e: {  	_ =	shalt  }
0x6f: {  	_ =	shalt  }
0x70: {  	_ =	shalt  }
0x71: {  	_ =	shalt  }
0x72: {  	_ =	shalt  }
0x73: {  	_ =	shalt  }
0x74: {  	_ =	shalt  }
0x75: {  	_ =	shalt  }
0x76: {  	_ =	shalt  }
0x77: {  	_ =	shalt  }
0x78: {  	_ =	shalt  }
0x79: {  	_ =	shalt  }
0x7a: {  	_ =	shalt  }
0x7b: {  	_ =	shalt  }
0x7c: {  	_ =	shalt  }
0x7d: {  	_ =	shalt  }
0x7e: {  	_ =	shalt  }
0x7f: {  	_ =	shalt  }
0x80: {  	_ =	shalt  }
0x81: {  	_ =	shalt  }
0x82: {  	_ =	shalt  }
0x83: {  	_ =	shalt  }
0x84: {  	_ =	shalt  }
0x85: {  	_ =	shalt  }
0x86: {  	_ =	shalt  }
0x87: {  	_ =	shalt  }
.Lfunc_end0:
.L_simem_size_0:
called_computation.1_lowered:
.L_overlay_start_0:
0x88: {  	s2 =	sld [smem:$0x3FD9]  }
0x89: {  	s3 =	sld [smem:$0x3FFE];
	_ =	sdelay $0x1  }
0x8a: {  	s1 =	srdreg.scid  }
0x8b: {  	s0 =	sand.u32 $0x1, s1  }
0x8c: {  	s16 =	sshll.u32 s0, $0xA;
	s2 =	sadd.s32 s3, s2  }
0x8d: {  	s2 =	sadd.s32 s2, s16  }
0x8e: {  	[smem:$0x3FBB] =	sst s2  }
0x8f: {  	_ = 	snop  }
0x90: {  	(tm) =	ssettm $0x1  }
0x91: {  	s17 =	sld [smem:$0x3FFB];
	_ =	sdelay $0x3  }
0x92: {  	_ =	strace s17  }
0x93: {  	s2 =	sld [smem:$0x3FFC];
	_ =	sdelay $0x3  }
0x94: {  	_ =	strace s2  }
0x95: {  	s2 =	sld [smem:$0x3FFD];
	_ =	sdelay $0x3  }
0x96: {  	_ =	strace s2  }
0x97: {  	_ =	strace $0x8FFFFFFF  }
0x98: {  	s18 =	sld [smem:$0x3FDB];
	_ =	sdelay $0x1  }
0x99: {  	s19 =	simm.s32 $_scs_section_size  }
0x9a: {  	s4 =	simm.s32 $_size__tile_overlayer_lowered;
	s5 =	simm.s32 $_tile_overlayer_lowered  }
0x9b: {  	s22 =	simm.s32 $0x1BFF;
	s21 =	sshll.u32 s5, $0x1;
	s2 =	sadd.s32 s19, s18  }
0x9c: {  	s6 =	simm.s32 $0x0;
	s20 =	sshll.u32 s4, $0x1;
	s4 =	sadd.s32 s21, s2  }
0x9d: {  	[timem:s6], [sflag:s22] =	dma.local [hbm:s4], s20  }
0x9e: {  	_ =	swait.ge [sflag:s22], s20  }
0x9f: {  	s3 =	ssub.s32 $0x0, s20;
	[sflag:s22] =	ssyncset.done $0x0  }
0xa0: {  	[sflag:s22] =	ssyncadd.s32 s3;
	_ =	sdelay $0x1  }
0xa1: {  	s23 =	simm.s32 $0x1B8B  }
0xa2: {  	_ =	swait.ge [sflag:s23], $0x1  }
0xa3: {  	[sflag:s23] =	ssyncset.done $0x0  }
0xa4: {  	s25 =	simm.s32 $0x1B8E;
	s24 =	sld [smem:$0x3FFE];
	[sflag:s23] =	ssyncadd.s32 $0xFFFFFFFF  }
0xa5: {  	s26 =	simm.s32 $execute0_lowered;
	[smem:$0x3FD2] =	sst s25  }
0xa6: {  	s4 =	sshll.u32 s26, $0x1;
	_ =	strace $0x80000049;
	[dreg:$0x1] =	wrdreg $0xFFFFFFFF  }
0xa7: {  	s28 =	simm.s32 $_size_execute0_lowered;
	s2 =	sadd.s32 s2, s4;
	[dreg:$0x0] =	wrdreg $0x0  }
0xa8: {  	s4 =	sshll.u32 s28, $0x1;
	[dreg:$0x2] =	wrdreg s2  }
0xa9: {  	[dreg:$0x3] =	wrdreg s4  }
0xaa: {  	[dreg:$0x4] =	wrdreg $0xC0  }
0xab: {  	_ =	task [dreg:s6], $0x5FFFF  }
0xac: {  	[dreg:$0x1] =	wrdreg $0xFFFFFFFF  }
0xad: {  	[dreg:$0x0] =	wrdreg $0x60  }
0xae: {  	[dreg:$0x2] =	wrdreg s24  }
0xaf: {  	[dreg:$0x3] =	wrdreg $0x0  }
0xb0: {  	[dreg:$0x4] =	wrdreg $0x4E200  }
0xb1: {  	[dreg:$0x5] =	wrdreg $0x9  }
0xb2: {  	_ =	task.clear_ibuf [dreg:s6], $0x6FFFF;
	_ =	strace $0x90000049  }
0xb3: {  	s29 =	simm.s32 $0x9;
	_ =	strace $0x8000004B  }
0xb4: {  	_ =	swait.ge [sflag:s29], $0x1  }
0xb5: {  	[sflag:s29] =	ssyncadd.s32 $0xFFFFFFFF  }
0xb6: {  	_ =	strace $0x9000004B  }
0xb7: {  	_ =	sfence  }
0xb8: {  	s30 =	sld [smem:$0x0];
	_ =	sdelay $0x2  }
0xb9: {  	s31 =	sshll.u32 s1, $0xD;
	s1 =	sshrl.u32 s1, $0x2  }
0xba: {  	s3 =	sand.u32 $0x4000, s31;
	s1 =	sadd.s32 s1, s30  }
0xbb: {  	s0 =	sor.u32 s3, s0;
	s1 =	sshll.u32 s1, $0x11  }
0xbc: {  	s0 =	sor.u32 s1, s0  }
0xbd: {  	s0 =	sadd.s32 $0x8F2B, s0  }
0xbe: {  	[sflag:s0] =	ssyncadd.remote.s32 $0x1  }
0xbf: {  	_ =	sfence.sel $0xFFFF  }
0xc0: {  	[dreg:$0x0] =	wrdreg $0xFFFFFFFF;
	(pc) =	sbr.abs _section_cstart, $3  }
0xc1: {  	[dreg:$0x1] =	wrdreg $0xFFFFFFFF  }
0xc2: {  	_ =	task.clear_ibuf [dreg:s6], $0x2FFFF;
	_ =	strace $0x9FFFFFFF  }
0xc3: {  	(tm) =	ssettm $0x7FFFFFFF  }
tec
execute0_lowered:
.L_overlay_start_1:
0x0: {  	(tag) =	ssettag $0x1  }
0x1: {  	s0 =	rddreg [dreg:$0x0]  }
0x2: {  	s2 =	rddreg [dreg:$0x1]  }
0x3: {  	s1 =	srdreg.scid;
	s15 =	stileid.u32  }
0x4: {  	s3 =	rddreg [dreg:$0x2];
	s4 =	simm.s32 $0x0;
	s19 =	simm.s32 $0x8  }
0x5: {  	s31 =	simm.s32 $0x64;
	s30 =	simm.s32 $0x12C20;
	s17 =	simm.s32 $0x151A0  }
0x6: {  	s18 =	simm.s32 $0x2;
	s20 =	simm.s32 $0x5;
	s9 =	smul.u32 $0x9C40, s15  }
0x7: {  	[smem:$0x7FF] =	sst s4;
	s11 =	smul.u32 $0x13880, s15;
	s7 =	sadd.s32 $0x2BC800, s0  }
0x8: {  	s1 =	sand.u32 $0x1, s1;
	s8 =	sadd.s32 $0x2B2400, s0;
	s13 =	sadd.s32 $0x2C6C00, s0  }
0x9: {  	s14 =	smul.u32 $0x138800, s15;
	s23 =	sshll.u32 s15, $0x6;
	s5 =	sshll.u32 s1, $0x5  }
0xa: {  	_ =	strace $0x8000004A;
	s10 =	sshll.u32 s1, $0x6;
	[dreg:$0x4] =	wrdreg s13  }
0xb: {  	s1 =	ssub.s32 $0x2, s1;
	s16 =	sor.u32 $0x1C07, s23;
	s23 =	simm.s32 $0x138A0  }
0xc: {  	s6 =	sor.u32 s5, s9;
	s10 =	sor.u32 s10, s11;
	s21 =	sshrl.u32 s1, $0x1  }
0xd: {  	s22 =	sshrl.u32 s11, $0x2;
	s11 =	smul.u32 $0x4E20, s15;
	s14 =	sor.u32 s5, s14  }
0xe: {  	s9 =	sadd.s32 s9, s3;
	[dreg:$0x6] =	wrdreg s16;
	s6 =	sshrl.u32 s6, $0x3  }
0xf: {  	s10 =	sshrl.u32 s10, $0x3;
	s1 =	ssub.s32 s1, s21;
	s13 =	sadd.s32 s22, s2  }
0x10: {  	[dreg:$0x7] =	wrdreg s9;
	s24 =	sshrl.u32 s14, $0x3;
	s21 =	simm.s32 $0x1  }
0x11: {  	s22 =	simm.s32 $0x4;
	s14 =	simm.s32 $0x105D0;
	s12 =	sadd.s32 s6, s0  }
0x12: {  	s6 =	sadd.s32 $0x2F1400, s0;
	s0 =	sadd.s32 s10, s0;
	s28 =	smax.u32 s1, $0x1  }
0x13: {  	s10 =	smul.u32 $0xC8, s15;
	s29 =	sshrl.u32 s13, $0x3;
	[dreg:$0xc] =	wrdreg s28  }
0x14: {  	s15 =	smul.u32 $0xA28, s15;
	s12 =	sadd.s32 $0x6800, s12;
	[dreg:$0xd] =	wrdreg s29  }
0x15: {  	s1 =	simm.s32 $0x11FA0;
	s9 =	sadd.s32 s6, s24;
	[dreg:$0x5] =	wrdreg s12  }
0x16: {  	s13 =	simm.s32 $0x6;
	s0 =	sadd.s32 $0x1A200, s0;
	[dreg:$0xa] =	wrdreg s9  }
0x17: {  	s24 =	simm.s32 $0x7;
	s25 =	sadd.s32 s7, s15;
	[dreg:$0xb] =	wrdreg s0  }
0x18: {  	s26 =	sadd.s32 s8, s15;
	s9 =	simm.s32 $0x3;
	[dreg:$0x8] =	wrdreg s25  }
0x19: {  	v0 =	vimm.bf16 $0.0e+00;
	s12 =	simm.s32 $0x10500;
	s15 =	simm.s32 $0x0;
	[dreg:$0x9] =	wrdreg s26  }
.LBB2_1:
0x1a: {  	[dreg:$0xe] =	wrdreg s15  }
0x1b: {  	s0 =	rddreg [dreg:$0x5]  }
0x1c: {  	s25 =	rddreg [dreg:$0xd]  }
0x1d: {  	[spmem:s25@s22], [sflag:s16] =	dma.strided [hbm:s0@s19], $0x9C4, s21, $0x4   }
0x1e: {  	_ =	swait.ge [sflag:s24], $0x9C4  }
0x1f: {  	s26 =	rddreg [dreg:$0x7]  }
0x20: {  	[sflag:s24] =	ssyncset.done $0x0;
	s29 =	rddreg [dreg:$0x4];
	s28 =	sshrl.u32 s26, $0x3  }
0x21: {  	[sflag:s24] =	ssyncadd.s32 $0xFFFFF63C;
	[dreg:$0xf] =	wrdreg s28  }
0x22: {  	[spmem:s28], [sflag:s16] =	dma.local [hbm:s29], $0x1388  }
0x23: {  	_ =	swait.ge [sflag:s24], $0x1388  }
0x24: {  	[sflag:s24] =	ssyncset.done $0x0  }
0x25: {  	s16 =	simm.s32 $0xEA60;
	s15 =	rddreg [dreg:$0x8];
	[sflag:s24] =	ssyncadd.s32 $0xFFFFEC78  }
0x26: {  	[tilespmem:s16], [sflag:$0x1] =	stream.linear.gather [hbm4b:s15+s4], $0xD0, $0x38;
	[tilespmem:$0x16AA0] =	vst v63  }
0x27: {  	s26 =	simm.s32 $0x20;
	s19 =	rddreg [dreg:$0x9];
	s24 =	simm.s32 $0xEB30  }
0x28: {  	[tilespmem:s24], [sflag:$0x1] =	stream.linear.gather [hbm4b:s19+s4], $0xD0, $0x38;
	[tilespmem:$0x16AA0] =	vst v63  }
0x29: {  	s28 =	simm.s32 $0x40;
	s29 =	simm.s32 $0xEC00;
	s25 =	rddreg [dreg:$0xa]  }
0x2a: {  	[tilespmem:s29], [sflag:$0x1] =	stream.strided.gather [hbm4b:s25+s26], $0x1900, s28, s26, $0x38;
	[tilespmem:$0x16AA0] =	vst v63  }
0x2b: {  	s0 =	simm.s32 $0x0;
	[bflag:$0x0] =	sbarrier.arrive $0xFFFF  }
.LBB2_2:
0x2c: {  	_ =	swait.ge [sflag:s21], $0xD0  }
0x2d: {  	[sflag:s21] =	ssyncset.done $0x0  }
0x2e: {  	[sflag:s21] =	ssyncadd.s32 $0xFFFFFF30  }
0x2f: {  	_ =	swait.ge [sflag:s21], $0xD0  }
0x30: {  	[sflag:s21] =	ssyncset.done $0x0  }
0x31: {  	[sflag:s21] =	ssyncadd.s32 $0xFFFFFF30  }
0x32: {  	_ =	swait.ge [sflag:s21], $0x1900  }
0x33: {  	[sflag:s21] =	ssyncset.done $0x0  }
0x34: {  	s15 =	simm.s32 $0xEA60;
	[sflag:s21] =	ssyncadd.s32 $0xFFFFE700  }
0x35: {  	[tilespmem:s1], [sflag:$0x3] =	stream.indirect.gather [spmem:s2], $0x20, s15, s31, $0xb8;
	[tilespmem:$0x16AA0] =	vst v63  }
0x36: {  	s29 =	simm.s32 $0xEAC8  }
0x37: {  	[tilespmem:s30], [sflag:$0x4] =	stream.indirect.gather [spmem:s2], $0x20, s29, s31, $0xb8;
	[tilespmem:$0x16AA0] =	vst v63  }
0x38: {  	_ =	swait.ge [sflag:s9], $0xC80  }
0x39: {  	p0 =	seq.s32 s0, $0x0;
	[sflag:s9] =	ssyncset.done $0x0  }
0x3a: {  	s15 =	simm.s32 @!p0 $0x5;
	[sflag:s9] =	ssyncadd.s32 $0xFFFFF380  }
0x3b: {  	_ =	swait.ge @!p0 [sflag:s15], $0x1900  }
0x3c: {  	[sflag:s15] =	ssyncset.done @!p0 $0x0  }
0x3d: {  	s26 =	simm.s32 $0x11FE0;
	[sflag:s15] =	ssyncadd.s32 @!p0 $0xFFFFE700  }
0x3e: {  	s25 =	simm.s32 $0xEC40;
	v1 =	vld [tilespmem:s26+$0x20]  }
0x3f: {  	v2 =	vld [tilespmem:s25+$0x20];
	_ =	sdelay $0x2  }
0x40: {  	v3 =	vld [tilespmem:s26+$0xFFFFFFE0]  }
0x41: {  	v4 =	vld [tilespmem:s25+$0xFFFFFFE0]  }
0x42: {  	v1 =	vadd.bf16 v2, v1  }
0x43: {  	s16 =	simm.s32 $0x12060;
	v6 =	vld [tilespmem:s25+$0x0]  }
0x44: {  	v9 =	vld [tilespmem:s16+$0xFFFFFFE0];
	v1 =	vmax.bf16 v1, v0  }
0x45: {  	s15 =	simm.s32 $0x13920;
	v2 =	vld [tilespmem:s25+$0xFFFFFFC0];
	v5 =	vunpack.i.l.bf16.f32 v1  }
0x46: {  	v3 =	vadd.bf16 v4, v3;
	v4 =	vld [tilespmem:s26+$0x0];
	v1 =	vunpack.i.u.bf16.f32 v1;
	[tilespmem:s15+$0x40] =	vst v5  }
0x47: {  	v5 =	vld [tilespmem:s26+$0xFFFFFFC0];
	[tilespmem:s15+$0x50] =	vst v1  }
0x48: {  	v3 =	vmax.bf16 v3, v0;
	v7 =	vld [tilespmem:s26+$0x30]  }
0x49: {  	v1 =	vunpack.i.l.bf16.f32 v3;
	v3 =	vunpack.i.u.bf16.f32 v3;
	v8 =	vld [tilespmem:s25+$0x30]  }
0x4a: {  	s24 =	simm.s32 $0xECC0;
	[tilespmem:s15+$0xFFFFFFD0] =	vst v3;
	v3 =	vld [tilespmem:s16+$0x20]  }
0x4b: {  	v4 =	vadd.bf16 v6, v4;
	v6 =	vld [tilespmem:s24+$0x20]  }
0x4c: {  	v11 =	vld [tilespmem:s24+$0xFFFFFFE0];
	[tilespmem:s15+$0xFFFFFFC0] =	vst v1;
	v2 =	vadd.bf16 v2, v5  }
0x4d: {  	v1 =	vld [tilespmem:s26+$0xFFFFFFF0];
	v4 =	vmax.bf16 v4, v0  }
0x4e: {  	v10 =	vunpack.i.l.bf16.f32 v4;
	v5 =	vld [tilespmem:s24+$0xFFFFFFC0];
	v2 =	vmax.bf16 v2, v0  }
0x4f: {  	[tilespmem:s15+$0x0] =	vst v10;
	v10 =	vld [tilespmem:s24+$0x0];
	v7 =	vadd.bf16 v8, v7;
	v12 =	vunpack.i.l.bf16.f32 v2  }
0x50: {  	v8 =	vld [tilespmem:s16+$0x0];
	v3 =	vadd.bf16 v6, v3;
	v2 =	vunpack.i.u.bf16.f32 v2;
	[tilespmem:s15+$0xFFFFFF80] =	vst v12  }
0x51: {  	v4 =	vunpack.i.u.bf16.f32 v4;
	v6 =	vld [tilespmem:s16+$0xFFFFFFC0];
	[tilespmem:s15+$0xFFFFFF90] =	vst v2;
	v2 =	vmax.bf16 v7, v0  }
0x52: {  	[tilespmem:s15+$0x10] =	vst v4;
	v3 =	vmax.bf16 v3, v0;
	v4 =	vunpack.i.u.bf16.f32 v2;
	v12 =	vld [tilespmem:s26+$0xFFFFFFD0]  }
0x53: {  	s19 =	simm.s32 $0x13A20;
	v7 =	vadd.bf16 v11, v9;
	v13 =	vld [tilespmem:s25+$0xFFFFFFD0];
	[tilespmem:s15+$0x70] =	vst v4;
	v4 =	vunpack.i.l.bf16.f32 v3  }
0x54: {  	v9 =	vunpack.i.l.bf16.f32 v2;
	v2 =	vld [tilespmem:s26+$0x10];
	v3 =	vunpack.i.u.bf16.f32 v3;
	[tilespmem:s19+$0x40] =	vst v4  }
0x55: {  	v7 =	vmax.bf16 v7, v0;
	v8 =	vadd.bf16 v10, v8;
	v4 =	vld [tilespmem:s25+$0xFFFFFFF0];
	[tilespmem:s19+$0x50] =	vst v3  }
0x56: {  	[tilespmem:s15+$0x60] =	vst v9;
	v3 =	vadd.bf16 v5, v6;
	v6 =	vunpack.i.l.bf16.f32 v7;
	v5 =	vld [tilespmem:s16+$0x30]  }
0x57: {  	v9 =	vunpack.i.u.bf16.f32 v7;
	[tilespmem:s19+$0xFFFFFFC0] =	vst v6;
	v6 =	vmax.bf16 v8, v0;
	v7 =	vld [tilespmem:s24+$0x30]  }
0x58: {  	[tilespmem:s19+$0xFFFFFFD0] =	vst v9;
	v3 =	vmax.bf16 v3, v0;
	v8 =	vunpack.i.u.bf16.f32 v6;
	v10 =	vunpack.i.l.bf16.f32 v6;
	v6 =	vld [tilespmem:s25+$0x10]  }
0x59: {  	s28 =	simm.s32 $0x120E0;
	s26 =	simm.s32 $0x4;
	s25 =	simm.s32 $0xECC0;
	v9 =	vunpack.i.u.bf16.f32 v3;
	v11 =	vunpack.i.l.bf16.f32 v3;
	v3 =	vld [tilespmem:s16+$0xFFFFFFF0];
	[tilespmem:s19+$0x0] =	vst v10;
	v10 =	vadd.bf16 v13, v12  }
.LBB2_3:
0x5a: {  	v12 =	vld [tilespmem:s28+$0x20];
	[tilespmem:s19+$0xFFFFFF80] =	vst v11;
	s24 =	sadd.s32 $0x80, s24;
	v1 =	vadd.bf16 v4, v1  }
0x5b: {  	v4 =	vld [tilespmem:s24+$0x20];
	[tilespmem:s19+$0xFFFFFF90] =	vst v9;
	v9 =	vmax.bf16 v10, v0  }
0x5c: {  	v10 =	vld [tilespmem:s24+$0xFFFFFFC0];
	[tilespmem:s19+$0x10] =	vst v8;
	v5 =	vadd.bf16 v7, v5;
	v7 =	vunpack.i.u.bf16.f32 v9;
	v11 =	vmax.bf16 v1, v0  }
0x5d: {  	s26 =	sadd.s32 $0x4, s26;
	v9 =	vunpack.i.l.bf16.f32 v9;
	v8 =	vld [tilespmem:s28+$0xFFFFFFE0];
	[tilespmem:s15+$0xFFFFFFB0] =	vst v7;
	v7 =	vunpack.i.u.bf16.f32 v11;
	v2 =	vadd.bf16 v6, v2  }
0x5e: {  	p1 =	slt.u32 s26, $0x60;
	v6 =	vld [tilespmem:s24+$0xFFFFFFE0];
	v5 =	vmax.bf16 v5, v0;
	[tilespmem:s15+$0xFFFFFFA0] =	vst v9;
	v9 =	vunpack.i.l.bf16.f32 v11;
	v1 =	vmov v3  }
0x5f: {  	v3 =	vld [tilespmem:s28+$0x0];
	v11 =	vunpack.i.u.bf16.f32 v5;
	v13 =	vunpack.i.l.bf16.f32 v5;
	[tilespmem:s15+$0xFFFFFFE0] =	vst v9;
	v2 =	vmax.bf16 v2, v0  }
0x60: {  	v5 =	vld [tilespmem:s24+$0x0];
	v4 =	vadd.bf16 v4, v12;
	[tilespmem:s19+$0x70] =	vst v11;
	v9 =	vunpack.i.u.bf16.f32 v2;
	v2 =	vunpack.i.l.bf16.f32 v2  }
0x61: {  	v11 =	vld [tilespmem:s28+$0xFFFFFFC0];
	[tilespmem:s15+$0xFFFFFFF0] =	vst v7  }
0x62: {  	v4 =	vmax.bf16 v4, v0;
	v12 =	vld [tilespmem:s16+$0xFFFFFFD0];
	[tilespmem:s15+$0x20] =	vst v2  }
0x63: {  	v2 =	vadd.bf16 v6, v8;
	v6 =	vunpack.i.l.bf16.f32 v4;
	v14 =	vld [tilespmem:s25+$0xFFFFFFD0];
	[tilespmem:s15+$0x30] =	vst v9;
	s15 =	smov.u32 s19;
	s19 =	sadd.s32 $0x100, s19  }
0x64: {  	v7 =	vunpack.i.u.bf16.f32 v4;
	[tilespmem:s19+$0x40] =	vst v6;
	v4 =	vld [tilespmem:s25+$0xFFFFFFF0]  }
.Ltmp0:
0x65: {  	v6 =	vmax.bf16 v2, v0;
	v3 =	vadd.bf16 v5, v3;
	[tilespmem:s19+$0x50] =	vst v7;
	v2 =	vld [tilespmem:s16+$0x10];
	s16 =	smov.u32 s28;
	(pc) =	sbr.rel @p1 .LBB2_3-.Ltmp0, $4  }
0x66: {  	v8 =	vadd.bf16 v10, v11;
	v9 =	vunpack.i.u.bf16.f32 v6;
	v6 =	vunpack.i.l.bf16.f32 v6;
	v5 =	vld [tilespmem:s28+$0x30];
	[tilespmem:s15+$0x60] =	vst v13  }
0x67: {  	[tilespmem:s19+$0xFFFFFFC0] =	vst v6;
	v3 =	vmax.bf16 v3, v0;
	v7 =	vld [tilespmem:s24+$0x30]  }
0x68: {  	v10 =	vmax.bf16 v8, v0;
	[tilespmem:s19+$0xFFFFFFD0] =	vst v9;
	v8 =	vunpack.i.u.bf16.f32 v3;
	v13 =	vunpack.i.l.bf16.f32 v3;
	v6 =	vld [tilespmem:s25+$0x10];
	s25 =	smov.u32 s24  }
0x69: {  	s28 =	sadd.s32 $0x80, s28;
	v9 =	vunpack.i.u.bf16.f32 v10;
	v11 =	vunpack.i.l.bf16.f32 v10;
	v3 =	vld [tilespmem:s16+$0xFFFFFFF0];
	[tilespmem:s19+$0x0] =	vst v13;
	v10 =	vadd.bf16 v14, v12  }
0x6a: {  	[tilespmem:s19+$0xFFFFFF80] =	vst v11  }
0x6b: {  	[tilespmem:s19+$0xFFFFFF90] =	vst v9  }
0x6c: {  	v1 =	vadd.bf16 v4, v1;
	v4 =	vmax.bf16 v10, v0;
	v9 =	vld [tilespmem:s16+$0xFFFFFFD0]  }
0x6d: {  	[tilespmem:s19+$0x10] =	vst v8;
	v8 =	vld [tilespmem:s25+$0xFFFFFFD0];
	v5 =	vadd.bf16 v7, v5;
	v7 =	vunpack.i.u.bf16.f32 v4  }
0x6e: {  	v1 =	vmax.bf16 v1, v0;
	v4 =	vunpack.i.l.bf16.f32 v4;
	[tilespmem:s15+$0xFFFFFFB0] =	vst v7  }
0x6f: {  	v2 =	vadd.bf16 v6, v2;
	[tilespmem:s15+$0xFFFFFFA0] =	vst v4;
	v4 =	vunpack.i.l.bf16.f32 v1;
	v6 =	vld [tilespmem:s25+$0xFFFFFFF0];
	v5 =	vmax.bf16 v5, v0  }
0x70: {  	[tilespmem:s15+$0xFFFFFFE0] =	vst v4;
	v4 =	vld [tilespmem:s16+$0x10];
	v7 =	vunpack.i.u.bf16.f32 v5  }
0x71: {  	v1 =	vunpack.i.u.bf16.f32 v1;
	[tilespmem:s19+$0x70] =	vst v7;
	v7 =	vld [tilespmem:s25+$0x10]  }
0x72: {  	[tilespmem:s15+$0xFFFFFFF0] =	vst v1;
	v2 =	vmax.bf16 v2, v0;
	v5 =	vunpack.i.l.bf16.f32 v5;
	v1 =	vadd.bf16 v8, v9  }
0x73: {  	v10 =	vunpack.i.l.bf16.f32 v2;
	v2 =	vunpack.i.u.bf16.f32 v2;
	[tilespmem:s19+$0x60] =	vst v5  }
0x74: {  	[tilespmem:s15+$0x30] =	vst v2;
	v2 =	vadd.bf16 v6, v3;
	v1 =	vmax.bf16 v1, v0  }
0x75: {  	[tilespmem:s15+$0x20] =	vst v10;
	v3 =	vunpack.i.u.bf16.f32 v1  }
0x76: {  	v1 =	vunpack.i.l.bf16.f32 v1;
	v2 =	vmax.bf16 v2, v0;
	[tilespmem:s19+$0xFFFFFFB0] =	vst v3;
	v3 =	vadd.bf16 v7, v4  }
0x77: {  	[tilespmem:s19+$0xFFFFFFA0] =	vst v1;
	v1 =	vunpack.i.l.bf16.f32 v2  }
0x78: {  	v2 =	vunpack.i.u.bf16.f32 v2;
	[tilespmem:s19+$0xFFFFFFE0] =	vst v1;
	v1 =	vmax.bf16 v3, v0  }
0x79: {  	[tilespmem:s19+$0xFFFFFFF0] =	vst v2;
	v3 =	vunpack.i.l.bf16.f32 v1  }
0x7a: {  	v1 =	vunpack.i.u.bf16.f32 v1;
	[tilespmem:s19+$0x20] =	vst v3  }
0x7b: {  	s24 =	simm.s32 $0xEB30;
	[tilespmem:s19+$0x30] =	vst v1  }
0x7c: {  	[spmem:s3] =	stream.indirect.scatter.add.f32 [tilespmem:s23], [sflag:$0x5], $0x40, s24, s31, $0xb8;
	[tilespmem:$0x16AA0] =	vst v63  }
0x7d: {  	s25 =	sshllo.u32 s0, $0x1;
	_ =	swait.ge [sflag:s22], $0xC80  }
0x7e: {  	s26 =	sshll.u32 s25, $0x1;
	s15 =	smul.u32 $0xC8, s25;
	[sflag:s22] =	ssyncset.done $0x0  }
0x7f: {  	s16 =	sadd.s32 s10, s26;
	s19 =	simm.s32 @!p0 $0x6;
	[sflag:s22] =	ssyncadd.s32 $0xFFFFF380  }
0x80: {  	s16 =	smul.u32 $0xD, s16;
	s15 =	sadd.s32 s11, s15;
	_ =	swait.ge @!p0 [sflag:s19], $0x1900  }
0x81: {  	s15 =	sshll.u32 s15, $0x6;
	[sflag:s19] =	ssyncset.done @!p0 $0x0  }
0x82: {  	s15 =	sor.u32 s5, s15;
	s24 =	sadd.s32 s7, s16;
	[sflag:s19] =	ssyncadd.s32 @!p0 $0xFFFFE700  }
0x83: {  	[tilespmem:s12], [sflag:$0x2] =	stream.linear.gather [hbm4b:s24+s4], $0xD0, $0x38;
	[tilespmem:$0x16AA0] =	vst v63  }
0x84: {  	s25 =	simm.s32 $0x20;
	s15 =	sshrl.u32 s15, $0x3;
	s16 =	sadd.s32 s8, s16  }
0x85: {  	[tilespmem:s14], [sflag:$0x2] =	stream.linear.gather [hbm4b:s16+s4], $0xD0, $0x38;
	[tilespmem:$0x16AA0] =	vst v63  }
0x86: {  	s26 =	simm.s32 $0x40;
	s15 =	sadd.s32 s6, s15;
	s24 =	simm.s32 $0x106A0  }
0x87: {  	[tilespmem:s24], [sflag:$0x2] =	stream.strided.gather [hbm4b:s15+s25], $0x1900, s26, s25, $0x38;
	[tilespmem:$0x16AA0] =	vst v63  }
0x88: {  	s15 =	simm.s32 $0x12C60  }
0x89: {  	s26 =	simm.s32 $0xF8F0;
	v1 =	vld [tilespmem:s15+$0x20]  }
0x8a: {  	v2 =	vld [tilespmem:s26+$0xFFFFFFF0];
	_ =	sdelay $0x2  }
0x8b: {  	v3 =	vld [tilespmem:s15+$0xFFFFFFE0]  }
0x8c: {  	v4 =	vld [tilespmem:s26+$0xFFFFFFB0]  }
0x8d: {  	v1 =	vadd.bf16 v2, v1  }
0x8e: {  	s19 =	simm.s32 $0x12CE0;
	v6 =	vld [tilespmem:s26+$0xFFFFFFD0]  }
0x8f: {  	v9 =	vld [tilespmem:s19+$0xFFFFFFE0];
	v1 =	vmax.bf16 v1, v0  }
0x90: {  	s16 =	simm.s32 $0x15220;
	v2 =	vld [tilespmem:s26+$0xFFFFFF90];
	v5 =	vunpack.i.l.bf16.f32 v1  }
0x91: {  	v3 =	vadd.bf16 v4, v3;
	v4 =	vld [tilespmem:s15+$0x0];
	v1 =	vunpack.i.u.bf16.f32 v1;
	[tilespmem:s16+$0x40] =	vst v5  }
0x92: {  	v5 =	vld [tilespmem:s15+$0xFFFFFFC0];
	[tilespmem:s16+$0x50] =	vst v1  }
0x93: {  	v3 =	vmax.bf16 v3, v0;
	v7 =	vld [tilespmem:s15+$0x30]  }
0x94: {  	v1 =	vunpack.i.l.bf16.f32 v3;
	v3 =	vunpack.i.u.bf16.f32 v3;
	v8 =	vld [tilespmem:s26+$0x0]  }
0x95: {  	s25 =	simm.s32 $0xF970;
	[tilespmem:s16+$0xFFFFFFD0] =	vst v3;
	v3 =	vld [tilespmem:s19+$0x20]  }
0x96: {  	v4 =	vadd.bf16 v6, v4;
	v6 =	vld [tilespmem:s25+$0xFFFFFFF0]  }
0x97: {  	v11 =	vld [tilespmem:s25+$0xFFFFFFB0];
	[tilespmem:s16+$0xFFFFFFC0] =	vst v1;
	v2 =	vadd.bf16 v2, v5  }
0x98: {  	v1 =	vld [tilespmem:s15+$0xFFFFFFF0];
	v4 =	vmax.bf16 v4, v0  }
0x99: {  	v10 =	vunpack.i.l.bf16.f32 v4;
	v5 =	vld [tilespmem:s25+$0xFFFFFF90];
	v2 =	vmax.bf16 v2, v0  }
0x9a: {  	[tilespmem:s16+$0x0] =	vst v10;
	v10 =	vld [tilespmem:s25+$0xFFFFFFD0];
	v7 =	vadd.bf16 v8, v7;
	v12 =	vunpack.i.l.bf16.f32 v2  }
0x9b: {  	v8 =	vld [tilespmem:s19+$0x0];
	v3 =	vadd.bf16 v6, v3;
	v2 =	vunpack.i.u.bf16.f32 v2;
	[tilespmem:s16+$0xFFFFFF80] =	vst v12  }
0x9c: {  	v4 =	vunpack.i.u.bf16.f32 v4;
	v6 =	vld [tilespmem:s19+$0xFFFFFFC0];
	[tilespmem:s16+$0xFFFFFF90] =	vst v2;
	v2 =	vmax.bf16 v7, v0  }
0x9d: {  	[tilespmem:s16+$0x10] =	vst v4;
	v3 =	vmax.bf16 v3, v0;
	v4 =	vunpack.i.u.bf16.f32 v2;
	v12 =	vld [tilespmem:s15+$0xFFFFFFD0]  }
0x9e: {  	s24 =	simm.s32 $0x15320;
	v7 =	vadd.bf16 v11, v9;
	v13 =	vld [tilespmem:s26+$0xFFFFFFA0];
	[tilespmem:s16+$0x70] =	vst v4;
	v4 =	vunpack.i.l.bf16.f32 v3  }
0x9f: {  	v9 =	vunpack.i.l.bf16.f32 v2;
	v2 =	vld [tilespmem:s15+$0x10];
	v3 =	vunpack.i.u.bf16.f32 v3;
	[tilespmem:s24+$0x40] =	vst v4  }
0xa0: {  	v7 =	vmax.bf16 v7, v0;
	v8 =	vadd.bf16 v10, v8;
	v4 =	vld [tilespmem:s26+$0xFFFFFFC0];
	[tilespmem:s24+$0x50] =	vst v3  }
0xa1: {  	[tilespmem:s16+$0x60] =	vst v9;
	v3 =	vadd.bf16 v5, v6;
	v6 =	vunpack.i.l.bf16.f32 v7;
	v5 =	vld [tilespmem:s19+$0x30]  }
0xa2: {  	v9 =	vunpack.i.u.bf16.f32 v7;
	[tilespmem:s24+$0xFFFFFFC0] =	vst v6;
	v6 =	vmax.bf16 v8, v0;
	v7 =	vld [tilespmem:s25+$0x0]  }
0xa3: {  	s28 =	simm.s32 $0x4;
	[tilespmem:s24+$0xFFFFFFD0] =	vst v9;
	v3 =	vmax.bf16 v3, v0;
	v8 =	vunpack.i.u.bf16.f32 v6;
	v10 =	vunpack.i.l.bf16.f32 v6;
	v6 =	vld [tilespmem:s26+$0xFFFFFFE0]  }
0xa4: {  	s29 =	simm.s32 $0x12D60;
	s15 =	sshll.u32 s0, $0x1;
	s26 =	simm.s32 $0xF970;
	v9 =	vunpack.i.u.bf16.f32 v3;
	v11 =	vunpack.i.l.bf16.f32 v3;
	v3 =	vld [tilespmem:s19+$0xFFFFFFF0];
	[tilespmem:s24+$0x0] =	vst v10;
	v10 =	vadd.bf16 v13, v12  }
.LBB2_5:
0xa5: {  	v12 =	vld [tilespmem:s29+$0x20];
	[tilespmem:s24+$0xFFFFFF80] =	vst v11;
	s25 =	sadd.s32 $0x80, s25;
	v1 =	vadd.bf16 v4, v1  }
0xa6: {  	v4 =	vld [tilespmem:s25+$0xFFFFFFF0];
	[tilespmem:s24+$0xFFFFFF90] =	vst v9;
	v9 =	vmax.bf16 v10, v0  }
0xa7: {  	v10 =	vld [tilespmem:s25+$0xFFFFFF90];
	[tilespmem:s24+$0x10] =	vst v8;
	v5 =	vadd.bf16 v7, v5;
	v7 =	vunpack.i.u.bf16.f32 v9;
	v11 =	vmax.bf16 v1, v0  }
0xa8: {  	s28 =	sadd.s32 $0x4, s28;
	v9 =	vunpack.i.l.bf16.f32 v9;
	v8 =	vld [tilespmem:s29+$0xFFFFFFE0];
	[tilespmem:s16+$0xFFFFFFB0] =	vst v7;
	v7 =	vunpack.i.u.bf16.f32 v11;
	v2 =	vadd.bf16 v6, v2  }
0xa9: {  	p0 =	slt.u32 s28, $0x60;
	v6 =	vld [tilespmem:s25+$0xFFFFFFB0];
	v5 =	vmax.bf16 v5, v0;
	[tilespmem:s16+$0xFFFFFFA0] =	vst v9;
	v9 =	vunpack.i.l.bf16.f32 v11;
	v1 =	vmov v3  }
0xaa: {  	v3 =	vld [tilespmem:s29+$0x0];
	v11 =	vunpack.i.u.bf16.f32 v5;
	v13 =	vunpack.i.l.bf16.f32 v5;
	[tilespmem:s16+$0xFFFFFFE0] =	vst v9;
	v2 =	vmax.bf16 v2, v0  }
0xab: {  	v5 =	vld [tilespmem:s25+$0xFFFFFFD0];
	v4 =	vadd.bf16 v4, v12;
	[tilespmem:s24+$0x70] =	vst v11;
	v9 =	vunpack.i.u.bf16.f32 v2;
	v2 =	vunpack.i.l.bf16.f32 v2  }
0xac: {  	v11 =	vld [tilespmem:s29+$0xFFFFFFC0];
	[tilespmem:s16+$0xFFFFFFF0] =	vst v7  }
0xad: {  	v4 =	vmax.bf16 v4, v0;
	v12 =	vld [tilespmem:s19+$0xFFFFFFD0];
	[tilespmem:s16+$0x20] =	vst v2  }
0xae: {  	v2 =	vadd.bf16 v6, v8;
	v6 =	vunpack.i.l.bf16.f32 v4;
	v14 =	vld [tilespmem:s26+$0xFFFFFFA0];
	[tilespmem:s16+$0x30] =	vst v9;
	s16 =	smov.u32 s24;
	s24 =	sadd.s32 $0x100, s24  }
0xaf: {  	v7 =	vunpack.i.u.bf16.f32 v4;
	[tilespmem:s24+$0x40] =	vst v6;
	v4 =	vld [tilespmem:s26+$0xFFFFFFC0]  }
.Ltmp1:
0xb0: {  	v6 =	vmax.bf16 v2, v0;
	v3 =	vadd.bf16 v5, v3;
	[tilespmem:s24+$0x50] =	vst v7;
	v2 =	vld [tilespmem:s19+$0x10];
	s19 =	smov.u32 s29;
	(pc) =	sbr.rel @p0 .LBB2_5-.Ltmp1, $4  }
0xb1: {  	v8 =	vadd.bf16 v10, v11;
	v9 =	vunpack.i.u.bf16.f32 v6;
	v6 =	vunpack.i.l.bf16.f32 v6;
	v5 =	vld [tilespmem:s29+$0x30];
	[tilespmem:s16+$0x60] =	vst v13  }
0xb2: {  	[tilespmem:s24+$0xFFFFFFC0] =	vst v6;
	v3 =	vmax.bf16 v3, v0;
	v7 =	vld [tilespmem:s25+$0x0]  }
0xb3: {  	v10 =	vmax.bf16 v8, v0;
	[tilespmem:s24+$0xFFFFFFD0] =	vst v9;
	v8 =	vunpack.i.u.bf16.f32 v3;
	v13 =	vunpack.i.l.bf16.f32 v3;
	v6 =	vld [tilespmem:s26+$0xFFFFFFE0];
	s26 =	smov.u32 s25  }
0xb4: {  	s29 =	sadd.s32 $0x80, s29;
	v9 =	vunpack.i.u.bf16.f32 v10;
	v11 =	vunpack.i.l.bf16.f32 v10;
	v3 =	vld [tilespmem:s19+$0xFFFFFFF0];
	[tilespmem:s24+$0x0] =	vst v13;
	v10 =	vadd.bf16 v14, v12  }
0xb5: {  	[tilespmem:s24+$0xFFFFFF80] =	vst v11  }
0xb6: {  	[tilespmem:s24+$0xFFFFFF90] =	vst v9  }
0xb7: {  	v1 =	vadd.bf16 v4, v1;
	v4 =	vmax.bf16 v10, v0;
	v9 =	vld [tilespmem:s19+$0xFFFFFFD0]  }
0xb8: {  	[tilespmem:s24+$0x10] =	vst v8;
	v8 =	vld [tilespmem:s26+$0xFFFFFFA0];
	v5 =	vadd.bf16 v7, v5;
	v7 =	vunpack.i.u.bf16.f32 v4  }
0xb9: {  	v1 =	vmax.bf16 v1, v0;
	v4 =	vunpack.i.l.bf16.f32 v4;
	[tilespmem:s16+$0xFFFFFFB0] =	vst v7  }
0xba: {  	v2 =	vadd.bf16 v6, v2;
	[tilespmem:s16+$0xFFFFFFA0] =	vst v4;
	v4 =	vunpack.i.l.bf16.f32 v1;
	v6 =	vld [tilespmem:s26+$0xFFFFFFC0];
	v5 =	vmax.bf16 v5, v0  }
0xbb: {  	[tilespmem:s16+$0xFFFFFFE0] =	vst v4;
	v4 =	vld [tilespmem:s19+$0x10];
	v7 =	vunpack.i.u.bf16.f32 v5  }
0xbc: {  	v1 =	vunpack.i.u.bf16.f32 v1;
	[tilespmem:s24+$0x70] =	vst v7;
	v7 =	vld [tilespmem:s26+$0xFFFFFFE0]  }
0xbd: {  	[tilespmem:s16+$0xFFFFFFF0] =	vst v1;
	v2 =	vmax.bf16 v2, v0;
	v5 =	vunpack.i.l.bf16.f32 v5;
	v1 =	vadd.bf16 v8, v9  }
0xbe: {  	v10 =	vunpack.i.l.bf16.f32 v2;
	v2 =	vunpack.i.u.bf16.f32 v2;
	[tilespmem:s24+$0x60] =	vst v5  }
0xbf: {  	[tilespmem:s16+$0x30] =	vst v2;
	v2 =	vadd.bf16 v6, v3;
	v1 =	vmax.bf16 v1, v0  }
0xc0: {  	[tilespmem:s16+$0x20] =	vst v10;
	v3 =	vunpack.i.u.bf16.f32 v1  }
0xc1: {  	v1 =	vunpack.i.l.bf16.f32 v1;
	v2 =	vmax.bf16 v2, v0;
	[tilespmem:s24+$0xFFFFFFB0] =	vst v3;
	v3 =	vadd.bf16 v7, v4  }
0xc2: {  	[tilespmem:s24+$0xFFFFFFA0] =	vst v1;
	v1 =	vunpack.i.l.bf16.f32 v2  }
0xc3: {  	v2 =	vunpack.i.u.bf16.f32 v2;
	[tilespmem:s24+$0xFFFFFFE0] =	vst v1;
	v1 =	vmax.bf16 v3, v0  }
0xc4: {  	[tilespmem:s24+$0xFFFFFFF0] =	vst v2;
	v3 =	vunpack.i.l.bf16.f32 v1  }
0xc5: {  	v1 =	vunpack.i.u.bf16.f32 v1;
	[tilespmem:s24+$0x20] =	vst v3  }
0xc6: {  	s25 =	simm.s32 $0xEB98;
	[tilespmem:s24+$0x30] =	vst v1  }
0xc7: {  	[spmem:s3] =	stream.indirect.scatter.add.f32 [tilespmem:s17], [sflag:$0x6], $0x40, s25, s31, $0xb8;
	[tilespmem:$0x16AA0] =	vst v63  }
0xc8: {  	_ =	swait.ge [sflag:s18], $0xD0  }
0xc9: {  	[sflag:s18] =	ssyncset.done $0x0  }
0xca: {  	[sflag:s18] =	ssyncadd.s32 $0xFFFFFF30  }
0xcb: {  	_ =	swait.ge [sflag:s18], $0xD0  }
0xcc: {  	[sflag:s18] =	ssyncset.done $0x0  }
0xcd: {  	[sflag:s18] =	ssyncadd.s32 $0xFFFFFF30  }
0xce: {  	_ =	swait.ge [sflag:s18], $0x1900  }
0xcf: {  	[sflag:s18] =	ssyncset.done $0x0  }
0xd0: {  	[sflag:s18] =	ssyncadd.s32 $0xFFFFE700  }
0xd1: {  	[tilespmem:s1], [sflag:$0x3] =	stream.indirect.gather [spmem:s2], $0x20, s12, s31, $0xb8;
	[tilespmem:$0x16AA0] =	vst v63  }
0xd2: {  	s26 =	simm.s32 $0x10568  }
0xd3: {  	[tilespmem:s30], [sflag:$0x4] =	stream.indirect.gather [spmem:s2], $0x20, s26, s31, $0xb8;
	[tilespmem:$0x16AA0] =	vst v63  }
0xd4: {  	_ =	swait.ge [sflag:s9], $0xC80  }
0xd5: {  	[sflag:s9] =	ssyncset.done $0x0  }
0xd6: {  	[sflag:s9] =	ssyncadd.s32 $0xFFFFF380  }
0xd7: {  	_ =	swait.ge [sflag:s20], $0x1900  }
0xd8: {  	[sflag:s20] =	ssyncset.done $0x0  }
0xd9: {  	s28 =	simm.s32 $0x11FE0;
	[sflag:s20] =	ssyncadd.s32 $0xFFFFE700  }
0xda: {  	s26 =	simm.s32 $0x106E0;
	v1 =	vld [tilespmem:s28+$0x20]  }
0xdb: {  	v2 =	vld [tilespmem:s26+$0x20];
	_ =	sdelay $0x2  }
0xdc: {  	v3 =	vld [tilespmem:s28+$0xFFFFFFE0]  }
0xdd: {  	v4 =	vld [tilespmem:s26+$0xFFFFFFE0]  }
0xde: {  	v1 =	vadd.bf16 v2, v1  }
0xdf: {  	s19 =	simm.s32 $0x12060;
	v6 =	vld [tilespmem:s26+$0x0]  }
0xe0: {  	v9 =	vld [tilespmem:s19+$0xFFFFFFE0];
	v1 =	vmax.bf16 v1, v0  }
0xe1: {  	s16 =	simm.s32 $0x13920;
	v2 =	vld [tilespmem:s26+$0xFFFFFFC0];
	v5 =	vunpack.i.l.bf16.f32 v1  }
0xe2: {  	v3 =	vadd.bf16 v4, v3;
	v4 =	vld [tilespmem:s28+$0x0];
	v1 =	vunpack.i.u.bf16.f32 v1;
	[tilespmem:s16+$0x40] =	vst v5  }
0xe3: {  	v5 =	vld [tilespmem:s28+$0xFFFFFFC0];
	[tilespmem:s16+$0x50] =	vst v1  }
0xe4: {  	v3 =	vmax.bf16 v3, v0;
	v7 =	vld [tilespmem:s28+$0x30]  }
0xe5: {  	v1 =	vunpack.i.l.bf16.f32 v3;
	v3 =	vunpack.i.u.bf16.f32 v3;
	v8 =	vld [tilespmem:s26+$0x30]  }
0xe6: {  	s25 =	simm.s32 $0x10760;
	[tilespmem:s16+$0xFFFFFFD0] =	vst v3;
	v3 =	vld [tilespmem:s19+$0x20]  }
0xe7: {  	v4 =	vadd.bf16 v6, v4;
	v6 =	vld [tilespmem:s25+$0x20]  }
0xe8: {  	v11 =	vld [tilespmem:s25+$0xFFFFFFE0];
	[tilespmem:s16+$0xFFFFFFC0] =	vst v1;
	v2 =	vadd.bf16 v2, v5  }
0xe9: {  	v1 =	vld [tilespmem:s28+$0xFFFFFFF0];
	v4 =	vmax.bf16 v4, v0  }
0xea: {  	v10 =	vunpack.i.l.bf16.f32 v4;
	v5 =	vld [tilespmem:s25+$0xFFFFFFC0];
	v2 =	vmax.bf16 v2, v0  }
0xeb: {  	[tilespmem:s16+$0x0] =	vst v10;
	v10 =	vld [tilespmem:s25+$0x0];
	v7 =	vadd.bf16 v8, v7;
	v12 =	vunpack.i.l.bf16.f32 v2  }
0xec: {  	v8 =	vld [tilespmem:s19+$0x0];
	v3 =	vadd.bf16 v6, v3;
	v2 =	vunpack.i.u.bf16.f32 v2;
	[tilespmem:s16+$0xFFFFFF80] =	vst v12  }
0xed: {  	v4 =	vunpack.i.u.bf16.f32 v4;
	v6 =	vld [tilespmem:s19+$0xFFFFFFC0];
	[tilespmem:s16+$0xFFFFFF90] =	vst v2;
	v2 =	vmax.bf16 v7, v0  }
0xee: {  	[tilespmem:s16+$0x10] =	vst v4;
	v3 =	vmax.bf16 v3, v0;
	v4 =	vunpack.i.u.bf16.f32 v2;
	v12 =	vld [tilespmem:s28+$0xFFFFFFD0]  }
0xef: {  	s24 =	simm.s32 $0x13A20;
	v7 =	vadd.bf16 v11, v9;
	v13 =	vld [tilespmem:s26+$0xFFFFFFD0];
	[tilespmem:s16+$0x70] =	vst v4;
	v4 =	vunpack.i.l.bf16.f32 v3  }
0xf0: {  	v9 =	vunpack.i.l.bf16.f32 v2;
	v2 =	vld [tilespmem:s28+$0x10];
	v3 =	vunpack.i.u.bf16.f32 v3;
	[tilespmem:s24+$0x40] =	vst v4  }
0xf1: {  	v7 =	vmax.bf16 v7, v0;
	v8 =	vadd.bf16 v10, v8;
	v4 =	vld [tilespmem:s26+$0xFFFFFFF0];
	[tilespmem:s24+$0x50] =	vst v3  }
0xf2: {  	[tilespmem:s16+$0x60] =	vst v9;
	v3 =	vadd.bf16 v5, v6;
	v6 =	vunpack.i.l.bf16.f32 v7;
	v5 =	vld [tilespmem:s19+$0x30]  }
0xf3: {  	v9 =	vunpack.i.u.bf16.f32 v7;
	[tilespmem:s24+$0xFFFFFFC0] =	vst v6;
	v6 =	vmax.bf16 v8, v0;
	v7 =	vld [tilespmem:s25+$0x30]  }
0xf4: {  	[tilespmem:s24+$0xFFFFFFD0] =	vst v9;
	v3 =	vmax.bf16 v3, v0;
	v8 =	vunpack.i.u.bf16.f32 v6;
	v10 =	vunpack.i.l.bf16.f32 v6;
	v6 =	vld [tilespmem:s26+$0x10]  }
0xf5: {  	s29 =	simm.s32 $0x120E0;
	s28 =	simm.s32 $0x4;
	s26 =	simm.s32 $0x10760;
	v9 =	vunpack.i.u.bf16.f32 v3;
	v11 =	vunpack.i.l.bf16.f32 v3;
	v3 =	vld [tilespmem:s19+$0xFFFFFFF0];
	[tilespmem:s24+$0x0] =	vst v10;
	v10 =	vadd.bf16 v13, v12  }
.LBB2_7:
0xf6: {  	v12 =	vld [tilespmem:s29+$0x20];
	[tilespmem:s24+$0xFFFFFF80] =	vst v11;
	s25 =	sadd.s32 $0x80, s25;
	v1 =	vadd.bf16 v4, v1  }
0xf7: {  	v4 =	vld [tilespmem:s25+$0x20];
	[tilespmem:s24+$0xFFFFFF90] =	vst v9;
	v9 =	vmax.bf16 v10, v0  }
0xf8: {  	v10 =	vld [tilespmem:s25+$0xFFFFFFC0];
	[tilespmem:s24+$0x10] =	vst v8;
	v5 =	vadd.bf16 v7, v5;
	v7 =	vunpack.i.u.bf16.f32 v9;
	v11 =	vmax.bf16 v1, v0  }
0xf9: {  	s28 =	sadd.s32 $0x4, s28;
	v9 =	vunpack.i.l.bf16.f32 v9;
	v8 =	vld [tilespmem:s29+$0xFFFFFFE0];
	[tilespmem:s16+$0xFFFFFFB0] =	vst v7;
	v7 =	vunpack.i.u.bf16.f32 v11;
	v2 =	vadd.bf16 v6, v2  }
0xfa: {  	p0 =	slt.u32 s28, $0x60;
	v6 =	vld [tilespmem:s25+$0xFFFFFFE0];
	v5 =	vmax.bf16 v5, v0;
	[tilespmem:s16+$0xFFFFFFA0] =	vst v9;
	v9 =	vunpack.i.l.bf16.f32 v11;
	v1 =	vmov v3  }
0xfb: {  	v3 =	vld [tilespmem:s29+$0x0];
	v11 =	vunpack.i.u.bf16.f32 v5;
	v13 =	vunpack.i.l.bf16.f32 v5;
	[tilespmem:s16+$0xFFFFFFE0] =	vst v9;
	v2 =	vmax.bf16 v2, v0  }
0xfc: {  	v5 =	vld [tilespmem:s25+$0x0];
	v4 =	vadd.bf16 v4, v12;
	[tilespmem:s24+$0x70] =	vst v11;
	v9 =	vunpack.i.u.bf16.f32 v2;
	v2 =	vunpack.i.l.bf16.f32 v2  }
0xfd: {  	v11 =	vld [tilespmem:s29+$0xFFFFFFC0];
	[tilespmem:s16+$0xFFFFFFF0] =	vst v7  }
0xfe: {  	v4 =	vmax.bf16 v4, v0;
	v12 =	vld [tilespmem:s19+$0xFFFFFFD0];
	[tilespmem:s16+$0x20] =	vst v2  }
0xff: {  	v2 =	vadd.bf16 v6, v8;
	v6 =	vunpack.i.l.bf16.f32 v4;
	v14 =	vld [tilespmem:s26+$0xFFFFFFD0];
	[tilespmem:s16+$0x30] =	vst v9;
	s16 =	smov.u32 s24;
	s24 =	sadd.s32 $0x100, s24  }
0x100: {  	v7 =	vunpack.i.u.bf16.f32 v4;
	[tilespmem:s24+$0x40] =	vst v6;
	v4 =	vld [tilespmem:s26+$0xFFFFFFF0]  }
.Ltmp2:
0x101: {  	v6 =	vmax.bf16 v2, v0;
	v3 =	vadd.bf16 v5, v3;
	[tilespmem:s24+$0x50] =	vst v7;
	v2 =	vld [tilespmem:s19+$0x10];
	s19 =	smov.u32 s29;
	(pc) =	sbr.rel @p0 .LBB2_7-.Ltmp2, $4  }
0x102: {  	v8 =	vadd.bf16 v10, v11;
	v9 =	vunpack.i.u.bf16.f32 v6;
	v6 =	vunpack.i.l.bf16.f32 v6;
	v5 =	vld [tilespmem:s29+$0x30];
	[tilespmem:s16+$0x60] =	vst v13  }
0x103: {  	[tilespmem:s24+$0xFFFFFFC0] =	vst v6;
	v3 =	vmax.bf16 v3, v0;
	v7 =	vld [tilespmem:s25+$0x30]  }
0x104: {  	v10 =	vmax.bf16 v8, v0;
	[tilespmem:s24+$0xFFFFFFD0] =	vst v9;
	v8 =	vunpack.i.u.bf16.f32 v3;
	v13 =	vunpack.i.l.bf16.f32 v3;
	v6 =	vld [tilespmem:s26+$0x10];
	s26 =	smov.u32 s25  }
0x105: {  	s29 =	sadd.s32 $0x80, s29;
	v9 =	vunpack.i.u.bf16.f32 v10;
	v11 =	vunpack.i.l.bf16.f32 v10;
	v3 =	vld [tilespmem:s19+$0xFFFFFFF0];
	[tilespmem:s24+$0x0] =	vst v13;
	v10 =	vadd.bf16 v14, v12  }
0x106: {  	[tilespmem:s24+$0xFFFFFF80] =	vst v11  }
0x107: {  	[tilespmem:s24+$0xFFFFFF90] =	vst v9  }
0x108: {  	v1 =	vadd.bf16 v4, v1;
	v4 =	vmax.bf16 v10, v0;
	v9 =	vld [tilespmem:s19+$0xFFFFFFD0]  }
0x109: {  	[tilespmem:s24+$0x10] =	vst v8;
	v8 =	vld [tilespmem:s26+$0xFFFFFFD0];
	v5 =	vadd.bf16 v7, v5;
	v7 =	vunpack.i.u.bf16.f32 v4  }
0x10a: {  	v1 =	vmax.bf16 v1, v0;
	v4 =	vunpack.i.l.bf16.f32 v4;
	[tilespmem:s16+$0xFFFFFFB0] =	vst v7  }
0x10b: {  	v2 =	vadd.bf16 v6, v2;
	[tilespmem:s16+$0xFFFFFFA0] =	vst v4;
	v4 =	vunpack.i.l.bf16.f32 v1;
	v6 =	vld [tilespmem:s26+$0xFFFFFFF0];
	v5 =	vmax.bf16 v5, v0  }
0x10c: {  	[tilespmem:s16+$0xFFFFFFE0] =	vst v4;
	v4 =	vld [tilespmem:s19+$0x10];
	v7 =	vunpack.i.u.bf16.f32 v5  }
0x10d: {  	v1 =	vunpack.i.u.bf16.f32 v1;
	[tilespmem:s24+$0x70] =	vst v7;
	v7 =	vld [tilespmem:s26+$0x10]  }
0x10e: {  	[tilespmem:s16+$0xFFFFFFF0] =	vst v1;
	v2 =	vmax.bf16 v2, v0;
	v5 =	vunpack.i.l.bf16.f32 v5;
	v1 =	vadd.bf16 v8, v9  }
0x10f: {  	v10 =	vunpack.i.l.bf16.f32 v2;
	v2 =	vunpack.i.u.bf16.f32 v2;
	[tilespmem:s24+$0x60] =	vst v5  }
0x110: {  	[tilespmem:s16+$0x30] =	vst v2;
	v2 =	vadd.bf16 v6, v3;
	v1 =	vmax.bf16 v1, v0  }
0x111: {  	[tilespmem:s16+$0x20] =	vst v10;
	v3 =	vunpack.i.u.bf16.f32 v1  }
0x112: {  	v1 =	vunpack.i.l.bf16.f32 v1;
	v2 =	vmax.bf16 v2, v0;
	[tilespmem:s24+$0xFFFFFFB0] =	vst v3;
	v3 =	vadd.bf16 v7, v4  }
0x113: {  	[tilespmem:s24+$0xFFFFFFA0] =	vst v1;
	v1 =	vunpack.i.l.bf16.f32 v2  }
0x114: {  	v2 =	vunpack.i.u.bf16.f32 v2;
	[tilespmem:s24+$0xFFFFFFE0] =	vst v1;
	v1 =	vmax.bf16 v3, v0  }
0x115: {  	p0 =	seq.s32 s0, $0x31;
	[tilespmem:s24+$0xFFFFFFF0] =	vst v2;
	v3 =	vunpack.i.l.bf16.f32 v1  }
0x116: {  	s15 =	sadd.s32 @!p0 $0x2, s15;
	v1 =	vunpack.i.u.bf16.f32 v1;
	[tilespmem:s24+$0x20] =	vst v3  }
0x117: {  	s16 =	sshll.u32 @!p0 s15, $0x1;
	[tilespmem:s24+$0x30] =	vst v1  }
0x118: {  	[spmem:s3] =	stream.indirect.scatter.add.f32 [tilespmem:s23], [sflag:$0x5], $0x40, s14, s31, $0xb8;
	[tilespmem:$0x16AA0] =	vst v63  }
0x119: {  	s15 =	smul.u32 @!p0 $0xC8, s15;
	s16 =	sadd.s32 @!p0 s10, s16;
	_ =	swait.ge [sflag:s22], $0xC80  }
0x11a: {  	s16 =	smul.u32 @!p0 $0xD, s16;
	[sflag:s22] =	ssyncset.done $0x0  }
0x11b: {  	s25 =	simm.s32 @!p0 $0xEA60;
	s15 =	sadd.s32 @!p0 s11, s15;
	[sflag:s22] =	ssyncadd.s32 $0xFFFFF380  }
0x11c: {  	s15 =	sshll.u32 @!p0 s15, $0x6;
	s19 =	sadd.s32 @!p0 s7, s16;
	_ =	swait.ge [sflag:s13], $0x1900  }
0x11d: {  	s16 =	sadd.s32 @!p0 s8, s16;
	s15 =	sor.u32 @!p0 s5, s15;
	[sflag:s13] =	ssyncset.done $0x0  }
0x11e: {  	s15 =	sshrl.u32 @!p0 s15, $0x3;
	s24 =	simm.s32 @!p0 $0x0;
	[sflag:s13] =	ssyncadd.s32 $0xFFFFE700  }
0x11f: {  	[tilespmem:s25], [sflag:$0x1] =	stream.linear.gather @!p0 [hbm4b:s19+s24], $0xD0, $0x38;
	[tilespmem:$0x16AA0] =	vst v63  }
0x120: {  	s15 =	sadd.s32 @!p0 s6, s15;
	s19 =	simm.s32 @!p0 $0xEB30;
	s25 =	simm.s32 $0x12C60  }
0x121: {  	[tilespmem:s19], [sflag:$0x1] =	stream.linear.gather @!p0 [hbm4b:s16+s24], $0xD0, $0x38;
	[tilespmem:$0x16AA0] =	vst v63  }
0x122: {  	s16 =	simm.s32 @!p0 $0x20;
	s19 =	simm.s32 @!p0 $0x40;
	s24 =	simm.s32 @!p0 $0xEC00  }
0x123: {  	[tilespmem:s24], [sflag:$0x1] =	stream.strided.gather @!p0 [hbm4b:s15+s16], $0x1900, s19, s16, $0x38;
	[tilespmem:$0x16AA0] =	vst v63  }
0x124: {  	s29 =	simm.s32 $0x11390;
	v1 =	vld [tilespmem:s25+$0x20]  }
0x125: {  	v2 =	vld [tilespmem:s29+$0xFFFFFFF0];
	_ =	sdelay $0x2  }
0x126: {  	v3 =	vld [tilespmem:s25+$0xFFFFFFE0]  }
0x127: {  	v4 =	vld [tilespmem:s29+$0xFFFFFFB0]  }
0x128: {  	v1 =	vadd.bf16 v2, v1  }
0x129: {  	s16 =	simm.s32 $0x12CE0;
	v6 =	vld [tilespmem:s29+$0xFFFFFFD0]  }
0x12a: {  	v9 =	vld [tilespmem:s16+$0xFFFFFFE0];
	v1 =	vmax.bf16 v1, v0  }
0x12b: {  	s15 =	simm.s32 $0x15220;
	v2 =	vld [tilespmem:s29+$0xFFFFFF90];
	v5 =	vunpack.i.l.bf16.f32 v1  }
0x12c: {  	v3 =	vadd.bf16 v4, v3;
	v4 =	vld [tilespmem:s25+$0x0];
	v1 =	vunpack.i.u.bf16.f32 v1;
	[tilespmem:s15+$0x40] =	vst v5  }
0x12d: {  	v5 =	vld [tilespmem:s25+$0xFFFFFFC0];
	[tilespmem:s15+$0x50] =	vst v1  }
0x12e: {  	v3 =	vmax.bf16 v3, v0;
	v7 =	vld [tilespmem:s25+$0x30]  }
0x12f: {  	v1 =	vunpack.i.l.bf16.f32 v3;
	v3 =	vunpack.i.u.bf16.f32 v3;
	v8 =	vld [tilespmem:s29+$0x0]  }
0x130: {  	s24 =	simm.s32 $0x11410;
	[tilespmem:s15+$0xFFFFFFD0] =	vst v3;
	v3 =	vld [tilespmem:s16+$0x20]  }
0x131: {  	v4 =	vadd.bf16 v6, v4;
	v6 =	vld [tilespmem:s24+$0xFFFFFFF0]  }
0x132: {  	v11 =	vld [tilespmem:s24+$0xFFFFFFB0];
	[tilespmem:s15+$0xFFFFFFC0] =	vst v1;
	v2 =	vadd.bf16 v2, v5  }
0x133: {  	v1 =	vld [tilespmem:s25+$0xFFFFFFF0];
	v4 =	vmax.bf16 v4, v0  }
0x134: {  	v10 =	vunpack.i.l.bf16.f32 v4;
	v5 =	vld [tilespmem:s24+$0xFFFFFF90];
	v2 =	vmax.bf16 v2, v0  }
0x135: {  	[tilespmem:s15+$0x0] =	vst v10;
	v10 =	vld [tilespmem:s24+$0xFFFFFFD0];
	v7 =	vadd.bf16 v8, v7;
	v12 =	vunpack.i.l.bf16.f32 v2  }
0x136: {  	v8 =	vld [tilespmem:s16+$0x0];
	v3 =	vadd.bf16 v6, v3;
	v2 =	vunpack.i.u.bf16.f32 v2;
	[tilespmem:s15+$0xFFFFFF80] =	vst v12  }
0x137: {  	v4 =	vunpack.i.u.bf16.f32 v4;
	v6 =	vld [tilespmem:s16+$0xFFFFFFC0];
	[tilespmem:s15+$0xFFFFFF90] =	vst v2;
	v2 =	vmax.bf16 v7, v0  }
0x138: {  	[tilespmem:s15+$0x10] =	vst v4;
	v3 =	vmax.bf16 v3, v0;
	v4 =	vunpack.i.u.bf16.f32 v2;
	v12 =	vld [tilespmem:s25+$0xFFFFFFD0]  }
0x139: {  	s19 =	simm.s32 $0x15320;
	v7 =	vadd.bf16 v11, v9;
	v13 =	vld [tilespmem:s29+$0xFFFFFFA0];
	[tilespmem:s15+$0x70] =	vst v4;
	v4 =	vunpack.i.l.bf16.f32 v3  }
0x13a: {  	v9 =	vunpack.i.l.bf16.f32 v2;
	v2 =	vld [tilespmem:s25+$0x10];
	v3 =	vunpack.i.u.bf16.f32 v3;
	[tilespmem:s19+$0x40] =	vst v4  }
0x13b: {  	v7 =	vmax.bf16 v7, v0;
	v8 =	vadd.bf16 v10, v8;
	v4 =	vld [tilespmem:s29+$0xFFFFFFC0];
	[tilespmem:s19+$0x50] =	vst v3  }
0x13c: {  	[tilespmem:s15+$0x60] =	vst v9;
	v3 =	vadd.bf16 v5, v6;
	v6 =	vunpack.i.l.bf16.f32 v7;
	v5 =	vld [tilespmem:s16+$0x30]  }
0x13d: {  	v9 =	vunpack.i.u.bf16.f32 v7;
	[tilespmem:s19+$0xFFFFFFC0] =	vst v6;
	v6 =	vmax.bf16 v8, v0;
	v7 =	vld [tilespmem:s24+$0x0]  }
0x13e: {  	[tilespmem:s19+$0xFFFFFFD0] =	vst v9;
	v3 =	vmax.bf16 v3, v0;
	v8 =	vunpack.i.u.bf16.f32 v6;
	v10 =	vunpack.i.l.bf16.f32 v6;
	v6 =	vld [tilespmem:s29+$0xFFFFFFE0]  }
0x13f: {  	s28 =	simm.s32 $0x12D60;
	s26 =	simm.s32 $0x4;
	s25 =	simm.s32 $0x11410;
	v9 =	vunpack.i.u.bf16.f32 v3;
	v11 =	vunpack.i.l.bf16.f32 v3;
	v3 =	vld [tilespmem:s16+$0xFFFFFFF0];
	[tilespmem:s19+$0x0] =	vst v10;
	v10 =	vadd.bf16 v13, v12  }
.LBB2_9:
0x140: {  	v12 =	vld [tilespmem:s28+$0x20];
	[tilespmem:s19+$0xFFFFFF80] =	vst v11;
	s24 =	sadd.s32 $0x80, s24;
	v1 =	vadd.bf16 v4, v1  }
0x141: {  	v4 =	vld [tilespmem:s24+$0xFFFFFFF0];
	[tilespmem:s19+$0xFFFFFF90] =	vst v9;
	v9 =	vmax.bf16 v10, v0  }
0x142: {  	v10 =	vld [tilespmem:s24+$0xFFFFFF90];
	[tilespmem:s19+$0x10] =	vst v8;
	v5 =	vadd.bf16 v7, v5;
	v7 =	vunpack.i.u.bf16.f32 v9;
	v11 =	vmax.bf16 v1, v0  }
0x143: {  	s26 =	sadd.s32 $0x4, s26;
	v9 =	vunpack.i.l.bf16.f32 v9;
	v8 =	vld [tilespmem:s28+$0xFFFFFFE0];
	[tilespmem:s15+$0xFFFFFFB0] =	vst v7;
	v7 =	vunpack.i.u.bf16.f32 v11;
	v2 =	vadd.bf16 v6, v2  }
0x144: {  	p0 =	slt.u32 s26, $0x60;
	v6 =	vld [tilespmem:s24+$0xFFFFFFB0];
	v5 =	vmax.bf16 v5, v0;
	[tilespmem:s15+$0xFFFFFFA0] =	vst v9;
	v9 =	vunpack.i.l.bf16.f32 v11;
	v1 =	vmov v3  }
0x145: {  	v3 =	vld [tilespmem:s28+$0x0];
	v11 =	vunpack.i.u.bf16.f32 v5;
	v13 =	vunpack.i.l.bf16.f32 v5;
	[tilespmem:s15+$0xFFFFFFE0] =	vst v9;
	v2 =	vmax.bf16 v2, v0  }
0x146: {  	v5 =	vld [tilespmem:s24+$0xFFFFFFD0];
	v4 =	vadd.bf16 v4, v12;
	[tilespmem:s19+$0x70] =	vst v11;
	v9 =	vunpack.i.u.bf16.f32 v2;
	v2 =	vunpack.i.l.bf16.f32 v2  }
0x147: {  	v11 =	vld [tilespmem:s28+$0xFFFFFFC0];
	[tilespmem:s15+$0xFFFFFFF0] =	vst v7  }
0x148: {  	v4 =	vmax.bf16 v4, v0;
	v12 =	vld [tilespmem:s16+$0xFFFFFFD0];
	[tilespmem:s15+$0x20] =	vst v2  }
0x149: {  	v2 =	vadd.bf16 v6, v8;
	v6 =	vunpack.i.l.bf16.f32 v4;
	v14 =	vld [tilespmem:s25+$0xFFFFFFA0];
	[tilespmem:s15+$0x30] =	vst v9;
	s15 =	smov.u32 s19;
	s19 =	sadd.s32 $0x100, s19  }
0x14a: {  	v7 =	vunpack.i.u.bf16.f32 v4;
	[tilespmem:s19+$0x40] =	vst v6;
	v4 =	vld [tilespmem:s25+$0xFFFFFFC0]  }
.Ltmp3:
0x14b: {  	v6 =	vmax.bf16 v2, v0;
	v3 =	vadd.bf16 v5, v3;
	[tilespmem:s19+$0x50] =	vst v7;
	v2 =	vld [tilespmem:s16+$0x10];
	s16 =	smov.u32 s28;
	(pc) =	sbr.rel @p0 .LBB2_9-.Ltmp3, $4  }
0x14c: {  	v8 =	vadd.bf16 v10, v11;
	v9 =	vunpack.i.u.bf16.f32 v6;
	v6 =	vunpack.i.l.bf16.f32 v6;
	v5 =	vld [tilespmem:s28+$0x30];
	[tilespmem:s15+$0x60] =	vst v13  }
0x14d: {  	[tilespmem:s19+$0xFFFFFFC0] =	vst v6;
	v3 =	vmax.bf16 v3, v0;
	v7 =	vld [tilespmem:s24+$0x0]  }
0x14e: {  	v10 =	vmax.bf16 v8, v0;
	[tilespmem:s19+$0xFFFFFFD0] =	vst v9;
	v8 =	vunpack.i.u.bf16.f32 v3;
	v13 =	vunpack.i.l.bf16.f32 v3;
	v6 =	vld [tilespmem:s25+$0xFFFFFFE0];
	s25 =	smov.u32 s24  }
0x14f: {  	s28 =	sadd.s32 $0x80, s28;
	v9 =	vunpack.i.u.bf16.f32 v10;
	v11 =	vunpack.i.l.bf16.f32 v10;
	v3 =	vld [tilespmem:s16+$0xFFFFFFF0];
	[tilespmem:s19+$0x0] =	vst v13;
	v10 =	vadd.bf16 v14, v12  }
0x150: {  	[tilespmem:s19+$0xFFFFFF80] =	vst v11  }
0x151: {  	[tilespmem:s19+$0xFFFFFF90] =	vst v9  }
0x152: {  	v1 =	vadd.bf16 v4, v1;
	v55 =	vmax.bf16 v10, v0;
	v9 =	vld [tilespmem:s16+$0xFFFFFFD0]  }
0x153: {  	[tilespmem:s19+$0x10] =	vst v8;
	v57 =	vld [tilespmem:s25+$0xFFFFFFA0];
	v56 =	vunpack.i.u.bf16.f32 v55  }
0x154: {  	v5 =	vadd.bf16 v7, v5;
	v1 =	vmax.bf16 v1, v0;
	v4 =	vunpack.i.l.bf16.f32 v55;
	[tilespmem:s15+$0xFFFFFFB0] =	vst v56  }
0x155: {  	v59 =	vld [tilespmem:s25+$0xFFFFFFC0];
	[tilespmem:s15+$0xFFFFFFA0] =	vst v4;
	v58 =	vunpack.i.l.bf16.f32 v1  }
0x156: {  	v61 =	vld [tilespmem:s16+$0x10];
	v2 =	vadd.bf16 v6, v2;
	v1 =	vunpack.i.u.bf16.f32 v1;
	v5 =	vmax.bf16 v5, v0;
	[tilespmem:s15+$0xFFFFFFE0] =	vst v58  }
0x157: {  	v62 =	vld [tilespmem:s25+$0xFFFFFFE0];
	[tilespmem:s15+$0xFFFFFFF0] =	vst v1;
	v60 =	vunpack.i.u.bf16.f32 v5  }
0x158: {  	v2 =	vmax.bf16 v2, v0;
	v5 =	vunpack.i.l.bf16.f32 v5;
	[tilespmem:s19+$0x70] =	vst v60;
	v1 =	vadd.bf16 v57, v9  }
0x159: {  	v63 =	vunpack.i.l.bf16.f32 v2;
	v2 =	vunpack.i.u.bf16.f32 v2;
	[tilespmem:s19+$0x60] =	vst v5  }
0x15a: {  	[tilespmem:s15+$0x30] =	vst v2;
	v2 =	vadd.bf16 v59, v3;
	v1 =	vmax.bf16 v1, v0  }
0x15b: {  	[tilespmem:s15+$0x20] =	vst v63;
	v3 =	vunpack.i.u.bf16.f32 v1  }
0x15c: {  	s0 =	sadd.s32 $0x1, s0;
	v2 =	vmax.bf16 v2, v0;
	v1 =	vunpack.i.l.bf16.f32 v1;
	[tilespmem:s19+$0xFFFFFFB0] =	vst v3;
	v3 =	vadd.bf16 v62, v61  }
0x15d: {  	p0 =	sne.s32 s0, $0x32;
	[tilespmem:s19+$0xFFFFFFA0] =	vst v1;
	v1 =	vunpack.i.l.bf16.f32 v2  }
.Ltmp4:
0x15e: {  	v2 =	vunpack.i.u.bf16.f32 v2;
	[tilespmem:s19+$0xFFFFFFE0] =	vst v1;
	v1 =	vmax.bf16 v3, v0;
	(pc) =	sbr.rel @p0 .LBB2_2-.Ltmp4, $4  }
0x15f: {  	[tilespmem:s19+$0xFFFFFFF0] =	vst v2;
	v3 =	vunpack.i.l.bf16.f32 v1  }
0x160: {  	v1 =	vunpack.i.u.bf16.f32 v1;
	[tilespmem:s19+$0x20] =	vst v3  }
0x161: {  	s29 =	simm.s32 $0x10638;
	[tilespmem:s19+$0x30] =	vst v1  }
0x162: {  	[spmem:s3] =	stream.indirect.scatter.add.f32 [tilespmem:s17], [sflag:$0x6], $0x40, s29, s31, $0xb8;
	[tilespmem:$0x16AA0] =	vst v63  }
0x163: {  	_ =	swait.ge [sflag:s20], $0x1900  }
0x164: {  	[sflag:s20] =	ssyncset.done $0x0  }
0x165: {  	[sflag:s20] =	ssyncadd.s32 $0xFFFFE700  }
0x166: {  	_ =	swait.ge [sflag:s13], $0x1900  }
0x167: {  	[sflag:s13] =	ssyncset.done $0x0  }
0x168: {  	[sflag:s13] =	ssyncadd.s32 $0xFFFFE700  }
0x169: {  	[bflag:$0x0] =	sbarrier.arrive $0xFFFF  }
0x16a: {  	s16 =	rddreg [dreg:$0x6]  }
0x16b: {  	s0 =	rddreg [dreg:$0xb]  }
0x16c: {  	s19 =	simm.s32 $0x8;
	s15 =	simm.s32 $0x10;
	s24 =	rddreg [dreg:$0xf]  }
0x16d: {  	[hbm:s0@s15], [sflag:s16] =	dma.strided [spmem:s24@s19], $0x1388, s21, $0x8   }
0x16e: {  	s24 =	simm.s32 $0x7  }
0x16f: {  	_ =	swait.ge [sflag:s24], $0x1388  }
0x170: {  	s28 =	rddreg [dreg:$0xe]  }
0x171: {  	s29 =	rddreg [dreg:$0xc];
	s15 =	sadd.s32 $0x1, s28  }
0x172: {  	p0 =	sne.s32 s15, s29  }
.Ltmp5:
0x173: {  	_ = 	snop;
	(pc) =	sbr.rel @p0 .LBB2_1-.Ltmp5, $3  }
0x174: {  	_ =	sdelay $0x1  }
0x175: {  	[sflag:s24] =	ssyncset.done $0x0  }
0x176: {  	[sflag:s24] =	ssyncadd.s32 $0xFFFFEC78  }
0x177: {  	_ =	sfence.sel $0x180000  }
0x178: {  	[bflag:$0x0] =	sbarrier.arrive $0xFFFF  }
0x179: {  	_ =	strace $0x9000004A  }
0x17a: {  	s0 =	stileid.u32;
	[bflag:$0x2] =	sbarrier.arrive $0xFFFF  }
0x17b: {  	p0 =	sne.s32 s0, $0x0;
	s0 =	rddreg [dreg:$0x3]  }
0x17c: {  	s0 =	sadd.s32 @!p0 $0x100000, s0  }
0x17d: {  	[sflag:s0] =	ssyncadd.tile.s32 @!p0 $0x1;
	_ =	shalt  }
.Lfunc_end2:
_tile_overlayer_lowered:
.L_overlay_start_2:
0x17e: {  	(tag) =	ssettag $0x2  }
0x17f: {  	s0 =	rddreg [dreg:$0x0];
	s2 =	stileid.u32  }
0x180: {  	s1 =	rddreg [dreg:$0x1];
	p0 =	sne.s32 s2, $0x0  }
0x181: {  	s3 =	rddreg [dreg:$0x2];
	[bflag:$0x3] =	sbarrier.arrive $0xFFFF;
	s2 =	simm.s32 @!p0 $0x1C07  }
0x182: {  	[timem:s3], [sflag:s2] =	dma.local @!p0 [hbm:s0], s1  }
0x183: {  	s0 =	simm.s32 @!p0 $0x7  }
0x184: {  	_ =	swait.ge @!p0 [sflag:s0], s1  }
0x185: {  	s1 =	ssub.s32 @!p0 $0x0, s1;
	[sflag:s0] =	ssyncset.done @!p0 $0x0  }
0x186: {  	[sflag:s0] =	ssyncadd.s32 @!p0 s1  }
0x187: {  	[bflag:$0x3] =	sbarrier.arrive $0xFFFF  }
0x188: {  	_ =	shalt  }

// kernel: kernel.16.cloned.1.call-start
scs
__scs_entry_jumppad:
0x0: {  	(pc) =	sbr.rel $0x88, $3  }
0x1: {  	(tag) =	ssettag $0x0;
	lr =	simm.s32 $0x1  }
0x2: {  	[smem:$0x3F94] =	sst lr;
	_ =	strace $0xD0000000  }
0x3: {  	_ = 	snop  }
0x4: {  	_ = 	snop  }
0x5: {  	_ = 	snop  }
0x6: {  	_ = 	snop  }
0x7: {  	_ = 	snop  }
__scs_overlays_trampoline_lowered:
0x8: {  	[smem:$0x3FA3] =	sst s0  }
0x9: {  	[smem:$0x3FA4] =	sst s1  }
0xa: {  	[smem:$0x3FA5] =	sst s2  }
0xb: {  	[smem:$0x3FA6] =	sst s3  }
0xc: {  	[smem:$0x3FA7] =	sst s4  }
0xd: {  	[smem:$0x3FA8] =	sst s5  }
0xe: {  	[smem:$0x3FA9] =	sst s6  }
0xf: {  	[smem:$0x3FAA] =	sst s7  }
0x10: {  	[smem:$0x3FAB] =	sst s8  }
0x11: {  	[smem:$0x3FAC] =	sst s9;
	s0 =	simm.s32 @!p0 $0x0  }
0x12: {  	s1 =	sld [smem:$0x3F92];
	s0 =	simm.s32 @p0 $0x1  }
0x13: {  	[smem:$0x3FAD] =	sst s0;
	s0 =	simm.s32 @!p1 $0x0  }
0x14: {  	s2 =	sld [smem:$0x3F91];
	s0 =	simm.s32 @p1 $0x1  }
0x15: {  	[smem:$0x3FAE] =	sst s0;
	s0 =	simm.s32 @!p2 $0x0  }
0x16: {  	s3 =	sld [smem:$0x3FDB];
	s0 =	simm.s32 @p2 $0x1  }
0x17: {  	s4 =	simm.s32 $0x1BF5;
	[smem:$0x3FB0] =	sst s0  }
0x18: {  	s0 =	sld [smem:$0x3F93];
	_ =	swait.ge [sflag:s4], $0x0  }
0x19: {  	s7 =	sld [smem:$0x3F94]  }
0x1a: {  	s8 =	sadd.s32 $0xFFFFE003, lr  }
0x1b: {  	s9 =	sadd.s32 $0xFFFFFEF7, lr;
	s5 =	simm.s32 $0xFFFFFFFF;
	p2 =	slt.u32 s8, $0xFFFFF086  }
0x1c: {  	p1 =	slt.u32 s9, $0xF7A;
	s5 =	simm.s32 @!p2 $0x0  }
0x1d: {  	s5 =	simm.s32 @p1 $0x1;
	p0 =	seq.s32 s7, s2  }
0x1e: {  	s7 =	smul.u32 @!p0 $0xF7A, s2;
	p2 =	seq.s32 @!p0 s5, $0x0  }
0x1f: {  	s9 =	smul.u32 $0xF7A, s1;
	s8 =	simm.s32 @!p0 $0x1BF5;
	p2 =	por !p2, p0  }
0x20: {  	[sflag:s8] =	ssyncset.s32 @!p0 $0xFFFFF086;
	s6 =	sadd.s32 @!p0 s3, s7;
	s7 =	simm.s32 @!p0 $0x108  }
0x21: {  	s3 =	sadd.s32 s3, s9;
	s6 =	sadd.s32 @!p0 $0x88, s6;
	s7 =	simm.s32 @p2 $0x1082  }
0x22: {  	[simem:s7], [sflag:s8] =	dma.local @!p0 [hbm:s6], $0xF7A  }
0x23: {  	s9 =	sor.u32 $0xD0000000, s2;
	s6 =	simm.s32 $0x108;
	_ =	swait.ge @!p0 [sflag:s8], $0x0  }
0x24: {  	s3 =	sadd.s32 $0x88, s3;
	s6 =	simm.s32 @!p1 $0x1082;
	[sflag:s4] =	ssyncset.s32 $0xFFFFF086  }
0x25: {  	[simem:s6], [sflag:s4] =	dma.local [hbm:s3], $0xF7A  }
0x26: {  	[smem:$0x3F94] =	sst s1;
	(tag) =	ssettag s2;
	_ =	strace s9  }
0x27: {  	s1 =	sld [smem:$0x3FA4]  }
0x28: {  	s2 =	sld [smem:$0x3FA5]  }
0x29: {  	s4 =	sld [smem:$0x3FA7]  }
0x2a: {  	p0 =	seq.s32 s5, $0x0;
	s5 =	sld [smem:$0x3FA8]  }
0x2b: {  	s6 =	sld [smem:$0x3FA9]  }
0x2c: {  	s7 =	sld [smem:$0x3FAA]  }
0x2d: {  	s3 =	simm.s32 $0x108;
	s8 =	sld [smem:$0x3FAB]  }
0x2e: {  	s3 =	simm.s32 @!p0 $0x1082;
	s9 =	sld [smem:$0x3FAC]  }
0x2f: {  	lr =	sadd.s32 s0, s3;
	s0 =	sld [smem:$0x3FA3]  }
0x30: {  	s3 =	sld [smem:$0x3FA6]  }
0x31: {  	[smem:$0x3FAF] =	sst s10  }
0x32: {  	s10 =	sld [smem:$0x3FAD];
	_ =	sdelay $0x3  }
0x33: {  	p0 =	seq.s32 s10, $0x1;
	s10 =	sld [smem:$0x3FAF];
	_ =	sdelay $0x3  }
0x34: {  	[smem:$0x3FAF] =	sst s10  }
0x35: {  	s10 =	sld [smem:$0x3FAE];
	_ =	sdelay $0x3  }
0x36: {  	p1 =	seq.s32 s10, $0x1;
	s10 =	sld [smem:$0x3FAF];
	_ =	sdelay $0x3  }
0x37: {  	[smem:$0x3FAF] =	sst s10  }
0x38: {  	s10 =	sld [smem:$0x3FB0]  }
0x39: {  	_ = 	snop;
	(pc) =	sbr.ind lr, $3  }
0x3a: {  	_ = 	snop  }
0x3b: {  	_ = 	snop  }
0x3c: {  	p2 =	seq.s32 s10, $0x1;
	s10 =	sld [smem:$0x3FAF]  }
0x3d: {  	_ =	shalt  }
0x3e: {  	_ =	shalt  }
0x3f: {  	_ =	shalt  }
0x40: {  	_ =	shalt  }
0x41: {  	_ =	shalt  }
0x42: {  	_ =	shalt  }
0x43: {  	_ =	shalt  }
0x44: {  	_ =	shalt  }
0x45: {  	_ =	shalt  }
0x46: {  	_ =	shalt  }
0x47: {  	_ =	shalt  }
0x48: {  	_ =	shalt  }
0x49: {  	_ =	shalt  }
0x4a: {  	_ =	shalt  }
0x4b: {  	_ =	shalt  }
0x4c: {  	_ =	shalt  }
0x4d: {  	_ =	shalt  }
0x4e: {  	_ =	shalt  }
0x4f: {  	_ =	shalt  }
0x50: {  	_ =	shalt  }
0x51: {  	_ =	shalt  }
0x52: {  	_ =	shalt  }
0x53: {  	_ =	shalt  }
0x54: {  	_ =	shalt  }
0x55: {  	_ =	shalt  }
0x56: {  	_ =	shalt  }
0x57: {  	_ =	shalt  }
0x58: {  	_ =	shalt  }
0x59: {  	_ =	shalt  }
0x5a: {  	_ =	shalt  }
0x5b: {  	_ =	shalt  }
0x5c: {  	_ =	shalt  }
0x5d: {  	_ =	shalt  }
0x5e: {  	_ =	shalt  }
0x5f: {  	_ =	shalt  }
0x60: {  	_ =	shalt  }
0x61: {  	_ =	shalt  }
0x62: {  	_ =	shalt  }
0x63: {  	_ =	shalt  }
0x64: {  	_ =	shalt  }
0x65: {  	_ =	shalt  }
0x66: {  	_ =	shalt  }
0x67: {  	_ =	shalt  }
0x68: {  	_ =	shalt  }
0x69: {  	_ =	shalt  }
0x6a: {  	_ =	shalt  }
0x6b: {  	_ =	shalt  }
0x6c: {  	_ =	shalt  }
0x6d: {  	_ =	shalt  }
0x6e: {  	_ =	shalt  }
0x6f: {  	_ =	shalt  }
0x70: {  	_ =	shalt  }
0x71: {  	_ =	shalt  }
0x72: {  	_ =	shalt  }
0x73: {  	_ =	shalt  }
0x74: {  	_ =	shalt  }
0x75: {  	_ =	shalt  }
0x76: {  	_ =	shalt  }
0x77: {  	_ =	shalt  }
0x78: {  	_ =	shalt  }
0x79: {  	_ =	shalt  }
0x7a: {  	_ =	shalt  }
0x7b: {  	_ =	shalt  }
0x7c: {  	_ =	shalt  }
0x7d: {  	_ =	shalt  }
0x7e: {  	_ =	shalt  }
0x7f: {  	_ =	shalt  }
0x80: {  	_ =	shalt  }
0x81: {  	_ =	shalt  }
0x82: {  	_ =	shalt  }
0x83: {  	_ =	shalt  }
0x84: {  	_ =	shalt  }
0x85: {  	_ =	shalt  }
0x86: {  	_ =	shalt  }
0x87: {  	_ =	shalt  }
.Lfunc_end0:
.L_simem_size_0:
called_computation.2_lowered:
.L_overlay_start_0:
0x88: {  	s2 =	sld [smem:$0x3FD9]  }
0x89: {  	s3 =	sld [smem:$0x3FFE];
	_ =	sdelay $0x1  }
0x8a: {  	s1 =	srdreg.scid  }
0x8b: {  	s0 =	sand.u32 $0x1, s1  }
0x8c: {  	s16 =	sshll.u32 s0, $0xA;
	s2 =	sadd.s32 s3, s2  }
0x8d: {  	s2 =	sadd.s32 s2, s16  }
0x8e: {  	[smem:$0x3FBB] =	sst s2  }
0x8f: {  	_ = 	snop  }
0x90: {  	(tm) =	ssettm $0x1  }
0x91: {  	s17 =	sld [smem:$0x3FFB];
	_ =	sdelay $0x3  }
0x92: {  	_ =	strace s17  }
0x93: {  	s2 =	sld [smem:$0x3FFC];
	_ =	sdelay $0x3  }
0x94: {  	_ =	strace s2  }
0x95: {  	s2 =	sld [smem:$0x3FFD];
	_ =	sdelay $0x3  }
0x96: {  	_ =	strace s2  }
0x97: {  	_ =	strace $0x8FFFFFFF  }
0x98: {  	s18 =	sld [smem:$0x3FDB];
	_ =	sdelay $0x1  }
0x99: {  	s19 =	simm.s32 $_scs_section_size  }
0x9a: {  	s4 =	simm.s32 $_size__tile_overlayer_lowered;
	s5 =	simm.s32 $_tile_overlayer_lowered  }
0x9b: {  	s22 =	simm.s32 $0x1BFF;
	s21 =	sshll.u32 s5, $0x1;
	s2 =	sadd.s32 s19, s18  }
0x9c: {  	s6 =	simm.s32 $0x0;
	s20 =	sshll.u32 s4, $0x1;
	s4 =	sadd.s32 s21, s2  }
0x9d: {  	[timem:s6], [sflag:s22] =	dma.local [hbm:s4], s20  }
0x9e: {  	_ =	swait.ge [sflag:s22], s20  }
0x9f: {  	s3 =	ssub.s32 $0x0, s20;
	[sflag:s22] =	ssyncset.done $0x0  }
0xa0: {  	[sflag:s22] =	ssyncadd.s32 s3;
	_ =	sdelay $0x1  }
0xa1: {  	s23 =	simm.s32 $0x1B8B  }
0xa2: {  	_ =	swait.ge [sflag:s23], $0x1  }
0xa3: {  	[sflag:s23] =	ssyncset.done $0x0  }
0xa4: {  	s25 =	simm.s32 $0x1B8E;
	s24 =	sld [smem:$0x3FFE];
	[sflag:s23] =	ssyncadd.s32 $0xFFFFFFFF  }
0xa5: {  	s26 =	simm.s32 $execute0_lowered;
	[smem:$0x3FD2] =	sst s25  }
0xa6: {  	s4 =	sshll.u32 s26, $0x1;
	_ =	strace $0x8000004C;
	[dreg:$0x1] =	wrdreg $0xFFFFFFFF  }
0xa7: {  	s28 =	simm.s32 $_size_execute0_lowered;
	s2 =	sadd.s32 s2, s4;
	[dreg:$0x0] =	wrdreg $0x0  }
0xa8: {  	s4 =	sshll.u32 s28, $0x1;
	[dreg:$0x2] =	wrdreg s2  }
0xa9: {  	[dreg:$0x3] =	wrdreg s4  }
0xaa: {  	[dreg:$0x4] =	wrdreg $0xC0  }
0xab: {  	_ =	task [dreg:s6], $0x5FFFF  }
0xac: {  	[dreg:$0x1] =	wrdreg $0xFFFFFFFF  }
0xad: {  	[dreg:$0x0] =	wrdreg $0x60  }
0xae: {  	[dreg:$0x2] =	wrdreg s24  }
0xaf: {  	[dreg:$0x3] =	wrdreg $0x0  }
0xb0: {  	[dreg:$0x4] =	wrdreg $0x4E200  }
0xb1: {  	[dreg:$0x5] =	wrdreg $0x9  }
0xb2: {  	_ =	task.clear_ibuf [dreg:s6], $0x6FFFF;
	_ =	strace $0x9000004C  }
0xb3: {  	s29 =	simm.s32 $0x9;
	_ =	strace $0x8000004E  }
0xb4: {  	_ =	swait.ge [sflag:s29], $0x1  }
0xb5: {  	[sflag:s29] =	ssyncadd.s32 $0xFFFFFFFF  }
0xb6: {  	_ =	strace $0x9000004E  }
0xb7: {  	_ =	sfence  }
0xb8: {  	s30 =	sld [smem:$0x0];
	_ =	sdelay $0x2  }
0xb9: {  	s31 =	sshll.u32 s1, $0xD;
	s1 =	sshrl.u32 s1, $0x2  }
0xba: {  	s3 =	sand.u32 $0x4000, s31;
	s1 =	sadd.s32 s1, s30  }
0xbb: {  	s0 =	sor.u32 s3, s0;
	s1 =	sshll.u32 s1, $0x11  }
0xbc: {  	s0 =	sor.u32 s1, s0  }
0xbd: {  	s0 =	sadd.s32 $0x8F2B, s0  }
0xbe: {  	[sflag:s0] =	ssyncadd.remote.s32 $0x1  }
0xbf: {  	_ =	sfence.sel $0xFFFF  }
0xc0: {  	[dreg:$0x0] =	wrdreg $0xFFFFFFFF;
	(pc) =	sbr.abs _section_cstart, $3  }
0xc1: {  	[dreg:$0x1] =	wrdreg $0xFFFFFFFF  }
0xc2: {  	_ =	task.clear_ibuf [dreg:s6], $0x2FFFF;
	_ =	strace $0x9FFFFFFF  }
0xc3: {  	(tm) =	ssettm $0x7FFFFFFF  }
tec
execute0_lowered:
.L_overlay_start_1:
0x0: {  	(tag) =	ssettag $0x1  }
0x1: {  	s0 =	rddreg [dreg:$0x0]  }
0x2: {  	s2 =	rddreg [dreg:$0x1]  }
0x3: {  	s1 =	srdreg.scid;
	s15 =	stileid.u32  }
0x4: {  	s3 =	rddreg [dreg:$0x2];
	s4 =	simm.s32 $0x0;
	s19 =	simm.s32 $0x8  }
0x5: {  	s31 =	simm.s32 $0x64;
	s30 =	simm.s32 $0x12C20;
	s17 =	simm.s32 $0x151A0  }
0x6: {  	s18 =	simm.s32 $0x2;
	s20 =	simm.s32 $0x5;
	s9 =	smul.u32 $0x9C40, s15  }
0x7: {  	[smem:$0x7FF] =	sst s4;
	s11 =	smul.u32 $0x13880, s15;
	s7 =	sadd.s32 $0x2BC800, s0  }
0x8: {  	s1 =	sand.u32 $0x1, s1;
	s8 =	sadd.s32 $0x2B2400, s0;
	s13 =	sadd.s32 $0x2C6C00, s0  }
0x9: {  	s14 =	smul.u32 $0x138800, s15;
	s23 =	sshll.u32 s15, $0x6;
	s5 =	sshll.u32 s1, $0x5  }
0xa: {  	_ =	strace $0x8000004D;
	s10 =	sshll.u32 s1, $0x6;
	[dreg:$0x4] =	wrdreg s13  }
0xb: {  	s1 =	ssub.s32 $0x2, s1;
	s16 =	sor.u32 $0x1C07, s23;
	s23 =	simm.s32 $0x138A0  }
0xc: {  	s6 =	sor.u32 s5, s9;
	s10 =	sor.u32 s10, s11;
	s21 =	sshrl.u32 s1, $0x1  }
0xd: {  	s22 =	sshrl.u32 s11, $0x2;
	s11 =	smul.u32 $0x4E20, s15;
	s14 =	sor.u32 s5, s14  }
0xe: {  	s9 =	sadd.s32 s9, s3;
	[dreg:$0x6] =	wrdreg s16;
	s6 =	sshrl.u32 s6, $0x3  }
0xf: {  	s10 =	sshrl.u32 s10, $0x3;
	s1 =	ssub.s32 s1, s21;
	s13 =	sadd.s32 s22, s2  }
0x10: {  	[dreg:$0x7] =	wrdreg s9;
	s24 =	sshrl.u32 s14, $0x3;
	s21 =	simm.s32 $0x1  }
0x11: {  	s22 =	simm.s32 $0x4;
	s14 =	simm.s32 $0x105D0;
	s12 =	sadd.s32 s6, s0  }
0x12: {  	s6 =	sadd.s32 $0x564C00, s0;
	s0 =	sadd.s32 s10, s0;
	s28 =	smax.u32 s1, $0x1  }
0x13: {  	s10 =	smul.u32 $0xC8, s15;
	s29 =	sshrl.u32 s13, $0x3;
	[dreg:$0xc] =	wrdreg s28  }
0x14: {  	s15 =	smul.u32 $0xA28, s15;
	s12 =	sadd.s32 $0x2C8000, s12;
	[dreg:$0xd] =	wrdreg s29  }
0x15: {  	s1 =	simm.s32 $0x11FA0;
	s9 =	sadd.s32 s6, s24;
	[dreg:$0x5] =	wrdreg s12  }
0x16: {  	s13 =	simm.s32 $0x6;
	s0 =	sadd.s32 $0x2F1400, s0;
	[dreg:$0xa] =	wrdreg s9  }
0x17: {  	s24 =	simm.s32 $0x7;
	s25 =	sadd.s32 s7, s15;
	[dreg:$0xb] =	wrdreg s0  }
0x18: {  	s26 =	sadd.s32 s8, s15;
	s9 =	simm.s32 $0x3;
	[dreg:$0x8] =	wrdreg s25  }
0x19: {  	v0 =	vimm.bf16 $0.0e+00;
	s12 =	simm.s32 $0x10500;
	s15 =	simm.s32 $0x0;
	[dreg:$0x9] =	wrdreg s26  }
.LBB2_1:
0x1a: {  	[dreg:$0xe] =	wrdreg s15  }
0x1b: {  	s0 =	rddreg [dreg:$0x5]  }
0x1c: {  	s25 =	rddreg [dreg:$0xd]  }
0x1d: {  	[spmem:s25@s22], [sflag:s16] =	dma.strided [hbm:s0@s19], $0x9C4, s21, $0x4   }
0x1e: {  	_ =	swait.ge [sflag:s24], $0x9C4  }
0x1f: {  	s26 =	rddreg [dreg:$0x7]  }
0x20: {  	[sflag:s24] =	ssyncset.done $0x0;
	s29 =	rddreg [dreg:$0x4];
	s28 =	sshrl.u32 s26, $0x3  }
0x21: {  	[sflag:s24] =	ssyncadd.s32 $0xFFFFF63C;
	[dreg:$0xf] =	wrdreg s28  }
0x22: {  	[spmem:s28], [sflag:s16] =	dma.local [hbm:s29], $0x1388  }
0x23: {  	_ =	swait.ge [sflag:s24], $0x1388  }
0x24: {  	[sflag:s24] =	ssyncset.done $0x0  }
0x25: {  	s16 =	simm.s32 $0xEA60;
	s15 =	rddreg [dreg:$0x8];
	[sflag:s24] =	ssyncadd.s32 $0xFFFFEC78  }
0x26: {  	[tilespmem:s16], [sflag:$0x1] =	stream.linear.gather [hbm4b:s15+s4], $0xD0, $0x38;
	[tilespmem:$0x16AA0] =	vst v63  }
0x27: {  	s26 =	simm.s32 $0x20;
	s19 =	rddreg [dreg:$0x9];
	s24 =	simm.s32 $0xEB30  }
0x28: {  	[tilespmem:s24], [sflag:$0x1] =	stream.linear.gather [hbm4b:s19+s4], $0xD0, $0x38;
	[tilespmem:$0x16AA0] =	vst v63  }
0x29: {  	s28 =	simm.s32 $0x40;
	s29 =	simm.s32 $0xEC00;
	s25 =	rddreg [dreg:$0xa]  }
0x2a: {  	[tilespmem:s29], [sflag:$0x1] =	stream.strided.gather [hbm4b:s25+s26], $0x1900, s28, s26, $0x38;
	[tilespmem:$0x16AA0] =	vst v63  }
0x2b: {  	s0 =	simm.s32 $0x0;
	[bflag:$0x0] =	sbarrier.arrive $0xFFFF  }
.LBB2_2:
0x2c: {  	_ =	swait.ge [sflag:s21], $0xD0  }
0x2d: {  	[sflag:s21] =	ssyncset.done $0x0  }
0x2e: {  	[sflag:s21] =	ssyncadd.s32 $0xFFFFFF30  }
0x2f: {  	_ =	swait.ge [sflag:s21], $0xD0  }
0x30: {  	[sflag:s21] =	ssyncset.done $0x0  }
0x31: {  	[sflag:s21] =	ssyncadd.s32 $0xFFFFFF30  }
0x32: {  	_ =	swait.ge [sflag:s21], $0x1900  }
0x33: {  	[sflag:s21] =	ssyncset.done $0x0  }
0x34: {  	s15 =	simm.s32 $0xEA60;
	[sflag:s21] =	ssyncadd.s32 $0xFFFFE700  }
0x35: {  	[tilespmem:s1], [sflag:$0x3] =	stream.indirect.gather [spmem:s2], $0x20, s15, s31, $0xb8;
	[tilespmem:$0x16AA0] =	vst v63  }
0x36: {  	s29 =	simm.s32 $0xEAC8  }
0x37: {  	[tilespmem:s30], [sflag:$0x4] =	stream.indirect.gather [spmem:s2], $0x20, s29, s31, $0xb8;
	[tilespmem:$0x16AA0] =	vst v63  }
0x38: {  	_ =	swait.ge [sflag:s9], $0xC80  }
0x39: {  	p0 =	seq.s32 s0, $0x0;
	[sflag:s9] =	ssyncset.done $0x0  }
0x3a: {  	s15 =	simm.s32 @!p0 $0x5;
	[sflag:s9] =	ssyncadd.s32 $0xFFFFF380  }
0x3b: {  	_ =	swait.ge @!p0 [sflag:s15], $0x1900  }
0x3c: {  	[sflag:s15] =	ssyncset.done @!p0 $0x0  }
0x3d: {  	s26 =	simm.s32 $0x11FE0;
	[sflag:s15] =	ssyncadd.s32 @!p0 $0xFFFFE700  }
0x3e: {  	s25 =	simm.s32 $0xEC40;
	v1 =	vld [tilespmem:s26+$0x20]  }
0x3f: {  	v2 =	vld [tilespmem:s25+$0x20];
	_ =	sdelay $0x2  }
0x40: {  	v3 =	vld [tilespmem:s26+$0xFFFFFFE0]  }
0x41: {  	v4 =	vld [tilespmem:s25+$0xFFFFFFE0]  }
0x42: {  	v1 =	vadd.bf16 v2, v1  }
0x43: {  	s16 =	simm.s32 $0x12060;
	v6 =	vld [tilespmem:s25+$0x0]  }
0x44: {  	v9 =	vld [tilespmem:s16+$0xFFFFFFE0];
	v1 =	vmax.bf16 v1, v0  }
0x45: {  	s15 =	simm.s32 $0x13920;
	v2 =	vld [tilespmem:s25+$0xFFFFFFC0];
	v5 =	vunpack.i.l.bf16.f32 v1  }
0x46: {  	v3 =	vadd.bf16 v4, v3;
	v4 =	vld [tilespmem:s26+$0x0];
	v1 =	vunpack.i.u.bf16.f32 v1;
	[tilespmem:s15+$0x40] =	vst v5  }
0x47: {  	v5 =	vld [tilespmem:s26+$0xFFFFFFC0];
	[tilespmem:s15+$0x50] =	vst v1  }
0x48: {  	v3 =	vmax.bf16 v3, v0;
	v7 =	vld [tilespmem:s26+$0x30]  }
0x49: {  	v1 =	vunpack.i.l.bf16.f32 v3;
	v3 =	vunpack.i.u.bf16.f32 v3;
	v8 =	vld [tilespmem:s25+$0x30]  }
0x4a: {  	s24 =	simm.s32 $0xECC0;
	[tilespmem:s15+$0xFFFFFFD0] =	vst v3;
	v3 =	vld [tilespmem:s16+$0x20]  }
0x4b: {  	v4 =	vadd.bf16 v6, v4;
	v6 =	vld [tilespmem:s24+$0x20]  }
0x4c: {  	v11 =	vld [tilespmem:s24+$0xFFFFFFE0];
	[tilespmem:s15+$0xFFFFFFC0] =	vst v1;
	v2 =	vadd.bf16 v2, v5  }
0x4d: {  	v1 =	vld [tilespmem:s26+$0xFFFFFFF0];
	v4 =	vmax.bf16 v4, v0  }
0x4e: {  	v10 =	vunpack.i.l.bf16.f32 v4;
	v5 =	vld [tilespmem:s24+$0xFFFFFFC0];
	v2 =	vmax.bf16 v2, v0  }
0x4f: {  	[tilespmem:s15+$0x0] =	vst v10;
	v10 =	vld [tilespmem:s24+$0x0];
	v7 =	vadd.bf16 v8, v7;
	v12 =	vunpack.i.l.bf16.f32 v2  }
0x50: {  	v8 =	vld [tilespmem:s16+$0x0];
	v3 =	vadd.bf16 v6, v3;
	v2 =	vunpack.i.u.bf16.f32 v2;
	[tilespmem:s15+$0xFFFFFF80] =	vst v12  }
0x51: {  	v4 =	vunpack.i.u.bf16.f32 v4;
	v6 =	vld [tilespmem:s16+$0xFFFFFFC0];
	[tilespmem:s15+$0xFFFFFF90] =	vst v2;
	v2 =	vmax.bf16 v7, v0  }
0x52: {  	[tilespmem:s15+$0x10] =	vst v4;
	v3 =	vmax.bf16 v3, v0;
	v4 =	vunpack.i.u.bf16.f32 v2;
	v12 =	vld [tilespmem:s26+$0xFFFFFFD0]  }
0x53: {  	s19 =	simm.s32 $0x13A20;
	v7 =	vadd.bf16 v11, v9;
	v13 =	vld [tilespmem:s25+$0xFFFFFFD0];
	[tilespmem:s15+$0x70] =	vst v4;
	v4 =	vunpack.i.l.bf16.f32 v3  }
0x54: {  	v9 =	vunpack.i.l.bf16.f32 v2;
	v2 =	vld [tilespmem:s26+$0x10];
	v3 =	vunpack.i.u.bf16.f32 v3;
	[tilespmem:s19+$0x40] =	vst v4  }
0x55: {  	v7 =	vmax.bf16 v7, v0;
	v8 =	vadd.bf16 v10, v8;
	v4 =	vld [tilespmem:s25+$0xFFFFFFF0];
	[tilespmem:s19+$0x50] =	vst v3  }
0x56: {  	[tilespmem:s15+$0x60] =	vst v9;
	v3 =	vadd.bf16 v5, v6;
	v6 =	vunpack.i.l.bf16.f32 v7;
	v5 =	vld [tilespmem:s16+$0x30]  }
0x57: {  	v9 =	vunpack.i.u.bf16.f32 v7;
	[tilespmem:s19+$0xFFFFFFC0] =	vst v6;
	v6 =	vmax.bf16 v8, v0;
	v7 =	vld [tilespmem:s24+$0x30]  }
0x58: {  	[tilespmem:s19+$0xFFFFFFD0] =	vst v9;
	v3 =	vmax.bf16 v3, v0;
	v8 =	vunpack.i.u.bf16.f32 v6;
	v10 =	vunpack.i.l.bf16.f32 v6;
	v6 =	vld [tilespmem:s25+$0x10]  }
0x59: {  	s28 =	simm.s32 $0x120E0;
	s26 =	simm.s32 $0x4;
	s25 =	simm.s32 $0xECC0;
	v9 =	vunpack.i.u.bf16.f32 v3;
	v11 =	vunpack.i.l.bf16.f32 v3;
	v3 =	vld [tilespmem:s16+$0xFFFFFFF0];
	[tilespmem:s19+$0x0] =	vst v10;
	v10 =	vadd.bf16 v13, v12  }
.LBB2_3:
0x5a: {  	v12 =	vld [tilespmem:s28+$0x20];
	[tilespmem:s19+$0xFFFFFF80] =	vst v11;
	s24 =	sadd.s32 $0x80, s24;
	v1 =	vadd.bf16 v4, v1  }
0x5b: {  	v4 =	vld [tilespmem:s24+$0x20];
	[tilespmem:s19+$0xFFFFFF90] =	vst v9;
	v9 =	vmax.bf16 v10, v0  }
0x5c: {  	v10 =	vld [tilespmem:s24+$0xFFFFFFC0];
	[tilespmem:s19+$0x10] =	vst v8;
	v5 =	vadd.bf16 v7, v5;
	v7 =	vunpack.i.u.bf16.f32 v9;
	v11 =	vmax.bf16 v1, v0  }
0x5d: {  	s26 =	sadd.s32 $0x4, s26;
	v9 =	vunpack.i.l.bf16.f32 v9;
	v8 =	vld [tilespmem:s28+$0xFFFFFFE0];
	[tilespmem:s15+$0xFFFFFFB0] =	vst v7;
	v7 =	vunpack.i.u.bf16.f32 v11;
	v2 =	vadd.bf16 v6, v2  }
0x5e: {  	p1 =	slt.u32 s26, $0x60;
	v6 =	vld [tilespmem:s24+$0xFFFFFFE0];
	v5 =	vmax.bf16 v5, v0;
	[tilespmem:s15+$0xFFFFFFA0] =	vst v9;
	v9 =	vunpack.i.l.bf16.f32 v11;
	v1 =	vmov v3  }
0x5f: {  	v3 =	vld [tilespmem:s28+$0x0];
	v11 =	vunpack.i.u.bf16.f32 v5;
	v13 =	vunpack.i.l.bf16.f32 v5;
	[tilespmem:s15+$0xFFFFFFE0] =	vst v9;
	v2 =	vmax.bf16 v2, v0  }
0x60: {  	v5 =	vld [tilespmem:s24+$0x0];
	v4 =	vadd.bf16 v4, v12;
	[tilespmem:s19+$0x70] =	vst v11;
	v9 =	vunpack.i.u.bf16.f32 v2;
	v2 =	vunpack.i.l.bf16.f32 v2  }
0x61: {  	v11 =	vld [tilespmem:s28+$0xFFFFFFC0];
	[tilespmem:s15+$0xFFFFFFF0] =	vst v7  }
0x62: {  	v4 =	vmax.bf16 v4, v0;
	v12 =	vld [tilespmem:s16+$0xFFFFFFD0];
	[tilespmem:s15+$0x20] =	vst v2  }
0x63: {  	v2 =	vadd.bf16 v6, v8;
	v6 =	vunpack.i.l.bf16.f32 v4;
	v14 =	vld [tilespmem:s25+$0xFFFFFFD0];
	[tilespmem:s15+$0x30] =	vst v9;
	s15 =	smov.u32 s19;
	s19 =	sadd.s32 $0x100, s19  }
0x64: {  	v7 =	vunpack.i.u.bf16.f32 v4;
	[tilespmem:s19+$0x40] =	vst v6;
	v4 =	vld [tilespmem:s25+$0xFFFFFFF0]  }
.Ltmp0:
0x65: {  	v6 =	vmax.bf16 v2, v0;
	v3 =	vadd.bf16 v5, v3;
	[tilespmem:s19+$0x50] =	vst v7;
	v2 =	vld [tilespmem:s16+$0x10];
	s16 =	smov.u32 s28;
	(pc) =	sbr.rel @p1 .LBB2_3-.Ltmp0, $4  }
0x66: {  	v8 =	vadd.bf16 v10, v11;
	v9 =	vunpack.i.u.bf16.f32 v6;
	v6 =	vunpack.i.l.bf16.f32 v6;
	v5 =	vld [tilespmem:s28+$0x30];
	[tilespmem:s15+$0x60] =	vst v13  }
0x67: {  	[tilespmem:s19+$0xFFFFFFC0] =	vst v6;
	v3 =	vmax.bf16 v3, v0;
	v7 =	vld [tilespmem:s24+$0x30]  }
0x68: {  	v10 =	vmax.bf16 v8, v0;
	[tilespmem:s19+$0xFFFFFFD0] =	vst v9;
	v8 =	vunpack.i.u.bf16.f32 v3;
	v13 =	vunpack.i.l.bf16.f32 v3;
	v6 =	vld [tilespmem:s25+$0x10];
	s25 =	smov.u32 s24  }
0x69: {  	s28 =	sadd.s32 $0x80, s28;
	v9 =	vunpack.i.u.bf16.f32 v10;
	v11 =	vunpack.i.l.bf16.f32 v10;
	v3 =	vld [tilespmem:s16+$0xFFFFFFF0];
	[tilespmem:s19+$0x0] =	vst v13;
	v10 =	vadd.bf16 v14, v12  }
0x6a: {  	[tilespmem:s19+$0xFFFFFF80] =	vst v11  }
0x6b: {  	[tilespmem:s19+$0xFFFFFF90] =	vst v9  }
0x6c: {  	v1 =	vadd.bf16 v4, v1;
	v4 =	vmax.bf16 v10, v0;
	v9 =	vld [tilespmem:s16+$0xFFFFFFD0]  }
0x6d: {  	[tilespmem:s19+$0x10] =	vst v8;
	v8 =	vld [tilespmem:s25+$0xFFFFFFD0];
	v5 =	vadd.bf16 v7, v5;
	v7 =	vunpack.i.u.bf16.f32 v4  }
0x6e: {  	v1 =	vmax.bf16 v1, v0;
	v4 =	vunpack.i.l.bf16.f32 v4;
	[tilespmem:s15+$0xFFFFFFB0] =	vst v7  }
0x6f: {  	v2 =	vadd.bf16 v6, v2;
	[tilespmem:s15+$0xFFFFFFA0] =	vst v4;
	v4 =	vunpack.i.l.bf16.f32 v1;
	v6 =	vld [tilespmem:s25+$0xFFFFFFF0];
	v5 =	vmax.bf16 v5, v0  }
0x70: {  	[tilespmem:s15+$0xFFFFFFE0] =	vst v4;
	v4 =	vld [tilespmem:s16+$0x10];
	v7 =	vunpack.i.u.bf16.f32 v5  }
0x71: {  	v1 =	vunpack.i.u.bf16.f32 v1;
	[tilespmem:s19+$0x70] =	vst v7;
	v7 =	vld [tilespmem:s25+$0x10]  }
0x72: {  	[tilespmem:s15+$0xFFFFFFF0] =	vst v1;
	v2 =	vmax.bf16 v2, v0;
	v5 =	vunpack.i.l.bf16.f32 v5;
	v1 =	vadd.bf16 v8, v9  }
0x73: {  	v10 =	vunpack.i.l.bf16.f32 v2;
	v2 =	vunpack.i.u.bf16.f32 v2;
	[tilespmem:s19+$0x60] =	vst v5  }
0x74: {  	[tilespmem:s15+$0x30] =	vst v2;
	v2 =	vadd.bf16 v6, v3;
	v1 =	vmax.bf16 v1, v0  }
0x75: {  	[tilespmem:s15+$0x20] =	vst v10;
	v3 =	vunpack.i.u.bf16.f32 v1  }
0x76: {  	v1 =	vunpack.i.l.bf16.f32 v1;
	v2 =	vmax.bf16 v2, v0;
	[tilespmem:s19+$0xFFFFFFB0] =	vst v3;
	v3 =	vadd.bf16 v7, v4  }
0x77: {  	[tilespmem:s19+$0xFFFFFFA0] =	vst v1;
	v1 =	vunpack.i.l.bf16.f32 v2  }
0x78: {  	v2 =	vunpack.i.u.bf16.f32 v2;
	[tilespmem:s19+$0xFFFFFFE0] =	vst v1;
	v1 =	vmax.bf16 v3, v0  }
0x79: {  	[tilespmem:s19+$0xFFFFFFF0] =	vst v2;
	v3 =	vunpack.i.l.bf16.f32 v1  }
0x7a: {  	v1 =	vunpack.i.u.bf16.f32 v1;
	[tilespmem:s19+$0x20] =	vst v3  }
0x7b: {  	s24 =	simm.s32 $0xEB30;
	[tilespmem:s19+$0x30] =	vst v1  }
0x7c: {  	[spmem:s3] =	stream.indirect.scatter.add.f32 [tilespmem:s23], [sflag:$0x5], $0x40, s24, s31, $0xb8;
	[tilespmem:$0x16AA0] =	vst v63  }
0x7d: {  	s25 =	sshllo.u32 s0, $0x1;
	_ =	swait.ge [sflag:s22], $0xC80  }
0x7e: {  	s26 =	sshll.u32 s25, $0x1;
	s15 =	smul.u32 $0xC8, s25;
	[sflag:s22] =	ssyncset.done $0x0  }
0x7f: {  	s16 =	sadd.s32 s10, s26;
	s19 =	simm.s32 @!p0 $0x6;
	[sflag:s22] =	ssyncadd.s32 $0xFFFFF380  }
0x80: {  	s16 =	smul.u32 $0xD, s16;
	s15 =	sadd.s32 s11, s15;
	_ =	swait.ge @!p0 [sflag:s19], $0x1900  }
0x81: {  	s15 =	sshll.u32 s15, $0x6;
	[sflag:s19] =	ssyncset.done @!p0 $0x0  }
0x82: {  	s15 =	sor.u32 s5, s15;
	s24 =	sadd.s32 s7, s16;
	[sflag:s19] =	ssyncadd.s32 @!p0 $0xFFFFE700  }
0x83: {  	[tilespmem:s12], [sflag:$0x2] =	stream.linear.gather [hbm4b:s24+s4], $0xD0, $0x38;
	[tilespmem:$0x16AA0] =	vst v63  }
0x84: {  	s25 =	simm.s32 $0x20;
	s15 =	sshrl.u32 s15, $0x3;
	s16 =	sadd.s32 s8, s16  }
0x85: {  	[tilespmem:s14], [sflag:$0x2] =	stream.linear.gather [hbm4b:s16+s4], $0xD0, $0x38;
	[tilespmem:$0x16AA0] =	vst v63  }
0x86: {  	s26 =	simm.s32 $0x40;
	s15 =	sadd.s32 s6, s15;
	s24 =	simm.s32 $0x106A0  }
0x87: {  	[tilespmem:s24], [sflag:$0x2] =	stream.strided.gather [hbm4b:s15+s25], $0x1900, s26, s25, $0x38;
	[tilespmem:$0x16AA0] =	vst v63  }
0x88: {  	s15 =	simm.s32 $0x12C60  }
0x89: {  	s26 =	simm.s32 $0xF8F0;
	v1 =	vld [tilespmem:s15+$0x20]  }
0x8a: {  	v2 =	vld [tilespmem:s26+$0xFFFFFFF0];
	_ =	sdelay $0x2  }
0x8b: {  	v3 =	vld [tilespmem:s15+$0xFFFFFFE0]  }
0x8c: {  	v4 =	vld [tilespmem:s26+$0xFFFFFFB0]  }
0x8d: {  	v1 =	vadd.bf16 v2, v1  }
0x8e: {  	s19 =	simm.s32 $0x12CE0;
	v6 =	vld [tilespmem:s26+$0xFFFFFFD0]  }
0x8f: {  	v9 =	vld [tilespmem:s19+$0xFFFFFFE0];
	v1 =	vmax.bf16 v1, v0  }
0x90: {  	s16 =	simm.s32 $0x15220;
	v2 =	vld [tilespmem:s26+$0xFFFFFF90];
	v5 =	vunpack.i.l.bf16.f32 v1  }
0x91: {  	v3 =	vadd.bf16 v4, v3;
	v4 =	vld [tilespmem:s15+$0x0];
	v1 =	vunpack.i.u.bf16.f32 v1;
	[tilespmem:s16+$0x40] =	vst v5  }
0x92: {  	v5 =	vld [tilespmem:s15+$0xFFFFFFC0];
	[tilespmem:s16+$0x50] =	vst v1  }
0x93: {  	v3 =	vmax.bf16 v3, v0;
	v7 =	vld [tilespmem:s15+$0x30]  }
0x94: {  	v1 =	vunpack.i.l.bf16.f32 v3;
	v3 =	vunpack.i.u.bf16.f32 v3;
	v8 =	vld [tilespmem:s26+$0x0]  }
0x95: {  	s25 =	simm.s32 $0xF970;
	[tilespmem:s16+$0xFFFFFFD0] =	vst v3;
	v3 =	vld [tilespmem:s19+$0x20]  }
0x96: {  	v4 =	vadd.bf16 v6, v4;
	v6 =	vld [tilespmem:s25+$0xFFFFFFF0]  }
0x97: {  	v11 =	vld [tilespmem:s25+$0xFFFFFFB0];
	[tilespmem:s16+$0xFFFFFFC0] =	vst v1;
	v2 =	vadd.bf16 v2, v5  }
0x98: {  	v1 =	vld [tilespmem:s15+$0xFFFFFFF0];
	v4 =	vmax.bf16 v4, v0  }
0x99: {  	v10 =	vunpack.i.l.bf16.f32 v4;
	v5 =	vld [tilespmem:s25+$0xFFFFFF90];
	v2 =	vmax.bf16 v2, v0  }
0x9a: {  	[tilespmem:s16+$0x0] =	vst v10;
	v10 =	vld [tilespmem:s25+$0xFFFFFFD0];
	v7 =	vadd.bf16 v8, v7;
	v12 =	vunpack.i.l.bf16.f32 v2  }
0x9b: {  	v8 =	vld [tilespmem:s19+$0x0];
	v3 =	vadd.bf16 v6, v3;
	v2 =	vunpack.i.u.bf16.f32 v2;
	[tilespmem:s16+$0xFFFFFF80] =	vst v12  }
0x9c: {  	v4 =	vunpack.i.u.bf16.f32 v4;
	v6 =	vld [tilespmem:s19+$0xFFFFFFC0];
	[tilespmem:s16+$0xFFFFFF90] =	vst v2;
	v2 =	vmax.bf16 v7, v0  }
0x9d: {  	[tilespmem:s16+$0x10] =	vst v4;
	v3 =	vmax.bf16 v3, v0;
	v4 =	vunpack.i.u.bf16.f32 v2;
	v12 =	vld [tilespmem:s15+$0xFFFFFFD0]  }
0x9e: {  	s24 =	simm.s32 $0x15320;
	v7 =	vadd.bf16 v11, v9;
	v13 =	vld [tilespmem:s26+$0xFFFFFFA0];
	[tilespmem:s16+$0x70] =	vst v4;
	v4 =	vunpack.i.l.bf16.f32 v3  }
0x9f: {  	v9 =	vunpack.i.l.bf16.f32 v2;
	v2 =	vld [tilespmem:s15+$0x10];
	v3 =	vunpack.i.u.bf16.f32 v3;
	[tilespmem:s24+$0x40] =	vst v4  }
0xa0: {  	v7 =	vmax.bf16 v7, v0;
	v8 =	vadd.bf16 v10, v8;
	v4 =	vld [tilespmem:s26+$0xFFFFFFC0];
	[tilespmem:s24+$0x50] =	vst v3  }
0xa1: {  	[tilespmem:s16+$0x60] =	vst v9;
	v3 =	vadd.bf16 v5, v6;
	v6 =	vunpack.i.l.bf16.f32 v7;
	v5 =	vld [tilespmem:s19+$0x30]  }
0xa2: {  	v9 =	vunpack.i.u.bf16.f32 v7;
	[tilespmem:s24+$0xFFFFFFC0] =	vst v6;
	v6 =	vmax.bf16 v8, v0;
	v7 =	vld [tilespmem:s25+$0x0]  }
0xa3: {  	s28 =	simm.s32 $0x4;
	[tilespmem:s24+$0xFFFFFFD0] =	vst v9;
	v3 =	vmax.bf16 v3, v0;
	v8 =	vunpack.i.u.bf16.f32 v6;
	v10 =	vunpack.i.l.bf16.f32 v6;
	v6 =	vld [tilespmem:s26+$0xFFFFFFE0]  }
0xa4: {  	s29 =	simm.s32 $0x12D60;
	s15 =	sshll.u32 s0, $0x1;
	s26 =	simm.s32 $0xF970;
	v9 =	vunpack.i.u.bf16.f32 v3;
	v11 =	vunpack.i.l.bf16.f32 v3;
	v3 =	vld [tilespmem:s19+$0xFFFFFFF0];
	[tilespmem:s24+$0x0] =	vst v10;
	v10 =	vadd.bf16 v13, v12  }
.LBB2_5:
0xa5: {  	v12 =	vld [tilespmem:s29+$0x20];
	[tilespmem:s24+$0xFFFFFF80] =	vst v11;
	s25 =	sadd.s32 $0x80, s25;
	v1 =	vadd.bf16 v4, v1  }
0xa6: {  	v4 =	vld [tilespmem:s25+$0xFFFFFFF0];
	[tilespmem:s24+$0xFFFFFF90] =	vst v9;
	v9 =	vmax.bf16 v10, v0  }
0xa7: {  	v10 =	vld [tilespmem:s25+$0xFFFFFF90];
	[tilespmem:s24+$0x10] =	vst v8;
	v5 =	vadd.bf16 v7, v5;
	v7 =	vunpack.i.u.bf16.f32 v9;
	v11 =	vmax.bf16 v1, v0  }
0xa8: {  	s28 =	sadd.s32 $0x4, s28;
	v9 =	vunpack.i.l.bf16.f32 v9;
	v8 =	vld [tilespmem:s29+$0xFFFFFFE0];
	[tilespmem:s16+$0xFFFFFFB0] =	vst v7;
	v7 =	vunpack.i.u.bf16.f32 v11;
	v2 =	vadd.bf16 v6, v2  }
0xa9: {  	p0 =	slt.u32 s28, $0x60;
	v6 =	vld [tilespmem:s25+$0xFFFFFFB0];
	v5 =	vmax.bf16 v5, v0;
	[tilespmem:s16+$0xFFFFFFA0] =	vst v9;
	v9 =	vunpack.i.l.bf16.f32 v11;
	v1 =	vmov v3  }
0xaa: {  	v3 =	vld [tilespmem:s29+$0x0];
	v11 =	vunpack.i.u.bf16.f32 v5;
	v13 =	vunpack.i.l.bf16.f32 v5;
	[tilespmem:s16+$0xFFFFFFE0] =	vst v9;
	v2 =	vmax.bf16 v2, v0  }
0xab: {  	v5 =	vld [tilespmem:s25+$0xFFFFFFD0];
	v4 =	vadd.bf16 v4, v12;
	[tilespmem:s24+$0x70] =	vst v11;
	v9 =	vunpack.i.u.bf16.f32 v2;
	v2 =	vunpack.i.l.bf16.f32 v2  }
0xac: {  	v11 =	vld [tilespmem:s29+$0xFFFFFFC0];
	[tilespmem:s16+$0xFFFFFFF0] =	vst v7  }
0xad: {  	v4 =	vmax.bf16 v4, v0;
	v12 =	vld [tilespmem:s19+$0xFFFFFFD0];
	[tilespmem:s16+$0x20] =	vst v2  }
0xae: {  	v2 =	vadd.bf16 v6, v8;
	v6 =	vunpack.i.l.bf16.f32 v4;
	v14 =	vld [tilespmem:s26+$0xFFFFFFA0];
	[tilespmem:s16+$0x30] =	vst v9;
	s16 =	smov.u32 s24;
	s24 =	sadd.s32 $0x100, s24  }
0xaf: {  	v7 =	vunpack.i.u.bf16.f32 v4;
	[tilespmem:s24+$0x40] =	vst v6;
	v4 =	vld [tilespmem:s26+$0xFFFFFFC0]  }
.Ltmp1:
0xb0: {  	v6 =	vmax.bf16 v2, v0;
	v3 =	vadd.bf16 v5, v3;
	[tilespmem:s24+$0x50] =	vst v7;
	v2 =	vld [tilespmem:s19+$0x10];
	s19 =	smov.u32 s29;
	(pc) =	sbr.rel @p0 .LBB2_5-.Ltmp1, $4  }
0xb1: {  	v8 =	vadd.bf16 v10, v11;
	v9 =	vunpack.i.u.bf16.f32 v6;
	v6 =	vunpack.i.l.bf16.f32 v6;
	v5 =	vld [tilespmem:s29+$0x30];
	[tilespmem:s16+$0x60] =	vst v13  }
0xb2: {  	[tilespmem:s24+$0xFFFFFFC0] =	vst v6;
	v3 =	vmax.bf16 v3, v0;
	v7 =	vld [tilespmem:s25+$0x0]  }
0xb3: {  	v10 =	vmax.bf16 v8, v0;
	[tilespmem:s24+$0xFFFFFFD0] =	vst v9;
	v8 =	vunpack.i.u.bf16.f32 v3;
	v13 =	vunpack.i.l.bf16.f32 v3;
	v6 =	vld [tilespmem:s26+$0xFFFFFFE0];
	s26 =	smov.u32 s25  }
0xb4: {  	s29 =	sadd.s32 $0x80, s29;
	v9 =	vunpack.i.u.bf16.f32 v10;
	v11 =	vunpack.i.l.bf16.f32 v10;
	v3 =	vld [tilespmem:s19+$0xFFFFFFF0];
	[tilespmem:s24+$0x0] =	vst v13;
	v10 =	vadd.bf16 v14, v12  }
0xb5: {  	[tilespmem:s24+$0xFFFFFF80] =	vst v11  }
0xb6: {  	[tilespmem:s24+$0xFFFFFF90] =	vst v9  }
0xb7: {  	v1 =	vadd.bf16 v4, v1;
	v4 =	vmax.bf16 v10, v0;
	v9 =	vld [tilespmem:s19+$0xFFFFFFD0]  }
0xb8: {  	[tilespmem:s24+$0x10] =	vst v8;
	v8 =	vld [tilespmem:s26+$0xFFFFFFA0];
	v5 =	vadd.bf16 v7, v5;
	v7 =	vunpack.i.u.bf16.f32 v4  }
0xb9: {  	v1 =	vmax.bf16 v1, v0;
	v4 =	vunpack.i.l.bf16.f32 v4;
	[tilespmem:s16+$0xFFFFFFB0] =	vst v7  }
0xba: {  	v2 =	vadd.bf16 v6, v2;
	[tilespmem:s16+$0xFFFFFFA0] =	vst v4;
	v4 =	vunpack.i.l.bf16.f32 v1;
	v6 =	vld [tilespmem:s26+$0xFFFFFFC0];
	v5 =	vmax.bf16 v5, v0  }
0xbb: {  	[tilespmem:s16+$0xFFFFFFE0] =	vst v4;
	v4 =	vld [tilespmem:s19+$0x10];
	v7 =	vunpack.i.u.bf16.f32 v5  }
0xbc: {  	v1 =	vunpack.i.u.bf16.f32 v1;
	[tilespmem:s24+$0x70] =	vst v7;
	v7 =	vld [tilespmem:s26+$0xFFFFFFE0]  }
0xbd: {  	[tilespmem:s16+$0xFFFFFFF0] =	vst v1;
	v2 =	vmax.bf16 v2, v0;
	v5 =	vunpack.i.l.bf16.f32 v5;
	v1 =	vadd.bf16 v8, v9  }
0xbe: {  	v10 =	vunpack.i.l.bf16.f32 v2;
	v2 =	vunpack.i.u.bf16.f32 v2;
	[tilespmem:s24+$0x60] =	vst v5  }
0xbf: {  	[tilespmem:s16+$0x30] =	vst v2;
	v2 =	vadd.bf16 v6, v3;
	v1 =	vmax.bf16 v1, v0  }
0xc0: {  	[tilespmem:s16+$0x20] =	vst v10;
	v3 =	vunpack.i.u.bf16.f32 v1  }
0xc1: {  	v1 =	vunpack.i.l.bf16.f32 v1;
	v2 =	vmax.bf16 v2, v0;
	[tilespmem:s24+$0xFFFFFFB0] =	vst v3;
	v3 =	vadd.bf16 v7, v4  }
0xc2: {  	[tilespmem:s24+$0xFFFFFFA0] =	vst v1;
	v1 =	vunpack.i.l.bf16.f32 v2  }
0xc3: {  	v2 =	vunpack.i.u.bf16.f32 v2;
	[tilespmem:s24+$0xFFFFFFE0] =	vst v1;
	v1 =	vmax.bf16 v3, v0  }
0xc4: {  	[tilespmem:s24+$0xFFFFFFF0] =	vst v2;
	v3 =	vunpack.i.l.bf16.f32 v1  }
0xc5: {  	v1 =	vunpack.i.u.bf16.f32 v1;
	[tilespmem:s24+$0x20] =	vst v3  }
0xc6: {  	s25 =	simm.s32 $0xEB98;
	[tilespmem:s24+$0x30] =	vst v1  }
0xc7: {  	[spmem:s3] =	stream.indirect.scatter.add.f32 [tilespmem:s17], [sflag:$0x6], $0x40, s25, s31, $0xb8;
	[tilespmem:$0x16AA0] =	vst v63  }
0xc8: {  	_ =	swait.ge [sflag:s18], $0xD0  }
0xc9: {  	[sflag:s18] =	ssyncset.done $0x0  }
0xca: {  	[sflag:s18] =	ssyncadd.s32 $0xFFFFFF30  }
0xcb: {  	_ =	swait.ge [sflag:s18], $0xD0  }
0xcc: {  	[sflag:s18] =	ssyncset.done $0x0  }
0xcd: {  	[sflag:s18] =	ssyncadd.s32 $0xFFFFFF30  }
0xce: {  	_ =	swait.ge [sflag:s18], $0x1900  }
0xcf: {  	[sflag:s18] =	ssyncset.done $0x0  }
0xd0: {  	[sflag:s18] =	ssyncadd.s32 $0xFFFFE700  }
0xd1: {  	[tilespmem:s1], [sflag:$0x3] =	stream.indirect.gather [spmem:s2], $0x20, s12, s31, $0xb8;
	[tilespmem:$0x16AA0] =	vst v63  }
0xd2: {  	s26 =	simm.s32 $0x10568  }
0xd3: {  	[tilespmem:s30], [sflag:$0x4] =	stream.indirect.gather [spmem:s2], $0x20, s26, s31, $0xb8;
	[tilespmem:$0x16AA0] =	vst v63  }
0xd4: {  	_ =	swait.ge [sflag:s9], $0xC80  }
0xd5: {  	[sflag:s9] =	ssyncset.done $0x0  }
0xd6: {  	[sflag:s9] =	ssyncadd.s32 $0xFFFFF380  }
0xd7: {  	_ =	swait.ge [sflag:s20], $0x1900  }
0xd8: {  	[sflag:s20] =	ssyncset.done $0x0  }
0xd9: {  	s28 =	simm.s32 $0x11FE0;
	[sflag:s20] =	ssyncadd.s32 $0xFFFFE700  }
0xda: {  	s26 =	simm.s32 $0x106E0;
	v1 =	vld [tilespmem:s28+$0x20]  }
0xdb: {  	v2 =	vld [tilespmem:s26+$0x20];
	_ =	sdelay $0x2  }
0xdc: {  	v3 =	vld [tilespmem:s28+$0xFFFFFFE0]  }
0xdd: {  	v4 =	vld [tilespmem:s26+$0xFFFFFFE0]  }
0xde: {  	v1 =	vadd.bf16 v2, v1  }
0xdf: {  	s19 =	simm.s32 $0x12060;
	v6 =	vld [tilespmem:s26+$0x0]  }
0xe0: {  	v9 =	vld [tilespmem:s19+$0xFFFFFFE0];
	v1 =	vmax.bf16 v1, v0  }
0xe1: {  	s16 =	simm.s32 $0x13920;
	v2 =	vld [tilespmem:s26+$0xFFFFFFC0];
	v5 =	vunpack.i.l.bf16.f32 v1  }
0xe2: {  	v3 =	vadd.bf16 v4, v3;
	v4 =	vld [tilespmem:s28+$0x0];
	v1 =	vunpack.i.u.bf16.f32 v1;
	[tilespmem:s16+$0x40] =	vst v5  }
0xe3: {  	v5 =	vld [tilespmem:s28+$0xFFFFFFC0];
	[tilespmem:s16+$0x50] =	vst v1  }
0xe4: {  	v3 =	vmax.bf16 v3, v0;
	v7 =	vld [tilespmem:s28+$0x30]  }
0xe5: {  	v1 =	vunpack.i.l.bf16.f32 v3;
	v3 =	vunpack.i.u.bf16.f32 v3;
	v8 =	vld [tilespmem:s26+$0x30]  }
0xe6: {  	s25 =	simm.s32 $0x10760;
	[tilespmem:s16+$0xFFFFFFD0] =	vst v3;
	v3 =	vld [tilespmem:s19+$0x20]  }
0xe7: {  	v4 =	vadd.bf16 v6, v4;
	v6 =	vld [tilespmem:s25+$0x20]  }
0xe8: {  	v11 =	vld [tilespmem:s25+$0xFFFFFFE0];
	[tilespmem:s16+$0xFFFFFFC0] =	vst v1;
	v2 =	vadd.bf16 v2, v5  }
0xe9: {  	v1 =	vld [tilespmem:s28+$0xFFFFFFF0];
	v4 =	vmax.bf16 v4, v0  }
0xea: {  	v10 =	vunpack.i.l.bf16.f32 v4;
	v5 =	vld [tilespmem:s25+$0xFFFFFFC0];
	v2 =	vmax.bf16 v2, v0  }
0xeb: {  	[tilespmem:s16+$0x0] =	vst v10;
	v10 =	vld [tilespmem:s25+$0x0];
	v7 =	vadd.bf16 v8, v7;
	v12 =	vunpack.i.l.bf16.f32 v2  }
0xec: {  	v8 =	vld [tilespmem:s19+$0x0];
	v3 =	vadd.bf16 v6, v3;
	v2 =	vunpack.i.u.bf16.f32 v2;
	[tilespmem:s16+$0xFFFFFF80] =	vst v12  }
0xed: {  	v4 =	vunpack.i.u.bf16.f32 v4;
	v6 =	vld [tilespmem:s19+$0xFFFFFFC0];
	[tilespmem:s16+$0xFFFFFF90] =	vst v2;
	v2 =	vmax.bf16 v7, v0  }
0xee: {  	[tilespmem:s16+$0x10] =	vst v4;
	v3 =	vmax.bf16 v3, v0;
	v4 =	vunpack.i.u.bf16.f32 v2;
	v12 =	vld [tilespmem:s28+$0xFFFFFFD0]  }
0xef: {  	s24 =	simm.s32 $0x13A20;
	v7 =	vadd.bf16 v11, v9;
	v13 =	vld [tilespmem:s26+$0xFFFFFFD0];
	[tilespmem:s16+$0x70] =	vst v4;
	v4 =	vunpack.i.l.bf16.f32 v3  }
0xf0: {  	v9 =	vunpack.i.l.bf16.f32 v2;
	v2 =	vld [tilespmem:s28+$0x10];
	v3 =	vunpack.i.u.bf16.f32 v3;
	[tilespmem:s24+$0x40] =	vst v4  }
0xf1: {  	v7 =	vmax.bf16 v7, v0;
	v8 =	vadd.bf16 v10, v8;
	v4 =	vld [tilespmem:s26+$0xFFFFFFF0];
	[tilespmem:s24+$0x50] =	vst v3  }
0xf2: {  	[tilespmem:s16+$0x60] =	vst v9;
	v3 =	vadd.bf16 v5, v6;
	v6 =	vunpack.i.l.bf16.f32 v7;
	v5 =	vld [tilespmem:s19+$0x30]  }
0xf3: {  	v9 =	vunpack.i.u.bf16.f32 v7;
	[tilespmem:s24+$0xFFFFFFC0] =	vst v6;
	v6 =	vmax.bf16 v8, v0;
	v7 =	vld [tilespmem:s25+$0x30]  }
0xf4: {  	[tilespmem:s24+$0xFFFFFFD0] =	vst v9;
	v3 =	vmax.bf16 v3, v0;
	v8 =	vunpack.i.u.bf16.f32 v6;
	v10 =	vunpack.i.l.bf16.f32 v6;
	v6 =	vld [tilespmem:s26+$0x10]  }
0xf5: {  	s29 =	simm.s32 $0x120E0;
	s28 =	simm.s32 $0x4;
	s26 =	simm.s32 $0x10760;
	v9 =	vunpack.i.u.bf16.f32 v3;
	v11 =	vunpack.i.l.bf16.f32 v3;
	v3 =	vld [tilespmem:s19+$0xFFFFFFF0];
	[tilespmem:s24+$0x0] =	vst v10;
	v10 =	vadd.bf16 v13, v12  }
.LBB2_7:
0xf6: {  	v12 =	vld [tilespmem:s29+$0x20];
	[tilespmem:s24+$0xFFFFFF80] =	vst v11;
	s25 =	sadd.s32 $0x80, s25;
	v1 =	vadd.bf16 v4, v1  }
0xf7: {  	v4 =	vld [tilespmem:s25+$0x20];
	[tilespmem:s24+$0xFFFFFF90] =	vst v9;
	v9 =	vmax.bf16 v10, v0  }
0xf8: {  	v10 =	vld [tilespmem:s25+$0xFFFFFFC0];
	[tilespmem:s24+$0x10] =	vst v8;
	v5 =	vadd.bf16 v7, v5;
	v7 =	vunpack.i.u.bf16.f32 v9;
	v11 =	vmax.bf16 v1, v0  }
0xf9: {  	s28 =	sadd.s32 $0x4, s28;
	v9 =	vunpack.i.l.bf16.f32 v9;
	v8 =	vld [tilespmem:s29+$0xFFFFFFE0];
	[tilespmem:s16+$0xFFFFFFB0] =	vst v7;
	v7 =	vunpack.i.u.bf16.f32 v11;
	v2 =	vadd.bf16 v6, v2  }
0xfa: {  	p0 =	slt.u32 s28, $0x60;
	v6 =	vld [tilespmem:s25+$0xFFFFFFE0];
	v5 =	vmax.bf16 v5, v0;
	[tilespmem:s16+$0xFFFFFFA0] =	vst v9;
	v9 =	vunpack.i.l.bf16.f32 v11;
	v1 =	vmov v3  }
0xfb: {  	v3 =	vld [tilespmem:s29+$0x0];
	v11 =	vunpack.i.u.bf16.f32 v5;
	v13 =	vunpack.i.l.bf16.f32 v5;
	[tilespmem:s16+$0xFFFFFFE0] =	vst v9;
	v2 =	vmax.bf16 v2, v0  }
0xfc: {  	v5 =	vld [tilespmem:s25+$0x0];
	v4 =	vadd.bf16 v4, v12;
	[tilespmem:s24+$0x70] =	vst v11;
	v9 =	vunpack.i.u.bf16.f32 v2;
	v2 =	vunpack.i.l.bf16.f32 v2  }
0xfd: {  	v11 =	vld [tilespmem:s29+$0xFFFFFFC0];
	[tilespmem:s16+$0xFFFFFFF0] =	vst v7  }
0xfe: {  	v4 =	vmax.bf16 v4, v0;
	v12 =	vld [tilespmem:s19+$0xFFFFFFD0];
	[tilespmem:s16+$0x20] =	vst v2  }
0xff: {  	v2 =	vadd.bf16 v6, v8;
	v6 =	vunpack.i.l.bf16.f32 v4;
	v14 =	vld [tilespmem:s26+$0xFFFFFFD0];
	[tilespmem:s16+$0x30] =	vst v9;
	s16 =	smov.u32 s24;
	s24 =	sadd.s32 $0x100, s24  }
0x100: {  	v7 =	vunpack.i.u.bf16.f32 v4;
	[tilespmem:s24+$0x40] =	vst v6;
	v4 =	vld [tilespmem:s26+$0xFFFFFFF0]  }
.Ltmp2:
0x101: {  	v6 =	vmax.bf16 v2, v0;
	v3 =	vadd.bf16 v5, v3;
	[tilespmem:s24+$0x50] =	vst v7;
	v2 =	vld [tilespmem:s19+$0x10];
	s19 =	smov.u32 s29;
	(pc) =	sbr.rel @p0 .LBB2_7-.Ltmp2, $4  }
0x102: {  	v8 =	vadd.bf16 v10, v11;
	v9 =	vunpack.i.u.bf16.f32 v6;
	v6 =	vunpack.i.l.bf16.f32 v6;
	v5 =	vld [tilespmem:s29+$0x30];
	[tilespmem:s16+$0x60] =	vst v13  }
0x103: {  	[tilespmem:s24+$0xFFFFFFC0] =	vst v6;
	v3 =	vmax.bf16 v3, v0;
	v7 =	vld [tilespmem:s25+$0x30]  }
0x104: {  	v10 =	vmax.bf16 v8, v0;
	[tilespmem:s24+$0xFFFFFFD0] =	vst v9;
	v8 =	vunpack.i.u.bf16.f32 v3;
	v13 =	vunpack.i.l.bf16.f32 v3;
	v6 =	vld [tilespmem:s26+$0x10];
	s26 =	smov.u32 s25  }
0x105: {  	s29 =	sadd.s32 $0x80, s29;
	v9 =	vunpack.i.u.bf16.f32 v10;
	v11 =	vunpack.i.l.bf16.f32 v10;
	v3 =	vld [tilespmem:s19+$0xFFFFFFF0];
	[tilespmem:s24+$0x0] =	vst v13;
	v10 =	vadd.bf16 v14, v12  }
0x106: {  	[tilespmem:s24+$0xFFFFFF80] =	vst v11  }
0x107: {  	[tilespmem:s24+$0xFFFFFF90] =	vst v9  }
0x108: {  	v1 =	vadd.bf16 v4, v1;
	v4 =	vmax.bf16 v10, v0;
	v9 =	vld [tilespmem:s19+$0xFFFFFFD0]  }
0x109: {  	[tilespmem:s24+$0x10] =	vst v8;
	v8 =	vld [tilespmem:s26+$0xFFFFFFD0];
	v5 =	vadd.bf16 v7, v5;
	v7 =	vunpack.i.u.bf16.f32 v4  }
0x10a: {  	v1 =	vmax.bf16 v1, v0;
	v4 =	vunpack.i.l.bf16.f32 v4;
	[tilespmem:s16+$0xFFFFFFB0] =	vst v7  }
0x10b: {  	v2 =	vadd.bf16 v6, v2;
	[tilespmem:s16+$0xFFFFFFA0] =	vst v4;
	v4 =	vunpack.i.l.bf16.f32 v1;
	v6 =	vld [tilespmem:s26+$0xFFFFFFF0];
	v5 =	vmax.bf16 v5, v0  }
0x10c: {  	[tilespmem:s16+$0xFFFFFFE0] =	vst v4;
	v4 =	vld [tilespmem:s19+$0x10];
	v7 =	vunpack.i.u.bf16.f32 v5  }
0x10d: {  	v1 =	vunpack.i.u.bf16.f32 v1;
	[tilespmem:s24+$0x70] =	vst v7;
	v7 =	vld [tilespmem:s26+$0x10]  }
0x10e: {  	[tilespmem:s16+$0xFFFFFFF0] =	vst v1;
	v2 =	vmax.bf16 v2, v0;
	v5 =	vunpack.i.l.bf16.f32 v5;
	v1 =	vadd.bf16 v8, v9  }
0x10f: {  	v10 =	vunpack.i.l.bf16.f32 v2;
	v2 =	vunpack.i.u.bf16.f32 v2;
	[tilespmem:s24+$0x60] =	vst v5  }
0x110: {  	[tilespmem:s16+$0x30] =	vst v2;
	v2 =	vadd.bf16 v6, v3;
	v1 =	vmax.bf16 v1, v0  }
0x111: {  	[tilespmem:s16+$0x20] =	vst v10;
	v3 =	vunpack.i.u.bf16.f32 v1  }
0x112: {  	v1 =	vunpack.i.l.bf16.f32 v1;
	v2 =	vmax.bf16 v2, v0;
	[tilespmem:s24+$0xFFFFFFB0] =	vst v3;
	v3 =	vadd.bf16 v7, v4  }
0x113: {  	[tilespmem:s24+$0xFFFFFFA0] =	vst v1;
	v1 =	vunpack.i.l.bf16.f32 v2  }
0x114: {  	v2 =	vunpack.i.u.bf16.f32 v2;
	[tilespmem:s24+$0xFFFFFFE0] =	vst v1;
	v1 =	vmax.bf16 v3, v0  }
0x115: {  	p0 =	seq.s32 s0, $0x31;
	[tilespmem:s24+$0xFFFFFFF0] =	vst v2;
	v3 =	vunpack.i.l.bf16.f32 v1  }
0x116: {  	s15 =	sadd.s32 @!p0 $0x2, s15;
	v1 =	vunpack.i.u.bf16.f32 v1;
	[tilespmem:s24+$0x20] =	vst v3  }
0x117: {  	s16 =	sshll.u32 @!p0 s15, $0x1;
	[tilespmem:s24+$0x30] =	vst v1  }
0x118: {  	[spmem:s3] =	stream.indirect.scatter.add.f32 [tilespmem:s23], [sflag:$0x5], $0x40, s14, s31, $0xb8;
	[tilespmem:$0x16AA0] =	vst v63  }
0x119: {  	s15 =	smul.u32 @!p0 $0xC8, s15;
	s16 =	sadd.s32 @!p0 s10, s16;
	_ =	swait.ge [sflag:s22], $0xC80  }
0x11a: {  	s16 =	smul.u32 @!p0 $0xD, s16;
	[sflag:s22] =	ssyncset.done $0x0  }
0x11b: {  	s25 =	simm.s32 @!p0 $0xEA60;
	s15 =	sadd.s32 @!p0 s11, s15;
	[sflag:s22] =	ssyncadd.s32 $0xFFFFF380  }
0x11c: {  	s15 =	sshll.u32 @!p0 s15, $0x6;
	s19 =	sadd.s32 @!p0 s7, s16;
	_ =	swait.ge [sflag:s13], $0x1900  }
0x11d: {  	s16 =	sadd.s32 @!p0 s8, s16;
	s15 =	sor.u32 @!p0 s5, s15;
	[sflag:s13] =	ssyncset.done $0x0  }
0x11e: {  	s15 =	sshrl.u32 @!p0 s15, $0x3;
	s24 =	simm.s32 @!p0 $0x0;
	[sflag:s13] =	ssyncadd.s32 $0xFFFFE700  }
0x11f: {  	[tilespmem:s25], [sflag:$0x1] =	stream.linear.gather @!p0 [hbm4b:s19+s24], $0xD0, $0x38;
	[tilespmem:$0x16AA0] =	vst v63  }
0x120: {  	s15 =	sadd.s32 @!p0 s6, s15;
	s19 =	simm.s32 @!p0 $0xEB30;
	s25 =	simm.s32 $0x12C60  }
0x121: {  	[tilespmem:s19], [sflag:$0x1] =	stream.linear.gather @!p0 [hbm4b:s16+s24], $0xD0, $0x38;
	[tilespmem:$0x16AA0] =	vst v63  }
0x122: {  	s16 =	simm.s32 @!p0 $0x20;
	s19 =	simm.s32 @!p0 $0x40;
	s24 =	simm.s32 @!p0 $0xEC00  }
0x123: {  	[tilespmem:s24], [sflag:$0x1] =	stream.strided.gather @!p0 [hbm4b:s15+s16], $0x1900, s19, s16, $0x38;
	[tilespmem:$0x16AA0] =	vst v63  }
0x124: {  	s29 =	simm.s32 $0x11390;
	v1 =	vld [tilespmem:s25+$0x20]  }
0x125: {  	v2 =	vld [tilespmem:s29+$0xFFFFFFF0];
	_ =	sdelay $0x2  }
0x126: {  	v3 =	vld [tilespmem:s25+$0xFFFFFFE0]  }
0x127: {  	v4 =	vld [tilespmem:s29+$0xFFFFFFB0]  }
0x128: {  	v1 =	vadd.bf16 v2, v1  }
0x129: {  	s16 =	simm.s32 $0x12CE0;
	v6 =	vld [tilespmem:s29+$0xFFFFFFD0]  }
0x12a: {  	v9 =	vld [tilespmem:s16+$0xFFFFFFE0];
	v1 =	vmax.bf16 v1, v0  }
0x12b: {  	s15 =	simm.s32 $0x15220;
	v2 =	vld [tilespmem:s29+$0xFFFFFF90];
	v5 =	vunpack.i.l.bf16.f32 v1  }
0x12c: {  	v3 =	vadd.bf16 v4, v3;
	v4 =	vld [tilespmem:s25+$0x0];
	v1 =	vunpack.i.u.bf16.f32 v1;
	[tilespmem:s15+$0x40] =	vst v5  }
0x12d: {  	v5 =	vld [tilespmem:s25+$0xFFFFFFC0];
	[tilespmem:s15+$0x50] =	vst v1  }
0x12e: {  	v3 =	vmax.bf16 v3, v0;
	v7 =	vld [tilespmem:s25+$0x30]  }
0x12f: {  	v1 =	vunpack.i.l.bf16.f32 v3;
	v3 =	vunpack.i.u.bf16.f32 v3;
	v8 =	vld [tilespmem:s29+$0x0]  }
0x130: {  	s24 =	simm.s32 $0x11410;
	[tilespmem:s15+$0xFFFFFFD0] =	vst v3;
	v3 =	vld [tilespmem:s16+$0x20]  }
0x131: {  	v4 =	vadd.bf16 v6, v4;
	v6 =	vld [tilespmem:s24+$0xFFFFFFF0]  }
0x132: {  	v11 =	vld [tilespmem:s24+$0xFFFFFFB0];
	[tilespmem:s15+$0xFFFFFFC0] =	vst v1;
	v2 =	vadd.bf16 v2, v5  }
0x133: {  	v1 =	vld [tilespmem:s25+$0xFFFFFFF0];
	v4 =	vmax.bf16 v4, v0  }
0x134: {  	v10 =	vunpack.i.l.bf16.f32 v4;
	v5 =	vld [tilespmem:s24+$0xFFFFFF90];
	v2 =	vmax.bf16 v2, v0  }
0x135: {  	[tilespmem:s15+$0x0] =	vst v10;
	v10 =	vld [tilespmem:s24+$0xFFFFFFD0];
	v7 =	vadd.bf16 v8, v7;
	v12 =	vunpack.i.l.bf16.f32 v2  }
0x136: {  	v8 =	vld [tilespmem:s16+$0x0];
	v3 =	vadd.bf16 v6, v3;
	v2 =	vunpack.i.u.bf16.f32 v2;
	[tilespmem:s15+$0xFFFFFF80] =	vst v12  }
0x137: {  	v4 =	vunpack.i.u.bf16.f32 v4;
	v6 =	vld [tilespmem:s16+$0xFFFFFFC0];
	[tilespmem:s15+$0xFFFFFF90] =	vst v2;
	v2 =	vmax.bf16 v7, v0  }
0x138: {  	[tilespmem:s15+$0x10] =	vst v4;
	v3 =	vmax.bf16 v3, v0;
	v4 =	vunpack.i.u.bf16.f32 v2;
	v12 =	vld [tilespmem:s25+$0xFFFFFFD0]  }
0x139: {  	s19 =	simm.s32 $0x15320;
	v7 =	vadd.bf16 v11, v9;
	v13 =	vld [tilespmem:s29+$0xFFFFFFA0];
	[tilespmem:s15+$0x70] =	vst v4;
	v4 =	vunpack.i.l.bf16.f32 v3  }
0x13a: {  	v9 =	vunpack.i.l.bf16.f32 v2;
	v2 =	vld [tilespmem:s25+$0x10];
	v3 =	vunpack.i.u.bf16.f32 v3;
	[tilespmem:s19+$0x40] =	vst v4  }
0x13b: {  	v7 =	vmax.bf16 v7, v0;
	v8 =	vadd.bf16 v10, v8;
	v4 =	vld [tilespmem:s29+$0xFFFFFFC0];
	[tilespmem:s19+$0x50] =	vst v3  }
0x13c: {  	[tilespmem:s15+$0x60] =	vst v9;
	v3 =	vadd.bf16 v5, v6;
	v6 =	vunpack.i.l.bf16.f32 v7;
	v5 =	vld [tilespmem:s16+$0x30]  }
0x13d: {  	v9 =	vunpack.i.u.bf16.f32 v7;
	[tilespmem:s19+$0xFFFFFFC0] =	vst v6;
	v6 =	vmax.bf16 v8, v0;
	v7 =	vld [tilespmem:s24+$0x0]  }
0x13e: {  	[tilespmem:s19+$0xFFFFFFD0] =	vst v9;
	v3 =	vmax.bf16 v3, v0;
	v8 =	vunpack.i.u.bf16.f32 v6;
	v10 =	vunpack.i.l.bf16.f32 v6;
	v6 =	vld [tilespmem:s29+$0xFFFFFFE0]  }
0x13f: {  	s28 =	simm.s32 $0x12D60;
	s26 =	simm.s32 $0x4;
	s25 =	simm.s32 $0x11410;
	v9 =	vunpack.i.u.bf16.f32 v3;
	v11 =	vunpack.i.l.bf16.f32 v3;
	v3 =	vld [tilespmem:s16+$0xFFFFFFF0];
	[tilespmem:s19+$0x0] =	vst v10;
	v10 =	vadd.bf16 v13, v12  }
.LBB2_9:
0x140: {  	v12 =	vld [tilespmem:s28+$0x20];
	[tilespmem:s19+$0xFFFFFF80] =	vst v11;
	s24 =	sadd.s32 $0x80, s24;
	v1 =	vadd.bf16 v4, v1  }
0x141: {  	v4 =	vld [tilespmem:s24+$0xFFFFFFF0];
	[tilespmem:s19+$0xFFFFFF90] =	vst v9;
	v9 =	vmax.bf16 v10, v0  }
0x142: {  	v10 =	vld [tilespmem:s24+$0xFFFFFF90];
	[tilespmem:s19+$0x10] =	vst v8;
	v5 =	vadd.bf16 v7, v5;
	v7 =	vunpack.i.u.bf16.f32 v9;
	v11 =	vmax.bf16 v1, v0  }
0x143: {  	s26 =	sadd.s32 $0x4, s26;
	v9 =	vunpack.i.l.bf16.f32 v9;
	v8 =	vld [tilespmem:s28+$0xFFFFFFE0];
	[tilespmem:s15+$0xFFFFFFB0] =	vst v7;
	v7 =	vunpack.i.u.bf16.f32 v11;
	v2 =	vadd.bf16 v6, v2  }
0x144: {  	p0 =	slt.u32 s26, $0x60;
	v6 =	vld [tilespmem:s24+$0xFFFFFFB0];
	v5 =	vmax.bf16 v5, v0;
	[tilespmem:s15+$0xFFFFFFA0] =	vst v9;
	v9 =	vunpack.i.l.bf16.f32 v11;
	v1 =	vmov v3  }
0x145: {  	v3 =	vld [tilespmem:s28+$0x0];
	v11 =	vunpack.i.u.bf16.f32 v5;
	v13 =	vunpack.i.l.bf16.f32 v5;
	[tilespmem:s15+$0xFFFFFFE0] =	vst v9;
	v2 =	vmax.bf16 v2, v0  }
0x146: {  	v5 =	vld [tilespmem:s24+$0xFFFFFFD0];
	v4 =	vadd.bf16 v4, v12;
	[tilespmem:s19+$0x70] =	vst v11;
	v9 =	vunpack.i.u.bf16.f32 v2;
	v2 =	vunpack.i.l.bf16.f32 v2  }
0x147: {  	v11 =	vld [tilespmem:s28+$0xFFFFFFC0];
	[tilespmem:s15+$0xFFFFFFF0] =	vst v7  }
0x148: {  	v4 =	vmax.bf16 v4, v0;
	v12 =	vld [tilespmem:s16+$0xFFFFFFD0];
	[tilespmem:s15+$0x20] =	vst v2  }
0x149: {  	v2 =	vadd.bf16 v6, v8;
	v6 =	vunpack.i.l.bf16.f32 v4;
	v14 =	vld [tilespmem:s25+$0xFFFFFFA0];
	[tilespmem:s15+$0x30] =	vst v9;
	s15 =	smov.u32 s19;
	s19 =	sadd.s32 $0x100, s19  }
0x14a: {  	v7 =	vunpack.i.u.bf16.f32 v4;
	[tilespmem:s19+$0x40] =	vst v6;
	v4 =	vld [tilespmem:s25+$0xFFFFFFC0]  }
.Ltmp3:
0x14b: {  	v6 =	vmax.bf16 v2, v0;
	v3 =	vadd.bf16 v5, v3;
	[tilespmem:s19+$0x50] =	vst v7;
	v2 =	vld [tilespmem:s16+$0x10];
	s16 =	smov.u32 s28;
	(pc) =	sbr.rel @p0 .LBB2_9-.Ltmp3, $4  }
0x14c: {  	v8 =	vadd.bf16 v10, v11;
	v9 =	vunpack.i.u.bf16.f32 v6;
	v6 =	vunpack.i.l.bf16.f32 v6;
	v5 =	vld [tilespmem:s28+$0x30];
	[tilespmem:s15+$0x60] =	vst v13  }
0x14d: {  	[tilespmem:s19+$0xFFFFFFC0] =	vst v6;
	v3 =	vmax.bf16 v3, v0;
	v7 =	vld [tilespmem:s24+$0x0]  }
0x14e: {  	v10 =	vmax.bf16 v8, v0;
	[tilespmem:s19+$0xFFFFFFD0] =	vst v9;
	v8 =	vunpack.i.u.bf16.f32 v3;
	v13 =	vunpack.i.l.bf16.f32 v3;
	v6 =	vld [tilespmem:s25+$0xFFFFFFE0];
	s25 =	smov.u32 s24  }
0x14f: {  	s28 =	sadd.s32 $0x80, s28;
	v9 =	vunpack.i.u.bf16.f32 v10;
	v11 =	vunpack.i.l.bf16.f32 v10;
	v3 =	vld [tilespmem:s16+$0xFFFFFFF0];
	[tilespmem:s19+$0x0] =	vst v13;
	v10 =	vadd.bf16 v14, v12  }
0x150: {  	[tilespmem:s19+$0xFFFFFF80] =	vst v11  }
0x151: {  	[tilespmem:s19+$0xFFFFFF90] =	vst v9  }
0x152: {  	v1 =	vadd.bf16 v4, v1;
	v55 =	vmax.bf16 v10, v0;
	v9 =	vld [tilespmem:s16+$0xFFFFFFD0]  }
0x153: {  	[tilespmem:s19+$0x10] =	vst v8;
	v57 =	vld [tilespmem:s25+$0xFFFFFFA0];
	v56 =	vunpack.i.u.bf16.f32 v55  }
0x154: {  	v5 =	vadd.bf16 v7, v5;
	v1 =	vmax.bf16 v1, v0;
	v4 =	vunpack.i.l.bf16.f32 v55;
	[tilespmem:s15+$0xFFFFFFB0] =	vst v56  }
0x155: {  	v59 =	vld [tilespmem:s25+$0xFFFFFFC0];
	[tilespmem:s15+$0xFFFFFFA0] =	vst v4;
	v58 =	vunpack.i.l.bf16.f32 v1  }
0x156: {  	v61 =	vld [tilespmem:s16+$0x10];
	v2 =	vadd.bf16 v6, v2;
	v1 =	vunpack.i.u.bf16.f32 v1;
	v5 =	vmax.bf16 v5, v0;
	[tilespmem:s15+$0xFFFFFFE0] =	vst v58  }
0x157: {  	v62 =	vld [tilespmem:s25+$0xFFFFFFE0];
	[tilespmem:s15+$0xFFFFFFF0] =	vst v1;
	v60 =	vunpack.i.u.bf16.f32 v5  }
0x158: {  	v2 =	vmax.bf16 v2, v0;
	v5 =	vunpack.i.l.bf16.f32 v5;
	[tilespmem:s19+$0x70] =	vst v60;
	v1 =	vadd.bf16 v57, v9  }
0x159: {  	v63 =	vunpack.i.l.bf16.f32 v2;
	v2 =	vunpack.i.u.bf16.f32 v2;
	[tilespmem:s19+$0x60] =	vst v5  }
0x15a: {  	[tilespmem:s15+$0x30] =	vst v2;
	v2 =	vadd.bf16 v59, v3;
	v1 =	vmax.bf16 v1, v0  }
0x15b: {  	[tilespmem:s15+$0x20] =	vst v63;
	v3 =	vunpack.i.u.bf16.f32 v1  }
0x15c: {  	s0 =	sadd.s32 $0x1, s0;
	v2 =	vmax.bf16 v2, v0;
	v1 =	vunpack.i.l.bf16.f32 v1;
	[tilespmem:s19+$0xFFFFFFB0] =	vst v3;
	v3 =	vadd.bf16 v62, v61  }
0x15d: {  	p0 =	sne.s32 s0, $0x32;
	[tilespmem:s19+$0xFFFFFFA0] =	vst v1;
	v1 =	vunpack.i.l.bf16.f32 v2  }
.Ltmp4:
0x15e: {  	v2 =	vunpack.i.u.bf16.f32 v2;
	[tilespmem:s19+$0xFFFFFFE0] =	vst v1;
	v1 =	vmax.bf16 v3, v0;
	(pc) =	sbr.rel @p0 .LBB2_2-.Ltmp4, $4  }
0x15f: {  	[tilespmem:s19+$0xFFFFFFF0] =	vst v2;
	v3 =	vunpack.i.l.bf16.f32 v1  }
0x160: {  	v1 =	vunpack.i.u.bf16.f32 v1;
	[tilespmem:s19+$0x20] =	vst v3  }
0x161: {  	s29 =	simm.s32 $0x10638;
	[tilespmem:s19+$0x30] =	vst v1  }
0x162: {  	[spmem:s3] =	stream.indirect.scatter.add.f32 [tilespmem:s17], [sflag:$0x6], $0x40, s29, s31, $0xb8;
	[tilespmem:$0x16AA0] =	vst v63  }
0x163: {  	_ =	swait.ge [sflag:s20], $0x1900  }
0x164: {  	[sflag:s20] =	ssyncset.done $0x0  }
0x165: {  	[sflag:s20] =	ssyncadd.s32 $0xFFFFE700  }
0x166: {  	_ =	swait.ge [sflag:s13], $0x1900  }
0x167: {  	[sflag:s13] =	ssyncset.done $0x0  }
0x168: {  	[sflag:s13] =	ssyncadd.s32 $0xFFFFE700  }
0x169: {  	[bflag:$0x0] =	sbarrier.arrive $0xFFFF  }
0x16a: {  	s16 =	rddreg [dreg:$0x6]  }
0x16b: {  	s0 =	rddreg [dreg:$0xb]  }
0x16c: {  	s19 =	simm.s32 $0x8;
	s15 =	simm.s32 $0x10;
	s24 =	rddreg [dreg:$0xf]  }
0x16d: {  	[hbm:s0@s15], [sflag:s16] =	dma.strided [spmem:s24@s19], $0x1388, s21, $0x8   }
0x16e: {  	s24 =	simm.s32 $0x7  }
0x16f: {  	_ =	swait.ge [sflag:s24], $0x1388  }
0x170: {  	s28 =	rddreg [dreg:$0xe]  }
0x171: {  	s29 =	rddreg [dreg:$0xc];
	s15 =	sadd.s32 $0x1, s28  }
0x172: {  	p0 =	sne.s32 s15, s29  }
.Ltmp5:
0x173: {  	_ = 	snop;
	(pc) =	sbr.rel @p0 .LBB2_1-.Ltmp5, $3  }
0x174: {  	_ =	sdelay $0x1  }
0x175: {  	[sflag:s24] =	ssyncset.done $0x0  }
0x176: {  	[sflag:s24] =	ssyncadd.s32 $0xFFFFEC78  }
0x177: {  	_ =	sfence.sel $0x180000  }
0x178: {  	[bflag:$0x0] =	sbarrier.arrive $0xFFFF  }
0x179: {  	_ =	strace $0x9000004D  }
0x17a: {  	s0 =	stileid.u32;
	[bflag:$0x2] =	sbarrier.arrive $0xFFFF  }
0x17b: {  	p0 =	sne.s32 s0, $0x0;
	s0 =	rddreg [dreg:$0x3]  }
0x17c: {  	s0 =	sadd.s32 @!p0 $0x100000, s0  }
0x17d: {  	[sflag:s0] =	ssyncadd.tile.s32 @!p0 $0x1;
	_ =	shalt  }
.Lfunc_end2:
_tile_overlayer_lowered:
.L_overlay_start_2:
0x17e: {  	(tag) =	ssettag $0x2  }
0x17f: {  	s0 =	rddreg [dreg:$0x0];
	s2 =	stileid.u32  }
0x180: {  	s1 =	rddreg [dreg:$0x1];
	p0 =	sne.s32 s2, $0x0  }
0x181: {  	s3 =	rddreg [dreg:$0x2];
	[bflag:$0x3] =	sbarrier.arrive $0xFFFF;
	s2 =	simm.s32 @!p0 $0x1C07  }
0x182: {  	[timem:s3], [sflag:s2] =	dma.local @!p0 [hbm:s0], s1  }
0x183: {  	s0 =	simm.s32 @!p0 $0x7  }
0x184: {  	_ =	swait.ge @!p0 [sflag:s0], s1  }
0x185: {  	s1 =	ssub.s32 @!p0 $0x0, s1;
	[sflag:s0] =	ssyncset.done @!p0 $0x0  }
0x186: {  	[sflag:s0] =	ssyncadd.s32 @!p0 s1  }
0x187: {  	[bflag:$0x3] =	sbarrier.arrive $0xFFFF  }
0x188: {  	_ =	shalt  }

</sc_bundles>
